<compile_context>
chip_gen: v7x
topology: tpu7x:2x2x1
jax: 0.10.2.dev20260603
libtpu: 0.0.44.dev20260713+nightly
codegen_flags: <defaults>
</compile_context>

<pallas_src>
import jax
import jax.numpy as jnp
from jax import lax
from jax.experimental import pallas as pl
from jax.experimental.pallas import tpu as pltpu
from jax.experimental.pallas import tpu_sc as plsc

F = 26
V_PER_F = 40000
V = F * V_PER_F
B = 16384
NC = 2
NS = 16
NW = NC * NS
BPW = B // NW
LANES = 16
IPW = BPW * F
GPB = BPW // LANES
UNROLL = 8

_mesh = plsc.VectorSubcoreMesh(core_axis_name="c", subcore_axis_name="s")


def _cat_linear_body(xt_hbm, table_hbm, out_hbm,
                     xv, idxv, vals, outv, sem_g):
    cid = lax.axis_index("c")
    sid = lax.axis_index("s")
    wid = sid * NC + cid
    base = wid * BPW

    tbl = table_hbm

    pltpu.sync_copy(xt_hbm.at[:, pl.ds(base, BPW)], xv)

    for f in range(F):
        fb = f * BPW
        off = f * V_PER_F

        def build_g(g, _, f=f, fb=fb, off=off):
            for u in range(UNROLL):
                s0 = (g * UNROLL + u) * LANES
                idxv[pl.ds(fb + s0, LANES)] = xv[f, pl.ds(s0, LANES)] + off
            return 0

        lax.fori_loop(0, GPB // UNROLL, build_g, 0)
        sl = pl.ds(fb, BPW)
        pltpu.make_async_copy(
            tbl.at[idxv.at[sl]], vals.at[sl], sem_g,
        ).start()

    pltpu.make_async_copy(tbl.at[pl.ds(0, IPW)], vals, sem_g).wait()

    def red_j(j, _):
        jb = j * LANES
        acc = vals[pl.ds(jb, LANES)]
        for f in range(1, F):
            acc = acc + vals[pl.ds(f * BPW + jb, LANES)]
        outv[pl.ds(jb, LANES)] = acc
        return 0

    lax.fori_loop(0, GPB, red_j, 0)

    pltpu.sync_copy(outv, out_hbm.at[pl.ds(base, BPW)])


_SCRATCH = [
    pltpu.VMEM((F, BPW), jnp.int32),
    pltpu.VMEM((IPW,), jnp.int32),
    pltpu.VMEM((IPW,), jnp.float32),
    pltpu.VMEM((BPW,), jnp.float32),
    pltpu.SemaphoreType.DMA,
]

_cat_linear_sc = pl.kernel(
    _cat_linear_body,
    out_type=jax.ShapeDtypeStruct((B,), jnp.float32),
    mesh=_mesh,
    compiler_params=pltpu.CompilerParams(needs_layout_passes=False),
    scratch_types=_SCRATCH,
)


@jax.jit
def kernel(x, table, bias):
    tbl = jnp.pad(table, ((0, 384), (0, 0))).reshape(-1)
    out = _cat_linear_sc(x.T, tbl)
    return out.reshape(B, 1)

# --- scband reference (transcript-rebuilt; emitter-appended) ---
"""Pipeline reference for scband-category-linear-58007828300065 (READ-ONLY COPY).

The authoritative reference and input builder live on the scoring server;
editing this copy changes nothing except your own understanding.
"""

import jax, jax.numpy as jnp
import numpy as np

FIELD_DIMS = [40000] * 26
EMD_DIMS = 1
BATCH = 16384


def setup_inputs(seed: int = 0) -> dict:
    key = jax.random.key(seed)
    k1, k2 = jax.random.split(key, 2)
    x = jax.random.randint(k1, (BATCH, len(FIELD_DIMS)), 0, 40000, dtype=jnp.int32)
    table = jax.random.normal(k2, (int(sum(FIELD_DIMS)), EMD_DIMS), dtype=jnp.float32) * 0.02
    bias = jnp.zeros((EMD_DIMS,), dtype=jnp.float32)
    return {"x": x, "table": table, "bias": bias}


def reference(x, table, bias):
    # emd_index_start = (0, cumsum(field_dims)[:-1])
    offsets_np = np.concatenate(([0], np.cumsum(np.array(FIELD_DIMS, dtype=np.int64))[:-1]))
    offsets = jnp.asarray(offsets_np, dtype=x.dtype)
    idx = x + offsets[None, :]                      # [B, F]
    emb = jnp.take(table, idx, axis=0)              # [B, F, emd_dims] gather
    return jnp.sum(emb, axis=1) + bias              # [B, emd_dims]

if __name__ == "__main__":
    import jax
    _d = setup_inputs()
    print(jax.jit(kernel)(*tuple(_d.values())))

</pallas_src>

<mosaic_0001>
#map = affine_map<(d0, d1) -> (0, 0)>
#map1 = affine_map<(d0, d1) -> (0)>
module attributes {stable_mosaic.version = 14 : i64} {
  func.func @_cat_linear_body(%arg0: i32, %arg1: i32, %arg2: memref<26x16384xi32, #tpu.memory_space<hbm>>, %arg3: memref<1040384xf32, #tpu.memory_space<hbm>>, %arg4: memref<16384xf32, #tpu.memory_space<hbm>>, %arg5: memref<26x512xi32, #tpu.memory_space<vmem>>, %arg6: memref<13312xi32, #tpu.memory_space<vmem>>, %arg7: memref<13312xf32, #tpu.memory_space<vmem>>, %arg8: memref<512xf32, #tpu.memory_space<vmem>>, %arg9: memref<!tpu.dma_semaphore, #tpu.memory_space<semaphore_mem>>) attributes {dimension_semantics = [#tpu.dimension_semantics<core_parallel>, #tpu.dimension_semantics<subcore_parallel>], iteration_bounds = array<i64: 2, 16>, scalar_prefetch = 0 : i64, scratch_operands = 5 : i64, tpu.core_type = #tpu.core_type<sc_vector_subcore>, window_params = [{transform_indices = #map}, {transform_indices = #map1}, {transform_indices = #map1}]} {
    %mul3A = arith.constant 2 : i32
    %mul3A_0 = arith.muli %arg1, %mul3A : i32
    %add3A = arith.addi %mul3A_0, %arg0 : i32
    %mul3A_1 = arith.constant 512 : i32
    %mul3A_2 = arith.muli %add3A, %mul3A_1 : i32
    "tpu.region"() ({
      %run_scoped3A = tpu.sem_alloc : memref<!tpu.dma_semaphore, #tpu.memory_space<semaphore_mem>>
      %dma_start3A_349 = arith.constant 0 : i32
      %dma_start3A_350 = tpu.memref_slice %arg2[%dma_start3A_349, %mul3A_2] : memref<26x16384xi32, #tpu.memory_space<hbm>> -> memref<26x512xi32, #tpu.memory_space<hbm>>
      %dma_start3A_351 = arith.constant 0 : i32
      %dma_start3A_352 = tpu.memref_slice %arg2[%dma_start3A_351, %mul3A_2] : memref<26x16384xi32, #tpu.memory_space<hbm>> -> memref<26x512xi32, #tpu.memory_space<hbm>>
      tpu.enqueue_dma source(%dma_start3A_352 : memref<26x512xi32, #tpu.memory_space<hbm>>) target(%arg5 : memref<26x512xi32, #tpu.memory_space<vmem>>) target_semaphore(%run_scoped3A : memref<!tpu.dma_semaphore, #tpu.memory_space<semaphore_mem>>)
      %dma_wait3A_353 = arith.constant 0 : i32
      %dma_wait3A_354 = tpu.memref_slice %arg2[%dma_wait3A_353, %mul3A_2] : memref<26x16384xi32, #tpu.memory_space<hbm>> -> memref<26x512xi32, #tpu.memory_space<hbm>>
      %dma_wait3A_355 = arith.constant 0 : i32
      %dma_wait3A_356 = tpu.memref_slice %arg2[%dma_wait3A_355, %mul3A_2] : memref<26x16384xi32, #tpu.memory_space<hbm>> -> memref<26x512xi32, #tpu.memory_space<hbm>>
      tpu.wait_dma2 semaphore(%run_scoped3A : memref<!tpu.dma_semaphore, #tpu.memory_space<semaphore_mem>>) src(%dma_wait3A_356 : memref<26x512xi32, #tpu.memory_space<hbm>>) dst(%arg5 : memref<26x512xi32, #tpu.memory_space<vmem>>)
      tpu.yield
    }) : () -> ()
    %scan3A = arith.constant 0 : i32
    %scan3A_3 = arith.constant 0 : i32
    %scan3A_4 = arith.constant 4 : i32
    %scan3A_5 = arith.addi %scan3A_3, %scan3A_4 : i32
    %scan3A_6 = arith.constant 1 : i32
    %scan3A_7 = scf.for %scan3A_349 = %scan3A_3 to %scan3A_5 step %scan3A_6 iter_args(%scan3A_350 = %scan3A) -> (i32)  : i32 {
      %mul3A_351 = arith.constant 8 : i32
      %mul3A_352 = arith.muli %scan3A_349, %mul3A_351 : i32
      %add3A_353 = arith.constant 0 : i32
      %add3A_354 = arith.addi %mul3A_352, %add3A_353 : i32
      %mul3A_355 = arith.constant 16 : i32
      %mul3A_356 = arith.muli %add3A_354, %mul3A_355 : i32
      %get3A = arith.constant 0 : i32
      %get3A_357 = arith.index_cast %get3A : i32 to index
      %get3A_358 = arith.index_cast %mul3A_356 : i32 to index
      %get3A_359 = tpu.vector_load %arg5[%get3A_357, %get3A_358] {strides = array<i32>} : memref<26x512xi32, #tpu.memory_space<vmem>>, vector<16xi32>,
      %add3A_360 = arith.constant 0 : i32
      %add3A_361 = vector.broadcast %add3A_360 : i32 to vector<16xi32>
      %add3A_362 = arith.addi %get3A_359, %add3A_361 : vector<16xi32>
      %add3A_363 = arith.constant 0 : i32
      %add3A_364 = arith.addi %add3A_363, %mul3A_356 : i32
      %swap3A = arith.index_cast %add3A_364 : i32 to index
      %swap3A_365 = tpu.vector_load %arg6[%swap3A] {strides = array<i32>} : memref<13312xi32, #tpu.memory_space<vmem>>, vector<16xi32>,
      tpu.vector_store %arg6[%swap3A], %add3A_362 {strides = array<i32>} : memref<13312xi32, #tpu.memory_space<vmem>>, vector<16xi32>,
      %mul3A_366 = arith.constant 8 : i32
      %mul3A_367 = arith.muli %scan3A_349, %mul3A_366 : i32
      %add3A_368 = arith.constant 1 : i32
      %add3A_369 = arith.addi %mul3A_367, %add3A_368 : i32
      %mul3A_370 = arith.constant 16 : i32
      %mul3A_371 = arith.muli %add3A_369, %mul3A_370 : i32
      %get3A_372 = arith.constant 0 : i32
      %get3A_373 = arith.index_cast %get3A_372 : i32 to index
      %get3A_374 = arith.index_cast %mul3A_371 : i32 to index
      %get3A_375 = tpu.vector_load %arg5[%get3A_373, %get3A_374] {strides = array<i32>} : memref<26x512xi32, #tpu.memory_space<vmem>>, vector<16xi32>,
      %add3A_376 = arith.constant 0 : i32
      %add3A_377 = vector.broadcast %add3A_376 : i32 to vector<16xi32>
      %add3A_378 = arith.addi %get3A_375, %add3A_377 : vector<16xi32>
      %add3A_379 = arith.constant 0 : i32
      %add3A_380 = arith.addi %add3A_379, %mul3A_371 : i32
      %swap3A_381 = arith.index_cast %add3A_380 : i32 to index
      %swap3A_382 = tpu.vector_load %arg6[%swap3A_381] {strides = array<i32>} : memref<13312xi32, #tpu.memory_space<vmem>>, vector<16xi32>,
      tpu.vector_store %arg6[%swap3A_381], %add3A_378 {strides = array<i32>} : memref<13312xi32, #tpu.memory_space<vmem>>, vector<16xi32>,
      %mul3A_383 = arith.constant 8 : i32
      %mul3A_384 = arith.muli %scan3A_349, %mul3A_383 : i32
      %add3A_385 = arith.constant 2 : i32
      %add3A_386 = arith.addi %mul3A_384, %add3A_385 : i32
      %mul3A_387 = arith.constant 16 : i32
      %mul3A_388 = arith.muli %add3A_386, %mul3A_387 : i32
      %get3A_389 = arith.constant 0 : i32
      %get3A_390 = arith.index_cast %get3A_389 : i32 to index
      %get3A_391 = arith.index_cast %mul3A_388 : i32 to index
      %get3A_392 = tpu.vector_load %arg5[%get3A_390, %get3A_391] {strides = array<i32>} : memref<26x512xi32, #tpu.memory_space<vmem>>, vector<16xi32>,
      %add3A_393 = arith.constant 0 : i32
      %add3A_394 = vector.broadcast %add3A_393 : i32 to vector<16xi32>
      %add3A_395 = arith.addi %get3A_392, %add3A_394 : vector<16xi32>
      %add3A_396 = arith.constant 0 : i32
      %add3A_397 = arith.addi %add3A_396, %mul3A_388 : i32
      %swap3A_398 = arith.index_cast %add3A_397 : i32 to index
      %swap3A_399 = tpu.vector_load %arg6[%swap3A_398] {strides = array<i32>} : memref<13312xi32, #tpu.memory_space<vmem>>, vector<16xi32>,
      tpu.vector_store %arg6[%swap3A_398], %add3A_395 {strides = array<i32>} : memref<13312xi32, #tpu.memory_space<vmem>>, vector<16xi32>,
      %mul3A_400 = arith.constant 8 : i32
      %mul3A_401 = arith.muli %scan3A_349, %mul3A_400 : i32
      %add3A_402 = arith.constant 3 : i32
      %add3A_403 = arith.addi %mul3A_401, %add3A_402 : i32
      %mul3A_404 = arith.constant 16 : i32
      %mul3A_405 = arith.muli %add3A_403, %mul3A_404 : i32
      %get3A_406 = arith.constant 0 : i32
      %get3A_407 = arith.index_cast %get3A_406 : i32 to index
      %get3A_408 = arith.index_cast %mul3A_405 : i32 to index
      %get3A_409 = tpu.vector_load %arg5[%get3A_407, %get3A_408] {strides = array<i32>} : memref<26x512xi32, #tpu.memory_space<vmem>>, vector<16xi32>,
      %add3A_410 = arith.constant 0 : i32
      %add3A_411 = vector.broadcast %add3A_410 : i32 to vector<16xi32>
      %add3A_412 = arith.addi %get3A_409, %add3A_411 : vector<16xi32>
      %add3A_413 = arith.constant 0 : i32
      %add3A_414 = arith.addi %add3A_413, %mul3A_405 : i32
      %swap3A_415 = arith.index_cast %add3A_414 : i32 to index
      %swap3A_416 = tpu.vector_load %arg6[%swap3A_415] {strides = array<i32>} : memref<13312xi32, #tpu.memory_space<vmem>>, vector<16xi32>,
      tpu.vector_store %arg6[%swap3A_415], %add3A_412 {strides = array<i32>} : memref<13312xi32, #tpu.memory_space<vmem>>, vector<16xi32>,
      %mul3A_417 = arith.constant 8 : i32
      %mul3A_418 = arith.muli %scan3A_349, %mul3A_417 : i32
      %add3A_419 = arith.constant 4 : i32
      %add3A_420 = arith.addi %mul3A_418, %add3A_419 : i32
      %mul3A_421 = arith.constant 16 : i32
      %mul3A_422 = arith.muli %add3A_420, %mul3A_421 : i32
      %get3A_423 = arith.constant 0 : i32
      %get3A_424 = arith.index_cast %get3A_423 : i32 to index
      %get3A_425 = arith.index_cast %mul3A_422 : i32 to index
      %get3A_426 = tpu.vector_load %arg5[%get3A_424, %get3A_425] {strides = array<i32>} : memref<26x512xi32, #tpu.memory_space<vmem>>, vector<16xi32>,
      %add3A_427 = arith.constant 0 : i32
      %add3A_428 = vector.broadcast %add3A_427 : i32 to vector<16xi32>
      %add3A_429 = arith.addi %get3A_426, %add3A_428 : vector<16xi32>
      %add3A_430 = arith.constant 0 : i32
      %add3A_431 = arith.addi %add3A_430, %mul3A_422 : i32
      %swap3A_432 = arith.index_cast %add3A_431 : i32 to index
      %swap3A_433 = tpu.vector_load %arg6[%swap3A_432] {strides = array<i32>} : memref<13312xi32, #tpu.memory_space<vmem>>, vector<16xi32>,
      tpu.vector_store %arg6[%swap3A_432], %add3A_429 {strides = array<i32>} : memref<13312xi32, #tpu.memory_space<vmem>>, vector<16xi32>,
      %mul3A_434 = arith.constant 8 : i32
      %mul3A_435 = arith.muli %scan3A_349, %mul3A_434 : i32
      %add3A_436 = arith.constant 5 : i32
      %add3A_437 = arith.addi %mul3A_435, %add3A_436 : i32
      %mul3A_438 = arith.constant 16 : i32
      %mul3A_439 = arith.muli %add3A_437, %mul3A_438 : i32
      %get3A_440 = arith.constant 0 : i32
      %get3A_441 = arith.index_cast %get3A_440 : i32 to index
      %get3A_442 = arith.index_cast %mul3A_439 : i32 to index
      %get3A_443 = tpu.vector_load %arg5[%get3A_441, %get3A_442] {strides = array<i32>} : memref<26x512xi32, #tpu.memory_space<vmem>>, vector<16xi32>,
      %add3A_444 = arith.constant 0 : i32
      %add3A_445 = vector.broadcast %add3A_444 : i32 to vector<16xi32>
      %add3A_446 = arith.addi %get3A_443, %add3A_445 : vector<16xi32>
      %add3A_447 = arith.constant 0 : i32
      %add3A_448 = arith.addi %add3A_447, %mul3A_439 : i32
      %swap3A_449 = arith.index_cast %add3A_448 : i32 to index
      %swap3A_450 = tpu.vector_load %arg6[%swap3A_449] {strides = array<i32>} : memref<13312xi32, #tpu.memory_space<vmem>>, vector<16xi32>,
      tpu.vector_store %arg6[%swap3A_449], %add3A_446 {strides = array<i32>} : memref<13312xi32, #tpu.memory_space<vmem>>, vector<16xi32>,
      %mul3A_451 = arith.constant 8 : i32
      %mul3A_452 = arith.muli %scan3A_349, %mul3A_451 : i32
      %add3A_453 = arith.constant 6 : i32
      %add3A_454 = arith.addi %mul3A_452, %add3A_453 : i32
      %mul3A_455 = arith.constant 16 : i32
      %mul3A_456 = arith.muli %add3A_454, %mul3A_455 : i32
      %get3A_457 = arith.constant 0 : i32
      %get3A_458 = arith.index_cast %get3A_457 : i32 to index
      %get3A_459 = arith.index_cast %mul3A_456 : i32 to index
      %get3A_460 = tpu.vector_load %arg5[%get3A_458, %get3A_459] {strides = array<i32>} : memref<26x512xi32, #tpu.memory_space<vmem>>, vector<16xi32>,
      %add3A_461 = arith.constant 0 : i32
      %add3A_462 = vector.broadcast %add3A_461 : i32 to vector<16xi32>
      %add3A_463 = arith.addi %get3A_460, %add3A_462 : vector<16xi32>
      %add3A_464 = arith.constant 0 : i32
      %add3A_465 = arith.addi %add3A_464, %mul3A_456 : i32
      %swap3A_466 = arith.index_cast %add3A_465 : i32 to index
      %swap3A_467 = tpu.vector_load %arg6[%swap3A_466] {strides = array<i32>} : memref<13312xi32, #tpu.memory_space<vmem>>, vector<16xi32>,
      tpu.vector_store %arg6[%swap3A_466], %add3A_463 {strides = array<i32>} : memref<13312xi32, #tpu.memory_space<vmem>>, vector<16xi32>,
      %mul3A_468 = arith.constant 8 : i32
      %mul3A_469 = arith.muli %scan3A_349, %mul3A_468 : i32
      %add3A_470 = arith.constant 7 : i32
      %add3A_471 = arith.addi %mul3A_469, %add3A_470 : i32
      %mul3A_472 = arith.constant 16 : i32
      %mul3A_473 = arith.muli %add3A_471, %mul3A_472 : i32
      %get3A_474 = arith.constant 0 : i32
      %get3A_475 = arith.index_cast %get3A_474 : i32 to index
      %get3A_476 = arith.index_cast %mul3A_473 : i32 to index
      %get3A_477 = tpu.vector_load %arg5[%get3A_475, %get3A_476] {strides = array<i32>} : memref<26x512xi32, #tpu.memory_space<vmem>>, vector<16xi32>,
      %add3A_478 = arith.constant 0 : i32
      %add3A_479 = vector.broadcast %add3A_478 : i32 to vector<16xi32>
      %add3A_480 = arith.addi %get3A_477, %add3A_479 : vector<16xi32>
      %add3A_481 = arith.constant 0 : i32
      %add3A_482 = arith.addi %add3A_481, %mul3A_473 : i32
      %swap3A_483 = arith.index_cast %add3A_482 : i32 to index
      %swap3A_484 = tpu.vector_load %arg6[%swap3A_483] {strides = array<i32>} : memref<13312xi32, #tpu.memory_space<vmem>>, vector<16xi32>,
      tpu.vector_store %arg6[%swap3A_483], %add3A_480 {strides = array<i32>} : memref<13312xi32, #tpu.memory_space<vmem>>, vector<16xi32>,
      %scan3A_485 = arith.constant 0 : i32
      scf.yield %scan3A_485 : i32
    }
    %scan3A_8 = arith.constant 4 : i32
    %dma_start3A = arith.constant 0 : i32
    %dma_start3A_9 = tpu.memref_slice %arg7[%dma_start3A] : memref<13312xf32, #tpu.memory_space<vmem>> -> memref<512xf32, #tpu.memory_space<vmem>>
    %dma_start3A_10 = arith.constant 0 : i32
    %dma_start3A_11 = tpu.memref_slice %arg6[%dma_start3A_10] : memref<13312xi32, #tpu.memory_space<vmem>> -> memref<512xi32, #tpu.memory_space<vmem>>
    %dma_start3A_12 = arith.constant 0 : i32
    %dma_start3A_13 = tpu.memref_slice %arg3[%dma_start3A_12] : memref<1040384xf32, #tpu.memory_space<hbm>> -> memref<1040384xf32, #tpu.memory_space<hbm>>
    tpu.enqueue_indirect_dma source(%dma_start3A_13 : memref<1040384xf32, #tpu.memory_space<hbm>>) target(%dma_start3A_9 : memref<512xf32, #tpu.memory_space<vmem>>) offsets(%dma_start3A_11 : memref<512xi32, #tpu.memory_space<vmem>>) semaphore(%arg9 : memref<!tpu.dma_semaphore, #tpu.memory_space<semaphore_mem>>)
    %scan3A_14 = arith.constant 0 : i32
    %scan3A_15 = arith.constant 0 : i32
    %scan3A_16 = arith.constant 4 : i32
    %scan3A_17 = arith.addi %scan3A_15, %scan3A_16 : i32
    %scan3A_18 = arith.constant 1 : i32
    %scan3A_19 = scf.for %scan3A_349 = %scan3A_15 to %scan3A_17 step %scan3A_18 iter_args(%scan3A_350 = %scan3A_14) -> (i32)  : i32 {
      %mul3A_351 = arith.constant 8 : i32
      %mul3A_352 = arith.muli %scan3A_349, %mul3A_351 : i32
      %add3A_353 = arith.constant 0 : i32
      %add3A_354 = arith.addi %mul3A_352, %add3A_353 : i32
      %mul3A_355 = arith.constant 16 : i32
      %mul3A_356 = arith.muli %add3A_354, %mul3A_355 : i32
      %get3A = arith.constant 1 : i32
      %get3A_357 = arith.index_cast %get3A : i32 to index
      %get3A_358 = arith.index_cast %mul3A_356 : i32 to index
      %get3A_359 = tpu.vector_load %arg5[%get3A_357, %get3A_358] {strides = array<i32>} : memref<26x512xi32, #tpu.memory_space<vmem>>, vector<16xi32>,
      %add3A_360 = arith.constant 40000 : i32
      %add3A_361 = vector.broadcast %add3A_360 : i32 to vector<16xi32>
      %add3A_362 = arith.addi %get3A_359, %add3A_361 : vector<16xi32>
      %add3A_363 = arith.constant 512 : i32
      %add3A_364 = arith.addi %add3A_363, %mul3A_356 : i32
      %swap3A = arith.index_cast %add3A_364 : i32 to index
      %swap3A_365 = tpu.vector_load %arg6[%swap3A] {strides = array<i32>} : memref<13312xi32, #tpu.memory_space<vmem>>, vector<16xi32>,
      tpu.vector_store %arg6[%swap3A], %add3A_362 {strides = array<i32>} : memref<13312xi32, #tpu.memory_space<vmem>>, vector<16xi32>,
      %mul3A_366 = arith.constant 8 : i32
      %mul3A_367 = arith.muli %scan3A_349, %mul3A_366 : i32
      %add3A_368 = arith.constant 1 : i32
      %add3A_369 = arith.addi %mul3A_367, %add3A_368 : i32
      %mul3A_370 = arith.constant 16 : i32
      %mul3A_371 = arith.muli %add3A_369, %mul3A_370 : i32
      %get3A_372 = arith.constant 1 : i32
      %get3A_373 = arith.index_cast %get3A_372 : i32 to index
      %get3A_374 = arith.index_cast %mul3A_371 : i32 to index
      %get3A_375 = tpu.vector_load %arg5[%get3A_373, %get3A_374] {strides = array<i32>} : memref<26x512xi32, #tpu.memory_space<vmem>>, vector<16xi32>,
      %add3A_376 = arith.constant 40000 : i32
      %add3A_377 = vector.broadcast %add3A_376 : i32 to vector<16xi32>
      %add3A_378 = arith.addi %get3A_375, %add3A_377 : vector<16xi32>
      %add3A_379 = arith.constant 512 : i32
      %add3A_380 = arith.addi %add3A_379, %mul3A_371 : i32
      %swap3A_381 = arith.index_cast %add3A_380 : i32 to index
      %swap3A_382 = tpu.vector_load %arg6[%swap3A_381] {strides = array<i32>} : memref<13312xi32, #tpu.memory_space<vmem>>, vector<16xi32>,
      tpu.vector_store %arg6[%swap3A_381], %add3A_378 {strides = array<i32>} : memref<13312xi32, #tpu.memory_space<vmem>>, vector<16xi32>,
      %mul3A_383 = arith.constant 8 : i32
      %mul3A_384 = arith.muli %scan3A_349, %mul3A_383 : i32
      %add3A_385 = arith.constant 2 : i32
      %add3A_386 = arith.addi %mul3A_384, %add3A_385 : i32
      %mul3A_387 = arith.constant 16 : i32
      %mul3A_388 = arith.muli %add3A_386, %mul3A_387 : i32
      %get3A_389 = arith.constant 1 : i32
      %get3A_390 = arith.index_cast %get3A_389 : i32 to index
      %get3A_391 = arith.index_cast %mul3A_388 : i32 to index
      %get3A_392 = tpu.vector_load %arg5[%get3A_390, %get3A_391] {strides = array<i32>} : memref<26x512xi32, #tpu.memory_space<vmem>>, vector<16xi32>,
      %add3A_393 = arith.constant 40000 : i32
      %add3A_394 = vector.broadcast %add3A_393 : i32 to vector<16xi32>
      %add3A_395 = arith.addi %get3A_392, %add3A_394 : vector<16xi32>
      %add3A_396 = arith.constant 512 : i32
      %add3A_397 = arith.addi %add3A_396, %mul3A_388 : i32
      %swap3A_398 = arith.index_cast %add3A_397 : i32 to index
      %swap3A_399 = tpu.vector_load %arg6[%swap3A_398] {strides = array<i32>} : memref<13312xi32, #tpu.memory_space<vmem>>, vector<16xi32>,
      tpu.vector_store %arg6[%swap3A_398], %add3A_395 {strides = array<i32>} : memref<13312xi32, #tpu.memory_space<vmem>>, vector<16xi32>,
      %mul3A_400 = arith.constant 8 : i32
      %mul3A_401 = arith.muli %scan3A_349, %mul3A_400 : i32
      %add3A_402 = arith.constant 3 : i32
      %add3A_403 = arith.addi %mul3A_401, %add3A_402 : i32
      %mul3A_404 = arith.constant 16 : i32
      %mul3A_405 = arith.muli %add3A_403, %mul3A_404 : i32
      %get3A_406 = arith.constant 1 : i32
      %get3A_407 = arith.index_cast %get3A_406 : i32 to index
      %get3A_408 = arith.index_cast %mul3A_405 : i32 to index
      %get3A_409 = tpu.vector_load %arg5[%get3A_407, %get3A_408] {strides = array<i32>} : memref<26x512xi32, #tpu.memory_space<vmem>>, vector<16xi32>,
      %add3A_410 = arith.constant 40000 : i32
      %add3A_411 = vector.broadcast %add3A_410 : i32 to vector<16xi32>
      %add3A_412 = arith.addi %get3A_409, %add3A_411 : vector<16xi32>
      %add3A_413 = arith.constant 512 : i32
      %add3A_414 = arith.addi %add3A_413, %mul3A_405 : i32
      %swap3A_415 = arith.index_cast %add3A_414 : i32 to index
      %swap3A_416 = tpu.vector_load %arg6[%swap3A_415] {strides = array<i32>} : memref<13312xi32, #tpu.memory_space<vmem>>, vector<16xi32>,
      tpu.vector_store %arg6[%swap3A_415], %add3A_412 {strides = array<i32>} : memref<13312xi32, #tpu.memory_space<vmem>>, vector<16xi32>,
      %mul3A_417 = arith.constant 8 : i32
      %mul3A_418 = arith.muli %scan3A_349, %mul3A_417 : i32
      %add3A_419 = arith.constant 4 : i32
      %add3A_420 = arith.addi %mul3A_418, %add3A_419 : i32
      %mul3A_421 = arith.constant 16 : i32
      %mul3A_422 = arith.muli %add3A_420, %mul3A_421 : i32
      %get3A_423 = arith.constant 1 : i32
      %get3A_424 = arith.index_cast %get3A_423 : i32 to index
      %get3A_425 = arith.index_cast %mul3A_422 : i32 to index
      %get3A_426 = tpu.vector_load %arg5[%get3A_424, %get3A_425] {strides = array<i32>} : memref<26x512xi32, #tpu.memory_space<vmem>>, vector<16xi32>,
      %add3A_427 = arith.constant 40000 : i32
      %add3A_428 = vector.broadcast %add3A_427 : i32 to vector<16xi32>
      %add3A_429 = arith.addi %get3A_426, %add3A_428 : vector<16xi32>
      %add3A_430 = arith.constant 512 : i32
      %add3A_431 = arith.addi %add3A_430, %mul3A_422 : i32
      %swap3A_432 = arith.index_cast %add3A_431 : i32 to index
      %swap3A_433 = tpu.vector_load %arg6[%swap3A_432] {strides = array<i32>} : memref<13312xi32, #tpu.memory_space<vmem>>, vector<16xi32>,
      tpu.vector_store %arg6[%swap3A_432], %add3A_429 {strides = array<i32>} : memref<13312xi32, #tpu.memory_space<vmem>>, vector<16xi32>,
      %mul3A_434 = arith.constant 8 : i32
      %mul3A_435 = arith.muli %scan3A_349, %mul3A_434 : i32
      %add3A_436 = arith.constant 5 : i32
      %add3A_437 = arith.addi %mul3A_435, %add3A_436 : i32
      %mul3A_438 = arith.constant 16 : i32
      %mul3A_439 = arith.muli %add3A_437, %mul3A_438 : i32
      %get3A_440 = arith.constant 1 : i32
      %get3A_441 = arith.index_cast %get3A_440 : i32 to index
      %get3A_442 = arith.index_cast %mul3A_439 : i32 to index
      %get3A_443 = tpu.vector_load %arg5[%get3A_441, %get3A_442] {strides = array<i32>} : memref<26x512xi32, #tpu.memory_space<vmem>>, vector<16xi32>,
      %add3A_444 = arith.constant 40000 : i32
      %add3A_445 = vector.broadcast %add3A_444 : i32 to vector<16xi32>
      %add3A_446 = arith.addi %get3A_443, %add3A_445 : vector<16xi32>
      %add3A_447 = arith.constant 512 : i32
      %add3A_448 = arith.addi %add3A_447, %mul3A_439 : i32
      %swap3A_449 = arith.index_cast %add3A_448 : i32 to index
      %swap3A_450 = tpu.vector_load %arg6[%swap3A_449] {strides = array<i32>} : memref<13312xi32, #tpu.memory_space<vmem>>, vector<16xi32>,
      tpu.vector_store %arg6[%swap3A_449], %add3A_446 {strides = array<i32>} : memref<13312xi32, #tpu.memory_space<vmem>>, vector<16xi32>,
      %mul3A_451 = arith.constant 8 : i32
      %mul3A_452 = arith.muli %scan3A_349, %mul3A_451 : i32
      %add3A_453 = arith.constant 6 : i32
      %add3A_454 = arith.addi %mul3A_452, %add3A_453 : i32
      %mul3A_455 = arith.constant 16 : i32
      %mul3A_456 = arith.muli %add3A_454, %mul3A_455 : i32
      %get3A_457 = arith.constant 1 : i32
      %get3A_458 = arith.index_cast %get3A_457 : i32 to index
      %get3A_459 = arith.index_cast %mul3A_456 : i32 to index
      %get3A_460 = tpu.vector_load %arg5[%get3A_458, %get3A_459] {strides = array<i32>} : memref<26x512xi32, #tpu.memory_space<vmem>>, vector<16xi32>,
      %add3A_461 = arith.constant 40000 : i32
      %add3A_462 = vector.broadcast %add3A_461 : i32 to vector<16xi32>
      %add3A_463 = arith.addi %get3A_460, %add3A_462 : vector<16xi32>
      %add3A_464 = arith.constant 512 : i32
      %add3A_465 = arith.addi %add3A_464, %mul3A_456 : i32
      %swap3A_466 = arith.index_cast %add3A_465 : i32 to index
      %swap3A_467 = tpu.vector_load %arg6[%swap3A_466] {strides = array<i32>} : memref<13312xi32, #tpu.memory_space<vmem>>, vector<16xi32>,
      tpu.vector_store %arg6[%swap3A_466], %add3A_463 {strides = array<i32>} : memref<13312xi32, #tpu.memory_space<vmem>>, vector<16xi32>,
      %mul3A_468 = arith.constant 8 : i32
      %mul3A_469 = arith.muli %scan3A_349, %mul3A_468 : i32
      %add3A_470 = arith.constant 7 : i32
      %add3A_471 = arith.addi %mul3A_469, %add3A_470 : i32
      %mul3A_472 = arith.constant 16 : i32
      %mul3A_473 = arith.muli %add3A_471, %mul3A_472 : i32
      %get3A_474 = arith.constant 1 : i32
      %get3A_475 = arith.index_cast %get3A_474 : i32 to index
      %get3A_476 = arith.index_cast %mul3A_473 : i32 to index
      %get3A_477 = tpu.vector_load %arg5[%get3A_475, %get3A_476] {strides = array<i32>} : memref<26x512xi32, #tpu.memory_space<vmem>>, vector<16xi32>,
      %add3A_478 = arith.constant 40000 : i32
      %add3A_479 = vector.broadcast %add3A_478 : i32 to vector<16xi32>
      %add3A_480 = arith.addi %get3A_477, %add3A_479 : vector<16xi32>
      %add3A_481 = arith.constant 512 : i32
      %add3A_482 = arith.addi %add3A_481, %mul3A_473 : i32
      %swap3A_483 = arith.index_cast %add3A_482 : i32 to index
      %swap3A_484 = tpu.vector_load %arg6[%swap3A_483] {strides = array<i32>} : memref<13312xi32, #tpu.memory_space<vmem>>, vector<16xi32>,
      tpu.vector_store %arg6[%swap3A_483], %add3A_480 {strides = array<i32>} : memref<13312xi32, #tpu.memory_space<vmem>>, vector<16xi32>,
      %scan3A_485 = arith.constant 0 : i32
      scf.yield %scan3A_485 : i32
    }
    %scan3A_20 = arith.constant 4 : i32
    %dma_start3A_21 = arith.constant 512 : i32
    %dma_start3A_22 = tpu.memref_slice %arg7[%dma_start3A_21] : memref<13312xf32, #tpu.memory_space<vmem>> -> memref<512xf32, #tpu.memory_space<vmem>>
    %dma_start3A_23 = arith.constant 512 : i32
    %dma_start3A_24 = tpu.memref_slice %arg6[%dma_start3A_23] : memref<13312xi32, #tpu.memory_space<vmem>> -> memref<512xi32, #tpu.memory_space<vmem>>
    %dma_start3A_25 = arith.constant 0 : i32
    %dma_start3A_26 = tpu.memref_slice %arg3[%dma_start3A_25] : memref<1040384xf32, #tpu.memory_space<hbm>> -> memref<1040384xf32, #tpu.memory_space<hbm>>
    tpu.enqueue_indirect_dma source(%dma_start3A_26 : memref<1040384xf32, #tpu.memory_space<hbm>>) target(%dma_start3A_22 : memref<512xf32, #tpu.memory_space<vmem>>) offsets(%dma_start3A_24 : memref<512xi32, #tpu.memory_space<vmem>>) semaphore(%arg9 : memref<!tpu.dma_semaphore, #tpu.memory_space<semaphore_mem>>)
    %scan3A_27 = arith.constant 0 : i32
    %scan3A_28 = arith.constant 0 : i32
    %scan3A_29 = arith.constant 4 : i32
    %scan3A_30 = arith.addi %scan3A_28, %scan3A_29 : i32
    %scan3A_31 = arith.constant 1 : i32
    %scan3A_32 = scf.for %scan3A_349 = %scan3A_28 to %scan3A_30 step %scan3A_31 iter_args(%scan3A_350 = %scan3A_27) -> (i32)  : i32 {
      %mul3A_351 = arith.constant 8 : i32
      %mul3A_352 = arith.muli %scan3A_349, %mul3A_351 : i32
      %add3A_353 = arith.constant 0 : i32
      %add3A_354 = arith.addi %mul3A_352, %add3A_353 : i32
      %mul3A_355 = arith.constant 16 : i32
      %mul3A_356 = arith.muli %add3A_354, %mul3A_355 : i32
      %get3A = arith.constant 2 : i32
      %get3A_357 = arith.index_cast %get3A : i32 to index
      %get3A_358 = arith.index_cast %mul3A_356 : i32 to index
      %get3A_359 = tpu.vector_load %arg5[%get3A_357, %get3A_358] {strides = array<i32>} : memref<26x512xi32, #tpu.memory_space<vmem>>, vector<16xi32>,
      %add3A_360 = arith.constant 80000 : i32
      %add3A_361 = vector.broadcast %add3A_360 : i32 to vector<16xi32>
      %add3A_362 = arith.addi %get3A_359, %add3A_361 : vector<16xi32>
      %add3A_363 = arith.constant 1024 : i32
      %add3A_364 = arith.addi %add3A_363, %mul3A_356 : i32
      %swap3A = arith.index_cast %add3A_364 : i32 to index
      %swap3A_365 = tpu.vector_load %arg6[%swap3A] {strides = array<i32>} : memref<13312xi32, #tpu.memory_space<vmem>>, vector<16xi32>,
      tpu.vector_store %arg6[%swap3A], %add3A_362 {strides = array<i32>} : memref<13312xi32, #tpu.memory_space<vmem>>, vector<16xi32>,
      %mul3A_366 = arith.constant 8 : i32
      %mul3A_367 = arith.muli %scan3A_349, %mul3A_366 : i32
      %add3A_368 = arith.constant 1 : i32
      %add3A_369 = arith.addi %mul3A_367, %add3A_368 : i32
      %mul3A_370 = arith.constant 16 : i32
      %mul3A_371 = arith.muli %add3A_369, %mul3A_370 : i32
      %get3A_372 = arith.constant 2 : i32
      %get3A_373 = arith.index_cast %get3A_372 : i32 to index
      %get3A_374 = arith.index_cast %mul3A_371 : i32 to index
      %get3A_375 = tpu.vector_load %arg5[%get3A_373, %get3A_374] {strides = array<i32>} : memref<26x512xi32, #tpu.memory_space<vmem>>, vector<16xi32>,
      %add3A_376 = arith.constant 80000 : i32
      %add3A_377 = vector.broadcast %add3A_376 : i32 to vector<16xi32>
      %add3A_378 = arith.addi %get3A_375, %add3A_377 : vector<16xi32>
      %add3A_379 = arith.constant 1024 : i32
      %add3A_380 = arith.addi %add3A_379, %mul3A_371 : i32
      %swap3A_381 = arith.index_cast %add3A_380 : i32 to index
      %swap3A_382 = tpu.vector_load %arg6[%swap3A_381] {strides = array<i32>} : memref<13312xi32, #tpu.memory_space<vmem>>, vector<16xi32>,
      tpu.vector_store %arg6[%swap3A_381], %add3A_378 {strides = array<i32>} : memref<13312xi32, #tpu.memory_space<vmem>>, vector<16xi32>,
      %mul3A_383 = arith.constant 8 : i32
      %mul3A_384 = arith.muli %scan3A_349, %mul3A_383 : i32
      %add3A_385 = arith.constant 2 : i32
      %add3A_386 = arith.addi %mul3A_384, %add3A_385 : i32
      %mul3A_387 = arith.constant 16 : i32
      %mul3A_388 = arith.muli %add3A_386, %mul3A_387 : i32
      %get3A_389 = arith.constant 2 : i32
      %get3A_390 = arith.index_cast %get3A_389 : i32 to index
      %get3A_391 = arith.index_cast %mul3A_388 : i32 to index
      %get3A_392 = tpu.vector_load %arg5[%get3A_390, %get3A_391] {strides = array<i32>} : memref<26x512xi32, #tpu.memory_space<vmem>>, vector<16xi32>,
      %add3A_393 = arith.constant 80000 : i32
      %add3A_394 = vector.broadcast %add3A_393 : i32 to vector<16xi32>
      %add3A_395 = arith.addi %get3A_392, %add3A_394 : vector<16xi32>
      %add3A_396 = arith.constant 1024 : i32
      %add3A_397 = arith.addi %add3A_396, %mul3A_388 : i32
      %swap3A_398 = arith.index_cast %add3A_397 : i32 to index
      %swap3A_399 = tpu.vector_load %arg6[%swap3A_398] {strides = array<i32>} : memref<13312xi32, #tpu.memory_space<vmem>>, vector<16xi32>,
      tpu.vector_store %arg6[%swap3A_398], %add3A_395 {strides = array<i32>} : memref<13312xi32, #tpu.memory_space<vmem>>, vector<16xi32>,
      %mul3A_400 = arith.constant 8 : i32
      %mul3A_401 = arith.muli %scan3A_349, %mul3A_400 : i32
      %add3A_402 = arith.constant 3 : i32
      %add3A_403 = arith.addi %mul3A_401, %add3A_402 : i32
      %mul3A_404 = arith.constant 16 : i32
      %mul3A_405 = arith.muli %add3A_403, %mul3A_404 : i32
      %get3A_406 = arith.constant 2 : i32
      %get3A_407 = arith.index_cast %get3A_406 : i32 to index
      %get3A_408 = arith.index_cast %mul3A_405 : i32 to index
      %get3A_409 = tpu.vector_load %arg5[%get3A_407, %get3A_408] {strides = array<i32>} : memref<26x512xi32, #tpu.memory_space<vmem>>, vector<16xi32>,
      %add3A_410 = arith.constant 80000 : i32
      %add3A_411 = vector.broadcast %add3A_410 : i32 to vector<16xi32>
      %add3A_412 = arith.addi %get3A_409, %add3A_411 : vector<16xi32>
      %add3A_413 = arith.constant 1024 : i32
      %add3A_414 = arith.addi %add3A_413, %mul3A_405 : i32
      %swap3A_415 = arith.index_cast %add3A_414 : i32 to index
      %swap3A_416 = tpu.vector_load %arg6[%swap3A_415] {strides = array<i32>} : memref<13312xi32, #tpu.memory_space<vmem>>, vector<16xi32>,
      tpu.vector_store %arg6[%swap3A_415], %add3A_412 {strides = array<i32>} : memref<13312xi32, #tpu.memory_space<vmem>>, vector<16xi32>,
      %mul3A_417 = arith.constant 8 : i32
      %mul3A_418 = arith.muli %scan3A_349, %mul3A_417 : i32
      %add3A_419 = arith.constant 4 : i32
      %add3A_420 = arith.addi %mul3A_418, %add3A_419 : i32
      %mul3A_421 = arith.constant 16 : i32
      %mul3A_422 = arith.muli %add3A_420, %mul3A_421 : i32
      %get3A_423 = arith.constant 2 : i32
      %get3A_424 = arith.index_cast %get3A_423 : i32 to index
      %get3A_425 = arith.index_cast %mul3A_422 : i32 to index
      %get3A_426 = tpu.vector_load %arg5[%get3A_424, %get3A_425] {strides = array<i32>} : memref<26x512xi32, #tpu.memory_space<vmem>>, vector<16xi32>,
      %add3A_427 = arith.constant 80000 : i32
      %add3A_428 = vector.broadcast %add3A_427 : i32 to vector<16xi32>
      %add3A_429 = arith.addi %get3A_426, %add3A_428 : vector<16xi32>
      %add3A_430 = arith.constant 1024 : i32
      %add3A_431 = arith.addi %add3A_430, %mul3A_422 : i32
      %swap3A_432 = arith.index_cast %add3A_431 : i32 to index
      %swap3A_433 = tpu.vector_load %arg6[%swap3A_432] {strides = array<i32>} : memref<13312xi32, #tpu.memory_space<vmem>>, vector<16xi32>,
      tpu.vector_store %arg6[%swap3A_432], %add3A_429 {strides = array<i32>} : memref<13312xi32, #tpu.memory_space<vmem>>, vector<16xi32>,
      %mul3A_434 = arith.constant 8 : i32
      %mul3A_435 = arith.muli %scan3A_349, %mul3A_434 : i32
      %add3A_436 = arith.constant 5 : i32
      %add3A_437 = arith.addi %mul3A_435, %add3A_436 : i32
      %mul3A_438 = arith.constant 16 : i32
      %mul3A_439 = arith.muli %add3A_437, %mul3A_438 : i32
      %get3A_440 = arith.constant 2 : i32
      %get3A_441 = arith.index_cast %get3A_440 : i32 to index
      %get3A_442 = arith.index_cast %mul3A_439 : i32 to index
      %get3A_443 = tpu.vector_load %arg5[%get3A_441, %get3A_442] {strides = array<i32>} : memref<26x512xi32, #tpu.memory_space<vmem>>, vector<16xi32>,
      %add3A_444 = arith.constant 80000 : i32
      %add3A_445 = vector.broadcast %add3A_444 : i32 to vector<16xi32>
      %add3A_446 = arith.addi %get3A_443, %add3A_445 : vector<16xi32>
      %add3A_447 = arith.constant 1024 : i32
      %add3A_448 = arith.addi %add3A_447, %mul3A_439 : i32
      %swap3A_449 = arith.index_cast %add3A_448 : i32 to index
      %swap3A_450 = tpu.vector_load %arg6[%swap3A_449] {strides = array<i32>} : memref<13312xi32, #tpu.memory_space<vmem>>, vector<16xi32>,
      tpu.vector_store %arg6[%swap3A_449], %add3A_446 {strides = array<i32>} : memref<13312xi32, #tpu.memory_space<vmem>>, vector<16xi32>,
      %mul3A_451 = arith.constant 8 : i32
      %mul3A_452 = arith.muli %scan3A_349, %mul3A_451 : i32
      %add3A_453 = arith.constant 6 : i32
      %add3A_454 = arith.addi %mul3A_452, %add3A_453 : i32
      %mul3A_455 = arith.constant 16 : i32
      %mul3A_456 = arith.muli %add3A_454, %mul3A_455 : i32
      %get3A_457 = arith.constant 2 : i32
      %get3A_458 = arith.index_cast %get3A_457 : i32 to index
      %get3A_459 = arith.index_cast %mul3A_456 : i32 to index
      %get3A_460 = tpu.vector_load %arg5[%get3A_458, %get3A_459] {strides = array<i32>} : memref<26x512xi32, #tpu.memory_space<vmem>>, vector<16xi32>,
      %add3A_461 = arith.constant 80000 : i32
      %add3A_462 = vector.broadcast %add3A_461 : i32 to vector<16xi32>
      %add3A_463 = arith.addi %get3A_460, %add3A_462 : vector<16xi32>
      %add3A_464 = arith.constant 1024 : i32
      %add3A_465 = arith.addi %add3A_464, %mul3A_456 : i32
      %swap3A_466 = arith.index_cast %add3A_465 : i32 to index
      %swap3A_467 = tpu.vector_load %arg6[%swap3A_466] {strides = array<i32>} : memref<13312xi32, #tpu.memory_space<vmem>>, vector<16xi32>,
      tpu.vector_store %arg6[%swap3A_466], %add3A_463 {strides = array<i32>} : memref<13312xi32, #tpu.memory_space<vmem>>, vector<16xi32>,
      %mul3A_468 = arith.constant 8 : i32
      %mul3A_469 = arith.muli %scan3A_349, %mul3A_468 : i32
      %add3A_470 = arith.constant 7 : i32
      %add3A_471 = arith.addi %mul3A_469, %add3A_470 : i32
      %mul3A_472 = arith.constant 16 : i32
      %mul3A_473 = arith.muli %add3A_471, %mul3A_472 : i32
      %get3A_474 = arith.constant 2 : i32
      %get3A_475 = arith.index_cast %get3A_474 : i32 to index
      %get3A_476 = arith.index_cast %mul3A_473 : i32 to index
      %get3A_477 = tpu.vector_load %arg5[%get3A_475, %get3A_476] {strides = array<i32>} : memref<26x512xi32, #tpu.memory_space<vmem>>, vector<16xi32>,
      %add3A_478 = arith.constant 80000 : i32
      %add3A_479 = vector.broadcast %add3A_478 : i32 to vector<16xi32>
      %add3A_480 = arith.addi %get3A_477, %add3A_479 : vector<16xi32>
      %add3A_481 = arith.constant 1024 : i32
      %add3A_482 = arith.addi %add3A_481, %mul3A_473 : i32
      %swap3A_483 = arith.index_cast %add3A_482 : i32 to index
      %swap3A_484 = tpu.vector_load %arg6[%swap3A_483] {strides = array<i32>} : memref<13312xi32, #tpu.memory_space<vmem>>, vector<16xi32>,
      tpu.vector_store %arg6[%swap3A_483], %add3A_480 {strides = array<i32>} : memref<13312xi32, #tpu.memory_space<vmem>>, vector<16xi32>,
      %scan3A_485 = arith.constant 0 : i32
      scf.yield %scan3A_485 : i32
    }
    %scan3A_33 = arith.constant 4 : i32
    %dma_start3A_34 = arith.constant 1024 : i32
    %dma_start3A_35 = tpu.memref_slice %arg7[%dma_start3A_34] : memref<13312xf32, #tpu.memory_space<vmem>> -> memref<512xf32, #tpu.memory_space<vmem>>
    %dma_start3A_36 = arith.constant 1024 : i32
    %dma_start3A_37 = tpu.memref_slice %arg6[%dma_start3A_36] : memref<13312xi32, #tpu.memory_space<vmem>> -> memref<512xi32, #tpu.memory_space<vmem>>
    %dma_start3A_38 = arith.constant 0 : i32
    %dma_start3A_39 = tpu.memref_slice %arg3[%dma_start3A_38] : memref<1040384xf32, #tpu.memory_space<hbm>> -> memref<1040384xf32, #tpu.memory_space<hbm>>
    tpu.enqueue_indirect_dma source(%dma_start3A_39 : memref<1040384xf32, #tpu.memory_space<hbm>>) target(%dma_start3A_35 : memref<512xf32, #tpu.memory_space<vmem>>) offsets(%dma_start3A_37 : memref<512xi32, #tpu.memory_space<vmem>>) semaphore(%arg9 : memref<!tpu.dma_semaphore, #tpu.memory_space<semaphore_mem>>)
    %scan3A_40 = arith.constant 0 : i32
    %scan3A_41 = arith.constant 0 : i32
    %scan3A_42 = arith.constant 4 : i32
    %scan3A_43 = arith.addi %scan3A_41, %scan3A_42 : i32
    %scan3A_44 = arith.constant 1 : i32
    %scan3A_45 = scf.for %scan3A_349 = %scan3A_41 to %scan3A_43 step %scan3A_44 iter_args(%scan3A_350 = %scan3A_40) -> (i32)  : i32 {
      %mul3A_351 = arith.constant 8 : i32
      %mul3A_352 = arith.muli %scan3A_349, %mul3A_351 : i32
      %add3A_353 = arith.constant 0 : i32
      %add3A_354 = arith.addi %mul3A_352, %add3A_353 : i32
      %mul3A_355 = arith.constant 16 : i32
      %mul3A_356 = arith.muli %add3A_354, %mul3A_355 : i32
      %get3A = arith.constant 3 : i32
      %get3A_357 = arith.index_cast %get3A : i32 to index
      %get3A_358 = arith.index_cast %mul3A_356 : i32 to index
      %get3A_359 = tpu.vector_load %arg5[%get3A_357, %get3A_358] {strides = array<i32>} : memref<26x512xi32, #tpu.memory_space<vmem>>, vector<16xi32>,
      %add3A_360 = arith.constant 120000 : i32
      %add3A_361 = vector.broadcast %add3A_360 : i32 to vector<16xi32>
      %add3A_362 = arith.addi %get3A_359, %add3A_361 : vector<16xi32>
      %add3A_363 = arith.constant 1536 : i32
      %add3A_364 = arith.addi %add3A_363, %mul3A_356 : i32
      %swap3A = arith.index_cast %add3A_364 : i32 to index
      %swap3A_365 = tpu.vector_load %arg6[%swap3A] {strides = array<i32>} : memref<13312xi32, #tpu.memory_space<vmem>>, vector<16xi32>,
      tpu.vector_store %arg6[%swap3A], %add3A_362 {strides = array<i32>} : memref<13312xi32, #tpu.memory_space<vmem>>, vector<16xi32>,
      %mul3A_366 = arith.constant 8 : i32
      %mul3A_367 = arith.muli %scan3A_349, %mul3A_366 : i32
      %add3A_368 = arith.constant 1 : i32
      %add3A_369 = arith.addi %mul3A_367, %add3A_368 : i32
      %mul3A_370 = arith.constant 16 : i32
      %mul3A_371 = arith.muli %add3A_369, %mul3A_370 : i32
      %get3A_372 = arith.constant 3 : i32
      %get3A_373 = arith.index_cast %get3A_372 : i32 to index
      %get3A_374 = arith.index_cast %mul3A_371 : i32 to index
      %get3A_375 = tpu.vector_load %arg5[%get3A_373, %get3A_374] {strides = array<i32>} : memref<26x512xi32, #tpu.memory_space<vmem>>, vector<16xi32>,
      %add3A_376 = arith.constant 120000 : i32
      %add3A_377 = vector.broadcast %add3A_376 : i32 to vector<16xi32>
      %add3A_378 = arith.addi %get3A_375, %add3A_377 : vector<16xi32>
      %add3A_379 = arith.constant 1536 : i32
      %add3A_380 = arith.addi %add3A_379, %mul3A_371 : i32
      %swap3A_381 = arith.index_cast %add3A_380 : i32 to index
      %swap3A_382 = tpu.vector_load %arg6[%swap3A_381] {strides = array<i32>} : memref<13312xi32, #tpu.memory_space<vmem>>, vector<16xi32>,
      tpu.vector_store %arg6[%swap3A_381], %add3A_378 {strides = array<i32>} : memref<13312xi32, #tpu.memory_space<vmem>>, vector<16xi32>,
      %mul3A_383 = arith.constant 8 : i32
      %mul3A_384 = arith.muli %scan3A_349, %mul3A_383 : i32
      %add3A_385 = arith.constant 2 : i32
      %add3A_386 = arith.addi %mul3A_384, %add3A_385 : i32
      %mul3A_387 = arith.constant 16 : i32
      %mul3A_388 = arith.muli %add3A_386, %mul3A_387 : i32
      %get3A_389 = arith.constant 3 : i32
      %get3A_390 = arith.index_cast %get3A_389 : i32 to index
      %get3A_391 = arith.index_cast %mul3A_388 : i32 to index
      %get3A_392 = tpu.vector_load %arg5[%get3A_390, %get3A_391] {strides = array<i32>} : memref<26x512xi32, #tpu.memory_space<vmem>>, vector<16xi32>,
      %add3A_393 = arith.constant 120000 : i32
      %add3A_394 = vector.broadcast %add3A_393 : i32 to vector<16xi32>
      %add3A_395 = arith.addi %get3A_392, %add3A_394 : vector<16xi32>
      %add3A_396 = arith.constant 1536 : i32
      %add3A_397 = arith.addi %add3A_396, %mul3A_388 : i32
      %swap3A_398 = arith.index_cast %add3A_397 : i32 to index
      %swap3A_399 = tpu.vector_load %arg6[%swap3A_398] {strides = array<i32>} : memref<13312xi32, #tpu.memory_space<vmem>>, vector<16xi32>,
      tpu.vector_store %arg6[%swap3A_398], %add3A_395 {strides = array<i32>} : memref<13312xi32, #tpu.memory_space<vmem>>, vector<16xi32>,
      %mul3A_400 = arith.constant 8 : i32
      %mul3A_401 = arith.muli %scan3A_349, %mul3A_400 : i32
      %add3A_402 = arith.constant 3 : i32
      %add3A_403 = arith.addi %mul3A_401, %add3A_402 : i32
      %mul3A_404 = arith.constant 16 : i32
      %mul3A_405 = arith.muli %add3A_403, %mul3A_404 : i32
      %get3A_406 = arith.constant 3 : i32
      %get3A_407 = arith.index_cast %get3A_406 : i32 to index
      %get3A_408 = arith.index_cast %mul3A_405 : i32 to index
      %get3A_409 = tpu.vector_load %arg5[%get3A_407, %get3A_408] {strides = array<i32>} : memref<26x512xi32, #tpu.memory_space<vmem>>, vector<16xi32>,
      %add3A_410 = arith.constant 120000 : i32
      %add3A_411 = vector.broadcast %add3A_410 : i32 to vector<16xi32>
      %add3A_412 = arith.addi %get3A_409, %add3A_411 : vector<16xi32>
      %add3A_413 = arith.constant 1536 : i32
      %add3A_414 = arith.addi %add3A_413, %mul3A_405 : i32
      %swap3A_415 = arith.index_cast %add3A_414 : i32 to index
      %swap3A_416 = tpu.vector_load %arg6[%swap3A_415] {strides = array<i32>} : memref<13312xi32, #tpu.memory_space<vmem>>, vector<16xi32>,
      tpu.vector_store %arg6[%swap3A_415], %add3A_412 {strides = array<i32>} : memref<13312xi32, #tpu.memory_space<vmem>>, vector<16xi32>,
      %mul3A_417 = arith.constant 8 : i32
      %mul3A_418 = arith.muli %scan3A_349, %mul3A_417 : i32
      %add3A_419 = arith.constant 4 : i32
      %add3A_420 = arith.addi %mul3A_418, %add3A_419 : i32
      %mul3A_421 = arith.constant 16 : i32
      %mul3A_422 = arith.muli %add3A_420, %mul3A_421 : i32
      %get3A_423 = arith.constant 3 : i32
      %get3A_424 = arith.index_cast %get3A_423 : i32 to index
      %get3A_425 = arith.index_cast %mul3A_422 : i32 to index
      %get3A_426 = tpu.vector_load %arg5[%get3A_424, %get3A_425] {strides = array<i32>} : memref<26x512xi32, #tpu.memory_space<vmem>>, vector<16xi32>,
      %add3A_427 = arith.constant 120000 : i32
      %add3A_428 = vector.broadcast %add3A_427 : i32 to vector<16xi32>
      %add3A_429 = arith.addi %get3A_426, %add3A_428 : vector<16xi32>
      %add3A_430 = arith.constant 1536 : i32
      %add3A_431 = arith.addi %add3A_430, %mul3A_422 : i32
      %swap3A_432 = arith.index_cast %add3A_431 : i32 to index
      %swap3A_433 = tpu.vector_load %arg6[%swap3A_432] {strides = array<i32>} : memref<13312xi32, #tpu.memory_space<vmem>>, vector<16xi32>,
      tpu.vector_store %arg6[%swap3A_432], %add3A_429 {strides = array<i32>} : memref<13312xi32, #tpu.memory_space<vmem>>, vector<16xi32>,
      %mul3A_434 = arith.constant 8 : i32
      %mul3A_435 = arith.muli %scan3A_349, %mul3A_434 : i32
      %add3A_436 = arith.constant 5 : i32
      %add3A_437 = arith.addi %mul3A_435, %add3A_436 : i32
      %mul3A_438 = arith.constant 16 : i32
      %mul3A_439 = arith.muli %add3A_437, %mul3A_438 : i32
      %get3A_440 = arith.constant 3 : i32
      %get3A_441 = arith.index_cast %get3A_440 : i32 to index
      %get3A_442 = arith.index_cast %mul3A_439 : i32 to index
      %get3A_443 = tpu.vector_load %arg5[%get3A_441, %get3A_442] {strides = array<i32>} : memref<26x512xi32, #tpu.memory_space<vmem>>, vector<16xi32>,
      %add3A_444 = arith.constant 120000 : i32
      %add3A_445 = vector.broadcast %add3A_444 : i32 to vector<16xi32>
      %add3A_446 = arith.addi %get3A_443, %add3A_445 : vector<16xi32>
      %add3A_447 = arith.constant 1536 : i32
      %add3A_448 = arith.addi %add3A_447, %mul3A_439 : i32
      %swap3A_449 = arith.index_cast %add3A_448 : i32 to index
      %swap3A_450 = tpu.vector_load %arg6[%swap3A_449] {strides = array<i32>} : memref<13312xi32, #tpu.memory_space<vmem>>, vector<16xi32>,
      tpu.vector_store %arg6[%swap3A_449], %add3A_446 {strides = array<i32>} : memref<13312xi32, #tpu.memory_space<vmem>>, vector<16xi32>,
      %mul3A_451 = arith.constant 8 : i32
      %mul3A_452 = arith.muli %scan3A_349, %mul3A_451 : i32
      %add3A_453 = arith.constant 6 : i32
      %add3A_454 = arith.addi %mul3A_452, %add3A_453 : i32
      %mul3A_455 = arith.constant 16 : i32
      %mul3A_456 = arith.muli %add3A_454, %mul3A_455 : i32
      %get3A_457 = arith.constant 3 : i32
      %get3A_458 = arith.index_cast %get3A_457 : i32 to index
      %get3A_459 = arith.index_cast %mul3A_456 : i32 to index
      %get3A_460 = tpu.vector_load %arg5[%get3A_458, %get3A_459] {strides = array<i32>} : memref<26x512xi32, #tpu.memory_space<vmem>>, vector<16xi32>,
      %add3A_461 = arith.constant 120000 : i32
      %add3A_462 = vector.broadcast %add3A_461 : i32 to vector<16xi32>
      %add3A_463 = arith.addi %get3A_460, %add3A_462 : vector<16xi32>
      %add3A_464 = arith.constant 1536 : i32
      %add3A_465 = arith.addi %add3A_464, %mul3A_456 : i32
      %swap3A_466 = arith.index_cast %add3A_465 : i32 to index
      %swap3A_467 = tpu.vector_load %arg6[%swap3A_466] {strides = array<i32>} : memref<13312xi32, #tpu.memory_space<vmem>>, vector<16xi32>,
      tpu.vector_store %arg6[%swap3A_466], %add3A_463 {strides = array<i32>} : memref<13312xi32, #tpu.memory_space<vmem>>, vector<16xi32>,
      %mul3A_468 = arith.constant 8 : i32
      %mul3A_469 = arith.muli %scan3A_349, %mul3A_468 : i32
      %add3A_470 = arith.constant 7 : i32
      %add3A_471 = arith.addi %mul3A_469, %add3A_470 : i32
      %mul3A_472 = arith.constant 16 : i32
      %mul3A_473 = arith.muli %add3A_471, %mul3A_472 : i32
      %get3A_474 = arith.constant 3 : i32
      %get3A_475 = arith.index_cast %get3A_474 : i32 to index
      %get3A_476 = arith.index_cast %mul3A_473 : i32 to index
      %get3A_477 = tpu.vector_load %arg5[%get3A_475, %get3A_476] {strides = array<i32>} : memref<26x512xi32, #tpu.memory_space<vmem>>, vector<16xi32>,
      %add3A_478 = arith.constant 120000 : i32
      %add3A_479 = vector.broadcast %add3A_478 : i32 to vector<16xi32>
      %add3A_480 = arith.addi %get3A_477, %add3A_479 : vector<16xi32>
      %add3A_481 = arith.constant 1536 : i32
      %add3A_482 = arith.addi %add3A_481, %mul3A_473 : i32
      %swap3A_483 = arith.index_cast %add3A_482 : i32 to index
      %swap3A_484 = tpu.vector_load %arg6[%swap3A_483] {strides = array<i32>} : memref<13312xi32, #tpu.memory_space<vmem>>, vector<16xi32>,
      tpu.vector_store %arg6[%swap3A_483], %add3A_480 {strides = array<i32>} : memref<13312xi32, #tpu.memory_space<vmem>>, vector<16xi32>,
      %scan3A_485 = arith.constant 0 : i32
      scf.yield %scan3A_485 : i32
    }
    %scan3A_46 = arith.constant 4 : i32
    %dma_start3A_47 = arith.constant 1536 : i32
    %dma_start3A_48 = tpu.memref_slice %arg7[%dma_start3A_47] : memref<13312xf32, #tpu.memory_space<vmem>> -> memref<512xf32, #tpu.memory_space<vmem>>
    %dma_start3A_49 = arith.constant 1536 : i32
    %dma_start3A_50 = tpu.memref_slice %arg6[%dma_start3A_49] : memref<13312xi32, #tpu.memory_space<vmem>> -> memref<512xi32, #tpu.memory_space<vmem>>
    %dma_start3A_51 = arith.constant 0 : i32
    %dma_start3A_52 = tpu.memref_slice %arg3[%dma_start3A_51] : memref<1040384xf32, #tpu.memory_space<hbm>> -> memref<1040384xf32, #tpu.memory_space<hbm>>
    tpu.enqueue_indirect_dma source(%dma_start3A_52 : memref<1040384xf32, #tpu.memory_space<hbm>>) target(%dma_start3A_48 : memref<512xf32, #tpu.memory_space<vmem>>) offsets(%dma_start3A_50 : memref<512xi32, #tpu.memory_space<vmem>>) semaphore(%arg9 : memref<!tpu.dma_semaphore, #tpu.memory_space<semaphore_mem>>)
    %scan3A_53 = arith.constant 0 : i32
    %scan3A_54 = arith.constant 0 : i32
    %scan3A_55 = arith.constant 4 : i32
    %scan3A_56 = arith.addi %scan3A_54, %scan3A_55 : i32
    %scan3A_57 = arith.constant 1 : i32
    %scan3A_58 = scf.for %scan3A_349 = %scan3A_54 to %scan3A_56 step %scan3A_57 iter_args(%scan3A_350 = %scan3A_53) -> (i32)  : i32 {
      %mul3A_351 = arith.constant 8 : i32
      %mul3A_352 = arith.muli %scan3A_349, %mul3A_351 : i32
      %add3A_353 = arith.constant 0 : i32
      %add3A_354 = arith.addi %mul3A_352, %add3A_353 : i32
      %mul3A_355 = arith.constant 16 : i32
      %mul3A_356 = arith.muli %add3A_354, %mul3A_355 : i32
      %get3A = arith.constant 4 : i32
      %get3A_357 = arith.index_cast %get3A : i32 to index
      %get3A_358 = arith.index_cast %mul3A_356 : i32 to index
      %get3A_359 = tpu.vector_load %arg5[%get3A_357, %get3A_358] {strides = array<i32>} : memref<26x512xi32, #tpu.memory_space<vmem>>, vector<16xi32>,
      %add3A_360 = arith.constant 160000 : i32
      %add3A_361 = vector.broadcast %add3A_360 : i32 to vector<16xi32>
      %add3A_362 = arith.addi %get3A_359, %add3A_361 : vector<16xi32>
      %add3A_363 = arith.constant 2048 : i32
      %add3A_364 = arith.addi %add3A_363, %mul3A_356 : i32
      %swap3A = arith.index_cast %add3A_364 : i32 to index
      %swap3A_365 = tpu.vector_load %arg6[%swap3A] {strides = array<i32>} : memref<13312xi32, #tpu.memory_space<vmem>>, vector<16xi32>,
      tpu.vector_store %arg6[%swap3A], %add3A_362 {strides = array<i32>} : memref<13312xi32, #tpu.memory_space<vmem>>, vector<16xi32>,
      %mul3A_366 = arith.constant 8 : i32
      %mul3A_367 = arith.muli %scan3A_349, %mul3A_366 : i32
      %add3A_368 = arith.constant 1 : i32
      %add3A_369 = arith.addi %mul3A_367, %add3A_368 : i32
      %mul3A_370 = arith.constant 16 : i32
      %mul3A_371 = arith.muli %add3A_369, %mul3A_370 : i32
      %get3A_372 = arith.constant 4 : i32
      %get3A_373 = arith.index_cast %get3A_372 : i32 to index
      %get3A_374 = arith.index_cast %mul3A_371 : i32 to index
      %get3A_375 = tpu.vector_load %arg5[%get3A_373, %get3A_374] {strides = array<i32>} : memref<26x512xi32, #tpu.memory_space<vmem>>, vector<16xi32>,
      %add3A_376 = arith.constant 160000 : i32
      %add3A_377 = vector.broadcast %add3A_376 : i32 to vector<16xi32>
      %add3A_378 = arith.addi %get3A_375, %add3A_377 : vector<16xi32>
      %add3A_379 = arith.constant 2048 : i32
      %add3A_380 = arith.addi %add3A_379, %mul3A_371 : i32
      %swap3A_381 = arith.index_cast %add3A_380 : i32 to index
      %swap3A_382 = tpu.vector_load %arg6[%swap3A_381] {strides = array<i32>} : memref<13312xi32, #tpu.memory_space<vmem>>, vector<16xi32>,
      tpu.vector_store %arg6[%swap3A_381], %add3A_378 {strides = array<i32>} : memref<13312xi32, #tpu.memory_space<vmem>>, vector<16xi32>,
      %mul3A_383 = arith.constant 8 : i32
      %mul3A_384 = arith.muli %scan3A_349, %mul3A_383 : i32
      %add3A_385 = arith.constant 2 : i32
      %add3A_386 = arith.addi %mul3A_384, %add3A_385 : i32
      %mul3A_387 = arith.constant 16 : i32
      %mul3A_388 = arith.muli %add3A_386, %mul3A_387 : i32
      %get3A_389 = arith.constant 4 : i32
      %get3A_390 = arith.index_cast %get3A_389 : i32 to index
      %get3A_391 = arith.index_cast %mul3A_388 : i32 to index
      %get3A_392 = tpu.vector_load %arg5[%get3A_390, %get3A_391] {strides = array<i32>} : memref<26x512xi32, #tpu.memory_space<vmem>>, vector<16xi32>,
      %add3A_393 = arith.constant 160000 : i32
      %add3A_394 = vector.broadcast %add3A_393 : i32 to vector<16xi32>
      %add3A_395 = arith.addi %get3A_392, %add3A_394 : vector<16xi32>
      %add3A_396 = arith.constant 2048 : i32
      %add3A_397 = arith.addi %add3A_396, %mul3A_388 : i32
      %swap3A_398 = arith.index_cast %add3A_397 : i32 to index
      %swap3A_399 = tpu.vector_load %arg6[%swap3A_398] {strides = array<i32>} : memref<13312xi32, #tpu.memory_space<vmem>>, vector<16xi32>,
      tpu.vector_store %arg6[%swap3A_398], %add3A_395 {strides = array<i32>} : memref<13312xi32, #tpu.memory_space<vmem>>, vector<16xi32>,
      %mul3A_400 = arith.constant 8 : i32
      %mul3A_401 = arith.muli %scan3A_349, %mul3A_400 : i32
      %add3A_402 = arith.constant 3 : i32
      %add3A_403 = arith.addi %mul3A_401, %add3A_402 : i32
      %mul3A_404 = arith.constant 16 : i32
      %mul3A_405 = arith.muli %add3A_403, %mul3A_404 : i32
      %get3A_406 = arith.constant 4 : i32
      %get3A_407 = arith.index_cast %get3A_406 : i32 to index
      %get3A_408 = arith.index_cast %mul3A_405 : i32 to index
      %get3A_409 = tpu.vector_load %arg5[%get3A_407, %get3A_408] {strides = array<i32>} : memref<26x512xi32, #tpu.memory_space<vmem>>, vector<16xi32>,
      %add3A_410 = arith.constant 160000 : i32
      %add3A_411 = vector.broadcast %add3A_410 : i32 to vector<16xi32>
      %add3A_412 = arith.addi %get3A_409, %add3A_411 : vector<16xi32>
      %add3A_413 = arith.constant 2048 : i32
      %add3A_414 = arith.addi %add3A_413, %mul3A_405 : i32
      %swap3A_415 = arith.index_cast %add3A_414 : i32 to index
      %swap3A_416 = tpu.vector_load %arg6[%swap3A_415] {strides = array<i32>} : memref<13312xi32, #tpu.memory_space<vmem>>, vector<16xi32>,
      tpu.vector_store %arg6[%swap3A_415], %add3A_412 {strides = array<i32>} : memref<13312xi32, #tpu.memory_space<vmem>>, vector<16xi32>,
      %mul3A_417 = arith.constant 8 : i32
      %mul3A_418 = arith.muli %scan3A_349, %mul3A_417 : i32
      %add3A_419 = arith.constant 4 : i32
      %add3A_420 = arith.addi %mul3A_418, %add3A_419 : i32
      %mul3A_421 = arith.constant 16 : i32
      %mul3A_422 = arith.muli %add3A_420, %mul3A_421 : i32
      %get3A_423 = arith.constant 4 : i32
      %get3A_424 = arith.index_cast %get3A_423 : i32 to index
      %get3A_425 = arith.index_cast %mul3A_422 : i32 to index
      %get3A_426 = tpu.vector_load %arg5[%get3A_424, %get3A_425] {strides = array<i32>} : memref<26x512xi32, #tpu.memory_space<vmem>>, vector<16xi32>,
      %add3A_427 = arith.constant 160000 : i32
      %add3A_428 = vector.broadcast %add3A_427 : i32 to vector<16xi32>
      %add3A_429 = arith.addi %get3A_426, %add3A_428 : vector<16xi32>
      %add3A_430 = arith.constant 2048 : i32
      %add3A_431 = arith.addi %add3A_430, %mul3A_422 : i32
      %swap3A_432 = arith.index_cast %add3A_431 : i32 to index
      %swap3A_433 = tpu.vector_load %arg6[%swap3A_432] {strides = array<i32>} : memref<13312xi32, #tpu.memory_space<vmem>>, vector<16xi32>,
      tpu.vector_store %arg6[%swap3A_432], %add3A_429 {strides = array<i32>} : memref<13312xi32, #tpu.memory_space<vmem>>, vector<16xi32>,
      %mul3A_434 = arith.constant 8 : i32
      %mul3A_435 = arith.muli %scan3A_349, %mul3A_434 : i32
      %add3A_436 = arith.constant 5 : i32
      %add3A_437 = arith.addi %mul3A_435, %add3A_436 : i32
      %mul3A_438 = arith.constant 16 : i32
      %mul3A_439 = arith.muli %add3A_437, %mul3A_438 : i32
      %get3A_440 = arith.constant 4 : i32
      %get3A_441 = arith.index_cast %get3A_440 : i32 to index
      %get3A_442 = arith.index_cast %mul3A_439 : i32 to index
      %get3A_443 = tpu.vector_load %arg5[%get3A_441, %get3A_442] {strides = array<i32>} : memref<26x512xi32, #tpu.memory_space<vmem>>, vector<16xi32>,
      %add3A_444 = arith.constant 160000 : i32
      %add3A_445 = vector.broadcast %add3A_444 : i32 to vector<16xi32>
      %add3A_446 = arith.addi %get3A_443, %add3A_445 : vector<16xi32>
      %add3A_447 = arith.constant 2048 : i32
      %add3A_448 = arith.addi %add3A_447, %mul3A_439 : i32
      %swap3A_449 = arith.index_cast %add3A_448 : i32 to index
      %swap3A_450 = tpu.vector_load %arg6[%swap3A_449] {strides = array<i32>} : memref<13312xi32, #tpu.memory_space<vmem>>, vector<16xi32>,
      tpu.vector_store %arg6[%swap3A_449], %add3A_446 {strides = array<i32>} : memref<13312xi32, #tpu.memory_space<vmem>>, vector<16xi32>,
      %mul3A_451 = arith.constant 8 : i32
      %mul3A_452 = arith.muli %scan3A_349, %mul3A_451 : i32
      %add3A_453 = arith.constant 6 : i32
      %add3A_454 = arith.addi %mul3A_452, %add3A_453 : i32
      %mul3A_455 = arith.constant 16 : i32
      %mul3A_456 = arith.muli %add3A_454, %mul3A_455 : i32
      %get3A_457 = arith.constant 4 : i32
      %get3A_458 = arith.index_cast %get3A_457 : i32 to index
      %get3A_459 = arith.index_cast %mul3A_456 : i32 to index
      %get3A_460 = tpu.vector_load %arg5[%get3A_458, %get3A_459] {strides = array<i32>} : memref<26x512xi32, #tpu.memory_space<vmem>>, vector<16xi32>,
      %add3A_461 = arith.constant 160000 : i32
      %add3A_462 = vector.broadcast %add3A_461 : i32 to vector<16xi32>
      %add3A_463 = arith.addi %get3A_460, %add3A_462 : vector<16xi32>
      %add3A_464 = arith.constant 2048 : i32
      %add3A_465 = arith.addi %add3A_464, %mul3A_456 : i32
      %swap3A_466 = arith.index_cast %add3A_465 : i32 to index
      %swap3A_467 = tpu.vector_load %arg6[%swap3A_466] {strides = array<i32>} : memref<13312xi32, #tpu.memory_space<vmem>>, vector<16xi32>,
      tpu.vector_store %arg6[%swap3A_466], %add3A_463 {strides = array<i32>} : memref<13312xi32, #tpu.memory_space<vmem>>, vector<16xi32>,
      %mul3A_468 = arith.constant 8 : i32
      %mul3A_469 = arith.muli %scan3A_349, %mul3A_468 : i32
      %add3A_470 = arith.constant 7 : i32
      %add3A_471 = arith.addi %mul3A_469, %add3A_470 : i32
      %mul3A_472 = arith.constant 16 : i32
      %mul3A_473 = arith.muli %add3A_471, %mul3A_472 : i32
      %get3A_474 = arith.constant 4 : i32
      %get3A_475 = arith.index_cast %get3A_474 : i32 to index
      %get3A_476 = arith.index_cast %mul3A_473 : i32 to index
      %get3A_477 = tpu.vector_load %arg5[%get3A_475, %get3A_476] {strides = array<i32>} : memref<26x512xi32, #tpu.memory_space<vmem>>, vector<16xi32>,
      %add3A_478 = arith.constant 160000 : i32
      %add3A_479 = vector.broadcast %add3A_478 : i32 to vector<16xi32>
      %add3A_480 = arith.addi %get3A_477, %add3A_479 : vector<16xi32>
      %add3A_481 = arith.constant 2048 : i32
      %add3A_482 = arith.addi %add3A_481, %mul3A_473 : i32
      %swap3A_483 = arith.index_cast %add3A_482 : i32 to index
      %swap3A_484 = tpu.vector_load %arg6[%swap3A_483] {strides = array<i32>} : memref<13312xi32, #tpu.memory_space<vmem>>, vector<16xi32>,
      tpu.vector_store %arg6[%swap3A_483], %add3A_480 {strides = array<i32>} : memref<13312xi32, #tpu.memory_space<vmem>>, vector<16xi32>,
      %scan3A_485 = arith.constant 0 : i32
      scf.yield %scan3A_485 : i32
    }
    %scan3A_59 = arith.constant 4 : i32
    %dma_start3A_60 = arith.constant 2048 : i32
    %dma_start3A_61 = tpu.memref_slice %arg7[%dma_start3A_60] : memref<13312xf32, #tpu.memory_space<vmem>> -> memref<512xf32, #tpu.memory_space<vmem>>
    %dma_start3A_62 = arith.constant 2048 : i32
    %dma_start3A_63 = tpu.memref_slice %arg6[%dma_start3A_62] : memref<13312xi32, #tpu.memory_space<vmem>> -> memref<512xi32, #tpu.memory_space<vmem>>
    %dma_start3A_64 = arith.constant 0 : i32
    %dma_start3A_65 = tpu.memref_slice %arg3[%dma_start3A_64] : memref<1040384xf32, #tpu.memory_space<hbm>> -> memref<1040384xf32, #tpu.memory_space<hbm>>
    tpu.enqueue_indirect_dma source(%dma_start3A_65 : memref<1040384xf32, #tpu.memory_space<hbm>>) target(%dma_start3A_61 : memref<512xf32, #tpu.memory_space<vmem>>) offsets(%dma_start3A_63 : memref<512xi32, #tpu.memory_space<vmem>>) semaphore(%arg9 : memref<!tpu.dma_semaphore, #tpu.memory_space<semaphore_mem>>)
    %scan3A_66 = arith.constant 0 : i32
    %scan3A_67 = arith.constant 0 : i32
    %scan3A_68 = arith.constant 4 : i32
    %scan3A_69 = arith.addi %scan3A_67, %scan3A_68 : i32
    %scan3A_70 = arith.constant 1 : i32
    %scan3A_71 = scf.for %scan3A_349 = %scan3A_67 to %scan3A_69 step %scan3A_70 iter_args(%scan3A_350 = %scan3A_66) -> (i32)  : i32 {
      %mul3A_351 = arith.constant 8 : i32
      %mul3A_352 = arith.muli %scan3A_349, %mul3A_351 : i32
      %add3A_353 = arith.constant 0 : i32
      %add3A_354 = arith.addi %mul3A_352, %add3A_353 : i32
      %mul3A_355 = arith.constant 16 : i32
      %mul3A_356 = arith.muli %add3A_354, %mul3A_355 : i32
      %get3A = arith.constant 5 : i32
      %get3A_357 = arith.index_cast %get3A : i32 to index
      %get3A_358 = arith.index_cast %mul3A_356 : i32 to index
      %get3A_359 = tpu.vector_load %arg5[%get3A_357, %get3A_358] {strides = array<i32>} : memref<26x512xi32, #tpu.memory_space<vmem>>, vector<16xi32>,
      %add3A_360 = arith.constant 200000 : i32
      %add3A_361 = vector.broadcast %add3A_360 : i32 to vector<16xi32>
      %add3A_362 = arith.addi %get3A_359, %add3A_361 : vector<16xi32>
      %add3A_363 = arith.constant 2560 : i32
      %add3A_364 = arith.addi %add3A_363, %mul3A_356 : i32
      %swap3A = arith.index_cast %add3A_364 : i32 to index
      %swap3A_365 = tpu.vector_load %arg6[%swap3A] {strides = array<i32>} : memref<13312xi32, #tpu.memory_space<vmem>>, vector<16xi32>,
      tpu.vector_store %arg6[%swap3A], %add3A_362 {strides = array<i32>} : memref<13312xi32, #tpu.memory_space<vmem>>, vector<16xi32>,
      %mul3A_366 = arith.constant 8 : i32
      %mul3A_367 = arith.muli %scan3A_349, %mul3A_366 : i32
      %add3A_368 = arith.constant 1 : i32
      %add3A_369 = arith.addi %mul3A_367, %add3A_368 : i32
      %mul3A_370 = arith.constant 16 : i32
      %mul3A_371 = arith.muli %add3A_369, %mul3A_370 : i32
      %get3A_372 = arith.constant 5 : i32
      %get3A_373 = arith.index_cast %get3A_372 : i32 to index
      %get3A_374 = arith.index_cast %mul3A_371 : i32 to index
      %get3A_375 = tpu.vector_load %arg5[%get3A_373, %get3A_374] {strides = array<i32>} : memref<26x512xi32, #tpu.memory_space<vmem>>, vector<16xi32>,
      %add3A_376 = arith.constant 200000 : i32
      %add3A_377 = vector.broadcast %add3A_376 : i32 to vector<16xi32>
      %add3A_378 = arith.addi %get3A_375, %add3A_377 : vector<16xi32>
      %add3A_379 = arith.constant 2560 : i32
      %add3A_380 = arith.addi %add3A_379, %mul3A_371 : i32
      %swap3A_381 = arith.index_cast %add3A_380 : i32 to index
      %swap3A_382 = tpu.vector_load %arg6[%swap3A_381] {strides = array<i32>} : memref<13312xi32, #tpu.memory_space<vmem>>, vector<16xi32>,
      tpu.vector_store %arg6[%swap3A_381], %add3A_378 {strides = array<i32>} : memref<13312xi32, #tpu.memory_space<vmem>>, vector<16xi32>,
      %mul3A_383 = arith.constant 8 : i32
      %mul3A_384 = arith.muli %scan3A_349, %mul3A_383 : i32
      %add3A_385 = arith.constant 2 : i32
      %add3A_386 = arith.addi %mul3A_384, %add3A_385 : i32
      %mul3A_387 = arith.constant 16 : i32
      %mul3A_388 = arith.muli %add3A_386, %mul3A_387 : i32
      %get3A_389 = arith.constant 5 : i32
      %get3A_390 = arith.index_cast %get3A_389 : i32 to index
      %get3A_391 = arith.index_cast %mul3A_388 : i32 to index
      %get3A_392 = tpu.vector_load %arg5[%get3A_390, %get3A_391] {strides = array<i32>} : memref<26x512xi32, #tpu.memory_space<vmem>>, vector<16xi32>,
      %add3A_393 = arith.constant 200000 : i32
      %add3A_394 = vector.broadcast %add3A_393 : i32 to vector<16xi32>
      %add3A_395 = arith.addi %get3A_392, %add3A_394 : vector<16xi32>
      %add3A_396 = arith.constant 2560 : i32
      %add3A_397 = arith.addi %add3A_396, %mul3A_388 : i32
      %swap3A_398 = arith.index_cast %add3A_397 : i32 to index
      %swap3A_399 = tpu.vector_load %arg6[%swap3A_398] {strides = array<i32>} : memref<13312xi32, #tpu.memory_space<vmem>>, vector<16xi32>,
      tpu.vector_store %arg6[%swap3A_398], %add3A_395 {strides = array<i32>} : memref<13312xi32, #tpu.memory_space<vmem>>, vector<16xi32>,
      %mul3A_400 = arith.constant 8 : i32
      %mul3A_401 = arith.muli %scan3A_349, %mul3A_400 : i32
      %add3A_402 = arith.constant 3 : i32
      %add3A_403 = arith.addi %mul3A_401, %add3A_402 : i32
      %mul3A_404 = arith.constant 16 : i32
      %mul3A_405 = arith.muli %add3A_403, %mul3A_404 : i32
      %get3A_406 = arith.constant 5 : i32
      %get3A_407 = arith.index_cast %get3A_406 : i32 to index
      %get3A_408 = arith.index_cast %mul3A_405 : i32 to index
      %get3A_409 = tpu.vector_load %arg5[%get3A_407, %get3A_408] {strides = array<i32>} : memref<26x512xi32, #tpu.memory_space<vmem>>, vector<16xi32>,
      %add3A_410 = arith.constant 200000 : i32
      %add3A_411 = vector.broadcast %add3A_410 : i32 to vector<16xi32>
      %add3A_412 = arith.addi %get3A_409, %add3A_411 : vector<16xi32>
      %add3A_413 = arith.constant 2560 : i32
      %add3A_414 = arith.addi %add3A_413, %mul3A_405 : i32
      %swap3A_415 = arith.index_cast %add3A_414 : i32 to index
      %swap3A_416 = tpu.vector_load %arg6[%swap3A_415] {strides = array<i32>} : memref<13312xi32, #tpu.memory_space<vmem>>, vector<16xi32>,
      tpu.vector_store %arg6[%swap3A_415], %add3A_412 {strides = array<i32>} : memref<13312xi32, #tpu.memory_space<vmem>>, vector<16xi32>,
      %mul3A_417 = arith.constant 8 : i32
      %mul3A_418 = arith.muli %scan3A_349, %mul3A_417 : i32
      %add3A_419 = arith.constant 4 : i32
      %add3A_420 = arith.addi %mul3A_418, %add3A_419 : i32
      %mul3A_421 = arith.constant 16 : i32
      %mul3A_422 = arith.muli %add3A_420, %mul3A_421 : i32
      %get3A_423 = arith.constant 5 : i32
      %get3A_424 = arith.index_cast %get3A_423 : i32 to index
      %get3A_425 = arith.index_cast %mul3A_422 : i32 to index
      %get3A_426 = tpu.vector_load %arg5[%get3A_424, %get3A_425] {strides = array<i32>} : memref<26x512xi32, #tpu.memory_space<vmem>>, vector<16xi32>,
      %add3A_427 = arith.constant 200000 : i32
      %add3A_428 = vector.broadcast %add3A_427 : i32 to vector<16xi32>
      %add3A_429 = arith.addi %get3A_426, %add3A_428 : vector<16xi32>
      %add3A_430 = arith.constant 2560 : i32
      %add3A_431 = arith.addi %add3A_430, %mul3A_422 : i32
      %swap3A_432 = arith.index_cast %add3A_431 : i32 to index
      %swap3A_433 = tpu.vector_load %arg6[%swap3A_432] {strides = array<i32>} : memref<13312xi32, #tpu.memory_space<vmem>>, vector<16xi32>,
      tpu.vector_store %arg6[%swap3A_432], %add3A_429 {strides = array<i32>} : memref<13312xi32, #tpu.memory_space<vmem>>, vector<16xi32>,
      %mul3A_434 = arith.constant 8 : i32
      %mul3A_435 = arith.muli %scan3A_349, %mul3A_434 : i32
      %add3A_436 = arith.constant 5 : i32
      %add3A_437 = arith.addi %mul3A_435, %add3A_436 : i32
      %mul3A_438 = arith.constant 16 : i32
      %mul3A_439 = arith.muli %add3A_437, %mul3A_438 : i32
      %get3A_440 = arith.constant 5 : i32
      %get3A_441 = arith.index_cast %get3A_440 : i32 to index
      %get3A_442 = arith.index_cast %mul3A_439 : i32 to index
      %get3A_443 = tpu.vector_load %arg5[%get3A_441, %get3A_442] {strides = array<i32>} : memref<26x512xi32, #tpu.memory_space<vmem>>, vector<16xi32>,
      %add3A_444 = arith.constant 200000 : i32
      %add3A_445 = vector.broadcast %add3A_444 : i32 to vector<16xi32>
      %add3A_446 = arith.addi %get3A_443, %add3A_445 : vector<16xi32>
      %add3A_447 = arith.constant 2560 : i32
      %add3A_448 = arith.addi %add3A_447, %mul3A_439 : i32
      %swap3A_449 = arith.index_cast %add3A_448 : i32 to index
      %swap3A_450 = tpu.vector_load %arg6[%swap3A_449] {strides = array<i32>} : memref<13312xi32, #tpu.memory_space<vmem>>, vector<16xi32>,
      tpu.vector_store %arg6[%swap3A_449], %add3A_446 {strides = array<i32>} : memref<13312xi32, #tpu.memory_space<vmem>>, vector<16xi32>,
      %mul3A_451 = arith.constant 8 : i32
      %mul3A_452 = arith.muli %scan3A_349, %mul3A_451 : i32
      %add3A_453 = arith.constant 6 : i32
      %add3A_454 = arith.addi %mul3A_452, %add3A_453 : i32
      %mul3A_455 = arith.constant 16 : i32
      %mul3A_456 = arith.muli %add3A_454, %mul3A_455 : i32
      %get3A_457 = arith.constant 5 : i32
      %get3A_458 = arith.index_cast %get3A_457 : i32 to index
      %get3A_459 = arith.index_cast %mul3A_456 : i32 to index
      %get3A_460 = tpu.vector_load %arg5[%get3A_458, %get3A_459] {strides = array<i32>} : memref<26x512xi32, #tpu.memory_space<vmem>>, vector<16xi32>,
      %add3A_461 = arith.constant 200000 : i32
      %add3A_462 = vector.broadcast %add3A_461 : i32 to vector<16xi32>
      %add3A_463 = arith.addi %get3A_460, %add3A_462 : vector<16xi32>
      %add3A_464 = arith.constant 2560 : i32
      %add3A_465 = arith.addi %add3A_464, %mul3A_456 : i32
      %swap3A_466 = arith.index_cast %add3A_465 : i32 to index
      %swap3A_467 = tpu.vector_load %arg6[%swap3A_466] {strides = array<i32>} : memref<13312xi32, #tpu.memory_space<vmem>>, vector<16xi32>,
      tpu.vector_store %arg6[%swap3A_466], %add3A_463 {strides = array<i32>} : memref<13312xi32, #tpu.memory_space<vmem>>, vector<16xi32>,
      %mul3A_468 = arith.constant 8 : i32
      %mul3A_469 = arith.muli %scan3A_349, %mul3A_468 : i32
      %add3A_470 = arith.constant 7 : i32
      %add3A_471 = arith.addi %mul3A_469, %add3A_470 : i32
      %mul3A_472 = arith.constant 16 : i32
      %mul3A_473 = arith.muli %add3A_471, %mul3A_472 : i32
      %get3A_474 = arith.constant 5 : i32
      %get3A_475 = arith.index_cast %get3A_474 : i32 to index
      %get3A_476 = arith.index_cast %mul3A_473 : i32 to index
      %get3A_477 = tpu.vector_load %arg5[%get3A_475, %get3A_476] {strides = array<i32>} : memref<26x512xi32, #tpu.memory_space<vmem>>, vector<16xi32>,
      %add3A_478 = arith.constant 200000 : i32
      %add3A_479 = vector.broadcast %add3A_478 : i32 to vector<16xi32>
      %add3A_480 = arith.addi %get3A_477, %add3A_479 : vector<16xi32>
      %add3A_481 = arith.constant 2560 : i32
      %add3A_482 = arith.addi %add3A_481, %mul3A_473 : i32
      %swap3A_483 = arith.index_cast %add3A_482 : i32 to index
      %swap3A_484 = tpu.vector_load %arg6[%swap3A_483] {strides = array<i32>} : memref<13312xi32, #tpu.memory_space<vmem>>, vector<16xi32>,
      tpu.vector_store %arg6[%swap3A_483], %add3A_480 {strides = array<i32>} : memref<13312xi32, #tpu.memory_space<vmem>>, vector<16xi32>,
      %scan3A_485 = arith.constant 0 : i32
      scf.yield %scan3A_485 : i32
    }
    %scan3A_72 = arith.constant 4 : i32
    %dma_start3A_73 = arith.constant 2560 : i32
    %dma_start3A_74 = tpu.memref_slice %arg7[%dma_start3A_73] : memref<13312xf32, #tpu.memory_space<vmem>> -> memref<512xf32, #tpu.memory_space<vmem>>
    %dma_start3A_75 = arith.constant 2560 : i32
    %dma_start3A_76 = tpu.memref_slice %arg6[%dma_start3A_75] : memref<13312xi32, #tpu.memory_space<vmem>> -> memref<512xi32, #tpu.memory_space<vmem>>
    %dma_start3A_77 = arith.constant 0 : i32
    %dma_start3A_78 = tpu.memref_slice %arg3[%dma_start3A_77] : memref<1040384xf32, #tpu.memory_space<hbm>> -> memref<1040384xf32, #tpu.memory_space<hbm>>
    tpu.enqueue_indirect_dma source(%dma_start3A_78 : memref<1040384xf32, #tpu.memory_space<hbm>>) target(%dma_start3A_74 : memref<512xf32, #tpu.memory_space<vmem>>) offsets(%dma_start3A_76 : memref<512xi32, #tpu.memory_space<vmem>>) semaphore(%arg9 : memref<!tpu.dma_semaphore, #tpu.memory_space<semaphore_mem>>)
    %scan3A_79 = arith.constant 0 : i32
    %scan3A_80 = arith.constant 0 : i32
    %scan3A_81 = arith.constant 4 : i32
    %scan3A_82 = arith.addi %scan3A_80, %scan3A_81 : i32
    %scan3A_83 = arith.constant 1 : i32
    %scan3A_84 = scf.for %scan3A_349 = %scan3A_80 to %scan3A_82 step %scan3A_83 iter_args(%scan3A_350 = %scan3A_79) -> (i32)  : i32 {
      %mul3A_351 = arith.constant 8 : i32
      %mul3A_352 = arith.muli %scan3A_349, %mul3A_351 : i32
      %add3A_353 = arith.constant 0 : i32
      %add3A_354 = arith.addi %mul3A_352, %add3A_353 : i32
      %mul3A_355 = arith.constant 16 : i32
      %mul3A_356 = arith.muli %add3A_354, %mul3A_355 : i32
      %get3A = arith.constant 6 : i32
      %get3A_357 = arith.index_cast %get3A : i32 to index
      %get3A_358 = arith.index_cast %mul3A_356 : i32 to index
      %get3A_359 = tpu.vector_load %arg5[%get3A_357, %get3A_358] {strides = array<i32>} : memref<26x512xi32, #tpu.memory_space<vmem>>, vector<16xi32>,
      %add3A_360 = arith.constant 240000 : i32
      %add3A_361 = vector.broadcast %add3A_360 : i32 to vector<16xi32>
      %add3A_362 = arith.addi %get3A_359, %add3A_361 : vector<16xi32>
      %add3A_363 = arith.constant 3072 : i32
      %add3A_364 = arith.addi %add3A_363, %mul3A_356 : i32
      %swap3A = arith.index_cast %add3A_364 : i32 to index
      %swap3A_365 = tpu.vector_load %arg6[%swap3A] {strides = array<i32>} : memref<13312xi32, #tpu.memory_space<vmem>>, vector<16xi32>,
      tpu.vector_store %arg6[%swap3A], %add3A_362 {strides = array<i32>} : memref<13312xi32, #tpu.memory_space<vmem>>, vector<16xi32>,
      %mul3A_366 = arith.constant 8 : i32
      %mul3A_367 = arith.muli %scan3A_349, %mul3A_366 : i32
      %add3A_368 = arith.constant 1 : i32
      %add3A_369 = arith.addi %mul3A_367, %add3A_368 : i32
      %mul3A_370 = arith.constant 16 : i32
      %mul3A_371 = arith.muli %add3A_369, %mul3A_370 : i32
      %get3A_372 = arith.constant 6 : i32
      %get3A_373 = arith.index_cast %get3A_372 : i32 to index
      %get3A_374 = arith.index_cast %mul3A_371 : i32 to index
      %get3A_375 = tpu.vector_load %arg5[%get3A_373, %get3A_374] {strides = array<i32>} : memref<26x512xi32, #tpu.memory_space<vmem>>, vector<16xi32>,
      %add3A_376 = arith.constant 240000 : i32
      %add3A_377 = vector.broadcast %add3A_376 : i32 to vector<16xi32>
      %add3A_378 = arith.addi %get3A_375, %add3A_377 : vector<16xi32>
      %add3A_379 = arith.constant 3072 : i32
      %add3A_380 = arith.addi %add3A_379, %mul3A_371 : i32
      %swap3A_381 = arith.index_cast %add3A_380 : i32 to index
      %swap3A_382 = tpu.vector_load %arg6[%swap3A_381] {strides = array<i32>} : memref<13312xi32, #tpu.memory_space<vmem>>, vector<16xi32>,
      tpu.vector_store %arg6[%swap3A_381], %add3A_378 {strides = array<i32>} : memref<13312xi32, #tpu.memory_space<vmem>>, vector<16xi32>,
      %mul3A_383 = arith.constant 8 : i32
      %mul3A_384 = arith.muli %scan3A_349, %mul3A_383 : i32
      %add3A_385 = arith.constant 2 : i32
      %add3A_386 = arith.addi %mul3A_384, %add3A_385 : i32
      %mul3A_387 = arith.constant 16 : i32
      %mul3A_388 = arith.muli %add3A_386, %mul3A_387 : i32
      %get3A_389 = arith.constant 6 : i32
      %get3A_390 = arith.index_cast %get3A_389 : i32 to index
      %get3A_391 = arith.index_cast %mul3A_388 : i32 to index
      %get3A_392 = tpu.vector_load %arg5[%get3A_390, %get3A_391] {strides = array<i32>} : memref<26x512xi32, #tpu.memory_space<vmem>>, vector<16xi32>,
      %add3A_393 = arith.constant 240000 : i32
      %add3A_394 = vector.broadcast %add3A_393 : i32 to vector<16xi32>
      %add3A_395 = arith.addi %get3A_392, %add3A_394 : vector<16xi32>
      %add3A_396 = arith.constant 3072 : i32
      %add3A_397 = arith.addi %add3A_396, %mul3A_388 : i32
      %swap3A_398 = arith.index_cast %add3A_397 : i32 to index
      %swap3A_399 = tpu.vector_load %arg6[%swap3A_398] {strides = array<i32>} : memref<13312xi32, #tpu.memory_space<vmem>>, vector<16xi32>,
      tpu.vector_store %arg6[%swap3A_398], %add3A_395 {strides = array<i32>} : memref<13312xi32, #tpu.memory_space<vmem>>, vector<16xi32>,
      %mul3A_400 = arith.constant 8 : i32
      %mul3A_401 = arith.muli %scan3A_349, %mul3A_400 : i32
      %add3A_402 = arith.constant 3 : i32
      %add3A_403 = arith.addi %mul3A_401, %add3A_402 : i32
      %mul3A_404 = arith.constant 16 : i32
      %mul3A_405 = arith.muli %add3A_403, %mul3A_404 : i32
      %get3A_406 = arith.constant 6 : i32
      %get3A_407 = arith.index_cast %get3A_406 : i32 to index
      %get3A_408 = arith.index_cast %mul3A_405 : i32 to index
      %get3A_409 = tpu.vector_load %arg5[%get3A_407, %get3A_408] {strides = array<i32>} : memref<26x512xi32, #tpu.memory_space<vmem>>, vector<16xi32>,
      %add3A_410 = arith.constant 240000 : i32
      %add3A_411 = vector.broadcast %add3A_410 : i32 to vector<16xi32>
      %add3A_412 = arith.addi %get3A_409, %add3A_411 : vector<16xi32>
      %add3A_413 = arith.constant 3072 : i32
      %add3A_414 = arith.addi %add3A_413, %mul3A_405 : i32
      %swap3A_415 = arith.index_cast %add3A_414 : i32 to index
      %swap3A_416 = tpu.vector_load %arg6[%swap3A_415] {strides = array<i32>} : memref<13312xi32, #tpu.memory_space<vmem>>, vector<16xi32>,
      tpu.vector_store %arg6[%swap3A_415], %add3A_412 {strides = array<i32>} : memref<13312xi32, #tpu.memory_space<vmem>>, vector<16xi32>,
      %mul3A_417 = arith.constant 8 : i32
      %mul3A_418 = arith.muli %scan3A_349, %mul3A_417 : i32
      %add3A_419 = arith.constant 4 : i32
      %add3A_420 = arith.addi %mul3A_418, %add3A_419 : i32
      %mul3A_421 = arith.constant 16 : i32
      %mul3A_422 = arith.muli %add3A_420, %mul3A_421 : i32
      %get3A_423 = arith.constant 6 : i32
      %get3A_424 = arith.index_cast %get3A_423 : i32 to index
      %get3A_425 = arith.index_cast %mul3A_422 : i32 to index
      %get3A_426 = tpu.vector_load %arg5[%get3A_424, %get3A_425] {strides = array<i32>} : memref<26x512xi32, #tpu.memory_space<vmem>>, vector<16xi32>,
      %add3A_427 = arith.constant 240000 : i32
      %add3A_428 = vector.broadcast %add3A_427 : i32 to vector<16xi32>
      %add3A_429 = arith.addi %get3A_426, %add3A_428 : vector<16xi32>
      %add3A_430 = arith.constant 3072 : i32
      %add3A_431 = arith.addi %add3A_430, %mul3A_422 : i32
      %swap3A_432 = arith.index_cast %add3A_431 : i32 to index
      %swap3A_433 = tpu.vector_load %arg6[%swap3A_432] {strides = array<i32>} : memref<13312xi32, #tpu.memory_space<vmem>>, vector<16xi32>,
      tpu.vector_store %arg6[%swap3A_432], %add3A_429 {strides = array<i32>} : memref<13312xi32, #tpu.memory_space<vmem>>, vector<16xi32>,
      %mul3A_434 = arith.constant 8 : i32
      %mul3A_435 = arith.muli %scan3A_349, %mul3A_434 : i32
      %add3A_436 = arith.constant 5 : i32
      %add3A_437 = arith.addi %mul3A_435, %add3A_436 : i32
      %mul3A_438 = arith.constant 16 : i32
      %mul3A_439 = arith.muli %add3A_437, %mul3A_438 : i32
      %get3A_440 = arith.constant 6 : i32
      %get3A_441 = arith.index_cast %get3A_440 : i32 to index
      %get3A_442 = arith.index_cast %mul3A_439 : i32 to index
      %get3A_443 = tpu.vector_load %arg5[%get3A_441, %get3A_442] {strides = array<i32>} : memref<26x512xi32, #tpu.memory_space<vmem>>, vector<16xi32>,
      %add3A_444 = arith.constant 240000 : i32
      %add3A_445 = vector.broadcast %add3A_444 : i32 to vector<16xi32>
      %add3A_446 = arith.addi %get3A_443, %add3A_445 : vector<16xi32>
      %add3A_447 = arith.constant 3072 : i32
      %add3A_448 = arith.addi %add3A_447, %mul3A_439 : i32
      %swap3A_449 = arith.index_cast %add3A_448 : i32 to index
      %swap3A_450 = tpu.vector_load %arg6[%swap3A_449] {strides = array<i32>} : memref<13312xi32, #tpu.memory_space<vmem>>, vector<16xi32>,
      tpu.vector_store %arg6[%swap3A_449], %add3A_446 {strides = array<i32>} : memref<13312xi32, #tpu.memory_space<vmem>>, vector<16xi32>,
      %mul3A_451 = arith.constant 8 : i32
      %mul3A_452 = arith.muli %scan3A_349, %mul3A_451 : i32
      %add3A_453 = arith.constant 6 : i32
      %add3A_454 = arith.addi %mul3A_452, %add3A_453 : i32
      %mul3A_455 = arith.constant 16 : i32
      %mul3A_456 = arith.muli %add3A_454, %mul3A_455 : i32
      %get3A_457 = arith.constant 6 : i32
      %get3A_458 = arith.index_cast %get3A_457 : i32 to index
      %get3A_459 = arith.index_cast %mul3A_456 : i32 to index
      %get3A_460 = tpu.vector_load %arg5[%get3A_458, %get3A_459] {strides = array<i32>} : memref<26x512xi32, #tpu.memory_space<vmem>>, vector<16xi32>,
      %add3A_461 = arith.constant 240000 : i32
      %add3A_462 = vector.broadcast %add3A_461 : i32 to vector<16xi32>
      %add3A_463 = arith.addi %get3A_460, %add3A_462 : vector<16xi32>
      %add3A_464 = arith.constant 3072 : i32
      %add3A_465 = arith.addi %add3A_464, %mul3A_456 : i32
      %swap3A_466 = arith.index_cast %add3A_465 : i32 to index
      %swap3A_467 = tpu.vector_load %arg6[%swap3A_466] {strides = array<i32>} : memref<13312xi32, #tpu.memory_space<vmem>>, vector<16xi32>,
      tpu.vector_store %arg6[%swap3A_466], %add3A_463 {strides = array<i32>} : memref<13312xi32, #tpu.memory_space<vmem>>, vector<16xi32>,
      %mul3A_468 = arith.constant 8 : i32
      %mul3A_469 = arith.muli %scan3A_349, %mul3A_468 : i32
      %add3A_470 = arith.constant 7 : i32
      %add3A_471 = arith.addi %mul3A_469, %add3A_470 : i32
      %mul3A_472 = arith.constant 16 : i32
      %mul3A_473 = arith.muli %add3A_471, %mul3A_472 : i32
      %get3A_474 = arith.constant 6 : i32
      %get3A_475 = arith.index_cast %get3A_474 : i32 to index
      %get3A_476 = arith.index_cast %mul3A_473 : i32 to index
      %get3A_477 = tpu.vector_load %arg5[%get3A_475, %get3A_476] {strides = array<i32>} : memref<26x512xi32, #tpu.memory_space<vmem>>, vector<16xi32>,
      %add3A_478 = arith.constant 240000 : i32
      %add3A_479 = vector.broadcast %add3A_478 : i32 to vector<16xi32>
      %add3A_480 = arith.addi %get3A_477, %add3A_479 : vector<16xi32>
      %add3A_481 = arith.constant 3072 : i32
      %add3A_482 = arith.addi %add3A_481, %mul3A_473 : i32
      %swap3A_483 = arith.index_cast %add3A_482 : i32 to index
      %swap3A_484 = tpu.vector_load %arg6[%swap3A_483] {strides = array<i32>} : memref<13312xi32, #tpu.memory_space<vmem>>, vector<16xi32>,
      tpu.vector_store %arg6[%swap3A_483], %add3A_480 {strides = array<i32>} : memref<13312xi32, #tpu.memory_space<vmem>>, vector<16xi32>,
      %scan3A_485 = arith.constant 0 : i32
      scf.yield %scan3A_485 : i32
    }
    %scan3A_85 = arith.constant 4 : i32
    %dma_start3A_86 = arith.constant 3072 : i32
    %dma_start3A_87 = tpu.memref_slice %arg7[%dma_start3A_86] : memref<13312xf32, #tpu.memory_space<vmem>> -> memref<512xf32, #tpu.memory_space<vmem>>
    %dma_start3A_88 = arith.constant 3072 : i32
    %dma_start3A_89 = tpu.memref_slice %arg6[%dma_start3A_88] : memref<13312xi32, #tpu.memory_space<vmem>> -> memref<512xi32, #tpu.memory_space<vmem>>
    %dma_start3A_90 = arith.constant 0 : i32
    %dma_start3A_91 = tpu.memref_slice %arg3[%dma_start3A_90] : memref<1040384xf32, #tpu.memory_space<hbm>> -> memref<1040384xf32, #tpu.memory_space<hbm>>
    tpu.enqueue_indirect_dma source(%dma_start3A_91 : memref<1040384xf32, #tpu.memory_space<hbm>>) target(%dma_start3A_87 : memref<512xf32, #tpu.memory_space<vmem>>) offsets(%dma_start3A_89 : memref<512xi32, #tpu.memory_space<vmem>>) semaphore(%arg9 : memref<!tpu.dma_semaphore, #tpu.memory_space<semaphore_mem>>)
    %scan3A_92 = arith.constant 0 : i32
    %scan3A_93 = arith.constant 0 : i32
    %scan3A_94 = arith.constant 4 : i32
    %scan3A_95 = arith.addi %scan3A_93, %scan3A_94 : i32
    %scan3A_96 = arith.constant 1 : i32
    %scan3A_97 = scf.for %scan3A_349 = %scan3A_93 to %scan3A_95 step %scan3A_96 iter_args(%scan3A_350 = %scan3A_92) -> (i32)  : i32 {
      %mul3A_351 = arith.constant 8 : i32
      %mul3A_352 = arith.muli %scan3A_349, %mul3A_351 : i32
      %add3A_353 = arith.constant 0 : i32
      %add3A_354 = arith.addi %mul3A_352, %add3A_353 : i32
      %mul3A_355 = arith.constant 16 : i32
      %mul3A_356 = arith.muli %add3A_354, %mul3A_355 : i32
      %get3A = arith.constant 7 : i32
      %get3A_357 = arith.index_cast %get3A : i32 to index
      %get3A_358 = arith.index_cast %mul3A_356 : i32 to index
      %get3A_359 = tpu.vector_load %arg5[%get3A_357, %get3A_358] {strides = array<i32>} : memref<26x512xi32, #tpu.memory_space<vmem>>, vector<16xi32>,
      %add3A_360 = arith.constant 280000 : i32
      %add3A_361 = vector.broadcast %add3A_360 : i32 to vector<16xi32>
      %add3A_362 = arith.addi %get3A_359, %add3A_361 : vector<16xi32>
      %add3A_363 = arith.constant 3584 : i32
      %add3A_364 = arith.addi %add3A_363, %mul3A_356 : i32
      %swap3A = arith.index_cast %add3A_364 : i32 to index
      %swap3A_365 = tpu.vector_load %arg6[%swap3A] {strides = array<i32>} : memref<13312xi32, #tpu.memory_space<vmem>>, vector<16xi32>,
      tpu.vector_store %arg6[%swap3A], %add3A_362 {strides = array<i32>} : memref<13312xi32, #tpu.memory_space<vmem>>, vector<16xi32>,
      %mul3A_366 = arith.constant 8 : i32
      %mul3A_367 = arith.muli %scan3A_349, %mul3A_366 : i32
      %add3A_368 = arith.constant 1 : i32
      %add3A_369 = arith.addi %mul3A_367, %add3A_368 : i32
      %mul3A_370 = arith.constant 16 : i32
      %mul3A_371 = arith.muli %add3A_369, %mul3A_370 : i32
      %get3A_372 = arith.constant 7 : i32
      %get3A_373 = arith.index_cast %get3A_372 : i32 to index
      %get3A_374 = arith.index_cast %mul3A_371 : i32 to index
      %get3A_375 = tpu.vector_load %arg5[%get3A_373, %get3A_374] {strides = array<i32>} : memref<26x512xi32, #tpu.memory_space<vmem>>, vector<16xi32>,
      %add3A_376 = arith.constant 280000 : i32
      %add3A_377 = vector.broadcast %add3A_376 : i32 to vector<16xi32>
      %add3A_378 = arith.addi %get3A_375, %add3A_377 : vector<16xi32>
      %add3A_379 = arith.constant 3584 : i32
      %add3A_380 = arith.addi %add3A_379, %mul3A_371 : i32
      %swap3A_381 = arith.index_cast %add3A_380 : i32 to index
      %swap3A_382 = tpu.vector_load %arg6[%swap3A_381] {strides = array<i32>} : memref<13312xi32, #tpu.memory_space<vmem>>, vector<16xi32>,
      tpu.vector_store %arg6[%swap3A_381], %add3A_378 {strides = array<i32>} : memref<13312xi32, #tpu.memory_space<vmem>>, vector<16xi32>,
      %mul3A_383 = arith.constant 8 : i32
      %mul3A_384 = arith.muli %scan3A_349, %mul3A_383 : i32
      %add3A_385 = arith.constant 2 : i32
      %add3A_386 = arith.addi %mul3A_384, %add3A_385 : i32
      %mul3A_387 = arith.constant 16 : i32
      %mul3A_388 = arith.muli %add3A_386, %mul3A_387 : i32
      %get3A_389 = arith.constant 7 : i32
      %get3A_390 = arith.index_cast %get3A_389 : i32 to index
      %get3A_391 = arith.index_cast %mul3A_388 : i32 to index
      %get3A_392 = tpu.vector_load %arg5[%get3A_390, %get3A_391] {strides = array<i32>} : memref<26x512xi32, #tpu.memory_space<vmem>>, vector<16xi32>,
      %add3A_393 = arith.constant 280000 : i32
      %add3A_394 = vector.broadcast %add3A_393 : i32 to vector<16xi32>
      %add3A_395 = arith.addi %get3A_392, %add3A_394 : vector<16xi32>
      %add3A_396 = arith.constant 3584 : i32
      %add3A_397 = arith.addi %add3A_396, %mul3A_388 : i32
      %swap3A_398 = arith.index_cast %add3A_397 : i32 to index
      %swap3A_399 = tpu.vector_load %arg6[%swap3A_398] {strides = array<i32>} : memref<13312xi32, #tpu.memory_space<vmem>>, vector<16xi32>,
      tpu.vector_store %arg6[%swap3A_398], %add3A_395 {strides = array<i32>} : memref<13312xi32, #tpu.memory_space<vmem>>, vector<16xi32>,
      %mul3A_400 = arith.constant 8 : i32
      %mul3A_401 = arith.muli %scan3A_349, %mul3A_400 : i32
      %add3A_402 = arith.constant 3 : i32
      %add3A_403 = arith.addi %mul3A_401, %add3A_402 : i32
      %mul3A_404 = arith.constant 16 : i32
      %mul3A_405 = arith.muli %add3A_403, %mul3A_404 : i32
      %get3A_406 = arith.constant 7 : i32
      %get3A_407 = arith.index_cast %get3A_406 : i32 to index
      %get3A_408 = arith.index_cast %mul3A_405 : i32 to index
      %get3A_409 = tpu.vector_load %arg5[%get3A_407, %get3A_408] {strides = array<i32>} : memref<26x512xi32, #tpu.memory_space<vmem>>, vector<16xi32>,
      %add3A_410 = arith.constant 280000 : i32
      %add3A_411 = vector.broadcast %add3A_410 : i32 to vector<16xi32>
      %add3A_412 = arith.addi %get3A_409, %add3A_411 : vector<16xi32>
      %add3A_413 = arith.constant 3584 : i32
      %add3A_414 = arith.addi %add3A_413, %mul3A_405 : i32
      %swap3A_415 = arith.index_cast %add3A_414 : i32 to index
      %swap3A_416 = tpu.vector_load %arg6[%swap3A_415] {strides = array<i32>} : memref<13312xi32, #tpu.memory_space<vmem>>, vector<16xi32>,
      tpu.vector_store %arg6[%swap3A_415], %add3A_412 {strides = array<i32>} : memref<13312xi32, #tpu.memory_space<vmem>>, vector<16xi32>,
      %mul3A_417 = arith.constant 8 : i32
      %mul3A_418 = arith.muli %scan3A_349, %mul3A_417 : i32
      %add3A_419 = arith.constant 4 : i32
      %add3A_420 = arith.addi %mul3A_418, %add3A_419 : i32
      %mul3A_421 = arith.constant 16 : i32
      %mul3A_422 = arith.muli %add3A_420, %mul3A_421 : i32
      %get3A_423 = arith.constant 7 : i32
      %get3A_424 = arith.index_cast %get3A_423 : i32 to index
      %get3A_425 = arith.index_cast %mul3A_422 : i32 to index
      %get3A_426 = tpu.vector_load %arg5[%get3A_424, %get3A_425] {strides = array<i32>} : memref<26x512xi32, #tpu.memory_space<vmem>>, vector<16xi32>,
      %add3A_427 = arith.constant 280000 : i32
      %add3A_428 = vector.broadcast %add3A_427 : i32 to vector<16xi32>
      %add3A_429 = arith.addi %get3A_426, %add3A_428 : vector<16xi32>
      %add3A_430 = arith.constant 3584 : i32
      %add3A_431 = arith.addi %add3A_430, %mul3A_422 : i32
      %swap3A_432 = arith.index_cast %add3A_431 : i32 to index
      %swap3A_433 = tpu.vector_load %arg6[%swap3A_432] {strides = array<i32>} : memref<13312xi32, #tpu.memory_space<vmem>>, vector<16xi32>,
      tpu.vector_store %arg6[%swap3A_432], %add3A_429 {strides = array<i32>} : memref<13312xi32, #tpu.memory_space<vmem>>, vector<16xi32>,
      %mul3A_434 = arith.constant 8 : i32
      %mul3A_435 = arith.muli %scan3A_349, %mul3A_434 : i32
      %add3A_436 = arith.constant 5 : i32
      %add3A_437 = arith.addi %mul3A_435, %add3A_436 : i32
      %mul3A_438 = arith.constant 16 : i32
      %mul3A_439 = arith.muli %add3A_437, %mul3A_438 : i32
      %get3A_440 = arith.constant 7 : i32
      %get3A_441 = arith.index_cast %get3A_440 : i32 to index
      %get3A_442 = arith.index_cast %mul3A_439 : i32 to index
      %get3A_443 = tpu.vector_load %arg5[%get3A_441, %get3A_442] {strides = array<i32>} : memref<26x512xi32, #tpu.memory_space<vmem>>, vector<16xi32>,
      %add3A_444 = arith.constant 280000 : i32
      %add3A_445 = vector.broadcast %add3A_444 : i32 to vector<16xi32>
      %add3A_446 = arith.addi %get3A_443, %add3A_445 : vector<16xi32>
      %add3A_447 = arith.constant 3584 : i32
      %add3A_448 = arith.addi %add3A_447, %mul3A_439 : i32
      %swap3A_449 = arith.index_cast %add3A_448 : i32 to index
      %swap3A_450 = tpu.vector_load %arg6[%swap3A_449] {strides = array<i32>} : memref<13312xi32, #tpu.memory_space<vmem>>, vector<16xi32>,
      tpu.vector_store %arg6[%swap3A_449], %add3A_446 {strides = array<i32>} : memref<13312xi32, #tpu.memory_space<vmem>>, vector<16xi32>,
      %mul3A_451 = arith.constant 8 : i32
      %mul3A_452 = arith.muli %scan3A_349, %mul3A_451 : i32
      %add3A_453 = arith.constant 6 : i32
      %add3A_454 = arith.addi %mul3A_452, %add3A_453 : i32
      %mul3A_455 = arith.constant 16 : i32
      %mul3A_456 = arith.muli %add3A_454, %mul3A_455 : i32
      %get3A_457 = arith.constant 7 : i32
      %get3A_458 = arith.index_cast %get3A_457 : i32 to index
      %get3A_459 = arith.index_cast %mul3A_456 : i32 to index
      %get3A_460 = tpu.vector_load %arg5[%get3A_458, %get3A_459] {strides = array<i32>} : memref<26x512xi32, #tpu.memory_space<vmem>>, vector<16xi32>,
      %add3A_461 = arith.constant 280000 : i32
      %add3A_462 = vector.broadcast %add3A_461 : i32 to vector<16xi32>
      %add3A_463 = arith.addi %get3A_460, %add3A_462 : vector<16xi32>
      %add3A_464 = arith.constant 3584 : i32
      %add3A_465 = arith.addi %add3A_464, %mul3A_456 : i32
      %swap3A_466 = arith.index_cast %add3A_465 : i32 to index
      %swap3A_467 = tpu.vector_load %arg6[%swap3A_466] {strides = array<i32>} : memref<13312xi32, #tpu.memory_space<vmem>>, vector<16xi32>,
      tpu.vector_store %arg6[%swap3A_466], %add3A_463 {strides = array<i32>} : memref<13312xi32, #tpu.memory_space<vmem>>, vector<16xi32>,
      %mul3A_468 = arith.constant 8 : i32
      %mul3A_469 = arith.muli %scan3A_349, %mul3A_468 : i32
      %add3A_470 = arith.constant 7 : i32
      %add3A_471 = arith.addi %mul3A_469, %add3A_470 : i32
      %mul3A_472 = arith.constant 16 : i32
      %mul3A_473 = arith.muli %add3A_471, %mul3A_472 : i32
      %get3A_474 = arith.constant 7 : i32
      %get3A_475 = arith.index_cast %get3A_474 : i32 to index
      %get3A_476 = arith.index_cast %mul3A_473 : i32 to index
      %get3A_477 = tpu.vector_load %arg5[%get3A_475, %get3A_476] {strides = array<i32>} : memref<26x512xi32, #tpu.memory_space<vmem>>, vector<16xi32>,
      %add3A_478 = arith.constant 280000 : i32
      %add3A_479 = vector.broadcast %add3A_478 : i32 to vector<16xi32>
      %add3A_480 = arith.addi %get3A_477, %add3A_479 : vector<16xi32>
      %add3A_481 = arith.constant 3584 : i32
      %add3A_482 = arith.addi %add3A_481, %mul3A_473 : i32
      %swap3A_483 = arith.index_cast %add3A_482 : i32 to index
      %swap3A_484 = tpu.vector_load %arg6[%swap3A_483] {strides = array<i32>} : memref<13312xi32, #tpu.memory_space<vmem>>, vector<16xi32>,
      tpu.vector_store %arg6[%swap3A_483], %add3A_480 {strides = array<i32>} : memref<13312xi32, #tpu.memory_space<vmem>>, vector<16xi32>,
      %scan3A_485 = arith.constant 0 : i32
      scf.yield %scan3A_485 : i32
    }
    %scan3A_98 = arith.constant 4 : i32
    %dma_start3A_99 = arith.constant 3584 : i32
    %dma_start3A_100 = tpu.memref_slice %arg7[%dma_start3A_99] : memref<13312xf32, #tpu.memory_space<vmem>> -> memref<512xf32, #tpu.memory_space<vmem>>
    %dma_start3A_101 = arith.constant 3584 : i32
    %dma_start3A_102 = tpu.memref_slice %arg6[%dma_start3A_101] : memref<13312xi32, #tpu.memory_space<vmem>> -> memref<512xi32, #tpu.memory_space<vmem>>
    %dma_start3A_103 = arith.constant 0 : i32
    %dma_start3A_104 = tpu.memref_slice %arg3[%dma_start3A_103] : memref<1040384xf32, #tpu.memory_space<hbm>> -> memref<1040384xf32, #tpu.memory_space<hbm>>
    tpu.enqueue_indirect_dma source(%dma_start3A_104 : memref<1040384xf32, #tpu.memory_space<hbm>>) target(%dma_start3A_100 : memref<512xf32, #tpu.memory_space<vmem>>) offsets(%dma_start3A_102 : memref<512xi32, #tpu.memory_space<vmem>>) semaphore(%arg9 : memref<!tpu.dma_semaphore, #tpu.memory_space<semaphore_mem>>)
    %scan3A_105 = arith.constant 0 : i32
    %scan3A_106 = arith.constant 0 : i32
    %scan3A_107 = arith.constant 4 : i32
    %scan3A_108 = arith.addi %scan3A_106, %scan3A_107 : i32
    %scan3A_109 = arith.constant 1 : i32
    %scan3A_110 = scf.for %scan3A_349 = %scan3A_106 to %scan3A_108 step %scan3A_109 iter_args(%scan3A_350 = %scan3A_105) -> (i32)  : i32 {
      %mul3A_351 = arith.constant 8 : i32
      %mul3A_352 = arith.muli %scan3A_349, %mul3A_351 : i32
      %add3A_353 = arith.constant 0 : i32
      %add3A_354 = arith.addi %mul3A_352, %add3A_353 : i32
      %mul3A_355 = arith.constant 16 : i32
      %mul3A_356 = arith.muli %add3A_354, %mul3A_355 : i32
      %get3A = arith.constant 8 : i32
      %get3A_357 = arith.index_cast %get3A : i32 to index
      %get3A_358 = arith.index_cast %mul3A_356 : i32 to index
      %get3A_359 = tpu.vector_load %arg5[%get3A_357, %get3A_358] {strides = array<i32>} : memref<26x512xi32, #tpu.memory_space<vmem>>, vector<16xi32>,
      %add3A_360 = arith.constant 320000 : i32
      %add3A_361 = vector.broadcast %add3A_360 : i32 to vector<16xi32>
      %add3A_362 = arith.addi %get3A_359, %add3A_361 : vector<16xi32>
      %add3A_363 = arith.constant 4096 : i32
      %add3A_364 = arith.addi %add3A_363, %mul3A_356 : i32
      %swap3A = arith.index_cast %add3A_364 : i32 to index
      %swap3A_365 = tpu.vector_load %arg6[%swap3A] {strides = array<i32>} : memref<13312xi32, #tpu.memory_space<vmem>>, vector<16xi32>,
      tpu.vector_store %arg6[%swap3A], %add3A_362 {strides = array<i32>} : memref<13312xi32, #tpu.memory_space<vmem>>, vector<16xi32>,
      %mul3A_366 = arith.constant 8 : i32
      %mul3A_367 = arith.muli %scan3A_349, %mul3A_366 : i32
      %add3A_368 = arith.constant 1 : i32
      %add3A_369 = arith.addi %mul3A_367, %add3A_368 : i32
      %mul3A_370 = arith.constant 16 : i32
      %mul3A_371 = arith.muli %add3A_369, %mul3A_370 : i32
      %get3A_372 = arith.constant 8 : i32
      %get3A_373 = arith.index_cast %get3A_372 : i32 to index
      %get3A_374 = arith.index_cast %mul3A_371 : i32 to index
      %get3A_375 = tpu.vector_load %arg5[%get3A_373, %get3A_374] {strides = array<i32>} : memref<26x512xi32, #tpu.memory_space<vmem>>, vector<16xi32>,
      %add3A_376 = arith.constant 320000 : i32
      %add3A_377 = vector.broadcast %add3A_376 : i32 to vector<16xi32>
      %add3A_378 = arith.addi %get3A_375, %add3A_377 : vector<16xi32>
      %add3A_379 = arith.constant 4096 : i32
      %add3A_380 = arith.addi %add3A_379, %mul3A_371 : i32
      %swap3A_381 = arith.index_cast %add3A_380 : i32 to index
      %swap3A_382 = tpu.vector_load %arg6[%swap3A_381] {strides = array<i32>} : memref<13312xi32, #tpu.memory_space<vmem>>, vector<16xi32>,
      tpu.vector_store %arg6[%swap3A_381], %add3A_378 {strides = array<i32>} : memref<13312xi32, #tpu.memory_space<vmem>>, vector<16xi32>,
      %mul3A_383 = arith.constant 8 : i32
      %mul3A_384 = arith.muli %scan3A_349, %mul3A_383 : i32
      %add3A_385 = arith.constant 2 : i32
      %add3A_386 = arith.addi %mul3A_384, %add3A_385 : i32
      %mul3A_387 = arith.constant 16 : i32
      %mul3A_388 = arith.muli %add3A_386, %mul3A_387 : i32
      %get3A_389 = arith.constant 8 : i32
      %get3A_390 = arith.index_cast %get3A_389 : i32 to index
      %get3A_391 = arith.index_cast %mul3A_388 : i32 to index
      %get3A_392 = tpu.vector_load %arg5[%get3A_390, %get3A_391] {strides = array<i32>} : memref<26x512xi32, #tpu.memory_space<vmem>>, vector<16xi32>,
      %add3A_393 = arith.constant 320000 : i32
      %add3A_394 = vector.broadcast %add3A_393 : i32 to vector<16xi32>
      %add3A_395 = arith.addi %get3A_392, %add3A_394 : vector<16xi32>
      %add3A_396 = arith.constant 4096 : i32
      %add3A_397 = arith.addi %add3A_396, %mul3A_388 : i32
      %swap3A_398 = arith.index_cast %add3A_397 : i32 to index
      %swap3A_399 = tpu.vector_load %arg6[%swap3A_398] {strides = array<i32>} : memref<13312xi32, #tpu.memory_space<vmem>>, vector<16xi32>,
      tpu.vector_store %arg6[%swap3A_398], %add3A_395 {strides = array<i32>} : memref<13312xi32, #tpu.memory_space<vmem>>, vector<16xi32>,
      %mul3A_400 = arith.constant 8 : i32
      %mul3A_401 = arith.muli %scan3A_349, %mul3A_400 : i32
      %add3A_402 = arith.constant 3 : i32
      %add3A_403 = arith.addi %mul3A_401, %add3A_402 : i32
      %mul3A_404 = arith.constant 16 : i32
      %mul3A_405 = arith.muli %add3A_403, %mul3A_404 : i32
      %get3A_406 = arith.constant 8 : i32
      %get3A_407 = arith.index_cast %get3A_406 : i32 to index
      %get3A_408 = arith.index_cast %mul3A_405 : i32 to index
      %get3A_409 = tpu.vector_load %arg5[%get3A_407, %get3A_408] {strides = array<i32>} : memref<26x512xi32, #tpu.memory_space<vmem>>, vector<16xi32>,
      %add3A_410 = arith.constant 320000 : i32
      %add3A_411 = vector.broadcast %add3A_410 : i32 to vector<16xi32>
      %add3A_412 = arith.addi %get3A_409, %add3A_411 : vector<16xi32>
      %add3A_413 = arith.constant 4096 : i32
      %add3A_414 = arith.addi %add3A_413, %mul3A_405 : i32
      %swap3A_415 = arith.index_cast %add3A_414 : i32 to index
      %swap3A_416 = tpu.vector_load %arg6[%swap3A_415] {strides = array<i32>} : memref<13312xi32, #tpu.memory_space<vmem>>, vector<16xi32>,
      tpu.vector_store %arg6[%swap3A_415], %add3A_412 {strides = array<i32>} : memref<13312xi32, #tpu.memory_space<vmem>>, vector<16xi32>,
      %mul3A_417 = arith.constant 8 : i32
      %mul3A_418 = arith.muli %scan3A_349, %mul3A_417 : i32
      %add3A_419 = arith.constant 4 : i32
      %add3A_420 = arith.addi %mul3A_418, %add3A_419 : i32
      %mul3A_421 = arith.constant 16 : i32
      %mul3A_422 = arith.muli %add3A_420, %mul3A_421 : i32
      %get3A_423 = arith.constant 8 : i32
      %get3A_424 = arith.index_cast %get3A_423 : i32 to index
      %get3A_425 = arith.index_cast %mul3A_422 : i32 to index
      %get3A_426 = tpu.vector_load %arg5[%get3A_424, %get3A_425] {strides = array<i32>} : memref<26x512xi32, #tpu.memory_space<vmem>>, vector<16xi32>,
      %add3A_427 = arith.constant 320000 : i32
      %add3A_428 = vector.broadcast %add3A_427 : i32 to vector<16xi32>
      %add3A_429 = arith.addi %get3A_426, %add3A_428 : vector<16xi32>
      %add3A_430 = arith.constant 4096 : i32
      %add3A_431 = arith.addi %add3A_430, %mul3A_422 : i32
      %swap3A_432 = arith.index_cast %add3A_431 : i32 to index
      %swap3A_433 = tpu.vector_load %arg6[%swap3A_432] {strides = array<i32>} : memref<13312xi32, #tpu.memory_space<vmem>>, vector<16xi32>,
      tpu.vector_store %arg6[%swap3A_432], %add3A_429 {strides = array<i32>} : memref<13312xi32, #tpu.memory_space<vmem>>, vector<16xi32>,
      %mul3A_434 = arith.constant 8 : i32
      %mul3A_435 = arith.muli %scan3A_349, %mul3A_434 : i32
      %add3A_436 = arith.constant 5 : i32
      %add3A_437 = arith.addi %mul3A_435, %add3A_436 : i32
      %mul3A_438 = arith.constant 16 : i32
      %mul3A_439 = arith.muli %add3A_437, %mul3A_438 : i32
      %get3A_440 = arith.constant 8 : i32
      %get3A_441 = arith.index_cast %get3A_440 : i32 to index
      %get3A_442 = arith.index_cast %mul3A_439 : i32 to index
      %get3A_443 = tpu.vector_load %arg5[%get3A_441, %get3A_442] {strides = array<i32>} : memref<26x512xi32, #tpu.memory_space<vmem>>, vector<16xi32>,
      %add3A_444 = arith.constant 320000 : i32
      %add3A_445 = vector.broadcast %add3A_444 : i32 to vector<16xi32>
      %add3A_446 = arith.addi %get3A_443, %add3A_445 : vector<16xi32>
      %add3A_447 = arith.constant 4096 : i32
      %add3A_448 = arith.addi %add3A_447, %mul3A_439 : i32
      %swap3A_449 = arith.index_cast %add3A_448 : i32 to index
      %swap3A_450 = tpu.vector_load %arg6[%swap3A_449] {strides = array<i32>} : memref<13312xi32, #tpu.memory_space<vmem>>, vector<16xi32>,
      tpu.vector_store %arg6[%swap3A_449], %add3A_446 {strides = array<i32>} : memref<13312xi32, #tpu.memory_space<vmem>>, vector<16xi32>,
      %mul3A_451 = arith.constant 8 : i32
      %mul3A_452 = arith.muli %scan3A_349, %mul3A_451 : i32
      %add3A_453 = arith.constant 6 : i32
      %add3A_454 = arith.addi %mul3A_452, %add3A_453 : i32
      %mul3A_455 = arith.constant 16 : i32
      %mul3A_456 = arith.muli %add3A_454, %mul3A_455 : i32
      %get3A_457 = arith.constant 8 : i32
      %get3A_458 = arith.index_cast %get3A_457 : i32 to index
      %get3A_459 = arith.index_cast %mul3A_456 : i32 to index
      %get3A_460 = tpu.vector_load %arg5[%get3A_458, %get3A_459] {strides = array<i32>} : memref<26x512xi32, #tpu.memory_space<vmem>>, vector<16xi32>,
      %add3A_461 = arith.constant 320000 : i32
      %add3A_462 = vector.broadcast %add3A_461 : i32 to vector<16xi32>
      %add3A_463 = arith.addi %get3A_460, %add3A_462 : vector<16xi32>
      %add3A_464 = arith.constant 4096 : i32
      %add3A_465 = arith.addi %add3A_464, %mul3A_456 : i32
      %swap3A_466 = arith.index_cast %add3A_465 : i32 to index
      %swap3A_467 = tpu.vector_load %arg6[%swap3A_466] {strides = array<i32>} : memref<13312xi32, #tpu.memory_space<vmem>>, vector<16xi32>,
      tpu.vector_store %arg6[%swap3A_466], %add3A_463 {strides = array<i32>} : memref<13312xi32, #tpu.memory_space<vmem>>, vector<16xi32>,
      %mul3A_468 = arith.constant 8 : i32
      %mul3A_469 = arith.muli %scan3A_349, %mul3A_468 : i32
      %add3A_470 = arith.constant 7 : i32
      %add3A_471 = arith.addi %mul3A_469, %add3A_470 : i32
      %mul3A_472 = arith.constant 16 : i32
      %mul3A_473 = arith.muli %add3A_471, %mul3A_472 : i32
      %get3A_474 = arith.constant 8 : i32
      %get3A_475 = arith.index_cast %get3A_474 : i32 to index
      %get3A_476 = arith.index_cast %mul3A_473 : i32 to index
      %get3A_477 = tpu.vector_load %arg5[%get3A_475, %get3A_476] {strides = array<i32>} : memref<26x512xi32, #tpu.memory_space<vmem>>, vector<16xi32>,
      %add3A_478 = arith.constant 320000 : i32
      %add3A_479 = vector.broadcast %add3A_478 : i32 to vector<16xi32>
      %add3A_480 = arith.addi %get3A_477, %add3A_479 : vector<16xi32>
      %add3A_481 = arith.constant 4096 : i32
      %add3A_482 = arith.addi %add3A_481, %mul3A_473 : i32
      %swap3A_483 = arith.index_cast %add3A_482 : i32 to index
      %swap3A_484 = tpu.vector_load %arg6[%swap3A_483] {strides = array<i32>} : memref<13312xi32, #tpu.memory_space<vmem>>, vector<16xi32>,
      tpu.vector_store %arg6[%swap3A_483], %add3A_480 {strides = array<i32>} : memref<13312xi32, #tpu.memory_space<vmem>>, vector<16xi32>,
      %scan3A_485 = arith.constant 0 : i32
      scf.yield %scan3A_485 : i32
    }
    %scan3A_111 = arith.constant 4 : i32
    %dma_start3A_112 = arith.constant 4096 : i32
    %dma_start3A_113 = tpu.memref_slice %arg7[%dma_start3A_112] : memref<13312xf32, #tpu.memory_space<vmem>> -> memref<512xf32, #tpu.memory_space<vmem>>
    %dma_start3A_114 = arith.constant 4096 : i32
    %dma_start3A_115 = tpu.memref_slice %arg6[%dma_start3A_114] : memref<13312xi32, #tpu.memory_space<vmem>> -> memref<512xi32, #tpu.memory_space<vmem>>
    %dma_start3A_116 = arith.constant 0 : i32
    %dma_start3A_117 = tpu.memref_slice %arg3[%dma_start3A_116] : memref<1040384xf32, #tpu.memory_space<hbm>> -> memref<1040384xf32, #tpu.memory_space<hbm>>
    tpu.enqueue_indirect_dma source(%dma_start3A_117 : memref<1040384xf32, #tpu.memory_space<hbm>>) target(%dma_start3A_113 : memref<512xf32, #tpu.memory_space<vmem>>) offsets(%dma_start3A_115 : memref<512xi32, #tpu.memory_space<vmem>>) semaphore(%arg9 : memref<!tpu.dma_semaphore, #tpu.memory_space<semaphore_mem>>)
    %scan3A_118 = arith.constant 0 : i32
    %scan3A_119 = arith.constant 0 : i32
    %scan3A_120 = arith.constant 4 : i32
    %scan3A_121 = arith.addi %scan3A_119, %scan3A_120 : i32
    %scan3A_122 = arith.constant 1 : i32
    %scan3A_123 = scf.for %scan3A_349 = %scan3A_119 to %scan3A_121 step %scan3A_122 iter_args(%scan3A_350 = %scan3A_118) -> (i32)  : i32 {
      %mul3A_351 = arith.constant 8 : i32
      %mul3A_352 = arith.muli %scan3A_349, %mul3A_351 : i32
      %add3A_353 = arith.constant 0 : i32
      %add3A_354 = arith.addi %mul3A_352, %add3A_353 : i32
      %mul3A_355 = arith.constant 16 : i32
      %mul3A_356 = arith.muli %add3A_354, %mul3A_355 : i32
      %get3A = arith.constant 9 : i32
      %get3A_357 = arith.index_cast %get3A : i32 to index
      %get3A_358 = arith.index_cast %mul3A_356 : i32 to index
      %get3A_359 = tpu.vector_load %arg5[%get3A_357, %get3A_358] {strides = array<i32>} : memref<26x512xi32, #tpu.memory_space<vmem>>, vector<16xi32>,
      %add3A_360 = arith.constant 360000 : i32
      %add3A_361 = vector.broadcast %add3A_360 : i32 to vector<16xi32>
      %add3A_362 = arith.addi %get3A_359, %add3A_361 : vector<16xi32>
      %add3A_363 = arith.constant 4608 : i32
      %add3A_364 = arith.addi %add3A_363, %mul3A_356 : i32
      %swap3A = arith.index_cast %add3A_364 : i32 to index
      %swap3A_365 = tpu.vector_load %arg6[%swap3A] {strides = array<i32>} : memref<13312xi32, #tpu.memory_space<vmem>>, vector<16xi32>,
      tpu.vector_store %arg6[%swap3A], %add3A_362 {strides = array<i32>} : memref<13312xi32, #tpu.memory_space<vmem>>, vector<16xi32>,
      %mul3A_366 = arith.constant 8 : i32
      %mul3A_367 = arith.muli %scan3A_349, %mul3A_366 : i32
      %add3A_368 = arith.constant 1 : i32
      %add3A_369 = arith.addi %mul3A_367, %add3A_368 : i32
      %mul3A_370 = arith.constant 16 : i32
      %mul3A_371 = arith.muli %add3A_369, %mul3A_370 : i32
      %get3A_372 = arith.constant 9 : i32
      %get3A_373 = arith.index_cast %get3A_372 : i32 to index
      %get3A_374 = arith.index_cast %mul3A_371 : i32 to index
      %get3A_375 = tpu.vector_load %arg5[%get3A_373, %get3A_374] {strides = array<i32>} : memref<26x512xi32, #tpu.memory_space<vmem>>, vector<16xi32>,
      %add3A_376 = arith.constant 360000 : i32
      %add3A_377 = vector.broadcast %add3A_376 : i32 to vector<16xi32>
      %add3A_378 = arith.addi %get3A_375, %add3A_377 : vector<16xi32>
      %add3A_379 = arith.constant 4608 : i32
      %add3A_380 = arith.addi %add3A_379, %mul3A_371 : i32
      %swap3A_381 = arith.index_cast %add3A_380 : i32 to index
      %swap3A_382 = tpu.vector_load %arg6[%swap3A_381] {strides = array<i32>} : memref<13312xi32, #tpu.memory_space<vmem>>, vector<16xi32>,
      tpu.vector_store %arg6[%swap3A_381], %add3A_378 {strides = array<i32>} : memref<13312xi32, #tpu.memory_space<vmem>>, vector<16xi32>,
      %mul3A_383 = arith.constant 8 : i32
      %mul3A_384 = arith.muli %scan3A_349, %mul3A_383 : i32
      %add3A_385 = arith.constant 2 : i32
      %add3A_386 = arith.addi %mul3A_384, %add3A_385 : i32
      %mul3A_387 = arith.constant 16 : i32
      %mul3A_388 = arith.muli %add3A_386, %mul3A_387 : i32
      %get3A_389 = arith.constant 9 : i32
      %get3A_390 = arith.index_cast %get3A_389 : i32 to index
      %get3A_391 = arith.index_cast %mul3A_388 : i32 to index
      %get3A_392 = tpu.vector_load %arg5[%get3A_390, %get3A_391] {strides = array<i32>} : memref<26x512xi32, #tpu.memory_space<vmem>>, vector<16xi32>,
      %add3A_393 = arith.constant 360000 : i32
      %add3A_394 = vector.broadcast %add3A_393 : i32 to vector<16xi32>
      %add3A_395 = arith.addi %get3A_392, %add3A_394 : vector<16xi32>
      %add3A_396 = arith.constant 4608 : i32
      %add3A_397 = arith.addi %add3A_396, %mul3A_388 : i32
      %swap3A_398 = arith.index_cast %add3A_397 : i32 to index
      %swap3A_399 = tpu.vector_load %arg6[%swap3A_398] {strides = array<i32>} : memref<13312xi32, #tpu.memory_space<vmem>>, vector<16xi32>,
      tpu.vector_store %arg6[%swap3A_398], %add3A_395 {strides = array<i32>} : memref<13312xi32, #tpu.memory_space<vmem>>, vector<16xi32>,
      %mul3A_400 = arith.constant 8 : i32
      %mul3A_401 = arith.muli %scan3A_349, %mul3A_400 : i32
      %add3A_402 = arith.constant 3 : i32
      %add3A_403 = arith.addi %mul3A_401, %add3A_402 : i32
      %mul3A_404 = arith.constant 16 : i32
      %mul3A_405 = arith.muli %add3A_403, %mul3A_404 : i32
      %get3A_406 = arith.constant 9 : i32
      %get3A_407 = arith.index_cast %get3A_406 : i32 to index
      %get3A_408 = arith.index_cast %mul3A_405 : i32 to index
      %get3A_409 = tpu.vector_load %arg5[%get3A_407, %get3A_408] {strides = array<i32>} : memref<26x512xi32, #tpu.memory_space<vmem>>, vector<16xi32>,
      %add3A_410 = arith.constant 360000 : i32
      %add3A_411 = vector.broadcast %add3A_410 : i32 to vector<16xi32>
      %add3A_412 = arith.addi %get3A_409, %add3A_411 : vector<16xi32>
      %add3A_413 = arith.constant 4608 : i32
      %add3A_414 = arith.addi %add3A_413, %mul3A_405 : i32
      %swap3A_415 = arith.index_cast %add3A_414 : i32 to index
      %swap3A_416 = tpu.vector_load %arg6[%swap3A_415] {strides = array<i32>} : memref<13312xi32, #tpu.memory_space<vmem>>, vector<16xi32>,
      tpu.vector_store %arg6[%swap3A_415], %add3A_412 {strides = array<i32>} : memref<13312xi32, #tpu.memory_space<vmem>>, vector<16xi32>,
      %mul3A_417 = arith.constant 8 : i32
      %mul3A_418 = arith.muli %scan3A_349, %mul3A_417 : i32
      %add3A_419 = arith.constant 4 : i32
      %add3A_420 = arith.addi %mul3A_418, %add3A_419 : i32
      %mul3A_421 = arith.constant 16 : i32
      %mul3A_422 = arith.muli %add3A_420, %mul3A_421 : i32
      %get3A_423 = arith.constant 9 : i32
      %get3A_424 = arith.index_cast %get3A_423 : i32 to index
      %get3A_425 = arith.index_cast %mul3A_422 : i32 to index
      %get3A_426 = tpu.vector_load %arg5[%get3A_424, %get3A_425] {strides = array<i32>} : memref<26x512xi32, #tpu.memory_space<vmem>>, vector<16xi32>,
      %add3A_427 = arith.constant 360000 : i32
      %add3A_428 = vector.broadcast %add3A_427 : i32 to vector<16xi32>
      %add3A_429 = arith.addi %get3A_426, %add3A_428 : vector<16xi32>
      %add3A_430 = arith.constant 4608 : i32
      %add3A_431 = arith.addi %add3A_430, %mul3A_422 : i32
      %swap3A_432 = arith.index_cast %add3A_431 : i32 to index
      %swap3A_433 = tpu.vector_load %arg6[%swap3A_432] {strides = array<i32>} : memref<13312xi32, #tpu.memory_space<vmem>>, vector<16xi32>,
      tpu.vector_store %arg6[%swap3A_432], %add3A_429 {strides = array<i32>} : memref<13312xi32, #tpu.memory_space<vmem>>, vector<16xi32>,
      %mul3A_434 = arith.constant 8 : i32
      %mul3A_435 = arith.muli %scan3A_349, %mul3A_434 : i32
      %add3A_436 = arith.constant 5 : i32
      %add3A_437 = arith.addi %mul3A_435, %add3A_436 : i32
      %mul3A_438 = arith.constant 16 : i32
      %mul3A_439 = arith.muli %add3A_437, %mul3A_438 : i32
      %get3A_440 = arith.constant 9 : i32
      %get3A_441 = arith.index_cast %get3A_440 : i32 to index
      %get3A_442 = arith.index_cast %mul3A_439 : i32 to index
      %get3A_443 = tpu.vector_load %arg5[%get3A_441, %get3A_442] {strides = array<i32>} : memref<26x512xi32, #tpu.memory_space<vmem>>, vector<16xi32>,
      %add3A_444 = arith.constant 360000 : i32
      %add3A_445 = vector.broadcast %add3A_444 : i32 to vector<16xi32>
      %add3A_446 = arith.addi %get3A_443, %add3A_445 : vector<16xi32>
      %add3A_447 = arith.constant 4608 : i32
      %add3A_448 = arith.addi %add3A_447, %mul3A_439 : i32
      %swap3A_449 = arith.index_cast %add3A_448 : i32 to index
      %swap3A_450 = tpu.vector_load %arg6[%swap3A_449] {strides = array<i32>} : memref<13312xi32, #tpu.memory_space<vmem>>, vector<16xi32>,
      tpu.vector_store %arg6[%swap3A_449], %add3A_446 {strides = array<i32>} : memref<13312xi32, #tpu.memory_space<vmem>>, vector<16xi32>,
      %mul3A_451 = arith.constant 8 : i32
      %mul3A_452 = arith.muli %scan3A_349, %mul3A_451 : i32
      %add3A_453 = arith.constant 6 : i32
      %add3A_454 = arith.addi %mul3A_452, %add3A_453 : i32
      %mul3A_455 = arith.constant 16 : i32
      %mul3A_456 = arith.muli %add3A_454, %mul3A_455 : i32
      %get3A_457 = arith.constant 9 : i32
      %get3A_458 = arith.index_cast %get3A_457 : i32 to index
      %get3A_459 = arith.index_cast %mul3A_456 : i32 to index
      %get3A_460 = tpu.vector_load %arg5[%get3A_458, %get3A_459] {strides = array<i32>} : memref<26x512xi32, #tpu.memory_space<vmem>>, vector<16xi32>,
      %add3A_461 = arith.constant 360000 : i32
      %add3A_462 = vector.broadcast %add3A_461 : i32 to vector<16xi32>
      %add3A_463 = arith.addi %get3A_460, %add3A_462 : vector<16xi32>
      %add3A_464 = arith.constant 4608 : i32
      %add3A_465 = arith.addi %add3A_464, %mul3A_456 : i32
      %swap3A_466 = arith.index_cast %add3A_465 : i32 to index
      %swap3A_467 = tpu.vector_load %arg6[%swap3A_466] {strides = array<i32>} : memref<13312xi32, #tpu.memory_space<vmem>>, vector<16xi32>,
      tpu.vector_store %arg6[%swap3A_466], %add3A_463 {strides = array<i32>} : memref<13312xi32, #tpu.memory_space<vmem>>, vector<16xi32>,
      %mul3A_468 = arith.constant 8 : i32
      %mul3A_469 = arith.muli %scan3A_349, %mul3A_468 : i32
      %add3A_470 = arith.constant 7 : i32
      %add3A_471 = arith.addi %mul3A_469, %add3A_470 : i32
      %mul3A_472 = arith.constant 16 : i32
      %mul3A_473 = arith.muli %add3A_471, %mul3A_472 : i32
      %get3A_474 = arith.constant 9 : i32
      %get3A_475 = arith.index_cast %get3A_474 : i32 to index
      %get3A_476 = arith.index_cast %mul3A_473 : i32 to index
      %get3A_477 = tpu.vector_load %arg5[%get3A_475, %get3A_476] {strides = array<i32>} : memref<26x512xi32, #tpu.memory_space<vmem>>, vector<16xi32>,
      %add3A_478 = arith.constant 360000 : i32
      %add3A_479 = vector.broadcast %add3A_478 : i32 to vector<16xi32>
      %add3A_480 = arith.addi %get3A_477, %add3A_479 : vector<16xi32>
      %add3A_481 = arith.constant 4608 : i32
      %add3A_482 = arith.addi %add3A_481, %mul3A_473 : i32
      %swap3A_483 = arith.index_cast %add3A_482 : i32 to index
      %swap3A_484 = tpu.vector_load %arg6[%swap3A_483] {strides = array<i32>} : memref<13312xi32, #tpu.memory_space<vmem>>, vector<16xi32>,
      tpu.vector_store %arg6[%swap3A_483], %add3A_480 {strides = array<i32>} : memref<13312xi32, #tpu.memory_space<vmem>>, vector<16xi32>,
      %scan3A_485 = arith.constant 0 : i32
      scf.yield %scan3A_485 : i32
    }
    %scan3A_124 = arith.constant 4 : i32
    %dma_start3A_125 = arith.constant 4608 : i32
    %dma_start3A_126 = tpu.memref_slice %arg7[%dma_start3A_125] : memref<13312xf32, #tpu.memory_space<vmem>> -> memref<512xf32, #tpu.memory_space<vmem>>
    %dma_start3A_127 = arith.constant 4608 : i32
    %dma_start3A_128 = tpu.memref_slice %arg6[%dma_start3A_127] : memref<13312xi32, #tpu.memory_space<vmem>> -> memref<512xi32, #tpu.memory_space<vmem>>
    %dma_start3A_129 = arith.constant 0 : i32
    %dma_start3A_130 = tpu.memref_slice %arg3[%dma_start3A_129] : memref<1040384xf32, #tpu.memory_space<hbm>> -> memref<1040384xf32, #tpu.memory_space<hbm>>
    tpu.enqueue_indirect_dma source(%dma_start3A_130 : memref<1040384xf32, #tpu.memory_space<hbm>>) target(%dma_start3A_126 : memref<512xf32, #tpu.memory_space<vmem>>) offsets(%dma_start3A_128 : memref<512xi32, #tpu.memory_space<vmem>>) semaphore(%arg9 : memref<!tpu.dma_semaphore, #tpu.memory_space<semaphore_mem>>)
    %scan3A_131 = arith.constant 0 : i32
    %scan3A_132 = arith.constant 0 : i32
    %scan3A_133 = arith.constant 4 : i32
    %scan3A_134 = arith.addi %scan3A_132, %scan3A_133 : i32
    %scan3A_135 = arith.constant 1 : i32
    %scan3A_136 = scf.for %scan3A_349 = %scan3A_132 to %scan3A_134 step %scan3A_135 iter_args(%scan3A_350 = %scan3A_131) -> (i32)  : i32 {
      %mul3A_351 = arith.constant 8 : i32
      %mul3A_352 = arith.muli %scan3A_349, %mul3A_351 : i32
      %add3A_353 = arith.constant 0 : i32
      %add3A_354 = arith.addi %mul3A_352, %add3A_353 : i32
      %mul3A_355 = arith.constant 16 : i32
      %mul3A_356 = arith.muli %add3A_354, %mul3A_355 : i32
      %get3A = arith.constant 10 : i32
      %get3A_357 = arith.index_cast %get3A : i32 to index
      %get3A_358 = arith.index_cast %mul3A_356 : i32 to index
      %get3A_359 = tpu.vector_load %arg5[%get3A_357, %get3A_358] {strides = array<i32>} : memref<26x512xi32, #tpu.memory_space<vmem>>, vector<16xi32>,
      %add3A_360 = arith.constant 400000 : i32
      %add3A_361 = vector.broadcast %add3A_360 : i32 to vector<16xi32>
      %add3A_362 = arith.addi %get3A_359, %add3A_361 : vector<16xi32>
      %add3A_363 = arith.constant 5120 : i32
      %add3A_364 = arith.addi %add3A_363, %mul3A_356 : i32
      %swap3A = arith.index_cast %add3A_364 : i32 to index
      %swap3A_365 = tpu.vector_load %arg6[%swap3A] {strides = array<i32>} : memref<13312xi32, #tpu.memory_space<vmem>>, vector<16xi32>,
      tpu.vector_store %arg6[%swap3A], %add3A_362 {strides = array<i32>} : memref<13312xi32, #tpu.memory_space<vmem>>, vector<16xi32>,
      %mul3A_366 = arith.constant 8 : i32
      %mul3A_367 = arith.muli %scan3A_349, %mul3A_366 : i32
      %add3A_368 = arith.constant 1 : i32
      %add3A_369 = arith.addi %mul3A_367, %add3A_368 : i32
      %mul3A_370 = arith.constant 16 : i32
      %mul3A_371 = arith.muli %add3A_369, %mul3A_370 : i32
      %get3A_372 = arith.constant 10 : i32
      %get3A_373 = arith.index_cast %get3A_372 : i32 to index
      %get3A_374 = arith.index_cast %mul3A_371 : i32 to index
      %get3A_375 = tpu.vector_load %arg5[%get3A_373, %get3A_374] {strides = array<i32>} : memref<26x512xi32, #tpu.memory_space<vmem>>, vector<16xi32>,
      %add3A_376 = arith.constant 400000 : i32
      %add3A_377 = vector.broadcast %add3A_376 : i32 to vector<16xi32>
      %add3A_378 = arith.addi %get3A_375, %add3A_377 : vector<16xi32>
      %add3A_379 = arith.constant 5120 : i32
      %add3A_380 = arith.addi %add3A_379, %mul3A_371 : i32
      %swap3A_381 = arith.index_cast %add3A_380 : i32 to index
      %swap3A_382 = tpu.vector_load %arg6[%swap3A_381] {strides = array<i32>} : memref<13312xi32, #tpu.memory_space<vmem>>, vector<16xi32>,
      tpu.vector_store %arg6[%swap3A_381], %add3A_378 {strides = array<i32>} : memref<13312xi32, #tpu.memory_space<vmem>>, vector<16xi32>,
      %mul3A_383 = arith.constant 8 : i32
      %mul3A_384 = arith.muli %scan3A_349, %mul3A_383 : i32
      %add3A_385 = arith.constant 2 : i32
      %add3A_386 = arith.addi %mul3A_384, %add3A_385 : i32
      %mul3A_387 = arith.constant 16 : i32
      %mul3A_388 = arith.muli %add3A_386, %mul3A_387 : i32
      %get3A_389 = arith.constant 10 : i32
      %get3A_390 = arith.index_cast %get3A_389 : i32 to index
      %get3A_391 = arith.index_cast %mul3A_388 : i32 to index
      %get3A_392 = tpu.vector_load %arg5[%get3A_390, %get3A_391] {strides = array<i32>} : memref<26x512xi32, #tpu.memory_space<vmem>>, vector<16xi32>,
      %add3A_393 = arith.constant 400000 : i32
      %add3A_394 = vector.broadcast %add3A_393 : i32 to vector<16xi32>
      %add3A_395 = arith.addi %get3A_392, %add3A_394 : vector<16xi32>
      %add3A_396 = arith.constant 5120 : i32
      %add3A_397 = arith.addi %add3A_396, %mul3A_388 : i32
      %swap3A_398 = arith.index_cast %add3A_397 : i32 to index
      %swap3A_399 = tpu.vector_load %arg6[%swap3A_398] {strides = array<i32>} : memref<13312xi32, #tpu.memory_space<vmem>>, vector<16xi32>,
      tpu.vector_store %arg6[%swap3A_398], %add3A_395 {strides = array<i32>} : memref<13312xi32, #tpu.memory_space<vmem>>, vector<16xi32>,
      %mul3A_400 = arith.constant 8 : i32
      %mul3A_401 = arith.muli %scan3A_349, %mul3A_400 : i32
      %add3A_402 = arith.constant 3 : i32
      %add3A_403 = arith.addi %mul3A_401, %add3A_402 : i32
      %mul3A_404 = arith.constant 16 : i32
      %mul3A_405 = arith.muli %add3A_403, %mul3A_404 : i32
      %get3A_406 = arith.constant 10 : i32
      %get3A_407 = arith.index_cast %get3A_406 : i32 to index
      %get3A_408 = arith.index_cast %mul3A_405 : i32 to index
      %get3A_409 = tpu.vector_load %arg5[%get3A_407, %get3A_408] {strides = array<i32>} : memref<26x512xi32, #tpu.memory_space<vmem>>, vector<16xi32>,
      %add3A_410 = arith.constant 400000 : i32
      %add3A_411 = vector.broadcast %add3A_410 : i32 to vector<16xi32>
      %add3A_412 = arith.addi %get3A_409, %add3A_411 : vector<16xi32>
      %add3A_413 = arith.constant 5120 : i32
      %add3A_414 = arith.addi %add3A_413, %mul3A_405 : i32
      %swap3A_415 = arith.index_cast %add3A_414 : i32 to index
      %swap3A_416 = tpu.vector_load %arg6[%swap3A_415] {strides = array<i32>} : memref<13312xi32, #tpu.memory_space<vmem>>, vector<16xi32>,
      tpu.vector_store %arg6[%swap3A_415], %add3A_412 {strides = array<i32>} : memref<13312xi32, #tpu.memory_space<vmem>>, vector<16xi32>,
      %mul3A_417 = arith.constant 8 : i32
      %mul3A_418 = arith.muli %scan3A_349, %mul3A_417 : i32
      %add3A_419 = arith.constant 4 : i32
      %add3A_420 = arith.addi %mul3A_418, %add3A_419 : i32
      %mul3A_421 = arith.constant 16 : i32
      %mul3A_422 = arith.muli %add3A_420, %mul3A_421 : i32
      %get3A_423 = arith.constant 10 : i32
      %get3A_424 = arith.index_cast %get3A_423 : i32 to index
      %get3A_425 = arith.index_cast %mul3A_422 : i32 to index
      %get3A_426 = tpu.vector_load %arg5[%get3A_424, %get3A_425] {strides = array<i32>} : memref<26x512xi32, #tpu.memory_space<vmem>>, vector<16xi32>,
      %add3A_427 = arith.constant 400000 : i32
      %add3A_428 = vector.broadcast %add3A_427 : i32 to vector<16xi32>
      %add3A_429 = arith.addi %get3A_426, %add3A_428 : vector<16xi32>
      %add3A_430 = arith.constant 5120 : i32
      %add3A_431 = arith.addi %add3A_430, %mul3A_422 : i32
      %swap3A_432 = arith.index_cast %add3A_431 : i32 to index
      %swap3A_433 = tpu.vector_load %arg6[%swap3A_432] {strides = array<i32>} : memref<13312xi32, #tpu.memory_space<vmem>>, vector<16xi32>,
      tpu.vector_store %arg6[%swap3A_432], %add3A_429 {strides = array<i32>} : memref<13312xi32, #tpu.memory_space<vmem>>, vector<16xi32>,
      %mul3A_434 = arith.constant 8 : i32
      %mul3A_435 = arith.muli %scan3A_349, %mul3A_434 : i32
      %add3A_436 = arith.constant 5 : i32
      %add3A_437 = arith.addi %mul3A_435, %add3A_436 : i32
      %mul3A_438 = arith.constant 16 : i32
      %mul3A_439 = arith.muli %add3A_437, %mul3A_438 : i32
      %get3A_440 = arith.constant 10 : i32
      %get3A_441 = arith.index_cast %get3A_440 : i32 to index
      %get3A_442 = arith.index_cast %mul3A_439 : i32 to index
      %get3A_443 = tpu.vector_load %arg5[%get3A_441, %get3A_442] {strides = array<i32>} : memref<26x512xi32, #tpu.memory_space<vmem>>, vector<16xi32>,
      %add3A_444 = arith.constant 400000 : i32
      %add3A_445 = vector.broadcast %add3A_444 : i32 to vector<16xi32>
      %add3A_446 = arith.addi %get3A_443, %add3A_445 : vector<16xi32>
      %add3A_447 = arith.constant 5120 : i32
      %add3A_448 = arith.addi %add3A_447, %mul3A_439 : i32
      %swap3A_449 = arith.index_cast %add3A_448 : i32 to index
      %swap3A_450 = tpu.vector_load %arg6[%swap3A_449] {strides = array<i32>} : memref<13312xi32, #tpu.memory_space<vmem>>, vector<16xi32>,
      tpu.vector_store %arg6[%swap3A_449], %add3A_446 {strides = array<i32>} : memref<13312xi32, #tpu.memory_space<vmem>>, vector<16xi32>,
      %mul3A_451 = arith.constant 8 : i32
      %mul3A_452 = arith.muli %scan3A_349, %mul3A_451 : i32
      %add3A_453 = arith.constant 6 : i32
      %add3A_454 = arith.addi %mul3A_452, %add3A_453 : i32
      %mul3A_455 = arith.constant 16 : i32
      %mul3A_456 = arith.muli %add3A_454, %mul3A_455 : i32
      %get3A_457 = arith.constant 10 : i32
      %get3A_458 = arith.index_cast %get3A_457 : i32 to index
      %get3A_459 = arith.index_cast %mul3A_456 : i32 to index
      %get3A_460 = tpu.vector_load %arg5[%get3A_458, %get3A_459] {strides = array<i32>} : memref<26x512xi32, #tpu.memory_space<vmem>>, vector<16xi32>,
      %add3A_461 = arith.constant 400000 : i32
      %add3A_462 = vector.broadcast %add3A_461 : i32 to vector<16xi32>
      %add3A_463 = arith.addi %get3A_460, %add3A_462 : vector<16xi32>
      %add3A_464 = arith.constant 5120 : i32
      %add3A_465 = arith.addi %add3A_464, %mul3A_456 : i32
      %swap3A_466 = arith.index_cast %add3A_465 : i32 to index
      %swap3A_467 = tpu.vector_load %arg6[%swap3A_466] {strides = array<i32>} : memref<13312xi32, #tpu.memory_space<vmem>>, vector<16xi32>,
      tpu.vector_store %arg6[%swap3A_466], %add3A_463 {strides = array<i32>} : memref<13312xi32, #tpu.memory_space<vmem>>, vector<16xi32>,
      %mul3A_468 = arith.constant 8 : i32
      %mul3A_469 = arith.muli %scan3A_349, %mul3A_468 : i32
      %add3A_470 = arith.constant 7 : i32
      %add3A_471 = arith.addi %mul3A_469, %add3A_470 : i32
      %mul3A_472 = arith.constant 16 : i32
      %mul3A_473 = arith.muli %add3A_471, %mul3A_472 : i32
      %get3A_474 = arith.constant 10 : i32
      %get3A_475 = arith.index_cast %get3A_474 : i32 to index
      %get3A_476 = arith.index_cast %mul3A_473 : i32 to index
      %get3A_477 = tpu.vector_load %arg5[%get3A_475, %get3A_476] {strides = array<i32>} : memref<26x512xi32, #tpu.memory_space<vmem>>, vector<16xi32>,
      %add3A_478 = arith.constant 400000 : i32
      %add3A_479 = vector.broadcast %add3A_478 : i32 to vector<16xi32>
      %add3A_480 = arith.addi %get3A_477, %add3A_479 : vector<16xi32>
      %add3A_481 = arith.constant 5120 : i32
      %add3A_482 = arith.addi %add3A_481, %mul3A_473 : i32
      %swap3A_483 = arith.index_cast %add3A_482 : i32 to index
      %swap3A_484 = tpu.vector_load %arg6[%swap3A_483] {strides = array<i32>} : memref<13312xi32, #tpu.memory_space<vmem>>, vector<16xi32>,
      tpu.vector_store %arg6[%swap3A_483], %add3A_480 {strides = array<i32>} : memref<13312xi32, #tpu.memory_space<vmem>>, vector<16xi32>,
      %scan3A_485 = arith.constant 0 : i32
      scf.yield %scan3A_485 : i32
    }
    %scan3A_137 = arith.constant 4 : i32
    %dma_start3A_138 = arith.constant 5120 : i32
    %dma_start3A_139 = tpu.memref_slice %arg7[%dma_start3A_138] : memref<13312xf32, #tpu.memory_space<vmem>> -> memref<512xf32, #tpu.memory_space<vmem>>
    %dma_start3A_140 = arith.constant 5120 : i32
    %dma_start3A_141 = tpu.memref_slice %arg6[%dma_start3A_140] : memref<13312xi32, #tpu.memory_space<vmem>> -> memref<512xi32, #tpu.memory_space<vmem>>
    %dma_start3A_142 = arith.constant 0 : i32
    %dma_start3A_143 = tpu.memref_slice %arg3[%dma_start3A_142] : memref<1040384xf32, #tpu.memory_space<hbm>> -> memref<1040384xf32, #tpu.memory_space<hbm>>
    tpu.enqueue_indirect_dma source(%dma_start3A_143 : memref<1040384xf32, #tpu.memory_space<hbm>>) target(%dma_start3A_139 : memref<512xf32, #tpu.memory_space<vmem>>) offsets(%dma_start3A_141 : memref<512xi32, #tpu.memory_space<vmem>>) semaphore(%arg9 : memref<!tpu.dma_semaphore, #tpu.memory_space<semaphore_mem>>)
    %scan3A_144 = arith.constant 0 : i32
    %scan3A_145 = arith.constant 0 : i32
    %scan3A_146 = arith.constant 4 : i32
    %scan3A_147 = arith.addi %scan3A_145, %scan3A_146 : i32
    %scan3A_148 = arith.constant 1 : i32
    %scan3A_149 = scf.for %scan3A_349 = %scan3A_145 to %scan3A_147 step %scan3A_148 iter_args(%scan3A_350 = %scan3A_144) -> (i32)  : i32 {
      %mul3A_351 = arith.constant 8 : i32
      %mul3A_352 = arith.muli %scan3A_349, %mul3A_351 : i32
      %add3A_353 = arith.constant 0 : i32
      %add3A_354 = arith.addi %mul3A_352, %add3A_353 : i32
      %mul3A_355 = arith.constant 16 : i32
      %mul3A_356 = arith.muli %add3A_354, %mul3A_355 : i32
      %get3A = arith.constant 11 : i32
      %get3A_357 = arith.index_cast %get3A : i32 to index
      %get3A_358 = arith.index_cast %mul3A_356 : i32 to index
      %get3A_359 = tpu.vector_load %arg5[%get3A_357, %get3A_358] {strides = array<i32>} : memref<26x512xi32, #tpu.memory_space<vmem>>, vector<16xi32>,
      %add3A_360 = arith.constant 440000 : i32
      %add3A_361 = vector.broadcast %add3A_360 : i32 to vector<16xi32>
      %add3A_362 = arith.addi %get3A_359, %add3A_361 : vector<16xi32>
      %add3A_363 = arith.constant 5632 : i32
      %add3A_364 = arith.addi %add3A_363, %mul3A_356 : i32
      %swap3A = arith.index_cast %add3A_364 : i32 to index
      %swap3A_365 = tpu.vector_load %arg6[%swap3A] {strides = array<i32>} : memref<13312xi32, #tpu.memory_space<vmem>>, vector<16xi32>,
      tpu.vector_store %arg6[%swap3A], %add3A_362 {strides = array<i32>} : memref<13312xi32, #tpu.memory_space<vmem>>, vector<16xi32>,
      %mul3A_366 = arith.constant 8 : i32
      %mul3A_367 = arith.muli %scan3A_349, %mul3A_366 : i32
      %add3A_368 = arith.constant 1 : i32
      %add3A_369 = arith.addi %mul3A_367, %add3A_368 : i32
      %mul3A_370 = arith.constant 16 : i32
      %mul3A_371 = arith.muli %add3A_369, %mul3A_370 : i32
      %get3A_372 = arith.constant 11 : i32
      %get3A_373 = arith.index_cast %get3A_372 : i32 to index
      %get3A_374 = arith.index_cast %mul3A_371 : i32 to index
      %get3A_375 = tpu.vector_load %arg5[%get3A_373, %get3A_374] {strides = array<i32>} : memref<26x512xi32, #tpu.memory_space<vmem>>, vector<16xi32>,
      %add3A_376 = arith.constant 440000 : i32
      %add3A_377 = vector.broadcast %add3A_376 : i32 to vector<16xi32>
      %add3A_378 = arith.addi %get3A_375, %add3A_377 : vector<16xi32>
      %add3A_379 = arith.constant 5632 : i32
      %add3A_380 = arith.addi %add3A_379, %mul3A_371 : i32
      %swap3A_381 = arith.index_cast %add3A_380 : i32 to index
      %swap3A_382 = tpu.vector_load %arg6[%swap3A_381] {strides = array<i32>} : memref<13312xi32, #tpu.memory_space<vmem>>, vector<16xi32>,
      tpu.vector_store %arg6[%swap3A_381], %add3A_378 {strides = array<i32>} : memref<13312xi32, #tpu.memory_space<vmem>>, vector<16xi32>,
      %mul3A_383 = arith.constant 8 : i32
      %mul3A_384 = arith.muli %scan3A_349, %mul3A_383 : i32
      %add3A_385 = arith.constant 2 : i32
      %add3A_386 = arith.addi %mul3A_384, %add3A_385 : i32
      %mul3A_387 = arith.constant 16 : i32
      %mul3A_388 = arith.muli %add3A_386, %mul3A_387 : i32
      %get3A_389 = arith.constant 11 : i32
      %get3A_390 = arith.index_cast %get3A_389 : i32 to index
      %get3A_391 = arith.index_cast %mul3A_388 : i32 to index
      %get3A_392 = tpu.vector_load %arg5[%get3A_390, %get3A_391] {strides = array<i32>} : memref<26x512xi32, #tpu.memory_space<vmem>>, vector<16xi32>,
      %add3A_393 = arith.constant 440000 : i32
      %add3A_394 = vector.broadcast %add3A_393 : i32 to vector<16xi32>
      %add3A_395 = arith.addi %get3A_392, %add3A_394 : vector<16xi32>
      %add3A_396 = arith.constant 5632 : i32
      %add3A_397 = arith.addi %add3A_396, %mul3A_388 : i32
      %swap3A_398 = arith.index_cast %add3A_397 : i32 to index
      %swap3A_399 = tpu.vector_load %arg6[%swap3A_398] {strides = array<i32>} : memref<13312xi32, #tpu.memory_space<vmem>>, vector<16xi32>,
      tpu.vector_store %arg6[%swap3A_398], %add3A_395 {strides = array<i32>} : memref<13312xi32, #tpu.memory_space<vmem>>, vector<16xi32>,
      %mul3A_400 = arith.constant 8 : i32
      %mul3A_401 = arith.muli %scan3A_349, %mul3A_400 : i32
      %add3A_402 = arith.constant 3 : i32
      %add3A_403 = arith.addi %mul3A_401, %add3A_402 : i32
      %mul3A_404 = arith.constant 16 : i32
      %mul3A_405 = arith.muli %add3A_403, %mul3A_404 : i32
      %get3A_406 = arith.constant 11 : i32
      %get3A_407 = arith.index_cast %get3A_406 : i32 to index
      %get3A_408 = arith.index_cast %mul3A_405 : i32 to index
      %get3A_409 = tpu.vector_load %arg5[%get3A_407, %get3A_408] {strides = array<i32>} : memref<26x512xi32, #tpu.memory_space<vmem>>, vector<16xi32>,
      %add3A_410 = arith.constant 440000 : i32
      %add3A_411 = vector.broadcast %add3A_410 : i32 to vector<16xi32>
      %add3A_412 = arith.addi %get3A_409, %add3A_411 : vector<16xi32>
      %add3A_413 = arith.constant 5632 : i32
      %add3A_414 = arith.addi %add3A_413, %mul3A_405 : i32
      %swap3A_415 = arith.index_cast %add3A_414 : i32 to index
      %swap3A_416 = tpu.vector_load %arg6[%swap3A_415] {strides = array<i32>} : memref<13312xi32, #tpu.memory_space<vmem>>, vector<16xi32>,
      tpu.vector_store %arg6[%swap3A_415], %add3A_412 {strides = array<i32>} : memref<13312xi32, #tpu.memory_space<vmem>>, vector<16xi32>,
      %mul3A_417 = arith.constant 8 : i32
      %mul3A_418 = arith.muli %scan3A_349, %mul3A_417 : i32
      %add3A_419 = arith.constant 4 : i32
      %add3A_420 = arith.addi %mul3A_418, %add3A_419 : i32
      %mul3A_421 = arith.constant 16 : i32
      %mul3A_422 = arith.muli %add3A_420, %mul3A_421 : i32
      %get3A_423 = arith.constant 11 : i32
      %get3A_424 = arith.index_cast %get3A_423 : i32 to index
      %get3A_425 = arith.index_cast %mul3A_422 : i32 to index
      %get3A_426 = tpu.vector_load %arg5[%get3A_424, %get3A_425] {strides = array<i32>} : memref<26x512xi32, #tpu.memory_space<vmem>>, vector<16xi32>,
      %add3A_427 = arith.constant 440000 : i32
      %add3A_428 = vector.broadcast %add3A_427 : i32 to vector<16xi32>
      %add3A_429 = arith.addi %get3A_426, %add3A_428 : vector<16xi32>
      %add3A_430 = arith.constant 5632 : i32
      %add3A_431 = arith.addi %add3A_430, %mul3A_422 : i32
      %swap3A_432 = arith.index_cast %add3A_431 : i32 to index
      %swap3A_433 = tpu.vector_load %arg6[%swap3A_432] {strides = array<i32>} : memref<13312xi32, #tpu.memory_space<vmem>>, vector<16xi32>,
      tpu.vector_store %arg6[%swap3A_432], %add3A_429 {strides = array<i32>} : memref<13312xi32, #tpu.memory_space<vmem>>, vector<16xi32>,
      %mul3A_434 = arith.constant 8 : i32
      %mul3A_435 = arith.muli %scan3A_349, %mul3A_434 : i32
      %add3A_436 = arith.constant 5 : i32
      %add3A_437 = arith.addi %mul3A_435, %add3A_436 : i32
      %mul3A_438 = arith.constant 16 : i32
      %mul3A_439 = arith.muli %add3A_437, %mul3A_438 : i32
      %get3A_440 = arith.constant 11 : i32
      %get3A_441 = arith.index_cast %get3A_440 : i32 to index
      %get3A_442 = arith.index_cast %mul3A_439 : i32 to index
      %get3A_443 = tpu.vector_load %arg5[%get3A_441, %get3A_442] {strides = array<i32>} : memref<26x512xi32, #tpu.memory_space<vmem>>, vector<16xi32>,
      %add3A_444 = arith.constant 440000 : i32
      %add3A_445 = vector.broadcast %add3A_444 : i32 to vector<16xi32>
      %add3A_446 = arith.addi %get3A_443, %add3A_445 : vector<16xi32>
      %add3A_447 = arith.constant 5632 : i32
      %add3A_448 = arith.addi %add3A_447, %mul3A_439 : i32
      %swap3A_449 = arith.index_cast %add3A_448 : i32 to index
      %swap3A_450 = tpu.vector_load %arg6[%swap3A_449] {strides = array<i32>} : memref<13312xi32, #tpu.memory_space<vmem>>, vector<16xi32>,
      tpu.vector_store %arg6[%swap3A_449], %add3A_446 {strides = array<i32>} : memref<13312xi32, #tpu.memory_space<vmem>>, vector<16xi32>,
      %mul3A_451 = arith.constant 8 : i32
      %mul3A_452 = arith.muli %scan3A_349, %mul3A_451 : i32
      %add3A_453 = arith.constant 6 : i32
      %add3A_454 = arith.addi %mul3A_452, %add3A_453 : i32
      %mul3A_455 = arith.constant 16 : i32
      %mul3A_456 = arith.muli %add3A_454, %mul3A_455 : i32
      %get3A_457 = arith.constant 11 : i32
      %get3A_458 = arith.index_cast %get3A_457 : i32 to index
      %get3A_459 = arith.index_cast %mul3A_456 : i32 to index
      %get3A_460 = tpu.vector_load %arg5[%get3A_458, %get3A_459] {strides = array<i32>} : memref<26x512xi32, #tpu.memory_space<vmem>>, vector<16xi32>,
      %add3A_461 = arith.constant 440000 : i32
      %add3A_462 = vector.broadcast %add3A_461 : i32 to vector<16xi32>
      %add3A_463 = arith.addi %get3A_460, %add3A_462 : vector<16xi32>
      %add3A_464 = arith.constant 5632 : i32
      %add3A_465 = arith.addi %add3A_464, %mul3A_456 : i32
      %swap3A_466 = arith.index_cast %add3A_465 : i32 to index
      %swap3A_467 = tpu.vector_load %arg6[%swap3A_466] {strides = array<i32>} : memref<13312xi32, #tpu.memory_space<vmem>>, vector<16xi32>,
      tpu.vector_store %arg6[%swap3A_466], %add3A_463 {strides = array<i32>} : memref<13312xi32, #tpu.memory_space<vmem>>, vector<16xi32>,
      %mul3A_468 = arith.constant 8 : i32
      %mul3A_469 = arith.muli %scan3A_349, %mul3A_468 : i32
      %add3A_470 = arith.constant 7 : i32
      %add3A_471 = arith.addi %mul3A_469, %add3A_470 : i32
      %mul3A_472 = arith.constant 16 : i32
      %mul3A_473 = arith.muli %add3A_471, %mul3A_472 : i32
      %get3A_474 = arith.constant 11 : i32
      %get3A_475 = arith.index_cast %get3A_474 : i32 to index
      %get3A_476 = arith.index_cast %mul3A_473 : i32 to index
      %get3A_477 = tpu.vector_load %arg5[%get3A_475, %get3A_476] {strides = array<i32>} : memref<26x512xi32, #tpu.memory_space<vmem>>, vector<16xi32>,
      %add3A_478 = arith.constant 440000 : i32
      %add3A_479 = vector.broadcast %add3A_478 : i32 to vector<16xi32>
      %add3A_480 = arith.addi %get3A_477, %add3A_479 : vector<16xi32>
      %add3A_481 = arith.constant 5632 : i32
      %add3A_482 = arith.addi %add3A_481, %mul3A_473 : i32
      %swap3A_483 = arith.index_cast %add3A_482 : i32 to index
      %swap3A_484 = tpu.vector_load %arg6[%swap3A_483] {strides = array<i32>} : memref<13312xi32, #tpu.memory_space<vmem>>, vector<16xi32>,
      tpu.vector_store %arg6[%swap3A_483], %add3A_480 {strides = array<i32>} : memref<13312xi32, #tpu.memory_space<vmem>>, vector<16xi32>,
      %scan3A_485 = arith.constant 0 : i32
      scf.yield %scan3A_485 : i32
    }
    %scan3A_150 = arith.constant 4 : i32
    %dma_start3A_151 = arith.constant 5632 : i32
    %dma_start3A_152 = tpu.memref_slice %arg7[%dma_start3A_151] : memref<13312xf32, #tpu.memory_space<vmem>> -> memref<512xf32, #tpu.memory_space<vmem>>
    %dma_start3A_153 = arith.constant 5632 : i32
    %dma_start3A_154 = tpu.memref_slice %arg6[%dma_start3A_153] : memref<13312xi32, #tpu.memory_space<vmem>> -> memref<512xi32, #tpu.memory_space<vmem>>
    %dma_start3A_155 = arith.constant 0 : i32
    %dma_start3A_156 = tpu.memref_slice %arg3[%dma_start3A_155] : memref<1040384xf32, #tpu.memory_space<hbm>> -> memref<1040384xf32, #tpu.memory_space<hbm>>
    tpu.enqueue_indirect_dma source(%dma_start3A_156 : memref<1040384xf32, #tpu.memory_space<hbm>>) target(%dma_start3A_152 : memref<512xf32, #tpu.memory_space<vmem>>) offsets(%dma_start3A_154 : memref<512xi32, #tpu.memory_space<vmem>>) semaphore(%arg9 : memref<!tpu.dma_semaphore, #tpu.memory_space<semaphore_mem>>)
    %scan3A_157 = arith.constant 0 : i32
    %scan3A_158 = arith.constant 0 : i32
    %scan3A_159 = arith.constant 4 : i32
    %scan3A_160 = arith.addi %scan3A_158, %scan3A_159 : i32
    %scan3A_161 = arith.constant 1 : i32
    %scan3A_162 = scf.for %scan3A_349 = %scan3A_158 to %scan3A_160 step %scan3A_161 iter_args(%scan3A_350 = %scan3A_157) -> (i32)  : i32 {
      %mul3A_351 = arith.constant 8 : i32
      %mul3A_352 = arith.muli %scan3A_349, %mul3A_351 : i32
      %add3A_353 = arith.constant 0 : i32
      %add3A_354 = arith.addi %mul3A_352, %add3A_353 : i32
      %mul3A_355 = arith.constant 16 : i32
      %mul3A_356 = arith.muli %add3A_354, %mul3A_355 : i32
      %get3A = arith.constant 12 : i32
      %get3A_357 = arith.index_cast %get3A : i32 to index
      %get3A_358 = arith.index_cast %mul3A_356 : i32 to index
      %get3A_359 = tpu.vector_load %arg5[%get3A_357, %get3A_358] {strides = array<i32>} : memref<26x512xi32, #tpu.memory_space<vmem>>, vector<16xi32>,
      %add3A_360 = arith.constant 480000 : i32
      %add3A_361 = vector.broadcast %add3A_360 : i32 to vector<16xi32>
      %add3A_362 = arith.addi %get3A_359, %add3A_361 : vector<16xi32>
      %add3A_363 = arith.constant 6144 : i32
      %add3A_364 = arith.addi %add3A_363, %mul3A_356 : i32
      %swap3A = arith.index_cast %add3A_364 : i32 to index
      %swap3A_365 = tpu.vector_load %arg6[%swap3A] {strides = array<i32>} : memref<13312xi32, #tpu.memory_space<vmem>>, vector<16xi32>,
      tpu.vector_store %arg6[%swap3A], %add3A_362 {strides = array<i32>} : memref<13312xi32, #tpu.memory_space<vmem>>, vector<16xi32>,
      %mul3A_366 = arith.constant 8 : i32
      %mul3A_367 = arith.muli %scan3A_349, %mul3A_366 : i32
      %add3A_368 = arith.constant 1 : i32
      %add3A_369 = arith.addi %mul3A_367, %add3A_368 : i32
      %mul3A_370 = arith.constant 16 : i32
      %mul3A_371 = arith.muli %add3A_369, %mul3A_370 : i32
      %get3A_372 = arith.constant 12 : i32
      %get3A_373 = arith.index_cast %get3A_372 : i32 to index
      %get3A_374 = arith.index_cast %mul3A_371 : i32 to index
      %get3A_375 = tpu.vector_load %arg5[%get3A_373, %get3A_374] {strides = array<i32>} : memref<26x512xi32, #tpu.memory_space<vmem>>, vector<16xi32>,
      %add3A_376 = arith.constant 480000 : i32
      %add3A_377 = vector.broadcast %add3A_376 : i32 to vector<16xi32>
      %add3A_378 = arith.addi %get3A_375, %add3A_377 : vector<16xi32>
      %add3A_379 = arith.constant 6144 : i32
      %add3A_380 = arith.addi %add3A_379, %mul3A_371 : i32
      %swap3A_381 = arith.index_cast %add3A_380 : i32 to index
      %swap3A_382 = tpu.vector_load %arg6[%swap3A_381] {strides = array<i32>} : memref<13312xi32, #tpu.memory_space<vmem>>, vector<16xi32>,
      tpu.vector_store %arg6[%swap3A_381], %add3A_378 {strides = array<i32>} : memref<13312xi32, #tpu.memory_space<vmem>>, vector<16xi32>,
      %mul3A_383 = arith.constant 8 : i32
      %mul3A_384 = arith.muli %scan3A_349, %mul3A_383 : i32
      %add3A_385 = arith.constant 2 : i32
      %add3A_386 = arith.addi %mul3A_384, %add3A_385 : i32
      %mul3A_387 = arith.constant 16 : i32
      %mul3A_388 = arith.muli %add3A_386, %mul3A_387 : i32
      %get3A_389 = arith.constant 12 : i32
      %get3A_390 = arith.index_cast %get3A_389 : i32 to index
      %get3A_391 = arith.index_cast %mul3A_388 : i32 to index
      %get3A_392 = tpu.vector_load %arg5[%get3A_390, %get3A_391] {strides = array<i32>} : memref<26x512xi32, #tpu.memory_space<vmem>>, vector<16xi32>,
      %add3A_393 = arith.constant 480000 : i32
      %add3A_394 = vector.broadcast %add3A_393 : i32 to vector<16xi32>
      %add3A_395 = arith.addi %get3A_392, %add3A_394 : vector<16xi32>
      %add3A_396 = arith.constant 6144 : i32
      %add3A_397 = arith.addi %add3A_396, %mul3A_388 : i32
      %swap3A_398 = arith.index_cast %add3A_397 : i32 to index
      %swap3A_399 = tpu.vector_load %arg6[%swap3A_398] {strides = array<i32>} : memref<13312xi32, #tpu.memory_space<vmem>>, vector<16xi32>,
      tpu.vector_store %arg6[%swap3A_398], %add3A_395 {strides = array<i32>} : memref<13312xi32, #tpu.memory_space<vmem>>, vector<16xi32>,
      %mul3A_400 = arith.constant 8 : i32
      %mul3A_401 = arith.muli %scan3A_349, %mul3A_400 : i32
      %add3A_402 = arith.constant 3 : i32
      %add3A_403 = arith.addi %mul3A_401, %add3A_402 : i32
      %mul3A_404 = arith.constant 16 : i32
      %mul3A_405 = arith.muli %add3A_403, %mul3A_404 : i32
      %get3A_406 = arith.constant 12 : i32
      %get3A_407 = arith.index_cast %get3A_406 : i32 to index
      %get3A_408 = arith.index_cast %mul3A_405 : i32 to index
      %get3A_409 = tpu.vector_load %arg5[%get3A_407, %get3A_408] {strides = array<i32>} : memref<26x512xi32, #tpu.memory_space<vmem>>, vector<16xi32>,
      %add3A_410 = arith.constant 480000 : i32
      %add3A_411 = vector.broadcast %add3A_410 : i32 to vector<16xi32>
      %add3A_412 = arith.addi %get3A_409, %add3A_411 : vector<16xi32>
      %add3A_413 = arith.constant 6144 : i32
      %add3A_414 = arith.addi %add3A_413, %mul3A_405 : i32
      %swap3A_415 = arith.index_cast %add3A_414 : i32 to index
      %swap3A_416 = tpu.vector_load %arg6[%swap3A_415] {strides = array<i32>} : memref<13312xi32, #tpu.memory_space<vmem>>, vector<16xi32>,
      tpu.vector_store %arg6[%swap3A_415], %add3A_412 {strides = array<i32>} : memref<13312xi32, #tpu.memory_space<vmem>>, vector<16xi32>,
      %mul3A_417 = arith.constant 8 : i32
      %mul3A_418 = arith.muli %scan3A_349, %mul3A_417 : i32
      %add3A_419 = arith.constant 4 : i32
      %add3A_420 = arith.addi %mul3A_418, %add3A_419 : i32
      %mul3A_421 = arith.constant 16 : i32
      %mul3A_422 = arith.muli %add3A_420, %mul3A_421 : i32
      %get3A_423 = arith.constant 12 : i32
      %get3A_424 = arith.index_cast %get3A_423 : i32 to index
      %get3A_425 = arith.index_cast %mul3A_422 : i32 to index
      %get3A_426 = tpu.vector_load %arg5[%get3A_424, %get3A_425] {strides = array<i32>} : memref<26x512xi32, #tpu.memory_space<vmem>>, vector<16xi32>,
      %add3A_427 = arith.constant 480000 : i32
      %add3A_428 = vector.broadcast %add3A_427 : i32 to vector<16xi32>
      %add3A_429 = arith.addi %get3A_426, %add3A_428 : vector<16xi32>
      %add3A_430 = arith.constant 6144 : i32
      %add3A_431 = arith.addi %add3A_430, %mul3A_422 : i32
      %swap3A_432 = arith.index_cast %add3A_431 : i32 to index
      %swap3A_433 = tpu.vector_load %arg6[%swap3A_432] {strides = array<i32>} : memref<13312xi32, #tpu.memory_space<vmem>>, vector<16xi32>,
      tpu.vector_store %arg6[%swap3A_432], %add3A_429 {strides = array<i32>} : memref<13312xi32, #tpu.memory_space<vmem>>, vector<16xi32>,
      %mul3A_434 = arith.constant 8 : i32
      %mul3A_435 = arith.muli %scan3A_349, %mul3A_434 : i32
      %add3A_436 = arith.constant 5 : i32
      %add3A_437 = arith.addi %mul3A_435, %add3A_436 : i32
      %mul3A_438 = arith.constant 16 : i32
      %mul3A_439 = arith.muli %add3A_437, %mul3A_438 : i32
      %get3A_440 = arith.constant 12 : i32
      %get3A_441 = arith.index_cast %get3A_440 : i32 to index
      %get3A_442 = arith.index_cast %mul3A_439 : i32 to index
      %get3A_443 = tpu.vector_load %arg5[%get3A_441, %get3A_442] {strides = array<i32>} : memref<26x512xi32, #tpu.memory_space<vmem>>, vector<16xi32>,
      %add3A_444 = arith.constant 480000 : i32
      %add3A_445 = vector.broadcast %add3A_444 : i32 to vector<16xi32>
      %add3A_446 = arith.addi %get3A_443, %add3A_445 : vector<16xi32>
      %add3A_447 = arith.constant 6144 : i32
      %add3A_448 = arith.addi %add3A_447, %mul3A_439 : i32
      %swap3A_449 = arith.index_cast %add3A_448 : i32 to index
      %swap3A_450 = tpu.vector_load %arg6[%swap3A_449] {strides = array<i32>} : memref<13312xi32, #tpu.memory_space<vmem>>, vector<16xi32>,
      tpu.vector_store %arg6[%swap3A_449], %add3A_446 {strides = array<i32>} : memref<13312xi32, #tpu.memory_space<vmem>>, vector<16xi32>,
      %mul3A_451 = arith.constant 8 : i32
      %mul3A_452 = arith.muli %scan3A_349, %mul3A_451 : i32
      %add3A_453 = arith.constant 6 : i32
      %add3A_454 = arith.addi %mul3A_452, %add3A_453 : i32
      %mul3A_455 = arith.constant 16 : i32
      %mul3A_456 = arith.muli %add3A_454, %mul3A_455 : i32
      %get3A_457 = arith.constant 12 : i32
      %get3A_458 = arith.index_cast %get3A_457 : i32 to index
      %get3A_459 = arith.index_cast %mul3A_456 : i32 to index
      %get3A_460 = tpu.vector_load %arg5[%get3A_458, %get3A_459] {strides = array<i32>} : memref<26x512xi32, #tpu.memory_space<vmem>>, vector<16xi32>,
      %add3A_461 = arith.constant 480000 : i32
      %add3A_462 = vector.broadcast %add3A_461 : i32 to vector<16xi32>
      %add3A_463 = arith.addi %get3A_460, %add3A_462 : vector<16xi32>
      %add3A_464 = arith.constant 6144 : i32
      %add3A_465 = arith.addi %add3A_464, %mul3A_456 : i32
      %swap3A_466 = arith.index_cast %add3A_465 : i32 to index
      %swap3A_467 = tpu.vector_load %arg6[%swap3A_466] {strides = array<i32>} : memref<13312xi32, #tpu.memory_space<vmem>>, vector<16xi32>,
      tpu.vector_store %arg6[%swap3A_466], %add3A_463 {strides = array<i32>} : memref<13312xi32, #tpu.memory_space<vmem>>, vector<16xi32>,
      %mul3A_468 = arith.constant 8 : i32
      %mul3A_469 = arith.muli %scan3A_349, %mul3A_468 : i32
      %add3A_470 = arith.constant 7 : i32
      %add3A_471 = arith.addi %mul3A_469, %add3A_470 : i32
      %mul3A_472 = arith.constant 16 : i32
      %mul3A_473 = arith.muli %add3A_471, %mul3A_472 : i32
      %get3A_474 = arith.constant 12 : i32
      %get3A_475 = arith.index_cast %get3A_474 : i32 to index
      %get3A_476 = arith.index_cast %mul3A_473 : i32 to index
      %get3A_477 = tpu.vector_load %arg5[%get3A_475, %get3A_476] {strides = array<i32>} : memref<26x512xi32, #tpu.memory_space<vmem>>, vector<16xi32>,
      %add3A_478 = arith.constant 480000 : i32
      %add3A_479 = vector.broadcast %add3A_478 : i32 to vector<16xi32>
      %add3A_480 = arith.addi %get3A_477, %add3A_479 : vector<16xi32>
      %add3A_481 = arith.constant 6144 : i32
      %add3A_482 = arith.addi %add3A_481, %mul3A_473 : i32
      %swap3A_483 = arith.index_cast %add3A_482 : i32 to index
      %swap3A_484 = tpu.vector_load %arg6[%swap3A_483] {strides = array<i32>} : memref<13312xi32, #tpu.memory_space<vmem>>, vector<16xi32>,
      tpu.vector_store %arg6[%swap3A_483], %add3A_480 {strides = array<i32>} : memref<13312xi32, #tpu.memory_space<vmem>>, vector<16xi32>,
      %scan3A_485 = arith.constant 0 : i32
      scf.yield %scan3A_485 : i32
    }
    %scan3A_163 = arith.constant 4 : i32
    %dma_start3A_164 = arith.constant 6144 : i32
    %dma_start3A_165 = tpu.memref_slice %arg7[%dma_start3A_164] : memref<13312xf32, #tpu.memory_space<vmem>> -> memref<512xf32, #tpu.memory_space<vmem>>
    %dma_start3A_166 = arith.constant 6144 : i32
    %dma_start3A_167 = tpu.memref_slice %arg6[%dma_start3A_166] : memref<13312xi32, #tpu.memory_space<vmem>> -> memref<512xi32, #tpu.memory_space<vmem>>
    %dma_start3A_168 = arith.constant 0 : i32
    %dma_start3A_169 = tpu.memref_slice %arg3[%dma_start3A_168] : memref<1040384xf32, #tpu.memory_space<hbm>> -> memref<1040384xf32, #tpu.memory_space<hbm>>
    tpu.enqueue_indirect_dma source(%dma_start3A_169 : memref<1040384xf32, #tpu.memory_space<hbm>>) target(%dma_start3A_165 : memref<512xf32, #tpu.memory_space<vmem>>) offsets(%dma_start3A_167 : memref<512xi32, #tpu.memory_space<vmem>>) semaphore(%arg9 : memref<!tpu.dma_semaphore, #tpu.memory_space<semaphore_mem>>)
    %scan3A_170 = arith.constant 0 : i32
    %scan3A_171 = arith.constant 0 : i32
    %scan3A_172 = arith.constant 4 : i32
    %scan3A_173 = arith.addi %scan3A_171, %scan3A_172 : i32
    %scan3A_174 = arith.constant 1 : i32
    %scan3A_175 = scf.for %scan3A_349 = %scan3A_171 to %scan3A_173 step %scan3A_174 iter_args(%scan3A_350 = %scan3A_170) -> (i32)  : i32 {
      %mul3A_351 = arith.constant 8 : i32
      %mul3A_352 = arith.muli %scan3A_349, %mul3A_351 : i32
      %add3A_353 = arith.constant 0 : i32
      %add3A_354 = arith.addi %mul3A_352, %add3A_353 : i32
      %mul3A_355 = arith.constant 16 : i32
      %mul3A_356 = arith.muli %add3A_354, %mul3A_355 : i32
      %get3A = arith.constant 13 : i32
      %get3A_357 = arith.index_cast %get3A : i32 to index
      %get3A_358 = arith.index_cast %mul3A_356 : i32 to index
      %get3A_359 = tpu.vector_load %arg5[%get3A_357, %get3A_358] {strides = array<i32>} : memref<26x512xi32, #tpu.memory_space<vmem>>, vector<16xi32>,
      %add3A_360 = arith.constant 520000 : i32
      %add3A_361 = vector.broadcast %add3A_360 : i32 to vector<16xi32>
      %add3A_362 = arith.addi %get3A_359, %add3A_361 : vector<16xi32>
      %add3A_363 = arith.constant 6656 : i32
      %add3A_364 = arith.addi %add3A_363, %mul3A_356 : i32
      %swap3A = arith.index_cast %add3A_364 : i32 to index
      %swap3A_365 = tpu.vector_load %arg6[%swap3A] {strides = array<i32>} : memref<13312xi32, #tpu.memory_space<vmem>>, vector<16xi32>,
      tpu.vector_store %arg6[%swap3A], %add3A_362 {strides = array<i32>} : memref<13312xi32, #tpu.memory_space<vmem>>, vector<16xi32>,
      %mul3A_366 = arith.constant 8 : i32
      %mul3A_367 = arith.muli %scan3A_349, %mul3A_366 : i32
      %add3A_368 = arith.constant 1 : i32
      %add3A_369 = arith.addi %mul3A_367, %add3A_368 : i32
      %mul3A_370 = arith.constant 16 : i32
      %mul3A_371 = arith.muli %add3A_369, %mul3A_370 : i32
      %get3A_372 = arith.constant 13 : i32
      %get3A_373 = arith.index_cast %get3A_372 : i32 to index
      %get3A_374 = arith.index_cast %mul3A_371 : i32 to index
      %get3A_375 = tpu.vector_load %arg5[%get3A_373, %get3A_374] {strides = array<i32>} : memref<26x512xi32, #tpu.memory_space<vmem>>, vector<16xi32>,
      %add3A_376 = arith.constant 520000 : i32
      %add3A_377 = vector.broadcast %add3A_376 : i32 to vector<16xi32>
      %add3A_378 = arith.addi %get3A_375, %add3A_377 : vector<16xi32>
      %add3A_379 = arith.constant 6656 : i32
      %add3A_380 = arith.addi %add3A_379, %mul3A_371 : i32
      %swap3A_381 = arith.index_cast %add3A_380 : i32 to index
      %swap3A_382 = tpu.vector_load %arg6[%swap3A_381] {strides = array<i32>} : memref<13312xi32, #tpu.memory_space<vmem>>, vector<16xi32>,
      tpu.vector_store %arg6[%swap3A_381], %add3A_378 {strides = array<i32>} : memref<13312xi32, #tpu.memory_space<vmem>>, vector<16xi32>,
      %mul3A_383 = arith.constant 8 : i32
      %mul3A_384 = arith.muli %scan3A_349, %mul3A_383 : i32
      %add3A_385 = arith.constant 2 : i32
      %add3A_386 = arith.addi %mul3A_384, %add3A_385 : i32
      %mul3A_387 = arith.constant 16 : i32
      %mul3A_388 = arith.muli %add3A_386, %mul3A_387 : i32
      %get3A_389 = arith.constant 13 : i32
      %get3A_390 = arith.index_cast %get3A_389 : i32 to index
      %get3A_391 = arith.index_cast %mul3A_388 : i32 to index
      %get3A_392 = tpu.vector_load %arg5[%get3A_390, %get3A_391] {strides = array<i32>} : memref<26x512xi32, #tpu.memory_space<vmem>>, vector<16xi32>,
      %add3A_393 = arith.constant 520000 : i32
      %add3A_394 = vector.broadcast %add3A_393 : i32 to vector<16xi32>
      %add3A_395 = arith.addi %get3A_392, %add3A_394 : vector<16xi32>
      %add3A_396 = arith.constant 6656 : i32
      %add3A_397 = arith.addi %add3A_396, %mul3A_388 : i32
      %swap3A_398 = arith.index_cast %add3A_397 : i32 to index
      %swap3A_399 = tpu.vector_load %arg6[%swap3A_398] {strides = array<i32>} : memref<13312xi32, #tpu.memory_space<vmem>>, vector<16xi32>,
      tpu.vector_store %arg6[%swap3A_398], %add3A_395 {strides = array<i32>} : memref<13312xi32, #tpu.memory_space<vmem>>, vector<16xi32>,
      %mul3A_400 = arith.constant 8 : i32
      %mul3A_401 = arith.muli %scan3A_349, %mul3A_400 : i32
      %add3A_402 = arith.constant 3 : i32
      %add3A_403 = arith.addi %mul3A_401, %add3A_402 : i32
      %mul3A_404 = arith.constant 16 : i32
      %mul3A_405 = arith.muli %add3A_403, %mul3A_404 : i32
      %get3A_406 = arith.constant 13 : i32
      %get3A_407 = arith.index_cast %get3A_406 : i32 to index
      %get3A_408 = arith.index_cast %mul3A_405 : i32 to index
      %get3A_409 = tpu.vector_load %arg5[%get3A_407, %get3A_408] {strides = array<i32>} : memref<26x512xi32, #tpu.memory_space<vmem>>, vector<16xi32>,
      %add3A_410 = arith.constant 520000 : i32
      %add3A_411 = vector.broadcast %add3A_410 : i32 to vector<16xi32>
      %add3A_412 = arith.addi %get3A_409, %add3A_411 : vector<16xi32>
      %add3A_413 = arith.constant 6656 : i32
      %add3A_414 = arith.addi %add3A_413, %mul3A_405 : i32
      %swap3A_415 = arith.index_cast %add3A_414 : i32 to index
      %swap3A_416 = tpu.vector_load %arg6[%swap3A_415] {strides = array<i32>} : memref<13312xi32, #tpu.memory_space<vmem>>, vector<16xi32>,
      tpu.vector_store %arg6[%swap3A_415], %add3A_412 {strides = array<i32>} : memref<13312xi32, #tpu.memory_space<vmem>>, vector<16xi32>,
      %mul3A_417 = arith.constant 8 : i32
      %mul3A_418 = arith.muli %scan3A_349, %mul3A_417 : i32
      %add3A_419 = arith.constant 4 : i32
      %add3A_420 = arith.addi %mul3A_418, %add3A_419 : i32
      %mul3A_421 = arith.constant 16 : i32
      %mul3A_422 = arith.muli %add3A_420, %mul3A_421 : i32
      %get3A_423 = arith.constant 13 : i32
      %get3A_424 = arith.index_cast %get3A_423 : i32 to index
      %get3A_425 = arith.index_cast %mul3A_422 : i32 to index
      %get3A_426 = tpu.vector_load %arg5[%get3A_424, %get3A_425] {strides = array<i32>} : memref<26x512xi32, #tpu.memory_space<vmem>>, vector<16xi32>,
      %add3A_427 = arith.constant 520000 : i32
      %add3A_428 = vector.broadcast %add3A_427 : i32 to vector<16xi32>
      %add3A_429 = arith.addi %get3A_426, %add3A_428 : vector<16xi32>
      %add3A_430 = arith.constant 6656 : i32
      %add3A_431 = arith.addi %add3A_430, %mul3A_422 : i32
      %swap3A_432 = arith.index_cast %add3A_431 : i32 to index
      %swap3A_433 = tpu.vector_load %arg6[%swap3A_432] {strides = array<i32>} : memref<13312xi32, #tpu.memory_space<vmem>>, vector<16xi32>,
      tpu.vector_store %arg6[%swap3A_432], %add3A_429 {strides = array<i32>} : memref<13312xi32, #tpu.memory_space<vmem>>, vector<16xi32>,
      %mul3A_434 = arith.constant 8 : i32
      %mul3A_435 = arith.muli %scan3A_349, %mul3A_434 : i32
      %add3A_436 = arith.constant 5 : i32
      %add3A_437 = arith.addi %mul3A_435, %add3A_436 : i32
      %mul3A_438 = arith.constant 16 : i32
      %mul3A_439 = arith.muli %add3A_437, %mul3A_438 : i32
      %get3A_440 = arith.constant 13 : i32
      %get3A_441 = arith.index_cast %get3A_440 : i32 to index
      %get3A_442 = arith.index_cast %mul3A_439 : i32 to index
      %get3A_443 = tpu.vector_load %arg5[%get3A_441, %get3A_442] {strides = array<i32>} : memref<26x512xi32, #tpu.memory_space<vmem>>, vector<16xi32>,
      %add3A_444 = arith.constant 520000 : i32
      %add3A_445 = vector.broadcast %add3A_444 : i32 to vector<16xi32>
      %add3A_446 = arith.addi %get3A_443, %add3A_445 : vector<16xi32>
      %add3A_447 = arith.constant 6656 : i32
      %add3A_448 = arith.addi %add3A_447, %mul3A_439 : i32
      %swap3A_449 = arith.index_cast %add3A_448 : i32 to index
      %swap3A_450 = tpu.vector_load %arg6[%swap3A_449] {strides = array<i32>} : memref<13312xi32, #tpu.memory_space<vmem>>, vector<16xi32>,
      tpu.vector_store %arg6[%swap3A_449], %add3A_446 {strides = array<i32>} : memref<13312xi32, #tpu.memory_space<vmem>>, vector<16xi32>,
      %mul3A_451 = arith.constant 8 : i32
      %mul3A_452 = arith.muli %scan3A_349, %mul3A_451 : i32
      %add3A_453 = arith.constant 6 : i32
      %add3A_454 = arith.addi %mul3A_452, %add3A_453 : i32
      %mul3A_455 = arith.constant 16 : i32
      %mul3A_456 = arith.muli %add3A_454, %mul3A_455 : i32
      %get3A_457 = arith.constant 13 : i32
      %get3A_458 = arith.index_cast %get3A_457 : i32 to index
      %get3A_459 = arith.index_cast %mul3A_456 : i32 to index
      %get3A_460 = tpu.vector_load %arg5[%get3A_458, %get3A_459] {strides = array<i32>} : memref<26x512xi32, #tpu.memory_space<vmem>>, vector<16xi32>,
      %add3A_461 = arith.constant 520000 : i32
      %add3A_462 = vector.broadcast %add3A_461 : i32 to vector<16xi32>
      %add3A_463 = arith.addi %get3A_460, %add3A_462 : vector<16xi32>
      %add3A_464 = arith.constant 6656 : i32
      %add3A_465 = arith.addi %add3A_464, %mul3A_456 : i32
      %swap3A_466 = arith.index_cast %add3A_465 : i32 to index
      %swap3A_467 = tpu.vector_load %arg6[%swap3A_466] {strides = array<i32>} : memref<13312xi32, #tpu.memory_space<vmem>>, vector<16xi32>,
      tpu.vector_store %arg6[%swap3A_466], %add3A_463 {strides = array<i32>} : memref<13312xi32, #tpu.memory_space<vmem>>, vector<16xi32>,
      %mul3A_468 = arith.constant 8 : i32
      %mul3A_469 = arith.muli %scan3A_349, %mul3A_468 : i32
      %add3A_470 = arith.constant 7 : i32
      %add3A_471 = arith.addi %mul3A_469, %add3A_470 : i32
      %mul3A_472 = arith.constant 16 : i32
      %mul3A_473 = arith.muli %add3A_471, %mul3A_472 : i32
      %get3A_474 = arith.constant 13 : i32
      %get3A_475 = arith.index_cast %get3A_474 : i32 to index
      %get3A_476 = arith.index_cast %mul3A_473 : i32 to index
      %get3A_477 = tpu.vector_load %arg5[%get3A_475, %get3A_476] {strides = array<i32>} : memref<26x512xi32, #tpu.memory_space<vmem>>, vector<16xi32>,
      %add3A_478 = arith.constant 520000 : i32
      %add3A_479 = vector.broadcast %add3A_478 : i32 to vector<16xi32>
      %add3A_480 = arith.addi %get3A_477, %add3A_479 : vector<16xi32>
      %add3A_481 = arith.constant 6656 : i32
      %add3A_482 = arith.addi %add3A_481, %mul3A_473 : i32
      %swap3A_483 = arith.index_cast %add3A_482 : i32 to index
      %swap3A_484 = tpu.vector_load %arg6[%swap3A_483] {strides = array<i32>} : memref<13312xi32, #tpu.memory_space<vmem>>, vector<16xi32>,
      tpu.vector_store %arg6[%swap3A_483], %add3A_480 {strides = array<i32>} : memref<13312xi32, #tpu.memory_space<vmem>>, vector<16xi32>,
      %scan3A_485 = arith.constant 0 : i32
      scf.yield %scan3A_485 : i32
    }
    %scan3A_176 = arith.constant 4 : i32
    %dma_start3A_177 = arith.constant 6656 : i32
    %dma_start3A_178 = tpu.memref_slice %arg7[%dma_start3A_177] : memref<13312xf32, #tpu.memory_space<vmem>> -> memref<512xf32, #tpu.memory_space<vmem>>
    %dma_start3A_179 = arith.constant 6656 : i32
    %dma_start3A_180 = tpu.memref_slice %arg6[%dma_start3A_179] : memref<13312xi32, #tpu.memory_space<vmem>> -> memref<512xi32, #tpu.memory_space<vmem>>
    %dma_start3A_181 = arith.constant 0 : i32
    %dma_start3A_182 = tpu.memref_slice %arg3[%dma_start3A_181] : memref<1040384xf32, #tpu.memory_space<hbm>> -> memref<1040384xf32, #tpu.memory_space<hbm>>
    tpu.enqueue_indirect_dma source(%dma_start3A_182 : memref<1040384xf32, #tpu.memory_space<hbm>>) target(%dma_start3A_178 : memref<512xf32, #tpu.memory_space<vmem>>) offsets(%dma_start3A_180 : memref<512xi32, #tpu.memory_space<vmem>>) semaphore(%arg9 : memref<!tpu.dma_semaphore, #tpu.memory_space<semaphore_mem>>)
    %scan3A_183 = arith.constant 0 : i32
    %scan3A_184 = arith.constant 0 : i32
    %scan3A_185 = arith.constant 4 : i32
    %scan3A_186 = arith.addi %scan3A_184, %scan3A_185 : i32
    %scan3A_187 = arith.constant 1 : i32
    %scan3A_188 = scf.for %scan3A_349 = %scan3A_184 to %scan3A_186 step %scan3A_187 iter_args(%scan3A_350 = %scan3A_183) -> (i32)  : i32 {
      %mul3A_351 = arith.constant 8 : i32
      %mul3A_352 = arith.muli %scan3A_349, %mul3A_351 : i32
      %add3A_353 = arith.constant 0 : i32
      %add3A_354 = arith.addi %mul3A_352, %add3A_353 : i32
      %mul3A_355 = arith.constant 16 : i32
      %mul3A_356 = arith.muli %add3A_354, %mul3A_355 : i32
      %get3A = arith.constant 14 : i32
      %get3A_357 = arith.index_cast %get3A : i32 to index
      %get3A_358 = arith.index_cast %mul3A_356 : i32 to index
      %get3A_359 = tpu.vector_load %arg5[%get3A_357, %get3A_358] {strides = array<i32>} : memref<26x512xi32, #tpu.memory_space<vmem>>, vector<16xi32>,
      %add3A_360 = arith.constant 560000 : i32
      %add3A_361 = vector.broadcast %add3A_360 : i32 to vector<16xi32>
      %add3A_362 = arith.addi %get3A_359, %add3A_361 : vector<16xi32>
      %add3A_363 = arith.constant 7168 : i32
      %add3A_364 = arith.addi %add3A_363, %mul3A_356 : i32
      %swap3A = arith.index_cast %add3A_364 : i32 to index
      %swap3A_365 = tpu.vector_load %arg6[%swap3A] {strides = array<i32>} : memref<13312xi32, #tpu.memory_space<vmem>>, vector<16xi32>,
      tpu.vector_store %arg6[%swap3A], %add3A_362 {strides = array<i32>} : memref<13312xi32, #tpu.memory_space<vmem>>, vector<16xi32>,
      %mul3A_366 = arith.constant 8 : i32
      %mul3A_367 = arith.muli %scan3A_349, %mul3A_366 : i32
      %add3A_368 = arith.constant 1 : i32
      %add3A_369 = arith.addi %mul3A_367, %add3A_368 : i32
      %mul3A_370 = arith.constant 16 : i32
      %mul3A_371 = arith.muli %add3A_369, %mul3A_370 : i32
      %get3A_372 = arith.constant 14 : i32
      %get3A_373 = arith.index_cast %get3A_372 : i32 to index
      %get3A_374 = arith.index_cast %mul3A_371 : i32 to index
      %get3A_375 = tpu.vector_load %arg5[%get3A_373, %get3A_374] {strides = array<i32>} : memref<26x512xi32, #tpu.memory_space<vmem>>, vector<16xi32>,
      %add3A_376 = arith.constant 560000 : i32
      %add3A_377 = vector.broadcast %add3A_376 : i32 to vector<16xi32>
      %add3A_378 = arith.addi %get3A_375, %add3A_377 : vector<16xi32>
      %add3A_379 = arith.constant 7168 : i32
      %add3A_380 = arith.addi %add3A_379, %mul3A_371 : i32
      %swap3A_381 = arith.index_cast %add3A_380 : i32 to index
      %swap3A_382 = tpu.vector_load %arg6[%swap3A_381] {strides = array<i32>} : memref<13312xi32, #tpu.memory_space<vmem>>, vector<16xi32>,
      tpu.vector_store %arg6[%swap3A_381], %add3A_378 {strides = array<i32>} : memref<13312xi32, #tpu.memory_space<vmem>>, vector<16xi32>,
      %mul3A_383 = arith.constant 8 : i32
      %mul3A_384 = arith.muli %scan3A_349, %mul3A_383 : i32
      %add3A_385 = arith.constant 2 : i32
      %add3A_386 = arith.addi %mul3A_384, %add3A_385 : i32
      %mul3A_387 = arith.constant 16 : i32
      %mul3A_388 = arith.muli %add3A_386, %mul3A_387 : i32
      %get3A_389 = arith.constant 14 : i32
      %get3A_390 = arith.index_cast %get3A_389 : i32 to index
      %get3A_391 = arith.index_cast %mul3A_388 : i32 to index
      %get3A_392 = tpu.vector_load %arg5[%get3A_390, %get3A_391] {strides = array<i32>} : memref<26x512xi32, #tpu.memory_space<vmem>>, vector<16xi32>,
      %add3A_393 = arith.constant 560000 : i32
      %add3A_394 = vector.broadcast %add3A_393 : i32 to vector<16xi32>
      %add3A_395 = arith.addi %get3A_392, %add3A_394 : vector<16xi32>
      %add3A_396 = arith.constant 7168 : i32
      %add3A_397 = arith.addi %add3A_396, %mul3A_388 : i32
      %swap3A_398 = arith.index_cast %add3A_397 : i32 to index
      %swap3A_399 = tpu.vector_load %arg6[%swap3A_398] {strides = array<i32>} : memref<13312xi32, #tpu.memory_space<vmem>>, vector<16xi32>,
      tpu.vector_store %arg6[%swap3A_398], %add3A_395 {strides = array<i32>} : memref<13312xi32, #tpu.memory_space<vmem>>, vector<16xi32>,
      %mul3A_400 = arith.constant 8 : i32
      %mul3A_401 = arith.muli %scan3A_349, %mul3A_400 : i32
      %add3A_402 = arith.constant 3 : i32
      %add3A_403 = arith.addi %mul3A_401, %add3A_402 : i32
      %mul3A_404 = arith.constant 16 : i32
      %mul3A_405 = arith.muli %add3A_403, %mul3A_404 : i32
      %get3A_406 = arith.constant 14 : i32
      %get3A_407 = arith.index_cast %get3A_406 : i32 to index
      %get3A_408 = arith.index_cast %mul3A_405 : i32 to index
      %get3A_409 = tpu.vector_load %arg5[%get3A_407, %get3A_408] {strides = array<i32>} : memref<26x512xi32, #tpu.memory_space<vmem>>, vector<16xi32>,
      %add3A_410 = arith.constant 560000 : i32
      %add3A_411 = vector.broadcast %add3A_410 : i32 to vector<16xi32>
      %add3A_412 = arith.addi %get3A_409, %add3A_411 : vector<16xi32>
      %add3A_413 = arith.constant 7168 : i32
      %add3A_414 = arith.addi %add3A_413, %mul3A_405 : i32
      %swap3A_415 = arith.index_cast %add3A_414 : i32 to index
      %swap3A_416 = tpu.vector_load %arg6[%swap3A_415] {strides = array<i32>} : memref<13312xi32, #tpu.memory_space<vmem>>, vector<16xi32>,
      tpu.vector_store %arg6[%swap3A_415], %add3A_412 {strides = array<i32>} : memref<13312xi32, #tpu.memory_space<vmem>>, vector<16xi32>,
      %mul3A_417 = arith.constant 8 : i32
      %mul3A_418 = arith.muli %scan3A_349, %mul3A_417 : i32
      %add3A_419 = arith.constant 4 : i32
      %add3A_420 = arith.addi %mul3A_418, %add3A_419 : i32
      %mul3A_421 = arith.constant 16 : i32
      %mul3A_422 = arith.muli %add3A_420, %mul3A_421 : i32
      %get3A_423 = arith.constant 14 : i32
      %get3A_424 = arith.index_cast %get3A_423 : i32 to index
      %get3A_425 = arith.index_cast %mul3A_422 : i32 to index
      %get3A_426 = tpu.vector_load %arg5[%get3A_424, %get3A_425] {strides = array<i32>} : memref<26x512xi32, #tpu.memory_space<vmem>>, vector<16xi32>,
      %add3A_427 = arith.constant 560000 : i32
      %add3A_428 = vector.broadcast %add3A_427 : i32 to vector<16xi32>
      %add3A_429 = arith.addi %get3A_426, %add3A_428 : vector<16xi32>
      %add3A_430 = arith.constant 7168 : i32
      %add3A_431 = arith.addi %add3A_430, %mul3A_422 : i32
      %swap3A_432 = arith.index_cast %add3A_431 : i32 to index
      %swap3A_433 = tpu.vector_load %arg6[%swap3A_432] {strides = array<i32>} : memref<13312xi32, #tpu.memory_space<vmem>>, vector<16xi32>,
      tpu.vector_store %arg6[%swap3A_432], %add3A_429 {strides = array<i32>} : memref<13312xi32, #tpu.memory_space<vmem>>, vector<16xi32>,
      %mul3A_434 = arith.constant 8 : i32
      %mul3A_435 = arith.muli %scan3A_349, %mul3A_434 : i32
      %add3A_436 = arith.constant 5 : i32
      %add3A_437 = arith.addi %mul3A_435, %add3A_436 : i32
      %mul3A_438 = arith.constant 16 : i32
      %mul3A_439 = arith.muli %add3A_437, %mul3A_438 : i32
      %get3A_440 = arith.constant 14 : i32
      %get3A_441 = arith.index_cast %get3A_440 : i32 to index
      %get3A_442 = arith.index_cast %mul3A_439 : i32 to index
      %get3A_443 = tpu.vector_load %arg5[%get3A_441, %get3A_442] {strides = array<i32>} : memref<26x512xi32, #tpu.memory_space<vmem>>, vector<16xi32>,
      %add3A_444 = arith.constant 560000 : i32
      %add3A_445 = vector.broadcast %add3A_444 : i32 to vector<16xi32>
      %add3A_446 = arith.addi %get3A_443, %add3A_445 : vector<16xi32>
      %add3A_447 = arith.constant 7168 : i32
      %add3A_448 = arith.addi %add3A_447, %mul3A_439 : i32
      %swap3A_449 = arith.index_cast %add3A_448 : i32 to index
      %swap3A_450 = tpu.vector_load %arg6[%swap3A_449] {strides = array<i32>} : memref<13312xi32, #tpu.memory_space<vmem>>, vector<16xi32>,
      tpu.vector_store %arg6[%swap3A_449], %add3A_446 {strides = array<i32>} : memref<13312xi32, #tpu.memory_space<vmem>>, vector<16xi32>,
      %mul3A_451 = arith.constant 8 : i32
      %mul3A_452 = arith.muli %scan3A_349, %mul3A_451 : i32
      %add3A_453 = arith.constant 6 : i32
      %add3A_454 = arith.addi %mul3A_452, %add3A_453 : i32
      %mul3A_455 = arith.constant 16 : i32
      %mul3A_456 = arith.muli %add3A_454, %mul3A_455 : i32
      %get3A_457 = arith.constant 14 : i32
      %get3A_458 = arith.index_cast %get3A_457 : i32 to index
      %get3A_459 = arith.index_cast %mul3A_456 : i32 to index
      %get3A_460 = tpu.vector_load %arg5[%get3A_458, %get3A_459] {strides = array<i32>} : memref<26x512xi32, #tpu.memory_space<vmem>>, vector<16xi32>,
      %add3A_461 = arith.constant 560000 : i32
      %add3A_462 = vector.broadcast %add3A_461 : i32 to vector<16xi32>
      %add3A_463 = arith.addi %get3A_460, %add3A_462 : vector<16xi32>
      %add3A_464 = arith.constant 7168 : i32
      %add3A_465 = arith.addi %add3A_464, %mul3A_456 : i32
      %swap3A_466 = arith.index_cast %add3A_465 : i32 to index
      %swap3A_467 = tpu.vector_load %arg6[%swap3A_466] {strides = array<i32>} : memref<13312xi32, #tpu.memory_space<vmem>>, vector<16xi32>,
      tpu.vector_store %arg6[%swap3A_466], %add3A_463 {strides = array<i32>} : memref<13312xi32, #tpu.memory_space<vmem>>, vector<16xi32>,
      %mul3A_468 = arith.constant 8 : i32
      %mul3A_469 = arith.muli %scan3A_349, %mul3A_468 : i32
      %add3A_470 = arith.constant 7 : i32
      %add3A_471 = arith.addi %mul3A_469, %add3A_470 : i32
      %mul3A_472 = arith.constant 16 : i32
      %mul3A_473 = arith.muli %add3A_471, %mul3A_472 : i32
      %get3A_474 = arith.constant 14 : i32
      %get3A_475 = arith.index_cast %get3A_474 : i32 to index
      %get3A_476 = arith.index_cast %mul3A_473 : i32 to index
      %get3A_477 = tpu.vector_load %arg5[%get3A_475, %get3A_476] {strides = array<i32>} : memref<26x512xi32, #tpu.memory_space<vmem>>, vector<16xi32>,
      %add3A_478 = arith.constant 560000 : i32
      %add3A_479 = vector.broadcast %add3A_478 : i32 to vector<16xi32>
      %add3A_480 = arith.addi %get3A_477, %add3A_479 : vector<16xi32>
      %add3A_481 = arith.constant 7168 : i32
      %add3A_482 = arith.addi %add3A_481, %mul3A_473 : i32
      %swap3A_483 = arith.index_cast %add3A_482 : i32 to index
      %swap3A_484 = tpu.vector_load %arg6[%swap3A_483] {strides = array<i32>} : memref<13312xi32, #tpu.memory_space<vmem>>, vector<16xi32>,
      tpu.vector_store %arg6[%swap3A_483], %add3A_480 {strides = array<i32>} : memref<13312xi32, #tpu.memory_space<vmem>>, vector<16xi32>,
      %scan3A_485 = arith.constant 0 : i32
      scf.yield %scan3A_485 : i32
    }
    %scan3A_189 = arith.constant 4 : i32
    %dma_start3A_190 = arith.constant 7168 : i32
    %dma_start3A_191 = tpu.memref_slice %arg7[%dma_start3A_190] : memref<13312xf32, #tpu.memory_space<vmem>> -> memref<512xf32, #tpu.memory_space<vmem>>
    %dma_start3A_192 = arith.constant 7168 : i32
    %dma_start3A_193 = tpu.memref_slice %arg6[%dma_start3A_192] : memref<13312xi32, #tpu.memory_space<vmem>> -> memref<512xi32, #tpu.memory_space<vmem>>
    %dma_start3A_194 = arith.constant 0 : i32
    %dma_start3A_195 = tpu.memref_slice %arg3[%dma_start3A_194] : memref<1040384xf32, #tpu.memory_space<hbm>> -> memref<1040384xf32, #tpu.memory_space<hbm>>
    tpu.enqueue_indirect_dma source(%dma_start3A_195 : memref<1040384xf32, #tpu.memory_space<hbm>>) target(%dma_start3A_191 : memref<512xf32, #tpu.memory_space<vmem>>) offsets(%dma_start3A_193 : memref<512xi32, #tpu.memory_space<vmem>>) semaphore(%arg9 : memref<!tpu.dma_semaphore, #tpu.memory_space<semaphore_mem>>)
    %scan3A_196 = arith.constant 0 : i32
    %scan3A_197 = arith.constant 0 : i32
    %scan3A_198 = arith.constant 4 : i32
    %scan3A_199 = arith.addi %scan3A_197, %scan3A_198 : i32
    %scan3A_200 = arith.constant 1 : i32
    %scan3A_201 = scf.for %scan3A_349 = %scan3A_197 to %scan3A_199 step %scan3A_200 iter_args(%scan3A_350 = %scan3A_196) -> (i32)  : i32 {
      %mul3A_351 = arith.constant 8 : i32
      %mul3A_352 = arith.muli %scan3A_349, %mul3A_351 : i32
      %add3A_353 = arith.constant 0 : i32
      %add3A_354 = arith.addi %mul3A_352, %add3A_353 : i32
      %mul3A_355 = arith.constant 16 : i32
      %mul3A_356 = arith.muli %add3A_354, %mul3A_355 : i32
      %get3A = arith.constant 15 : i32
      %get3A_357 = arith.index_cast %get3A : i32 to index
      %get3A_358 = arith.index_cast %mul3A_356 : i32 to index
      %get3A_359 = tpu.vector_load %arg5[%get3A_357, %get3A_358] {strides = array<i32>} : memref<26x512xi32, #tpu.memory_space<vmem>>, vector<16xi32>,
      %add3A_360 = arith.constant 600000 : i32
      %add3A_361 = vector.broadcast %add3A_360 : i32 to vector<16xi32>
      %add3A_362 = arith.addi %get3A_359, %add3A_361 : vector<16xi32>
      %add3A_363 = arith.constant 7680 : i32
      %add3A_364 = arith.addi %add3A_363, %mul3A_356 : i32
      %swap3A = arith.index_cast %add3A_364 : i32 to index
      %swap3A_365 = tpu.vector_load %arg6[%swap3A] {strides = array<i32>} : memref<13312xi32, #tpu.memory_space<vmem>>, vector<16xi32>,
      tpu.vector_store %arg6[%swap3A], %add3A_362 {strides = array<i32>} : memref<13312xi32, #tpu.memory_space<vmem>>, vector<16xi32>,
      %mul3A_366 = arith.constant 8 : i32
      %mul3A_367 = arith.muli %scan3A_349, %mul3A_366 : i32
      %add3A_368 = arith.constant 1 : i32
      %add3A_369 = arith.addi %mul3A_367, %add3A_368 : i32
      %mul3A_370 = arith.constant 16 : i32
      %mul3A_371 = arith.muli %add3A_369, %mul3A_370 : i32
      %get3A_372 = arith.constant 15 : i32
      %get3A_373 = arith.index_cast %get3A_372 : i32 to index
      %get3A_374 = arith.index_cast %mul3A_371 : i32 to index
      %get3A_375 = tpu.vector_load %arg5[%get3A_373, %get3A_374] {strides = array<i32>} : memref<26x512xi32, #tpu.memory_space<vmem>>, vector<16xi32>,
      %add3A_376 = arith.constant 600000 : i32
      %add3A_377 = vector.broadcast %add3A_376 : i32 to vector<16xi32>
      %add3A_378 = arith.addi %get3A_375, %add3A_377 : vector<16xi32>
      %add3A_379 = arith.constant 7680 : i32
      %add3A_380 = arith.addi %add3A_379, %mul3A_371 : i32
      %swap3A_381 = arith.index_cast %add3A_380 : i32 to index
      %swap3A_382 = tpu.vector_load %arg6[%swap3A_381] {strides = array<i32>} : memref<13312xi32, #tpu.memory_space<vmem>>, vector<16xi32>,
      tpu.vector_store %arg6[%swap3A_381], %add3A_378 {strides = array<i32>} : memref<13312xi32, #tpu.memory_space<vmem>>, vector<16xi32>,
      %mul3A_383 = arith.constant 8 : i32
      %mul3A_384 = arith.muli %scan3A_349, %mul3A_383 : i32
      %add3A_385 = arith.constant 2 : i32
      %add3A_386 = arith.addi %mul3A_384, %add3A_385 : i32
      %mul3A_387 = arith.constant 16 : i32
      %mul3A_388 = arith.muli %add3A_386, %mul3A_387 : i32
      %get3A_389 = arith.constant 15 : i32
      %get3A_390 = arith.index_cast %get3A_389 : i32 to index
      %get3A_391 = arith.index_cast %mul3A_388 : i32 to index
      %get3A_392 = tpu.vector_load %arg5[%get3A_390, %get3A_391] {strides = array<i32>} : memref<26x512xi32, #tpu.memory_space<vmem>>, vector<16xi32>,
      %add3A_393 = arith.constant 600000 : i32
      %add3A_394 = vector.broadcast %add3A_393 : i32 to vector<16xi32>
      %add3A_395 = arith.addi %get3A_392, %add3A_394 : vector<16xi32>
      %add3A_396 = arith.constant 7680 : i32
      %add3A_397 = arith.addi %add3A_396, %mul3A_388 : i32
      %swap3A_398 = arith.index_cast %add3A_397 : i32 to index
      %swap3A_399 = tpu.vector_load %arg6[%swap3A_398] {strides = array<i32>} : memref<13312xi32, #tpu.memory_space<vmem>>, vector<16xi32>,
      tpu.vector_store %arg6[%swap3A_398], %add3A_395 {strides = array<i32>} : memref<13312xi32, #tpu.memory_space<vmem>>, vector<16xi32>,
      %mul3A_400 = arith.constant 8 : i32
      %mul3A_401 = arith.muli %scan3A_349, %mul3A_400 : i32
      %add3A_402 = arith.constant 3 : i32
      %add3A_403 = arith.addi %mul3A_401, %add3A_402 : i32
      %mul3A_404 = arith.constant 16 : i32
      %mul3A_405 = arith.muli %add3A_403, %mul3A_404 : i32
      %get3A_406 = arith.constant 15 : i32
      %get3A_407 = arith.index_cast %get3A_406 : i32 to index
      %get3A_408 = arith.index_cast %mul3A_405 : i32 to index
      %get3A_409 = tpu.vector_load %arg5[%get3A_407, %get3A_408] {strides = array<i32>} : memref<26x512xi32, #tpu.memory_space<vmem>>, vector<16xi32>,
      %add3A_410 = arith.constant 600000 : i32
      %add3A_411 = vector.broadcast %add3A_410 : i32 to vector<16xi32>
      %add3A_412 = arith.addi %get3A_409, %add3A_411 : vector<16xi32>
      %add3A_413 = arith.constant 7680 : i32
      %add3A_414 = arith.addi %add3A_413, %mul3A_405 : i32
      %swap3A_415 = arith.index_cast %add3A_414 : i32 to index
      %swap3A_416 = tpu.vector_load %arg6[%swap3A_415] {strides = array<i32>} : memref<13312xi32, #tpu.memory_space<vmem>>, vector<16xi32>,
      tpu.vector_store %arg6[%swap3A_415], %add3A_412 {strides = array<i32>} : memref<13312xi32, #tpu.memory_space<vmem>>, vector<16xi32>,
      %mul3A_417 = arith.constant 8 : i32
      %mul3A_418 = arith.muli %scan3A_349, %mul3A_417 : i32
      %add3A_419 = arith.constant 4 : i32
      %add3A_420 = arith.addi %mul3A_418, %add3A_419 : i32
      %mul3A_421 = arith.constant 16 : i32
      %mul3A_422 = arith.muli %add3A_420, %mul3A_421 : i32
      %get3A_423 = arith.constant 15 : i32
      %get3A_424 = arith.index_cast %get3A_423 : i32 to index
      %get3A_425 = arith.index_cast %mul3A_422 : i32 to index
      %get3A_426 = tpu.vector_load %arg5[%get3A_424, %get3A_425] {strides = array<i32>} : memref<26x512xi32, #tpu.memory_space<vmem>>, vector<16xi32>,
      %add3A_427 = arith.constant 600000 : i32
      %add3A_428 = vector.broadcast %add3A_427 : i32 to vector<16xi32>
      %add3A_429 = arith.addi %get3A_426, %add3A_428 : vector<16xi32>
      %add3A_430 = arith.constant 7680 : i32
      %add3A_431 = arith.addi %add3A_430, %mul3A_422 : i32
      %swap3A_432 = arith.index_cast %add3A_431 : i32 to index
      %swap3A_433 = tpu.vector_load %arg6[%swap3A_432] {strides = array<i32>} : memref<13312xi32, #tpu.memory_space<vmem>>, vector<16xi32>,
      tpu.vector_store %arg6[%swap3A_432], %add3A_429 {strides = array<i32>} : memref<13312xi32, #tpu.memory_space<vmem>>, vector<16xi32>,
      %mul3A_434 = arith.constant 8 : i32
      %mul3A_435 = arith.muli %scan3A_349, %mul3A_434 : i32
      %add3A_436 = arith.constant 5 : i32
      %add3A_437 = arith.addi %mul3A_435, %add3A_436 : i32
      %mul3A_438 = arith.constant 16 : i32
      %mul3A_439 = arith.muli %add3A_437, %mul3A_438 : i32
      %get3A_440 = arith.constant 15 : i32
      %get3A_441 = arith.index_cast %get3A_440 : i32 to index
      %get3A_442 = arith.index_cast %mul3A_439 : i32 to index
      %get3A_443 = tpu.vector_load %arg5[%get3A_441, %get3A_442] {strides = array<i32>} : memref<26x512xi32, #tpu.memory_space<vmem>>, vector<16xi32>,
      %add3A_444 = arith.constant 600000 : i32
      %add3A_445 = vector.broadcast %add3A_444 : i32 to vector<16xi32>
      %add3A_446 = arith.addi %get3A_443, %add3A_445 : vector<16xi32>
      %add3A_447 = arith.constant 7680 : i32
      %add3A_448 = arith.addi %add3A_447, %mul3A_439 : i32
      %swap3A_449 = arith.index_cast %add3A_448 : i32 to index
      %swap3A_450 = tpu.vector_load %arg6[%swap3A_449] {strides = array<i32>} : memref<13312xi32, #tpu.memory_space<vmem>>, vector<16xi32>,
      tpu.vector_store %arg6[%swap3A_449], %add3A_446 {strides = array<i32>} : memref<13312xi32, #tpu.memory_space<vmem>>, vector<16xi32>,
      %mul3A_451 = arith.constant 8 : i32
      %mul3A_452 = arith.muli %scan3A_349, %mul3A_451 : i32
      %add3A_453 = arith.constant 6 : i32
      %add3A_454 = arith.addi %mul3A_452, %add3A_453 : i32
      %mul3A_455 = arith.constant 16 : i32
      %mul3A_456 = arith.muli %add3A_454, %mul3A_455 : i32
      %get3A_457 = arith.constant 15 : i32
      %get3A_458 = arith.index_cast %get3A_457 : i32 to index
      %get3A_459 = arith.index_cast %mul3A_456 : i32 to index
      %get3A_460 = tpu.vector_load %arg5[%get3A_458, %get3A_459] {strides = array<i32>} : memref<26x512xi32, #tpu.memory_space<vmem>>, vector<16xi32>,
      %add3A_461 = arith.constant 600000 : i32
      %add3A_462 = vector.broadcast %add3A_461 : i32 to vector<16xi32>
      %add3A_463 = arith.addi %get3A_460, %add3A_462 : vector<16xi32>
      %add3A_464 = arith.constant 7680 : i32
      %add3A_465 = arith.addi %add3A_464, %mul3A_456 : i32
      %swap3A_466 = arith.index_cast %add3A_465 : i32 to index
      %swap3A_467 = tpu.vector_load %arg6[%swap3A_466] {strides = array<i32>} : memref<13312xi32, #tpu.memory_space<vmem>>, vector<16xi32>,
      tpu.vector_store %arg6[%swap3A_466], %add3A_463 {strides = array<i32>} : memref<13312xi32, #tpu.memory_space<vmem>>, vector<16xi32>,
      %mul3A_468 = arith.constant 8 : i32
      %mul3A_469 = arith.muli %scan3A_349, %mul3A_468 : i32
      %add3A_470 = arith.constant 7 : i32
      %add3A_471 = arith.addi %mul3A_469, %add3A_470 : i32
      %mul3A_472 = arith.constant 16 : i32
      %mul3A_473 = arith.muli %add3A_471, %mul3A_472 : i32
      %get3A_474 = arith.constant 15 : i32
      %get3A_475 = arith.index_cast %get3A_474 : i32 to index
      %get3A_476 = arith.index_cast %mul3A_473 : i32 to index
      %get3A_477 = tpu.vector_load %arg5[%get3A_475, %get3A_476] {strides = array<i32>} : memref<26x512xi32, #tpu.memory_space<vmem>>, vector<16xi32>,
      %add3A_478 = arith.constant 600000 : i32
      %add3A_479 = vector.broadcast %add3A_478 : i32 to vector<16xi32>
      %add3A_480 = arith.addi %get3A_477, %add3A_479 : vector<16xi32>
      %add3A_481 = arith.constant 7680 : i32
      %add3A_482 = arith.addi %add3A_481, %mul3A_473 : i32
      %swap3A_483 = arith.index_cast %add3A_482 : i32 to index
      %swap3A_484 = tpu.vector_load %arg6[%swap3A_483] {strides = array<i32>} : memref<13312xi32, #tpu.memory_space<vmem>>, vector<16xi32>,
      tpu.vector_store %arg6[%swap3A_483], %add3A_480 {strides = array<i32>} : memref<13312xi32, #tpu.memory_space<vmem>>, vector<16xi32>,
      %scan3A_485 = arith.constant 0 : i32
      scf.yield %scan3A_485 : i32
    }
    %scan3A_202 = arith.constant 4 : i32
    %dma_start3A_203 = arith.constant 7680 : i32
    %dma_start3A_204 = tpu.memref_slice %arg7[%dma_start3A_203] : memref<13312xf32, #tpu.memory_space<vmem>> -> memref<512xf32, #tpu.memory_space<vmem>>
    %dma_start3A_205 = arith.constant 7680 : i32
    %dma_start3A_206 = tpu.memref_slice %arg6[%dma_start3A_205] : memref<13312xi32, #tpu.memory_space<vmem>> -> memref<512xi32, #tpu.memory_space<vmem>>
    %dma_start3A_207 = arith.constant 0 : i32
    %dma_start3A_208 = tpu.memref_slice %arg3[%dma_start3A_207] : memref<1040384xf32, #tpu.memory_space<hbm>> -> memref<1040384xf32, #tpu.memory_space<hbm>>
    tpu.enqueue_indirect_dma source(%dma_start3A_208 : memref<1040384xf32, #tpu.memory_space<hbm>>) target(%dma_start3A_204 : memref<512xf32, #tpu.memory_space<vmem>>) offsets(%dma_start3A_206 : memref<512xi32, #tpu.memory_space<vmem>>) semaphore(%arg9 : memref<!tpu.dma_semaphore, #tpu.memory_space<semaphore_mem>>)
    %scan3A_209 = arith.constant 0 : i32
    %scan3A_210 = arith.constant 0 : i32
    %scan3A_211 = arith.constant 4 : i32
    %scan3A_212 = arith.addi %scan3A_210, %scan3A_211 : i32
    %scan3A_213 = arith.constant 1 : i32
    %scan3A_214 = scf.for %scan3A_349 = %scan3A_210 to %scan3A_212 step %scan3A_213 iter_args(%scan3A_350 = %scan3A_209) -> (i32)  : i32 {
      %mul3A_351 = arith.constant 8 : i32
      %mul3A_352 = arith.muli %scan3A_349, %mul3A_351 : i32
      %add3A_353 = arith.constant 0 : i32
      %add3A_354 = arith.addi %mul3A_352, %add3A_353 : i32
      %mul3A_355 = arith.constant 16 : i32
      %mul3A_356 = arith.muli %add3A_354, %mul3A_355 : i32
      %get3A = arith.constant 16 : i32
      %get3A_357 = arith.index_cast %get3A : i32 to index
      %get3A_358 = arith.index_cast %mul3A_356 : i32 to index
      %get3A_359 = tpu.vector_load %arg5[%get3A_357, %get3A_358] {strides = array<i32>} : memref<26x512xi32, #tpu.memory_space<vmem>>, vector<16xi32>,
      %add3A_360 = arith.constant 640000 : i32
      %add3A_361 = vector.broadcast %add3A_360 : i32 to vector<16xi32>
      %add3A_362 = arith.addi %get3A_359, %add3A_361 : vector<16xi32>
      %add3A_363 = arith.constant 8192 : i32
      %add3A_364 = arith.addi %add3A_363, %mul3A_356 : i32
      %swap3A = arith.index_cast %add3A_364 : i32 to index
      %swap3A_365 = tpu.vector_load %arg6[%swap3A] {strides = array<i32>} : memref<13312xi32, #tpu.memory_space<vmem>>, vector<16xi32>,
      tpu.vector_store %arg6[%swap3A], %add3A_362 {strides = array<i32>} : memref<13312xi32, #tpu.memory_space<vmem>>, vector<16xi32>,
      %mul3A_366 = arith.constant 8 : i32
      %mul3A_367 = arith.muli %scan3A_349, %mul3A_366 : i32
      %add3A_368 = arith.constant 1 : i32
      %add3A_369 = arith.addi %mul3A_367, %add3A_368 : i32
      %mul3A_370 = arith.constant 16 : i32
      %mul3A_371 = arith.muli %add3A_369, %mul3A_370 : i32
      %get3A_372 = arith.constant 16 : i32
      %get3A_373 = arith.index_cast %get3A_372 : i32 to index
      %get3A_374 = arith.index_cast %mul3A_371 : i32 to index
      %get3A_375 = tpu.vector_load %arg5[%get3A_373, %get3A_374] {strides = array<i32>} : memref<26x512xi32, #tpu.memory_space<vmem>>, vector<16xi32>,
      %add3A_376 = arith.constant 640000 : i32
      %add3A_377 = vector.broadcast %add3A_376 : i32 to vector<16xi32>
      %add3A_378 = arith.addi %get3A_375, %add3A_377 : vector<16xi32>
      %add3A_379 = arith.constant 8192 : i32
      %add3A_380 = arith.addi %add3A_379, %mul3A_371 : i32
      %swap3A_381 = arith.index_cast %add3A_380 : i32 to index
      %swap3A_382 = tpu.vector_load %arg6[%swap3A_381] {strides = array<i32>} : memref<13312xi32, #tpu.memory_space<vmem>>, vector<16xi32>,
      tpu.vector_store %arg6[%swap3A_381], %add3A_378 {strides = array<i32>} : memref<13312xi32, #tpu.memory_space<vmem>>, vector<16xi32>,
      %mul3A_383 = arith.constant 8 : i32
      %mul3A_384 = arith.muli %scan3A_349, %mul3A_383 : i32
      %add3A_385 = arith.constant 2 : i32
      %add3A_386 = arith.addi %mul3A_384, %add3A_385 : i32
      %mul3A_387 = arith.constant 16 : i32
      %mul3A_388 = arith.muli %add3A_386, %mul3A_387 : i32
      %get3A_389 = arith.constant 16 : i32
      %get3A_390 = arith.index_cast %get3A_389 : i32 to index
      %get3A_391 = arith.index_cast %mul3A_388 : i32 to index
      %get3A_392 = tpu.vector_load %arg5[%get3A_390, %get3A_391] {strides = array<i32>} : memref<26x512xi32, #tpu.memory_space<vmem>>, vector<16xi32>,
      %add3A_393 = arith.constant 640000 : i32
      %add3A_394 = vector.broadcast %add3A_393 : i32 to vector<16xi32>
      %add3A_395 = arith.addi %get3A_392, %add3A_394 : vector<16xi32>
      %add3A_396 = arith.constant 8192 : i32
      %add3A_397 = arith.addi %add3A_396, %mul3A_388 : i32
      %swap3A_398 = arith.index_cast %add3A_397 : i32 to index
      %swap3A_399 = tpu.vector_load %arg6[%swap3A_398] {strides = array<i32>} : memref<13312xi32, #tpu.memory_space<vmem>>, vector<16xi32>,
      tpu.vector_store %arg6[%swap3A_398], %add3A_395 {strides = array<i32>} : memref<13312xi32, #tpu.memory_space<vmem>>, vector<16xi32>,
      %mul3A_400 = arith.constant 8 : i32
      %mul3A_401 = arith.muli %scan3A_349, %mul3A_400 : i32
      %add3A_402 = arith.constant 3 : i32
      %add3A_403 = arith.addi %mul3A_401, %add3A_402 : i32
      %mul3A_404 = arith.constant 16 : i32
      %mul3A_405 = arith.muli %add3A_403, %mul3A_404 : i32
      %get3A_406 = arith.constant 16 : i32
      %get3A_407 = arith.index_cast %get3A_406 : i32 to index
      %get3A_408 = arith.index_cast %mul3A_405 : i32 to index
      %get3A_409 = tpu.vector_load %arg5[%get3A_407, %get3A_408] {strides = array<i32>} : memref<26x512xi32, #tpu.memory_space<vmem>>, vector<16xi32>,
      %add3A_410 = arith.constant 640000 : i32
      %add3A_411 = vector.broadcast %add3A_410 : i32 to vector<16xi32>
      %add3A_412 = arith.addi %get3A_409, %add3A_411 : vector<16xi32>
      %add3A_413 = arith.constant 8192 : i32
      %add3A_414 = arith.addi %add3A_413, %mul3A_405 : i32
      %swap3A_415 = arith.index_cast %add3A_414 : i32 to index
      %swap3A_416 = tpu.vector_load %arg6[%swap3A_415] {strides = array<i32>} : memref<13312xi32, #tpu.memory_space<vmem>>, vector<16xi32>,
      tpu.vector_store %arg6[%swap3A_415], %add3A_412 {strides = array<i32>} : memref<13312xi32, #tpu.memory_space<vmem>>, vector<16xi32>,
      %mul3A_417 = arith.constant 8 : i32
      %mul3A_418 = arith.muli %scan3A_349, %mul3A_417 : i32
      %add3A_419 = arith.constant 4 : i32
      %add3A_420 = arith.addi %mul3A_418, %add3A_419 : i32
      %mul3A_421 = arith.constant 16 : i32
      %mul3A_422 = arith.muli %add3A_420, %mul3A_421 : i32
      %get3A_423 = arith.constant 16 : i32
      %get3A_424 = arith.index_cast %get3A_423 : i32 to index
      %get3A_425 = arith.index_cast %mul3A_422 : i32 to index
      %get3A_426 = tpu.vector_load %arg5[%get3A_424, %get3A_425] {strides = array<i32>} : memref<26x512xi32, #tpu.memory_space<vmem>>, vector<16xi32>,
      %add3A_427 = arith.constant 640000 : i32
      %add3A_428 = vector.broadcast %add3A_427 : i32 to vector<16xi32>
      %add3A_429 = arith.addi %get3A_426, %add3A_428 : vector<16xi32>
      %add3A_430 = arith.constant 8192 : i32
      %add3A_431 = arith.addi %add3A_430, %mul3A_422 : i32
      %swap3A_432 = arith.index_cast %add3A_431 : i32 to index
      %swap3A_433 = tpu.vector_load %arg6[%swap3A_432] {strides = array<i32>} : memref<13312xi32, #tpu.memory_space<vmem>>, vector<16xi32>,
      tpu.vector_store %arg6[%swap3A_432], %add3A_429 {strides = array<i32>} : memref<13312xi32, #tpu.memory_space<vmem>>, vector<16xi32>,
      %mul3A_434 = arith.constant 8 : i32
      %mul3A_435 = arith.muli %scan3A_349, %mul3A_434 : i32
      %add3A_436 = arith.constant 5 : i32
      %add3A_437 = arith.addi %mul3A_435, %add3A_436 : i32
      %mul3A_438 = arith.constant 16 : i32
      %mul3A_439 = arith.muli %add3A_437, %mul3A_438 : i32
      %get3A_440 = arith.constant 16 : i32
      %get3A_441 = arith.index_cast %get3A_440 : i32 to index
      %get3A_442 = arith.index_cast %mul3A_439 : i32 to index
      %get3A_443 = tpu.vector_load %arg5[%get3A_441, %get3A_442] {strides = array<i32>} : memref<26x512xi32, #tpu.memory_space<vmem>>, vector<16xi32>,
      %add3A_444 = arith.constant 640000 : i32
      %add3A_445 = vector.broadcast %add3A_444 : i32 to vector<16xi32>
      %add3A_446 = arith.addi %get3A_443, %add3A_445 : vector<16xi32>
      %add3A_447 = arith.constant 8192 : i32
      %add3A_448 = arith.addi %add3A_447, %mul3A_439 : i32
      %swap3A_449 = arith.index_cast %add3A_448 : i32 to index
      %swap3A_450 = tpu.vector_load %arg6[%swap3A_449] {strides = array<i32>} : memref<13312xi32, #tpu.memory_space<vmem>>, vector<16xi32>,
      tpu.vector_store %arg6[%swap3A_449], %add3A_446 {strides = array<i32>} : memref<13312xi32, #tpu.memory_space<vmem>>, vector<16xi32>,
      %mul3A_451 = arith.constant 8 : i32
      %mul3A_452 = arith.muli %scan3A_349, %mul3A_451 : i32
      %add3A_453 = arith.constant 6 : i32
      %add3A_454 = arith.addi %mul3A_452, %add3A_453 : i32
      %mul3A_455 = arith.constant 16 : i32
      %mul3A_456 = arith.muli %add3A_454, %mul3A_455 : i32
      %get3A_457 = arith.constant 16 : i32
      %get3A_458 = arith.index_cast %get3A_457 : i32 to index
      %get3A_459 = arith.index_cast %mul3A_456 : i32 to index
      %get3A_460 = tpu.vector_load %arg5[%get3A_458, %get3A_459] {strides = array<i32>} : memref<26x512xi32, #tpu.memory_space<vmem>>, vector<16xi32>,
      %add3A_461 = arith.constant 640000 : i32
      %add3A_462 = vector.broadcast %add3A_461 : i32 to vector<16xi32>
      %add3A_463 = arith.addi %get3A_460, %add3A_462 : vector<16xi32>
      %add3A_464 = arith.constant 8192 : i32
      %add3A_465 = arith.addi %add3A_464, %mul3A_456 : i32
      %swap3A_466 = arith.index_cast %add3A_465 : i32 to index
      %swap3A_467 = tpu.vector_load %arg6[%swap3A_466] {strides = array<i32>} : memref<13312xi32, #tpu.memory_space<vmem>>, vector<16xi32>,
      tpu.vector_store %arg6[%swap3A_466], %add3A_463 {strides = array<i32>} : memref<13312xi32, #tpu.memory_space<vmem>>, vector<16xi32>,
      %mul3A_468 = arith.constant 8 : i32
      %mul3A_469 = arith.muli %scan3A_349, %mul3A_468 : i32
      %add3A_470 = arith.constant 7 : i32
      %add3A_471 = arith.addi %mul3A_469, %add3A_470 : i32
      %mul3A_472 = arith.constant 16 : i32
      %mul3A_473 = arith.muli %add3A_471, %mul3A_472 : i32
      %get3A_474 = arith.constant 16 : i32
      %get3A_475 = arith.index_cast %get3A_474 : i32 to index
      %get3A_476 = arith.index_cast %mul3A_473 : i32 to index
      %get3A_477 = tpu.vector_load %arg5[%get3A_475, %get3A_476] {strides = array<i32>} : memref<26x512xi32, #tpu.memory_space<vmem>>, vector<16xi32>,
      %add3A_478 = arith.constant 640000 : i32
      %add3A_479 = vector.broadcast %add3A_478 : i32 to vector<16xi32>
      %add3A_480 = arith.addi %get3A_477, %add3A_479 : vector<16xi32>
      %add3A_481 = arith.constant 8192 : i32
      %add3A_482 = arith.addi %add3A_481, %mul3A_473 : i32
      %swap3A_483 = arith.index_cast %add3A_482 : i32 to index
      %swap3A_484 = tpu.vector_load %arg6[%swap3A_483] {strides = array<i32>} : memref<13312xi32, #tpu.memory_space<vmem>>, vector<16xi32>,
      tpu.vector_store %arg6[%swap3A_483], %add3A_480 {strides = array<i32>} : memref<13312xi32, #tpu.memory_space<vmem>>, vector<16xi32>,
      %scan3A_485 = arith.constant 0 : i32
      scf.yield %scan3A_485 : i32
    }
    %scan3A_215 = arith.constant 4 : i32
    %dma_start3A_216 = arith.constant 8192 : i32
    %dma_start3A_217 = tpu.memref_slice %arg7[%dma_start3A_216] : memref<13312xf32, #tpu.memory_space<vmem>> -> memref<512xf32, #tpu.memory_space<vmem>>
    %dma_start3A_218 = arith.constant 8192 : i32
    %dma_start3A_219 = tpu.memref_slice %arg6[%dma_start3A_218] : memref<13312xi32, #tpu.memory_space<vmem>> -> memref<512xi32, #tpu.memory_space<vmem>>
    %dma_start3A_220 = arith.constant 0 : i32
    %dma_start3A_221 = tpu.memref_slice %arg3[%dma_start3A_220] : memref<1040384xf32, #tpu.memory_space<hbm>> -> memref<1040384xf32, #tpu.memory_space<hbm>>
    tpu.enqueue_indirect_dma source(%dma_start3A_221 : memref<1040384xf32, #tpu.memory_space<hbm>>) target(%dma_start3A_217 : memref<512xf32, #tpu.memory_space<vmem>>) offsets(%dma_start3A_219 : memref<512xi32, #tpu.memory_space<vmem>>) semaphore(%arg9 : memref<!tpu.dma_semaphore, #tpu.memory_space<semaphore_mem>>)
    %scan3A_222 = arith.constant 0 : i32
    %scan3A_223 = arith.constant 0 : i32
    %scan3A_224 = arith.constant 4 : i32
    %scan3A_225 = arith.addi %scan3A_223, %scan3A_224 : i32
    %scan3A_226 = arith.constant 1 : i32
    %scan3A_227 = scf.for %scan3A_349 = %scan3A_223 to %scan3A_225 step %scan3A_226 iter_args(%scan3A_350 = %scan3A_222) -> (i32)  : i32 {
      %mul3A_351 = arith.constant 8 : i32
      %mul3A_352 = arith.muli %scan3A_349, %mul3A_351 : i32
      %add3A_353 = arith.constant 0 : i32
      %add3A_354 = arith.addi %mul3A_352, %add3A_353 : i32
      %mul3A_355 = arith.constant 16 : i32
      %mul3A_356 = arith.muli %add3A_354, %mul3A_355 : i32
      %get3A = arith.constant 17 : i32
      %get3A_357 = arith.index_cast %get3A : i32 to index
      %get3A_358 = arith.index_cast %mul3A_356 : i32 to index
      %get3A_359 = tpu.vector_load %arg5[%get3A_357, %get3A_358] {strides = array<i32>} : memref<26x512xi32, #tpu.memory_space<vmem>>, vector<16xi32>,
      %add3A_360 = arith.constant 680000 : i32
      %add3A_361 = vector.broadcast %add3A_360 : i32 to vector<16xi32>
      %add3A_362 = arith.addi %get3A_359, %add3A_361 : vector<16xi32>
      %add3A_363 = arith.constant 8704 : i32
      %add3A_364 = arith.addi %add3A_363, %mul3A_356 : i32
      %swap3A = arith.index_cast %add3A_364 : i32 to index
      %swap3A_365 = tpu.vector_load %arg6[%swap3A] {strides = array<i32>} : memref<13312xi32, #tpu.memory_space<vmem>>, vector<16xi32>,
      tpu.vector_store %arg6[%swap3A], %add3A_362 {strides = array<i32>} : memref<13312xi32, #tpu.memory_space<vmem>>, vector<16xi32>,
      %mul3A_366 = arith.constant 8 : i32
      %mul3A_367 = arith.muli %scan3A_349, %mul3A_366 : i32
      %add3A_368 = arith.constant 1 : i32
      %add3A_369 = arith.addi %mul3A_367, %add3A_368 : i32
      %mul3A_370 = arith.constant 16 : i32
      %mul3A_371 = arith.muli %add3A_369, %mul3A_370 : i32
      %get3A_372 = arith.constant 17 : i32
      %get3A_373 = arith.index_cast %get3A_372 : i32 to index
      %get3A_374 = arith.index_cast %mul3A_371 : i32 to index
      %get3A_375 = tpu.vector_load %arg5[%get3A_373, %get3A_374] {strides = array<i32>} : memref<26x512xi32, #tpu.memory_space<vmem>>, vector<16xi32>,
      %add3A_376 = arith.constant 680000 : i32
      %add3A_377 = vector.broadcast %add3A_376 : i32 to vector<16xi32>
      %add3A_378 = arith.addi %get3A_375, %add3A_377 : vector<16xi32>
      %add3A_379 = arith.constant 8704 : i32
      %add3A_380 = arith.addi %add3A_379, %mul3A_371 : i32
      %swap3A_381 = arith.index_cast %add3A_380 : i32 to index
      %swap3A_382 = tpu.vector_load %arg6[%swap3A_381] {strides = array<i32>} : memref<13312xi32, #tpu.memory_space<vmem>>, vector<16xi32>,
      tpu.vector_store %arg6[%swap3A_381], %add3A_378 {strides = array<i32>} : memref<13312xi32, #tpu.memory_space<vmem>>, vector<16xi32>,
      %mul3A_383 = arith.constant 8 : i32
      %mul3A_384 = arith.muli %scan3A_349, %mul3A_383 : i32
      %add3A_385 = arith.constant 2 : i32
      %add3A_386 = arith.addi %mul3A_384, %add3A_385 : i32
      %mul3A_387 = arith.constant 16 : i32
      %mul3A_388 = arith.muli %add3A_386, %mul3A_387 : i32
      %get3A_389 = arith.constant 17 : i32
      %get3A_390 = arith.index_cast %get3A_389 : i32 to index
      %get3A_391 = arith.index_cast %mul3A_388 : i32 to index
      %get3A_392 = tpu.vector_load %arg5[%get3A_390, %get3A_391] {strides = array<i32>} : memref<26x512xi32, #tpu.memory_space<vmem>>, vector<16xi32>,
      %add3A_393 = arith.constant 680000 : i32
      %add3A_394 = vector.broadcast %add3A_393 : i32 to vector<16xi32>
      %add3A_395 = arith.addi %get3A_392, %add3A_394 : vector<16xi32>
      %add3A_396 = arith.constant 8704 : i32
      %add3A_397 = arith.addi %add3A_396, %mul3A_388 : i32
      %swap3A_398 = arith.index_cast %add3A_397 : i32 to index
      %swap3A_399 = tpu.vector_load %arg6[%swap3A_398] {strides = array<i32>} : memref<13312xi32, #tpu.memory_space<vmem>>, vector<16xi32>,
      tpu.vector_store %arg6[%swap3A_398], %add3A_395 {strides = array<i32>} : memref<13312xi32, #tpu.memory_space<vmem>>, vector<16xi32>,
      %mul3A_400 = arith.constant 8 : i32
      %mul3A_401 = arith.muli %scan3A_349, %mul3A_400 : i32
      %add3A_402 = arith.constant 3 : i32
      %add3A_403 = arith.addi %mul3A_401, %add3A_402 : i32
      %mul3A_404 = arith.constant 16 : i32
      %mul3A_405 = arith.muli %add3A_403, %mul3A_404 : i32
      %get3A_406 = arith.constant 17 : i32
      %get3A_407 = arith.index_cast %get3A_406 : i32 to index
      %get3A_408 = arith.index_cast %mul3A_405 : i32 to index
      %get3A_409 = tpu.vector_load %arg5[%get3A_407, %get3A_408] {strides = array<i32>} : memref<26x512xi32, #tpu.memory_space<vmem>>, vector<16xi32>,
      %add3A_410 = arith.constant 680000 : i32
      %add3A_411 = vector.broadcast %add3A_410 : i32 to vector<16xi32>
      %add3A_412 = arith.addi %get3A_409, %add3A_411 : vector<16xi32>
      %add3A_413 = arith.constant 8704 : i32
      %add3A_414 = arith.addi %add3A_413, %mul3A_405 : i32
      %swap3A_415 = arith.index_cast %add3A_414 : i32 to index
      %swap3A_416 = tpu.vector_load %arg6[%swap3A_415] {strides = array<i32>} : memref<13312xi32, #tpu.memory_space<vmem>>, vector<16xi32>,
      tpu.vector_store %arg6[%swap3A_415], %add3A_412 {strides = array<i32>} : memref<13312xi32, #tpu.memory_space<vmem>>, vector<16xi32>,
      %mul3A_417 = arith.constant 8 : i32
      %mul3A_418 = arith.muli %scan3A_349, %mul3A_417 : i32
      %add3A_419 = arith.constant 4 : i32
      %add3A_420 = arith.addi %mul3A_418, %add3A_419 : i32
      %mul3A_421 = arith.constant 16 : i32
      %mul3A_422 = arith.muli %add3A_420, %mul3A_421 : i32
      %get3A_423 = arith.constant 17 : i32
      %get3A_424 = arith.index_cast %get3A_423 : i32 to index
      %get3A_425 = arith.index_cast %mul3A_422 : i32 to index
      %get3A_426 = tpu.vector_load %arg5[%get3A_424, %get3A_425] {strides = array<i32>} : memref<26x512xi32, #tpu.memory_space<vmem>>, vector<16xi32>,
      %add3A_427 = arith.constant 680000 : i32
      %add3A_428 = vector.broadcast %add3A_427 : i32 to vector<16xi32>
      %add3A_429 = arith.addi %get3A_426, %add3A_428 : vector<16xi32>
      %add3A_430 = arith.constant 8704 : i32
      %add3A_431 = arith.addi %add3A_430, %mul3A_422 : i32
      %swap3A_432 = arith.index_cast %add3A_431 : i32 to index
      %swap3A_433 = tpu.vector_load %arg6[%swap3A_432] {strides = array<i32>} : memref<13312xi32, #tpu.memory_space<vmem>>, vector<16xi32>,
      tpu.vector_store %arg6[%swap3A_432], %add3A_429 {strides = array<i32>} : memref<13312xi32, #tpu.memory_space<vmem>>, vector<16xi32>,
      %mul3A_434 = arith.constant 8 : i32
      %mul3A_435 = arith.muli %scan3A_349, %mul3A_434 : i32
      %add3A_436 = arith.constant 5 : i32
      %add3A_437 = arith.addi %mul3A_435, %add3A_436 : i32
      %mul3A_438 = arith.constant 16 : i32
      %mul3A_439 = arith.muli %add3A_437, %mul3A_438 : i32
      %get3A_440 = arith.constant 17 : i32
      %get3A_441 = arith.index_cast %get3A_440 : i32 to index
      %get3A_442 = arith.index_cast %mul3A_439 : i32 to index
      %get3A_443 = tpu.vector_load %arg5[%get3A_441, %get3A_442] {strides = array<i32>} : memref<26x512xi32, #tpu.memory_space<vmem>>, vector<16xi32>,
      %add3A_444 = arith.constant 680000 : i32
      %add3A_445 = vector.broadcast %add3A_444 : i32 to vector<16xi32>
      %add3A_446 = arith.addi %get3A_443, %add3A_445 : vector<16xi32>
      %add3A_447 = arith.constant 8704 : i32
      %add3A_448 = arith.addi %add3A_447, %mul3A_439 : i32
      %swap3A_449 = arith.index_cast %add3A_448 : i32 to index
      %swap3A_450 = tpu.vector_load %arg6[%swap3A_449] {strides = array<i32>} : memref<13312xi32, #tpu.memory_space<vmem>>, vector<16xi32>,
      tpu.vector_store %arg6[%swap3A_449], %add3A_446 {strides = array<i32>} : memref<13312xi32, #tpu.memory_space<vmem>>, vector<16xi32>,
      %mul3A_451 = arith.constant 8 : i32
      %mul3A_452 = arith.muli %scan3A_349, %mul3A_451 : i32
      %add3A_453 = arith.constant 6 : i32
      %add3A_454 = arith.addi %mul3A_452, %add3A_453 : i32
      %mul3A_455 = arith.constant 16 : i32
      %mul3A_456 = arith.muli %add3A_454, %mul3A_455 : i32
      %get3A_457 = arith.constant 17 : i32
      %get3A_458 = arith.index_cast %get3A_457 : i32 to index
      %get3A_459 = arith.index_cast %mul3A_456 : i32 to index
      %get3A_460 = tpu.vector_load %arg5[%get3A_458, %get3A_459] {strides = array<i32>} : memref<26x512xi32, #tpu.memory_space<vmem>>, vector<16xi32>,
      %add3A_461 = arith.constant 680000 : i32
      %add3A_462 = vector.broadcast %add3A_461 : i32 to vector<16xi32>
      %add3A_463 = arith.addi %get3A_460, %add3A_462 : vector<16xi32>
      %add3A_464 = arith.constant 8704 : i32
      %add3A_465 = arith.addi %add3A_464, %mul3A_456 : i32
      %swap3A_466 = arith.index_cast %add3A_465 : i32 to index
      %swap3A_467 = tpu.vector_load %arg6[%swap3A_466] {strides = array<i32>} : memref<13312xi32, #tpu.memory_space<vmem>>, vector<16xi32>,
      tpu.vector_store %arg6[%swap3A_466], %add3A_463 {strides = array<i32>} : memref<13312xi32, #tpu.memory_space<vmem>>, vector<16xi32>,
      %mul3A_468 = arith.constant 8 : i32
      %mul3A_469 = arith.muli %scan3A_349, %mul3A_468 : i32
      %add3A_470 = arith.constant 7 : i32
      %add3A_471 = arith.addi %mul3A_469, %add3A_470 : i32
      %mul3A_472 = arith.constant 16 : i32
      %mul3A_473 = arith.muli %add3A_471, %mul3A_472 : i32
      %get3A_474 = arith.constant 17 : i32
      %get3A_475 = arith.index_cast %get3A_474 : i32 to index
      %get3A_476 = arith.index_cast %mul3A_473 : i32 to index
      %get3A_477 = tpu.vector_load %arg5[%get3A_475, %get3A_476] {strides = array<i32>} : memref<26x512xi32, #tpu.memory_space<vmem>>, vector<16xi32>,
      %add3A_478 = arith.constant 680000 : i32
      %add3A_479 = vector.broadcast %add3A_478 : i32 to vector<16xi32>
      %add3A_480 = arith.addi %get3A_477, %add3A_479 : vector<16xi32>
      %add3A_481 = arith.constant 8704 : i32
      %add3A_482 = arith.addi %add3A_481, %mul3A_473 : i32
      %swap3A_483 = arith.index_cast %add3A_482 : i32 to index
      %swap3A_484 = tpu.vector_load %arg6[%swap3A_483] {strides = array<i32>} : memref<13312xi32, #tpu.memory_space<vmem>>, vector<16xi32>,
      tpu.vector_store %arg6[%swap3A_483], %add3A_480 {strides = array<i32>} : memref<13312xi32, #tpu.memory_space<vmem>>, vector<16xi32>,
      %scan3A_485 = arith.constant 0 : i32
      scf.yield %scan3A_485 : i32
    }
    %scan3A_228 = arith.constant 4 : i32
    %dma_start3A_229 = arith.constant 8704 : i32
    %dma_start3A_230 = tpu.memref_slice %arg7[%dma_start3A_229] : memref<13312xf32, #tpu.memory_space<vmem>> -> memref<512xf32, #tpu.memory_space<vmem>>
    %dma_start3A_231 = arith.constant 8704 : i32
    %dma_start3A_232 = tpu.memref_slice %arg6[%dma_start3A_231] : memref<13312xi32, #tpu.memory_space<vmem>> -> memref<512xi32, #tpu.memory_space<vmem>>
    %dma_start3A_233 = arith.constant 0 : i32
    %dma_start3A_234 = tpu.memref_slice %arg3[%dma_start3A_233] : memref<1040384xf32, #tpu.memory_space<hbm>> -> memref<1040384xf32, #tpu.memory_space<hbm>>
    tpu.enqueue_indirect_dma source(%dma_start3A_234 : memref<1040384xf32, #tpu.memory_space<hbm>>) target(%dma_start3A_230 : memref<512xf32, #tpu.memory_space<vmem>>) offsets(%dma_start3A_232 : memref<512xi32, #tpu.memory_space<vmem>>) semaphore(%arg9 : memref<!tpu.dma_semaphore, #tpu.memory_space<semaphore_mem>>)
    %scan3A_235 = arith.constant 0 : i32
    %scan3A_236 = arith.constant 0 : i32
    %scan3A_237 = arith.constant 4 : i32
    %scan3A_238 = arith.addi %scan3A_236, %scan3A_237 : i32
    %scan3A_239 = arith.constant 1 : i32
    %scan3A_240 = scf.for %scan3A_349 = %scan3A_236 to %scan3A_238 step %scan3A_239 iter_args(%scan3A_350 = %scan3A_235) -> (i32)  : i32 {
      %mul3A_351 = arith.constant 8 : i32
      %mul3A_352 = arith.muli %scan3A_349, %mul3A_351 : i32
      %add3A_353 = arith.constant 0 : i32
      %add3A_354 = arith.addi %mul3A_352, %add3A_353 : i32
      %mul3A_355 = arith.constant 16 : i32
      %mul3A_356 = arith.muli %add3A_354, %mul3A_355 : i32
      %get3A = arith.constant 18 : i32
      %get3A_357 = arith.index_cast %get3A : i32 to index
      %get3A_358 = arith.index_cast %mul3A_356 : i32 to index
      %get3A_359 = tpu.vector_load %arg5[%get3A_357, %get3A_358] {strides = array<i32>} : memref<26x512xi32, #tpu.memory_space<vmem>>, vector<16xi32>,
      %add3A_360 = arith.constant 720000 : i32
      %add3A_361 = vector.broadcast %add3A_360 : i32 to vector<16xi32>
      %add3A_362 = arith.addi %get3A_359, %add3A_361 : vector<16xi32>
      %add3A_363 = arith.constant 9216 : i32
      %add3A_364 = arith.addi %add3A_363, %mul3A_356 : i32
      %swap3A = arith.index_cast %add3A_364 : i32 to index
      %swap3A_365 = tpu.vector_load %arg6[%swap3A] {strides = array<i32>} : memref<13312xi32, #tpu.memory_space<vmem>>, vector<16xi32>,
      tpu.vector_store %arg6[%swap3A], %add3A_362 {strides = array<i32>} : memref<13312xi32, #tpu.memory_space<vmem>>, vector<16xi32>,
      %mul3A_366 = arith.constant 8 : i32
      %mul3A_367 = arith.muli %scan3A_349, %mul3A_366 : i32
      %add3A_368 = arith.constant 1 : i32
      %add3A_369 = arith.addi %mul3A_367, %add3A_368 : i32
      %mul3A_370 = arith.constant 16 : i32
      %mul3A_371 = arith.muli %add3A_369, %mul3A_370 : i32
      %get3A_372 = arith.constant 18 : i32
      %get3A_373 = arith.index_cast %get3A_372 : i32 to index
      %get3A_374 = arith.index_cast %mul3A_371 : i32 to index
      %get3A_375 = tpu.vector_load %arg5[%get3A_373, %get3A_374] {strides = array<i32>} : memref<26x512xi32, #tpu.memory_space<vmem>>, vector<16xi32>,
      %add3A_376 = arith.constant 720000 : i32
      %add3A_377 = vector.broadcast %add3A_376 : i32 to vector<16xi32>
      %add3A_378 = arith.addi %get3A_375, %add3A_377 : vector<16xi32>
      %add3A_379 = arith.constant 9216 : i32
      %add3A_380 = arith.addi %add3A_379, %mul3A_371 : i32
      %swap3A_381 = arith.index_cast %add3A_380 : i32 to index
      %swap3A_382 = tpu.vector_load %arg6[%swap3A_381] {strides = array<i32>} : memref<13312xi32, #tpu.memory_space<vmem>>, vector<16xi32>,
      tpu.vector_store %arg6[%swap3A_381], %add3A_378 {strides = array<i32>} : memref<13312xi32, #tpu.memory_space<vmem>>, vector<16xi32>,
      %mul3A_383 = arith.constant 8 : i32
      %mul3A_384 = arith.muli %scan3A_349, %mul3A_383 : i32
      %add3A_385 = arith.constant 2 : i32
      %add3A_386 = arith.addi %mul3A_384, %add3A_385 : i32
      %mul3A_387 = arith.constant 16 : i32
      %mul3A_388 = arith.muli %add3A_386, %mul3A_387 : i32
      %get3A_389 = arith.constant 18 : i32
      %get3A_390 = arith.index_cast %get3A_389 : i32 to index
      %get3A_391 = arith.index_cast %mul3A_388 : i32 to index
      %get3A_392 = tpu.vector_load %arg5[%get3A_390, %get3A_391] {strides = array<i32>} : memref<26x512xi32, #tpu.memory_space<vmem>>, vector<16xi32>,
      %add3A_393 = arith.constant 720000 : i32
      %add3A_394 = vector.broadcast %add3A_393 : i32 to vector<16xi32>
      %add3A_395 = arith.addi %get3A_392, %add3A_394 : vector<16xi32>
      %add3A_396 = arith.constant 9216 : i32
      %add3A_397 = arith.addi %add3A_396, %mul3A_388 : i32
      %swap3A_398 = arith.index_cast %add3A_397 : i32 to index
      %swap3A_399 = tpu.vector_load %arg6[%swap3A_398] {strides = array<i32>} : memref<13312xi32, #tpu.memory_space<vmem>>, vector<16xi32>,
      tpu.vector_store %arg6[%swap3A_398], %add3A_395 {strides = array<i32>} : memref<13312xi32, #tpu.memory_space<vmem>>, vector<16xi32>,
      %mul3A_400 = arith.constant 8 : i32
      %mul3A_401 = arith.muli %scan3A_349, %mul3A_400 : i32
      %add3A_402 = arith.constant 3 : i32
      %add3A_403 = arith.addi %mul3A_401, %add3A_402 : i32
      %mul3A_404 = arith.constant 16 : i32
      %mul3A_405 = arith.muli %add3A_403, %mul3A_404 : i32
      %get3A_406 = arith.constant 18 : i32
      %get3A_407 = arith.index_cast %get3A_406 : i32 to index
      %get3A_408 = arith.index_cast %mul3A_405 : i32 to index
      %get3A_409 = tpu.vector_load %arg5[%get3A_407, %get3A_408] {strides = array<i32>} : memref<26x512xi32, #tpu.memory_space<vmem>>, vector<16xi32>,
      %add3A_410 = arith.constant 720000 : i32
      %add3A_411 = vector.broadcast %add3A_410 : i32 to vector<16xi32>
      %add3A_412 = arith.addi %get3A_409, %add3A_411 : vector<16xi32>
      %add3A_413 = arith.constant 9216 : i32
      %add3A_414 = arith.addi %add3A_413, %mul3A_405 : i32
      %swap3A_415 = arith.index_cast %add3A_414 : i32 to index
      %swap3A_416 = tpu.vector_load %arg6[%swap3A_415] {strides = array<i32>} : memref<13312xi32, #tpu.memory_space<vmem>>, vector<16xi32>,
      tpu.vector_store %arg6[%swap3A_415], %add3A_412 {strides = array<i32>} : memref<13312xi32, #tpu.memory_space<vmem>>, vector<16xi32>,
      %mul3A_417 = arith.constant 8 : i32
      %mul3A_418 = arith.muli %scan3A_349, %mul3A_417 : i32
      %add3A_419 = arith.constant 4 : i32
      %add3A_420 = arith.addi %mul3A_418, %add3A_419 : i32
      %mul3A_421 = arith.constant 16 : i32
      %mul3A_422 = arith.muli %add3A_420, %mul3A_421 : i32
      %get3A_423 = arith.constant 18 : i32
      %get3A_424 = arith.index_cast %get3A_423 : i32 to index
      %get3A_425 = arith.index_cast %mul3A_422 : i32 to index
      %get3A_426 = tpu.vector_load %arg5[%get3A_424, %get3A_425] {strides = array<i32>} : memref<26x512xi32, #tpu.memory_space<vmem>>, vector<16xi32>,
      %add3A_427 = arith.constant 720000 : i32
      %add3A_428 = vector.broadcast %add3A_427 : i32 to vector<16xi32>
      %add3A_429 = arith.addi %get3A_426, %add3A_428 : vector<16xi32>
      %add3A_430 = arith.constant 9216 : i32
      %add3A_431 = arith.addi %add3A_430, %mul3A_422 : i32
      %swap3A_432 = arith.index_cast %add3A_431 : i32 to index
      %swap3A_433 = tpu.vector_load %arg6[%swap3A_432] {strides = array<i32>} : memref<13312xi32, #tpu.memory_space<vmem>>, vector<16xi32>,
      tpu.vector_store %arg6[%swap3A_432], %add3A_429 {strides = array<i32>} : memref<13312xi32, #tpu.memory_space<vmem>>, vector<16xi32>,
      %mul3A_434 = arith.constant 8 : i32
      %mul3A_435 = arith.muli %scan3A_349, %mul3A_434 : i32
      %add3A_436 = arith.constant 5 : i32
      %add3A_437 = arith.addi %mul3A_435, %add3A_436 : i32
      %mul3A_438 = arith.constant 16 : i32
      %mul3A_439 = arith.muli %add3A_437, %mul3A_438 : i32
      %get3A_440 = arith.constant 18 : i32
      %get3A_441 = arith.index_cast %get3A_440 : i32 to index
      %get3A_442 = arith.index_cast %mul3A_439 : i32 to index
      %get3A_443 = tpu.vector_load %arg5[%get3A_441, %get3A_442] {strides = array<i32>} : memref<26x512xi32, #tpu.memory_space<vmem>>, vector<16xi32>,
      %add3A_444 = arith.constant 720000 : i32
      %add3A_445 = vector.broadcast %add3A_444 : i32 to vector<16xi32>
      %add3A_446 = arith.addi %get3A_443, %add3A_445 : vector<16xi32>
      %add3A_447 = arith.constant 9216 : i32
      %add3A_448 = arith.addi %add3A_447, %mul3A_439 : i32
      %swap3A_449 = arith.index_cast %add3A_448 : i32 to index
      %swap3A_450 = tpu.vector_load %arg6[%swap3A_449] {strides = array<i32>} : memref<13312xi32, #tpu.memory_space<vmem>>, vector<16xi32>,
      tpu.vector_store %arg6[%swap3A_449], %add3A_446 {strides = array<i32>} : memref<13312xi32, #tpu.memory_space<vmem>>, vector<16xi32>,
      %mul3A_451 = arith.constant 8 : i32
      %mul3A_452 = arith.muli %scan3A_349, %mul3A_451 : i32
      %add3A_453 = arith.constant 6 : i32
      %add3A_454 = arith.addi %mul3A_452, %add3A_453 : i32
      %mul3A_455 = arith.constant 16 : i32
      %mul3A_456 = arith.muli %add3A_454, %mul3A_455 : i32
      %get3A_457 = arith.constant 18 : i32
      %get3A_458 = arith.index_cast %get3A_457 : i32 to index
      %get3A_459 = arith.index_cast %mul3A_456 : i32 to index
      %get3A_460 = tpu.vector_load %arg5[%get3A_458, %get3A_459] {strides = array<i32>} : memref<26x512xi32, #tpu.memory_space<vmem>>, vector<16xi32>,
      %add3A_461 = arith.constant 720000 : i32
      %add3A_462 = vector.broadcast %add3A_461 : i32 to vector<16xi32>
      %add3A_463 = arith.addi %get3A_460, %add3A_462 : vector<16xi32>
      %add3A_464 = arith.constant 9216 : i32
      %add3A_465 = arith.addi %add3A_464, %mul3A_456 : i32
      %swap3A_466 = arith.index_cast %add3A_465 : i32 to index
      %swap3A_467 = tpu.vector_load %arg6[%swap3A_466] {strides = array<i32>} : memref<13312xi32, #tpu.memory_space<vmem>>, vector<16xi32>,
      tpu.vector_store %arg6[%swap3A_466], %add3A_463 {strides = array<i32>} : memref<13312xi32, #tpu.memory_space<vmem>>, vector<16xi32>,
      %mul3A_468 = arith.constant 8 : i32
      %mul3A_469 = arith.muli %scan3A_349, %mul3A_468 : i32
      %add3A_470 = arith.constant 7 : i32
      %add3A_471 = arith.addi %mul3A_469, %add3A_470 : i32
      %mul3A_472 = arith.constant 16 : i32
      %mul3A_473 = arith.muli %add3A_471, %mul3A_472 : i32
      %get3A_474 = arith.constant 18 : i32
      %get3A_475 = arith.index_cast %get3A_474 : i32 to index
      %get3A_476 = arith.index_cast %mul3A_473 : i32 to index
      %get3A_477 = tpu.vector_load %arg5[%get3A_475, %get3A_476] {strides = array<i32>} : memref<26x512xi32, #tpu.memory_space<vmem>>, vector<16xi32>,
      %add3A_478 = arith.constant 720000 : i32
      %add3A_479 = vector.broadcast %add3A_478 : i32 to vector<16xi32>
      %add3A_480 = arith.addi %get3A_477, %add3A_479 : vector<16xi32>
      %add3A_481 = arith.constant 9216 : i32
      %add3A_482 = arith.addi %add3A_481, %mul3A_473 : i32
      %swap3A_483 = arith.index_cast %add3A_482 : i32 to index
      %swap3A_484 = tpu.vector_load %arg6[%swap3A_483] {strides = array<i32>} : memref<13312xi32, #tpu.memory_space<vmem>>, vector<16xi32>,
      tpu.vector_store %arg6[%swap3A_483], %add3A_480 {strides = array<i32>} : memref<13312xi32, #tpu.memory_space<vmem>>, vector<16xi32>,
      %scan3A_485 = arith.constant 0 : i32
      scf.yield %scan3A_485 : i32
    }
    %scan3A_241 = arith.constant 4 : i32
    %dma_start3A_242 = arith.constant 9216 : i32
    %dma_start3A_243 = tpu.memref_slice %arg7[%dma_start3A_242] : memref<13312xf32, #tpu.memory_space<vmem>> -> memref<512xf32, #tpu.memory_space<vmem>>
    %dma_start3A_244 = arith.constant 9216 : i32
    %dma_start3A_245 = tpu.memref_slice %arg6[%dma_start3A_244] : memref<13312xi32, #tpu.memory_space<vmem>> -> memref<512xi32, #tpu.memory_space<vmem>>
    %dma_start3A_246 = arith.constant 0 : i32
    %dma_start3A_247 = tpu.memref_slice %arg3[%dma_start3A_246] : memref<1040384xf32, #tpu.memory_space<hbm>> -> memref<1040384xf32, #tpu.memory_space<hbm>>
    tpu.enqueue_indirect_dma source(%dma_start3A_247 : memref<1040384xf32, #tpu.memory_space<hbm>>) target(%dma_start3A_243 : memref<512xf32, #tpu.memory_space<vmem>>) offsets(%dma_start3A_245 : memref<512xi32, #tpu.memory_space<vmem>>) semaphore(%arg9 : memref<!tpu.dma_semaphore, #tpu.memory_space<semaphore_mem>>)
    %scan3A_248 = arith.constant 0 : i32
    %scan3A_249 = arith.constant 0 : i32
    %scan3A_250 = arith.constant 4 : i32
    %scan3A_251 = arith.addi %scan3A_249, %scan3A_250 : i32
    %scan3A_252 = arith.constant 1 : i32
    %scan3A_253 = scf.for %scan3A_349 = %scan3A_249 to %scan3A_251 step %scan3A_252 iter_args(%scan3A_350 = %scan3A_248) -> (i32)  : i32 {
      %mul3A_351 = arith.constant 8 : i32
      %mul3A_352 = arith.muli %scan3A_349, %mul3A_351 : i32
      %add3A_353 = arith.constant 0 : i32
      %add3A_354 = arith.addi %mul3A_352, %add3A_353 : i32
      %mul3A_355 = arith.constant 16 : i32
      %mul3A_356 = arith.muli %add3A_354, %mul3A_355 : i32
      %get3A = arith.constant 19 : i32
      %get3A_357 = arith.index_cast %get3A : i32 to index
      %get3A_358 = arith.index_cast %mul3A_356 : i32 to index
      %get3A_359 = tpu.vector_load %arg5[%get3A_357, %get3A_358] {strides = array<i32>} : memref<26x512xi32, #tpu.memory_space<vmem>>, vector<16xi32>,
      %add3A_360 = arith.constant 760000 : i32
      %add3A_361 = vector.broadcast %add3A_360 : i32 to vector<16xi32>
      %add3A_362 = arith.addi %get3A_359, %add3A_361 : vector<16xi32>
      %add3A_363 = arith.constant 9728 : i32
      %add3A_364 = arith.addi %add3A_363, %mul3A_356 : i32
      %swap3A = arith.index_cast %add3A_364 : i32 to index
      %swap3A_365 = tpu.vector_load %arg6[%swap3A] {strides = array<i32>} : memref<13312xi32, #tpu.memory_space<vmem>>, vector<16xi32>,
      tpu.vector_store %arg6[%swap3A], %add3A_362 {strides = array<i32>} : memref<13312xi32, #tpu.memory_space<vmem>>, vector<16xi32>,
      %mul3A_366 = arith.constant 8 : i32
      %mul3A_367 = arith.muli %scan3A_349, %mul3A_366 : i32
      %add3A_368 = arith.constant 1 : i32
      %add3A_369 = arith.addi %mul3A_367, %add3A_368 : i32
      %mul3A_370 = arith.constant 16 : i32
      %mul3A_371 = arith.muli %add3A_369, %mul3A_370 : i32
      %get3A_372 = arith.constant 19 : i32
      %get3A_373 = arith.index_cast %get3A_372 : i32 to index
      %get3A_374 = arith.index_cast %mul3A_371 : i32 to index
      %get3A_375 = tpu.vector_load %arg5[%get3A_373, %get3A_374] {strides = array<i32>} : memref<26x512xi32, #tpu.memory_space<vmem>>, vector<16xi32>,
      %add3A_376 = arith.constant 760000 : i32
      %add3A_377 = vector.broadcast %add3A_376 : i32 to vector<16xi32>
      %add3A_378 = arith.addi %get3A_375, %add3A_377 : vector<16xi32>
      %add3A_379 = arith.constant 9728 : i32
      %add3A_380 = arith.addi %add3A_379, %mul3A_371 : i32
      %swap3A_381 = arith.index_cast %add3A_380 : i32 to index
      %swap3A_382 = tpu.vector_load %arg6[%swap3A_381] {strides = array<i32>} : memref<13312xi32, #tpu.memory_space<vmem>>, vector<16xi32>,
      tpu.vector_store %arg6[%swap3A_381], %add3A_378 {strides = array<i32>} : memref<13312xi32, #tpu.memory_space<vmem>>, vector<16xi32>,
      %mul3A_383 = arith.constant 8 : i32
      %mul3A_384 = arith.muli %scan3A_349, %mul3A_383 : i32
      %add3A_385 = arith.constant 2 : i32
      %add3A_386 = arith.addi %mul3A_384, %add3A_385 : i32
      %mul3A_387 = arith.constant 16 : i32
      %mul3A_388 = arith.muli %add3A_386, %mul3A_387 : i32
      %get3A_389 = arith.constant 19 : i32
      %get3A_390 = arith.index_cast %get3A_389 : i32 to index
      %get3A_391 = arith.index_cast %mul3A_388 : i32 to index
      %get3A_392 = tpu.vector_load %arg5[%get3A_390, %get3A_391] {strides = array<i32>} : memref<26x512xi32, #tpu.memory_space<vmem>>, vector<16xi32>,
      %add3A_393 = arith.constant 760000 : i32
      %add3A_394 = vector.broadcast %add3A_393 : i32 to vector<16xi32>
      %add3A_395 = arith.addi %get3A_392, %add3A_394 : vector<16xi32>
      %add3A_396 = arith.constant 9728 : i32
      %add3A_397 = arith.addi %add3A_396, %mul3A_388 : i32
      %swap3A_398 = arith.index_cast %add3A_397 : i32 to index
      %swap3A_399 = tpu.vector_load %arg6[%swap3A_398] {strides = array<i32>} : memref<13312xi32, #tpu.memory_space<vmem>>, vector<16xi32>,
      tpu.vector_store %arg6[%swap3A_398], %add3A_395 {strides = array<i32>} : memref<13312xi32, #tpu.memory_space<vmem>>, vector<16xi32>,
      %mul3A_400 = arith.constant 8 : i32
      %mul3A_401 = arith.muli %scan3A_349, %mul3A_400 : i32
      %add3A_402 = arith.constant 3 : i32
      %add3A_403 = arith.addi %mul3A_401, %add3A_402 : i32
      %mul3A_404 = arith.constant 16 : i32
      %mul3A_405 = arith.muli %add3A_403, %mul3A_404 : i32
      %get3A_406 = arith.constant 19 : i32
      %get3A_407 = arith.index_cast %get3A_406 : i32 to index
      %get3A_408 = arith.index_cast %mul3A_405 : i32 to index
      %get3A_409 = tpu.vector_load %arg5[%get3A_407, %get3A_408] {strides = array<i32>} : memref<26x512xi32, #tpu.memory_space<vmem>>, vector<16xi32>,
      %add3A_410 = arith.constant 760000 : i32
      %add3A_411 = vector.broadcast %add3A_410 : i32 to vector<16xi32>
      %add3A_412 = arith.addi %get3A_409, %add3A_411 : vector<16xi32>
      %add3A_413 = arith.constant 9728 : i32
      %add3A_414 = arith.addi %add3A_413, %mul3A_405 : i32
      %swap3A_415 = arith.index_cast %add3A_414 : i32 to index
      %swap3A_416 = tpu.vector_load %arg6[%swap3A_415] {strides = array<i32>} : memref<13312xi32, #tpu.memory_space<vmem>>, vector<16xi32>,
      tpu.vector_store %arg6[%swap3A_415], %add3A_412 {strides = array<i32>} : memref<13312xi32, #tpu.memory_space<vmem>>, vector<16xi32>,
      %mul3A_417 = arith.constant 8 : i32
      %mul3A_418 = arith.muli %scan3A_349, %mul3A_417 : i32
      %add3A_419 = arith.constant 4 : i32
      %add3A_420 = arith.addi %mul3A_418, %add3A_419 : i32
      %mul3A_421 = arith.constant 16 : i32
      %mul3A_422 = arith.muli %add3A_420, %mul3A_421 : i32
      %get3A_423 = arith.constant 19 : i32
      %get3A_424 = arith.index_cast %get3A_423 : i32 to index
      %get3A_425 = arith.index_cast %mul3A_422 : i32 to index
      %get3A_426 = tpu.vector_load %arg5[%get3A_424, %get3A_425] {strides = array<i32>} : memref<26x512xi32, #tpu.memory_space<vmem>>, vector<16xi32>,
      %add3A_427 = arith.constant 760000 : i32
      %add3A_428 = vector.broadcast %add3A_427 : i32 to vector<16xi32>
      %add3A_429 = arith.addi %get3A_426, %add3A_428 : vector<16xi32>
      %add3A_430 = arith.constant 9728 : i32
      %add3A_431 = arith.addi %add3A_430, %mul3A_422 : i32
      %swap3A_432 = arith.index_cast %add3A_431 : i32 to index
      %swap3A_433 = tpu.vector_load %arg6[%swap3A_432] {strides = array<i32>} : memref<13312xi32, #tpu.memory_space<vmem>>, vector<16xi32>,
      tpu.vector_store %arg6[%swap3A_432], %add3A_429 {strides = array<i32>} : memref<13312xi32, #tpu.memory_space<vmem>>, vector<16xi32>,
      %mul3A_434 = arith.constant 8 : i32
      %mul3A_435 = arith.muli %scan3A_349, %mul3A_434 : i32
      %add3A_436 = arith.constant 5 : i32
      %add3A_437 = arith.addi %mul3A_435, %add3A_436 : i32
      %mul3A_438 = arith.constant 16 : i32
      %mul3A_439 = arith.muli %add3A_437, %mul3A_438 : i32
      %get3A_440 = arith.constant 19 : i32
      %get3A_441 = arith.index_cast %get3A_440 : i32 to index
      %get3A_442 = arith.index_cast %mul3A_439 : i32 to index
      %get3A_443 = tpu.vector_load %arg5[%get3A_441, %get3A_442] {strides = array<i32>} : memref<26x512xi32, #tpu.memory_space<vmem>>, vector<16xi32>,
      %add3A_444 = arith.constant 760000 : i32
      %add3A_445 = vector.broadcast %add3A_444 : i32 to vector<16xi32>
      %add3A_446 = arith.addi %get3A_443, %add3A_445 : vector<16xi32>
      %add3A_447 = arith.constant 9728 : i32
      %add3A_448 = arith.addi %add3A_447, %mul3A_439 : i32
      %swap3A_449 = arith.index_cast %add3A_448 : i32 to index
      %swap3A_450 = tpu.vector_load %arg6[%swap3A_449] {strides = array<i32>} : memref<13312xi32, #tpu.memory_space<vmem>>, vector<16xi32>,
      tpu.vector_store %arg6[%swap3A_449], %add3A_446 {strides = array<i32>} : memref<13312xi32, #tpu.memory_space<vmem>>, vector<16xi32>,
      %mul3A_451 = arith.constant 8 : i32
      %mul3A_452 = arith.muli %scan3A_349, %mul3A_451 : i32
      %add3A_453 = arith.constant 6 : i32
      %add3A_454 = arith.addi %mul3A_452, %add3A_453 : i32
      %mul3A_455 = arith.constant 16 : i32
      %mul3A_456 = arith.muli %add3A_454, %mul3A_455 : i32
      %get3A_457 = arith.constant 19 : i32
      %get3A_458 = arith.index_cast %get3A_457 : i32 to index
      %get3A_459 = arith.index_cast %mul3A_456 : i32 to index
      %get3A_460 = tpu.vector_load %arg5[%get3A_458, %get3A_459] {strides = array<i32>} : memref<26x512xi32, #tpu.memory_space<vmem>>, vector<16xi32>,
      %add3A_461 = arith.constant 760000 : i32
      %add3A_462 = vector.broadcast %add3A_461 : i32 to vector<16xi32>
      %add3A_463 = arith.addi %get3A_460, %add3A_462 : vector<16xi32>
      %add3A_464 = arith.constant 9728 : i32
      %add3A_465 = arith.addi %add3A_464, %mul3A_456 : i32
      %swap3A_466 = arith.index_cast %add3A_465 : i32 to index
      %swap3A_467 = tpu.vector_load %arg6[%swap3A_466] {strides = array<i32>} : memref<13312xi32, #tpu.memory_space<vmem>>, vector<16xi32>,
      tpu.vector_store %arg6[%swap3A_466], %add3A_463 {strides = array<i32>} : memref<13312xi32, #tpu.memory_space<vmem>>, vector<16xi32>,
      %mul3A_468 = arith.constant 8 : i32
      %mul3A_469 = arith.muli %scan3A_349, %mul3A_468 : i32
      %add3A_470 = arith.constant 7 : i32
      %add3A_471 = arith.addi %mul3A_469, %add3A_470 : i32
      %mul3A_472 = arith.constant 16 : i32
      %mul3A_473 = arith.muli %add3A_471, %mul3A_472 : i32
      %get3A_474 = arith.constant 19 : i32
      %get3A_475 = arith.index_cast %get3A_474 : i32 to index
      %get3A_476 = arith.index_cast %mul3A_473 : i32 to index
      %get3A_477 = tpu.vector_load %arg5[%get3A_475, %get3A_476] {strides = array<i32>} : memref<26x512xi32, #tpu.memory_space<vmem>>, vector<16xi32>,
      %add3A_478 = arith.constant 760000 : i32
      %add3A_479 = vector.broadcast %add3A_478 : i32 to vector<16xi32>
      %add3A_480 = arith.addi %get3A_477, %add3A_479 : vector<16xi32>
      %add3A_481 = arith.constant 9728 : i32
      %add3A_482 = arith.addi %add3A_481, %mul3A_473 : i32
      %swap3A_483 = arith.index_cast %add3A_482 : i32 to index
      %swap3A_484 = tpu.vector_load %arg6[%swap3A_483] {strides = array<i32>} : memref<13312xi32, #tpu.memory_space<vmem>>, vector<16xi32>,
      tpu.vector_store %arg6[%swap3A_483], %add3A_480 {strides = array<i32>} : memref<13312xi32, #tpu.memory_space<vmem>>, vector<16xi32>,
      %scan3A_485 = arith.constant 0 : i32
      scf.yield %scan3A_485 : i32
    }
    %scan3A_254 = arith.constant 4 : i32
    %dma_start3A_255 = arith.constant 9728 : i32
    %dma_start3A_256 = tpu.memref_slice %arg7[%dma_start3A_255] : memref<13312xf32, #tpu.memory_space<vmem>> -> memref<512xf32, #tpu.memory_space<vmem>>
    %dma_start3A_257 = arith.constant 9728 : i32
    %dma_start3A_258 = tpu.memref_slice %arg6[%dma_start3A_257] : memref<13312xi32, #tpu.memory_space<vmem>> -> memref<512xi32, #tpu.memory_space<vmem>>
    %dma_start3A_259 = arith.constant 0 : i32
    %dma_start3A_260 = tpu.memref_slice %arg3[%dma_start3A_259] : memref<1040384xf32, #tpu.memory_space<hbm>> -> memref<1040384xf32, #tpu.memory_space<hbm>>
    tpu.enqueue_indirect_dma source(%dma_start3A_260 : memref<1040384xf32, #tpu.memory_space<hbm>>) target(%dma_start3A_256 : memref<512xf32, #tpu.memory_space<vmem>>) offsets(%dma_start3A_258 : memref<512xi32, #tpu.memory_space<vmem>>) semaphore(%arg9 : memref<!tpu.dma_semaphore, #tpu.memory_space<semaphore_mem>>)
    %scan3A_261 = arith.constant 0 : i32
    %scan3A_262 = arith.constant 0 : i32
    %scan3A_263 = arith.constant 4 : i32
    %scan3A_264 = arith.addi %scan3A_262, %scan3A_263 : i32
    %scan3A_265 = arith.constant 1 : i32
    %scan3A_266 = scf.for %scan3A_349 = %scan3A_262 to %scan3A_264 step %scan3A_265 iter_args(%scan3A_350 = %scan3A_261) -> (i32)  : i32 {
      %mul3A_351 = arith.constant 8 : i32
      %mul3A_352 = arith.muli %scan3A_349, %mul3A_351 : i32
      %add3A_353 = arith.constant 0 : i32
      %add3A_354 = arith.addi %mul3A_352, %add3A_353 : i32
      %mul3A_355 = arith.constant 16 : i32
      %mul3A_356 = arith.muli %add3A_354, %mul3A_355 : i32
      %get3A = arith.constant 20 : i32
      %get3A_357 = arith.index_cast %get3A : i32 to index
      %get3A_358 = arith.index_cast %mul3A_356 : i32 to index
      %get3A_359 = tpu.vector_load %arg5[%get3A_357, %get3A_358] {strides = array<i32>} : memref<26x512xi32, #tpu.memory_space<vmem>>, vector<16xi32>,
      %add3A_360 = arith.constant 800000 : i32
      %add3A_361 = vector.broadcast %add3A_360 : i32 to vector<16xi32>
      %add3A_362 = arith.addi %get3A_359, %add3A_361 : vector<16xi32>
      %add3A_363 = arith.constant 10240 : i32
      %add3A_364 = arith.addi %add3A_363, %mul3A_356 : i32
      %swap3A = arith.index_cast %add3A_364 : i32 to index
      %swap3A_365 = tpu.vector_load %arg6[%swap3A] {strides = array<i32>} : memref<13312xi32, #tpu.memory_space<vmem>>, vector<16xi32>,
      tpu.vector_store %arg6[%swap3A], %add3A_362 {strides = array<i32>} : memref<13312xi32, #tpu.memory_space<vmem>>, vector<16xi32>,
      %mul3A_366 = arith.constant 8 : i32
      %mul3A_367 = arith.muli %scan3A_349, %mul3A_366 : i32
      %add3A_368 = arith.constant 1 : i32
      %add3A_369 = arith.addi %mul3A_367, %add3A_368 : i32
      %mul3A_370 = arith.constant 16 : i32
      %mul3A_371 = arith.muli %add3A_369, %mul3A_370 : i32
      %get3A_372 = arith.constant 20 : i32
      %get3A_373 = arith.index_cast %get3A_372 : i32 to index
      %get3A_374 = arith.index_cast %mul3A_371 : i32 to index
      %get3A_375 = tpu.vector_load %arg5[%get3A_373, %get3A_374] {strides = array<i32>} : memref<26x512xi32, #tpu.memory_space<vmem>>, vector<16xi32>,
      %add3A_376 = arith.constant 800000 : i32
      %add3A_377 = vector.broadcast %add3A_376 : i32 to vector<16xi32>
      %add3A_378 = arith.addi %get3A_375, %add3A_377 : vector<16xi32>
      %add3A_379 = arith.constant 10240 : i32
      %add3A_380 = arith.addi %add3A_379, %mul3A_371 : i32
      %swap3A_381 = arith.index_cast %add3A_380 : i32 to index
      %swap3A_382 = tpu.vector_load %arg6[%swap3A_381] {strides = array<i32>} : memref<13312xi32, #tpu.memory_space<vmem>>, vector<16xi32>,
      tpu.vector_store %arg6[%swap3A_381], %add3A_378 {strides = array<i32>} : memref<13312xi32, #tpu.memory_space<vmem>>, vector<16xi32>,
      %mul3A_383 = arith.constant 8 : i32
      %mul3A_384 = arith.muli %scan3A_349, %mul3A_383 : i32
      %add3A_385 = arith.constant 2 : i32
      %add3A_386 = arith.addi %mul3A_384, %add3A_385 : i32
      %mul3A_387 = arith.constant 16 : i32
      %mul3A_388 = arith.muli %add3A_386, %mul3A_387 : i32
      %get3A_389 = arith.constant 20 : i32
      %get3A_390 = arith.index_cast %get3A_389 : i32 to index
      %get3A_391 = arith.index_cast %mul3A_388 : i32 to index
      %get3A_392 = tpu.vector_load %arg5[%get3A_390, %get3A_391] {strides = array<i32>} : memref<26x512xi32, #tpu.memory_space<vmem>>, vector<16xi32>,
      %add3A_393 = arith.constant 800000 : i32
      %add3A_394 = vector.broadcast %add3A_393 : i32 to vector<16xi32>
      %add3A_395 = arith.addi %get3A_392, %add3A_394 : vector<16xi32>
      %add3A_396 = arith.constant 10240 : i32
      %add3A_397 = arith.addi %add3A_396, %mul3A_388 : i32
      %swap3A_398 = arith.index_cast %add3A_397 : i32 to index
      %swap3A_399 = tpu.vector_load %arg6[%swap3A_398] {strides = array<i32>} : memref<13312xi32, #tpu.memory_space<vmem>>, vector<16xi32>,
      tpu.vector_store %arg6[%swap3A_398], %add3A_395 {strides = array<i32>} : memref<13312xi32, #tpu.memory_space<vmem>>, vector<16xi32>,
      %mul3A_400 = arith.constant 8 : i32
      %mul3A_401 = arith.muli %scan3A_349, %mul3A_400 : i32
      %add3A_402 = arith.constant 3 : i32
      %add3A_403 = arith.addi %mul3A_401, %add3A_402 : i32
      %mul3A_404 = arith.constant 16 : i32
      %mul3A_405 = arith.muli %add3A_403, %mul3A_404 : i32
      %get3A_406 = arith.constant 20 : i32
      %get3A_407 = arith.index_cast %get3A_406 : i32 to index
      %get3A_408 = arith.index_cast %mul3A_405 : i32 to index
      %get3A_409 = tpu.vector_load %arg5[%get3A_407, %get3A_408] {strides = array<i32>} : memref<26x512xi32, #tpu.memory_space<vmem>>, vector<16xi32>,
      %add3A_410 = arith.constant 800000 : i32
      %add3A_411 = vector.broadcast %add3A_410 : i32 to vector<16xi32>
      %add3A_412 = arith.addi %get3A_409, %add3A_411 : vector<16xi32>
      %add3A_413 = arith.constant 10240 : i32
      %add3A_414 = arith.addi %add3A_413, %mul3A_405 : i32
      %swap3A_415 = arith.index_cast %add3A_414 : i32 to index
      %swap3A_416 = tpu.vector_load %arg6[%swap3A_415] {strides = array<i32>} : memref<13312xi32, #tpu.memory_space<vmem>>, vector<16xi32>,
      tpu.vector_store %arg6[%swap3A_415], %add3A_412 {strides = array<i32>} : memref<13312xi32, #tpu.memory_space<vmem>>, vector<16xi32>,
      %mul3A_417 = arith.constant 8 : i32
      %mul3A_418 = arith.muli %scan3A_349, %mul3A_417 : i32
      %add3A_419 = arith.constant 4 : i32
      %add3A_420 = arith.addi %mul3A_418, %add3A_419 : i32
      %mul3A_421 = arith.constant 16 : i32
      %mul3A_422 = arith.muli %add3A_420, %mul3A_421 : i32
      %get3A_423 = arith.constant 20 : i32
      %get3A_424 = arith.index_cast %get3A_423 : i32 to index
      %get3A_425 = arith.index_cast %mul3A_422 : i32 to index
      %get3A_426 = tpu.vector_load %arg5[%get3A_424, %get3A_425] {strides = array<i32>} : memref<26x512xi32, #tpu.memory_space<vmem>>, vector<16xi32>,
      %add3A_427 = arith.constant 800000 : i32
      %add3A_428 = vector.broadcast %add3A_427 : i32 to vector<16xi32>
      %add3A_429 = arith.addi %get3A_426, %add3A_428 : vector<16xi32>
      %add3A_430 = arith.constant 10240 : i32
      %add3A_431 = arith.addi %add3A_430, %mul3A_422 : i32
      %swap3A_432 = arith.index_cast %add3A_431 : i32 to index
      %swap3A_433 = tpu.vector_load %arg6[%swap3A_432] {strides = array<i32>} : memref<13312xi32, #tpu.memory_space<vmem>>, vector<16xi32>,
      tpu.vector_store %arg6[%swap3A_432], %add3A_429 {strides = array<i32>} : memref<13312xi32, #tpu.memory_space<vmem>>, vector<16xi32>,
      %mul3A_434 = arith.constant 8 : i32
      %mul3A_435 = arith.muli %scan3A_349, %mul3A_434 : i32
      %add3A_436 = arith.constant 5 : i32
      %add3A_437 = arith.addi %mul3A_435, %add3A_436 : i32
      %mul3A_438 = arith.constant 16 : i32
      %mul3A_439 = arith.muli %add3A_437, %mul3A_438 : i32
      %get3A_440 = arith.constant 20 : i32
      %get3A_441 = arith.index_cast %get3A_440 : i32 to index
      %get3A_442 = arith.index_cast %mul3A_439 : i32 to index
      %get3A_443 = tpu.vector_load %arg5[%get3A_441, %get3A_442] {strides = array<i32>} : memref<26x512xi32, #tpu.memory_space<vmem>>, vector<16xi32>,
      %add3A_444 = arith.constant 800000 : i32
      %add3A_445 = vector.broadcast %add3A_444 : i32 to vector<16xi32>
      %add3A_446 = arith.addi %get3A_443, %add3A_445 : vector<16xi32>
      %add3A_447 = arith.constant 10240 : i32
      %add3A_448 = arith.addi %add3A_447, %mul3A_439 : i32
      %swap3A_449 = arith.index_cast %add3A_448 : i32 to index
      %swap3A_450 = tpu.vector_load %arg6[%swap3A_449] {strides = array<i32>} : memref<13312xi32, #tpu.memory_space<vmem>>, vector<16xi32>,
      tpu.vector_store %arg6[%swap3A_449], %add3A_446 {strides = array<i32>} : memref<13312xi32, #tpu.memory_space<vmem>>, vector<16xi32>,
      %mul3A_451 = arith.constant 8 : i32
      %mul3A_452 = arith.muli %scan3A_349, %mul3A_451 : i32
      %add3A_453 = arith.constant 6 : i32
      %add3A_454 = arith.addi %mul3A_452, %add3A_453 : i32
      %mul3A_455 = arith.constant 16 : i32
      %mul3A_456 = arith.muli %add3A_454, %mul3A_455 : i32
      %get3A_457 = arith.constant 20 : i32
      %get3A_458 = arith.index_cast %get3A_457 : i32 to index
      %get3A_459 = arith.index_cast %mul3A_456 : i32 to index
      %get3A_460 = tpu.vector_load %arg5[%get3A_458, %get3A_459] {strides = array<i32>} : memref<26x512xi32, #tpu.memory_space<vmem>>, vector<16xi32>,
      %add3A_461 = arith.constant 800000 : i32
      %add3A_462 = vector.broadcast %add3A_461 : i32 to vector<16xi32>
      %add3A_463 = arith.addi %get3A_460, %add3A_462 : vector<16xi32>
      %add3A_464 = arith.constant 10240 : i32
      %add3A_465 = arith.addi %add3A_464, %mul3A_456 : i32
      %swap3A_466 = arith.index_cast %add3A_465 : i32 to index
      %swap3A_467 = tpu.vector_load %arg6[%swap3A_466] {strides = array<i32>} : memref<13312xi32, #tpu.memory_space<vmem>>, vector<16xi32>,
      tpu.vector_store %arg6[%swap3A_466], %add3A_463 {strides = array<i32>} : memref<13312xi32, #tpu.memory_space<vmem>>, vector<16xi32>,
      %mul3A_468 = arith.constant 8 : i32
      %mul3A_469 = arith.muli %scan3A_349, %mul3A_468 : i32
      %add3A_470 = arith.constant 7 : i32
      %add3A_471 = arith.addi %mul3A_469, %add3A_470 : i32
      %mul3A_472 = arith.constant 16 : i32
      %mul3A_473 = arith.muli %add3A_471, %mul3A_472 : i32
      %get3A_474 = arith.constant 20 : i32
      %get3A_475 = arith.index_cast %get3A_474 : i32 to index
      %get3A_476 = arith.index_cast %mul3A_473 : i32 to index
      %get3A_477 = tpu.vector_load %arg5[%get3A_475, %get3A_476] {strides = array<i32>} : memref<26x512xi32, #tpu.memory_space<vmem>>, vector<16xi32>,
      %add3A_478 = arith.constant 800000 : i32
      %add3A_479 = vector.broadcast %add3A_478 : i32 to vector<16xi32>
      %add3A_480 = arith.addi %get3A_477, %add3A_479 : vector<16xi32>
      %add3A_481 = arith.constant 10240 : i32
      %add3A_482 = arith.addi %add3A_481, %mul3A_473 : i32
      %swap3A_483 = arith.index_cast %add3A_482 : i32 to index
      %swap3A_484 = tpu.vector_load %arg6[%swap3A_483] {strides = array<i32>} : memref<13312xi32, #tpu.memory_space<vmem>>, vector<16xi32>,
      tpu.vector_store %arg6[%swap3A_483], %add3A_480 {strides = array<i32>} : memref<13312xi32, #tpu.memory_space<vmem>>, vector<16xi32>,
      %scan3A_485 = arith.constant 0 : i32
      scf.yield %scan3A_485 : i32
    }
    %scan3A_267 = arith.constant 4 : i32
    %dma_start3A_268 = arith.constant 10240 : i32
    %dma_start3A_269 = tpu.memref_slice %arg7[%dma_start3A_268] : memref<13312xf32, #tpu.memory_space<vmem>> -> memref<512xf32, #tpu.memory_space<vmem>>
    %dma_start3A_270 = arith.constant 10240 : i32
    %dma_start3A_271 = tpu.memref_slice %arg6[%dma_start3A_270] : memref<13312xi32, #tpu.memory_space<vmem>> -> memref<512xi32, #tpu.memory_space<vmem>>
    %dma_start3A_272 = arith.constant 0 : i32
    %dma_start3A_273 = tpu.memref_slice %arg3[%dma_start3A_272] : memref<1040384xf32, #tpu.memory_space<hbm>> -> memref<1040384xf32, #tpu.memory_space<hbm>>
    tpu.enqueue_indirect_dma source(%dma_start3A_273 : memref<1040384xf32, #tpu.memory_space<hbm>>) target(%dma_start3A_269 : memref<512xf32, #tpu.memory_space<vmem>>) offsets(%dma_start3A_271 : memref<512xi32, #tpu.memory_space<vmem>>) semaphore(%arg9 : memref<!tpu.dma_semaphore, #tpu.memory_space<semaphore_mem>>)
    %scan3A_274 = arith.constant 0 : i32
    %scan3A_275 = arith.constant 0 : i32
    %scan3A_276 = arith.constant 4 : i32
    %scan3A_277 = arith.addi %scan3A_275, %scan3A_276 : i32
    %scan3A_278 = arith.constant 1 : i32
    %scan3A_279 = scf.for %scan3A_349 = %scan3A_275 to %scan3A_277 step %scan3A_278 iter_args(%scan3A_350 = %scan3A_274) -> (i32)  : i32 {
      %mul3A_351 = arith.constant 8 : i32
      %mul3A_352 = arith.muli %scan3A_349, %mul3A_351 : i32
      %add3A_353 = arith.constant 0 : i32
      %add3A_354 = arith.addi %mul3A_352, %add3A_353 : i32
      %mul3A_355 = arith.constant 16 : i32
      %mul3A_356 = arith.muli %add3A_354, %mul3A_355 : i32
      %get3A = arith.constant 21 : i32
      %get3A_357 = arith.index_cast %get3A : i32 to index
      %get3A_358 = arith.index_cast %mul3A_356 : i32 to index
      %get3A_359 = tpu.vector_load %arg5[%get3A_357, %get3A_358] {strides = array<i32>} : memref<26x512xi32, #tpu.memory_space<vmem>>, vector<16xi32>,
      %add3A_360 = arith.constant 840000 : i32
      %add3A_361 = vector.broadcast %add3A_360 : i32 to vector<16xi32>
      %add3A_362 = arith.addi %get3A_359, %add3A_361 : vector<16xi32>
      %add3A_363 = arith.constant 10752 : i32
      %add3A_364 = arith.addi %add3A_363, %mul3A_356 : i32
      %swap3A = arith.index_cast %add3A_364 : i32 to index
      %swap3A_365 = tpu.vector_load %arg6[%swap3A] {strides = array<i32>} : memref<13312xi32, #tpu.memory_space<vmem>>, vector<16xi32>,
      tpu.vector_store %arg6[%swap3A], %add3A_362 {strides = array<i32>} : memref<13312xi32, #tpu.memory_space<vmem>>, vector<16xi32>,
      %mul3A_366 = arith.constant 8 : i32
      %mul3A_367 = arith.muli %scan3A_349, %mul3A_366 : i32
      %add3A_368 = arith.constant 1 : i32
      %add3A_369 = arith.addi %mul3A_367, %add3A_368 : i32
      %mul3A_370 = arith.constant 16 : i32
      %mul3A_371 = arith.muli %add3A_369, %mul3A_370 : i32
      %get3A_372 = arith.constant 21 : i32
      %get3A_373 = arith.index_cast %get3A_372 : i32 to index
      %get3A_374 = arith.index_cast %mul3A_371 : i32 to index
      %get3A_375 = tpu.vector_load %arg5[%get3A_373, %get3A_374] {strides = array<i32>} : memref<26x512xi32, #tpu.memory_space<vmem>>, vector<16xi32>,
      %add3A_376 = arith.constant 840000 : i32
      %add3A_377 = vector.broadcast %add3A_376 : i32 to vector<16xi32>
      %add3A_378 = arith.addi %get3A_375, %add3A_377 : vector<16xi32>
      %add3A_379 = arith.constant 10752 : i32
      %add3A_380 = arith.addi %add3A_379, %mul3A_371 : i32
      %swap3A_381 = arith.index_cast %add3A_380 : i32 to index
      %swap3A_382 = tpu.vector_load %arg6[%swap3A_381] {strides = array<i32>} : memref<13312xi32, #tpu.memory_space<vmem>>, vector<16xi32>,
      tpu.vector_store %arg6[%swap3A_381], %add3A_378 {strides = array<i32>} : memref<13312xi32, #tpu.memory_space<vmem>>, vector<16xi32>,
      %mul3A_383 = arith.constant 8 : i32
      %mul3A_384 = arith.muli %scan3A_349, %mul3A_383 : i32
      %add3A_385 = arith.constant 2 : i32
      %add3A_386 = arith.addi %mul3A_384, %add3A_385 : i32
      %mul3A_387 = arith.constant 16 : i32
      %mul3A_388 = arith.muli %add3A_386, %mul3A_387 : i32
      %get3A_389 = arith.constant 21 : i32
      %get3A_390 = arith.index_cast %get3A_389 : i32 to index
      %get3A_391 = arith.index_cast %mul3A_388 : i32 to index
      %get3A_392 = tpu.vector_load %arg5[%get3A_390, %get3A_391] {strides = array<i32>} : memref<26x512xi32, #tpu.memory_space<vmem>>, vector<16xi32>,
      %add3A_393 = arith.constant 840000 : i32
      %add3A_394 = vector.broadcast %add3A_393 : i32 to vector<16xi32>
      %add3A_395 = arith.addi %get3A_392, %add3A_394 : vector<16xi32>
      %add3A_396 = arith.constant 10752 : i32
      %add3A_397 = arith.addi %add3A_396, %mul3A_388 : i32
      %swap3A_398 = arith.index_cast %add3A_397 : i32 to index
      %swap3A_399 = tpu.vector_load %arg6[%swap3A_398] {strides = array<i32>} : memref<13312xi32, #tpu.memory_space<vmem>>, vector<16xi32>,
      tpu.vector_store %arg6[%swap3A_398], %add3A_395 {strides = array<i32>} : memref<13312xi32, #tpu.memory_space<vmem>>, vector<16xi32>,
      %mul3A_400 = arith.constant 8 : i32
      %mul3A_401 = arith.muli %scan3A_349, %mul3A_400 : i32
      %add3A_402 = arith.constant 3 : i32
      %add3A_403 = arith.addi %mul3A_401, %add3A_402 : i32
      %mul3A_404 = arith.constant 16 : i32
      %mul3A_405 = arith.muli %add3A_403, %mul3A_404 : i32
      %get3A_406 = arith.constant 21 : i32
      %get3A_407 = arith.index_cast %get3A_406 : i32 to index
      %get3A_408 = arith.index_cast %mul3A_405 : i32 to index
      %get3A_409 = tpu.vector_load %arg5[%get3A_407, %get3A_408] {strides = array<i32>} : memref<26x512xi32, #tpu.memory_space<vmem>>, vector<16xi32>,
      %add3A_410 = arith.constant 840000 : i32
      %add3A_411 = vector.broadcast %add3A_410 : i32 to vector<16xi32>
      %add3A_412 = arith.addi %get3A_409, %add3A_411 : vector<16xi32>
      %add3A_413 = arith.constant 10752 : i32
      %add3A_414 = arith.addi %add3A_413, %mul3A_405 : i32
      %swap3A_415 = arith.index_cast %add3A_414 : i32 to index
      %swap3A_416 = tpu.vector_load %arg6[%swap3A_415] {strides = array<i32>} : memref<13312xi32, #tpu.memory_space<vmem>>, vector<16xi32>,
      tpu.vector_store %arg6[%swap3A_415], %add3A_412 {strides = array<i32>} : memref<13312xi32, #tpu.memory_space<vmem>>, vector<16xi32>,
      %mul3A_417 = arith.constant 8 : i32
      %mul3A_418 = arith.muli %scan3A_349, %mul3A_417 : i32
      %add3A_419 = arith.constant 4 : i32
      %add3A_420 = arith.addi %mul3A_418, %add3A_419 : i32
      %mul3A_421 = arith.constant 16 : i32
      %mul3A_422 = arith.muli %add3A_420, %mul3A_421 : i32
      %get3A_423 = arith.constant 21 : i32
      %get3A_424 = arith.index_cast %get3A_423 : i32 to index
      %get3A_425 = arith.index_cast %mul3A_422 : i32 to index
      %get3A_426 = tpu.vector_load %arg5[%get3A_424, %get3A_425] {strides = array<i32>} : memref<26x512xi32, #tpu.memory_space<vmem>>, vector<16xi32>,
      %add3A_427 = arith.constant 840000 : i32
      %add3A_428 = vector.broadcast %add3A_427 : i32 to vector<16xi32>
      %add3A_429 = arith.addi %get3A_426, %add3A_428 : vector<16xi32>
      %add3A_430 = arith.constant 10752 : i32
      %add3A_431 = arith.addi %add3A_430, %mul3A_422 : i32
      %swap3A_432 = arith.index_cast %add3A_431 : i32 to index
      %swap3A_433 = tpu.vector_load %arg6[%swap3A_432] {strides = array<i32>} : memref<13312xi32, #tpu.memory_space<vmem>>, vector<16xi32>,
      tpu.vector_store %arg6[%swap3A_432], %add3A_429 {strides = array<i32>} : memref<13312xi32, #tpu.memory_space<vmem>>, vector<16xi32>,
      %mul3A_434 = arith.constant 8 : i32
      %mul3A_435 = arith.muli %scan3A_349, %mul3A_434 : i32
      %add3A_436 = arith.constant 5 : i32
      %add3A_437 = arith.addi %mul3A_435, %add3A_436 : i32
      %mul3A_438 = arith.constant 16 : i32
      %mul3A_439 = arith.muli %add3A_437, %mul3A_438 : i32
      %get3A_440 = arith.constant 21 : i32
      %get3A_441 = arith.index_cast %get3A_440 : i32 to index
      %get3A_442 = arith.index_cast %mul3A_439 : i32 to index
      %get3A_443 = tpu.vector_load %arg5[%get3A_441, %get3A_442] {strides = array<i32>} : memref<26x512xi32, #tpu.memory_space<vmem>>, vector<16xi32>,
      %add3A_444 = arith.constant 840000 : i32
      %add3A_445 = vector.broadcast %add3A_444 : i32 to vector<16xi32>
      %add3A_446 = arith.addi %get3A_443, %add3A_445 : vector<16xi32>
      %add3A_447 = arith.constant 10752 : i32
      %add3A_448 = arith.addi %add3A_447, %mul3A_439 : i32
      %swap3A_449 = arith.index_cast %add3A_448 : i32 to index
      %swap3A_450 = tpu.vector_load %arg6[%swap3A_449] {strides = array<i32>} : memref<13312xi32, #tpu.memory_space<vmem>>, vector<16xi32>,
      tpu.vector_store %arg6[%swap3A_449], %add3A_446 {strides = array<i32>} : memref<13312xi32, #tpu.memory_space<vmem>>, vector<16xi32>,
      %mul3A_451 = arith.constant 8 : i32
      %mul3A_452 = arith.muli %scan3A_349, %mul3A_451 : i32
      %add3A_453 = arith.constant 6 : i32
      %add3A_454 = arith.addi %mul3A_452, %add3A_453 : i32
      %mul3A_455 = arith.constant 16 : i32
      %mul3A_456 = arith.muli %add3A_454, %mul3A_455 : i32
      %get3A_457 = arith.constant 21 : i32
      %get3A_458 = arith.index_cast %get3A_457 : i32 to index
      %get3A_459 = arith.index_cast %mul3A_456 : i32 to index
      %get3A_460 = tpu.vector_load %arg5[%get3A_458, %get3A_459] {strides = array<i32>} : memref<26x512xi32, #tpu.memory_space<vmem>>, vector<16xi32>,
      %add3A_461 = arith.constant 840000 : i32
      %add3A_462 = vector.broadcast %add3A_461 : i32 to vector<16xi32>
      %add3A_463 = arith.addi %get3A_460, %add3A_462 : vector<16xi32>
      %add3A_464 = arith.constant 10752 : i32
      %add3A_465 = arith.addi %add3A_464, %mul3A_456 : i32
      %swap3A_466 = arith.index_cast %add3A_465 : i32 to index
      %swap3A_467 = tpu.vector_load %arg6[%swap3A_466] {strides = array<i32>} : memref<13312xi32, #tpu.memory_space<vmem>>, vector<16xi32>,
      tpu.vector_store %arg6[%swap3A_466], %add3A_463 {strides = array<i32>} : memref<13312xi32, #tpu.memory_space<vmem>>, vector<16xi32>,
      %mul3A_468 = arith.constant 8 : i32
      %mul3A_469 = arith.muli %scan3A_349, %mul3A_468 : i32
      %add3A_470 = arith.constant 7 : i32
      %add3A_471 = arith.addi %mul3A_469, %add3A_470 : i32
      %mul3A_472 = arith.constant 16 : i32
      %mul3A_473 = arith.muli %add3A_471, %mul3A_472 : i32
      %get3A_474 = arith.constant 21 : i32
      %get3A_475 = arith.index_cast %get3A_474 : i32 to index
      %get3A_476 = arith.index_cast %mul3A_473 : i32 to index
      %get3A_477 = tpu.vector_load %arg5[%get3A_475, %get3A_476] {strides = array<i32>} : memref<26x512xi32, #tpu.memory_space<vmem>>, vector<16xi32>,
      %add3A_478 = arith.constant 840000 : i32
      %add3A_479 = vector.broadcast %add3A_478 : i32 to vector<16xi32>
      %add3A_480 = arith.addi %get3A_477, %add3A_479 : vector<16xi32>
      %add3A_481 = arith.constant 10752 : i32
      %add3A_482 = arith.addi %add3A_481, %mul3A_473 : i32
      %swap3A_483 = arith.index_cast %add3A_482 : i32 to index
      %swap3A_484 = tpu.vector_load %arg6[%swap3A_483] {strides = array<i32>} : memref<13312xi32, #tpu.memory_space<vmem>>, vector<16xi32>,
      tpu.vector_store %arg6[%swap3A_483], %add3A_480 {strides = array<i32>} : memref<13312xi32, #tpu.memory_space<vmem>>, vector<16xi32>,
      %scan3A_485 = arith.constant 0 : i32
      scf.yield %scan3A_485 : i32
    }
    %scan3A_280 = arith.constant 4 : i32
    %dma_start3A_281 = arith.constant 10752 : i32
    %dma_start3A_282 = tpu.memref_slice %arg7[%dma_start3A_281] : memref<13312xf32, #tpu.memory_space<vmem>> -> memref<512xf32, #tpu.memory_space<vmem>>
    %dma_start3A_283 = arith.constant 10752 : i32
    %dma_start3A_284 = tpu.memref_slice %arg6[%dma_start3A_283] : memref<13312xi32, #tpu.memory_space<vmem>> -> memref<512xi32, #tpu.memory_space<vmem>>
    %dma_start3A_285 = arith.constant 0 : i32
    %dma_start3A_286 = tpu.memref_slice %arg3[%dma_start3A_285] : memref<1040384xf32, #tpu.memory_space<hbm>> -> memref<1040384xf32, #tpu.memory_space<hbm>>
    tpu.enqueue_indirect_dma source(%dma_start3A_286 : memref<1040384xf32, #tpu.memory_space<hbm>>) target(%dma_start3A_282 : memref<512xf32, #tpu.memory_space<vmem>>) offsets(%dma_start3A_284 : memref<512xi32, #tpu.memory_space<vmem>>) semaphore(%arg9 : memref<!tpu.dma_semaphore, #tpu.memory_space<semaphore_mem>>)
    %scan3A_287 = arith.constant 0 : i32
    %scan3A_288 = arith.constant 0 : i32
    %scan3A_289 = arith.constant 4 : i32
    %scan3A_290 = arith.addi %scan3A_288, %scan3A_289 : i32
    %scan3A_291 = arith.constant 1 : i32
    %scan3A_292 = scf.for %scan3A_349 = %scan3A_288 to %scan3A_290 step %scan3A_291 iter_args(%scan3A_350 = %scan3A_287) -> (i32)  : i32 {
      %mul3A_351 = arith.constant 8 : i32
      %mul3A_352 = arith.muli %scan3A_349, %mul3A_351 : i32
      %add3A_353 = arith.constant 0 : i32
      %add3A_354 = arith.addi %mul3A_352, %add3A_353 : i32
      %mul3A_355 = arith.constant 16 : i32
      %mul3A_356 = arith.muli %add3A_354, %mul3A_355 : i32
      %get3A = arith.constant 22 : i32
      %get3A_357 = arith.index_cast %get3A : i32 to index
      %get3A_358 = arith.index_cast %mul3A_356 : i32 to index
      %get3A_359 = tpu.vector_load %arg5[%get3A_357, %get3A_358] {strides = array<i32>} : memref<26x512xi32, #tpu.memory_space<vmem>>, vector<16xi32>,
      %add3A_360 = arith.constant 880000 : i32
      %add3A_361 = vector.broadcast %add3A_360 : i32 to vector<16xi32>
      %add3A_362 = arith.addi %get3A_359, %add3A_361 : vector<16xi32>
      %add3A_363 = arith.constant 11264 : i32
      %add3A_364 = arith.addi %add3A_363, %mul3A_356 : i32
      %swap3A = arith.index_cast %add3A_364 : i32 to index
      %swap3A_365 = tpu.vector_load %arg6[%swap3A] {strides = array<i32>} : memref<13312xi32, #tpu.memory_space<vmem>>, vector<16xi32>,
      tpu.vector_store %arg6[%swap3A], %add3A_362 {strides = array<i32>} : memref<13312xi32, #tpu.memory_space<vmem>>, vector<16xi32>,
      %mul3A_366 = arith.constant 8 : i32
      %mul3A_367 = arith.muli %scan3A_349, %mul3A_366 : i32
      %add3A_368 = arith.constant 1 : i32
      %add3A_369 = arith.addi %mul3A_367, %add3A_368 : i32
      %mul3A_370 = arith.constant 16 : i32
      %mul3A_371 = arith.muli %add3A_369, %mul3A_370 : i32
      %get3A_372 = arith.constant 22 : i32
      %get3A_373 = arith.index_cast %get3A_372 : i32 to index
      %get3A_374 = arith.index_cast %mul3A_371 : i32 to index
      %get3A_375 = tpu.vector_load %arg5[%get3A_373, %get3A_374] {strides = array<i32>} : memref<26x512xi32, #tpu.memory_space<vmem>>, vector<16xi32>,
      %add3A_376 = arith.constant 880000 : i32
      %add3A_377 = vector.broadcast %add3A_376 : i32 to vector<16xi32>
      %add3A_378 = arith.addi %get3A_375, %add3A_377 : vector<16xi32>
      %add3A_379 = arith.constant 11264 : i32
      %add3A_380 = arith.addi %add3A_379, %mul3A_371 : i32
      %swap3A_381 = arith.index_cast %add3A_380 : i32 to index
      %swap3A_382 = tpu.vector_load %arg6[%swap3A_381] {strides = array<i32>} : memref<13312xi32, #tpu.memory_space<vmem>>, vector<16xi32>,
      tpu.vector_store %arg6[%swap3A_381], %add3A_378 {strides = array<i32>} : memref<13312xi32, #tpu.memory_space<vmem>>, vector<16xi32>,
      %mul3A_383 = arith.constant 8 : i32
      %mul3A_384 = arith.muli %scan3A_349, %mul3A_383 : i32
      %add3A_385 = arith.constant 2 : i32
      %add3A_386 = arith.addi %mul3A_384, %add3A_385 : i32
      %mul3A_387 = arith.constant 16 : i32
      %mul3A_388 = arith.muli %add3A_386, %mul3A_387 : i32
      %get3A_389 = arith.constant 22 : i32
      %get3A_390 = arith.index_cast %get3A_389 : i32 to index
      %get3A_391 = arith.index_cast %mul3A_388 : i32 to index
      %get3A_392 = tpu.vector_load %arg5[%get3A_390, %get3A_391] {strides = array<i32>} : memref<26x512xi32, #tpu.memory_space<vmem>>, vector<16xi32>,
      %add3A_393 = arith.constant 880000 : i32
      %add3A_394 = vector.broadcast %add3A_393 : i32 to vector<16xi32>
      %add3A_395 = arith.addi %get3A_392, %add3A_394 : vector<16xi32>
      %add3A_396 = arith.constant 11264 : i32
      %add3A_397 = arith.addi %add3A_396, %mul3A_388 : i32
      %swap3A_398 = arith.index_cast %add3A_397 : i32 to index
      %swap3A_399 = tpu.vector_load %arg6[%swap3A_398] {strides = array<i32>} : memref<13312xi32, #tpu.memory_space<vmem>>, vector<16xi32>,
      tpu.vector_store %arg6[%swap3A_398], %add3A_395 {strides = array<i32>} : memref<13312xi32, #tpu.memory_space<vmem>>, vector<16xi32>,
      %mul3A_400 = arith.constant 8 : i32
      %mul3A_401 = arith.muli %scan3A_349, %mul3A_400 : i32
      %add3A_402 = arith.constant 3 : i32
      %add3A_403 = arith.addi %mul3A_401, %add3A_402 : i32
      %mul3A_404 = arith.constant 16 : i32
      %mul3A_405 = arith.muli %add3A_403, %mul3A_404 : i32
      %get3A_406 = arith.constant 22 : i32
      %get3A_407 = arith.index_cast %get3A_406 : i32 to index
      %get3A_408 = arith.index_cast %mul3A_405 : i32 to index
      %get3A_409 = tpu.vector_load %arg5[%get3A_407, %get3A_408] {strides = array<i32>} : memref<26x512xi32, #tpu.memory_space<vmem>>, vector<16xi32>,
      %add3A_410 = arith.constant 880000 : i32
      %add3A_411 = vector.broadcast %add3A_410 : i32 to vector<16xi32>
      %add3A_412 = arith.addi %get3A_409, %add3A_411 : vector<16xi32>
      %add3A_413 = arith.constant 11264 : i32
      %add3A_414 = arith.addi %add3A_413, %mul3A_405 : i32
      %swap3A_415 = arith.index_cast %add3A_414 : i32 to index
      %swap3A_416 = tpu.vector_load %arg6[%swap3A_415] {strides = array<i32>} : memref<13312xi32, #tpu.memory_space<vmem>>, vector<16xi32>,
      tpu.vector_store %arg6[%swap3A_415], %add3A_412 {strides = array<i32>} : memref<13312xi32, #tpu.memory_space<vmem>>, vector<16xi32>,
      %mul3A_417 = arith.constant 8 : i32
      %mul3A_418 = arith.muli %scan3A_349, %mul3A_417 : i32
      %add3A_419 = arith.constant 4 : i32
      %add3A_420 = arith.addi %mul3A_418, %add3A_419 : i32
      %mul3A_421 = arith.constant 16 : i32
      %mul3A_422 = arith.muli %add3A_420, %mul3A_421 : i32
      %get3A_423 = arith.constant 22 : i32
      %get3A_424 = arith.index_cast %get3A_423 : i32 to index
      %get3A_425 = arith.index_cast %mul3A_422 : i32 to index
      %get3A_426 = tpu.vector_load %arg5[%get3A_424, %get3A_425] {strides = array<i32>} : memref<26x512xi32, #tpu.memory_space<vmem>>, vector<16xi32>,
      %add3A_427 = arith.constant 880000 : i32
      %add3A_428 = vector.broadcast %add3A_427 : i32 to vector<16xi32>
      %add3A_429 = arith.addi %get3A_426, %add3A_428 : vector<16xi32>
      %add3A_430 = arith.constant 11264 : i32
      %add3A_431 = arith.addi %add3A_430, %mul3A_422 : i32
      %swap3A_432 = arith.index_cast %add3A_431 : i32 to index
      %swap3A_433 = tpu.vector_load %arg6[%swap3A_432] {strides = array<i32>} : memref<13312xi32, #tpu.memory_space<vmem>>, vector<16xi32>,
      tpu.vector_store %arg6[%swap3A_432], %add3A_429 {strides = array<i32>} : memref<13312xi32, #tpu.memory_space<vmem>>, vector<16xi32>,
      %mul3A_434 = arith.constant 8 : i32
      %mul3A_435 = arith.muli %scan3A_349, %mul3A_434 : i32
      %add3A_436 = arith.constant 5 : i32
      %add3A_437 = arith.addi %mul3A_435, %add3A_436 : i32
      %mul3A_438 = arith.constant 16 : i32
      %mul3A_439 = arith.muli %add3A_437, %mul3A_438 : i32
      %get3A_440 = arith.constant 22 : i32
      %get3A_441 = arith.index_cast %get3A_440 : i32 to index
      %get3A_442 = arith.index_cast %mul3A_439 : i32 to index
      %get3A_443 = tpu.vector_load %arg5[%get3A_441, %get3A_442] {strides = array<i32>} : memref<26x512xi32, #tpu.memory_space<vmem>>, vector<16xi32>,
      %add3A_444 = arith.constant 880000 : i32
      %add3A_445 = vector.broadcast %add3A_444 : i32 to vector<16xi32>
      %add3A_446 = arith.addi %get3A_443, %add3A_445 : vector<16xi32>
      %add3A_447 = arith.constant 11264 : i32
      %add3A_448 = arith.addi %add3A_447, %mul3A_439 : i32
      %swap3A_449 = arith.index_cast %add3A_448 : i32 to index
      %swap3A_450 = tpu.vector_load %arg6[%swap3A_449] {strides = array<i32>} : memref<13312xi32, #tpu.memory_space<vmem>>, vector<16xi32>,
      tpu.vector_store %arg6[%swap3A_449], %add3A_446 {strides = array<i32>} : memref<13312xi32, #tpu.memory_space<vmem>>, vector<16xi32>,
      %mul3A_451 = arith.constant 8 : i32
      %mul3A_452 = arith.muli %scan3A_349, %mul3A_451 : i32
      %add3A_453 = arith.constant 6 : i32
      %add3A_454 = arith.addi %mul3A_452, %add3A_453 : i32
      %mul3A_455 = arith.constant 16 : i32
      %mul3A_456 = arith.muli %add3A_454, %mul3A_455 : i32
      %get3A_457 = arith.constant 22 : i32
      %get3A_458 = arith.index_cast %get3A_457 : i32 to index
      %get3A_459 = arith.index_cast %mul3A_456 : i32 to index
      %get3A_460 = tpu.vector_load %arg5[%get3A_458, %get3A_459] {strides = array<i32>} : memref<26x512xi32, #tpu.memory_space<vmem>>, vector<16xi32>,
      %add3A_461 = arith.constant 880000 : i32
      %add3A_462 = vector.broadcast %add3A_461 : i32 to vector<16xi32>
      %add3A_463 = arith.addi %get3A_460, %add3A_462 : vector<16xi32>
      %add3A_464 = arith.constant 11264 : i32
      %add3A_465 = arith.addi %add3A_464, %mul3A_456 : i32
      %swap3A_466 = arith.index_cast %add3A_465 : i32 to index
      %swap3A_467 = tpu.vector_load %arg6[%swap3A_466] {strides = array<i32>} : memref<13312xi32, #tpu.memory_space<vmem>>, vector<16xi32>,
      tpu.vector_store %arg6[%swap3A_466], %add3A_463 {strides = array<i32>} : memref<13312xi32, #tpu.memory_space<vmem>>, vector<16xi32>,
      %mul3A_468 = arith.constant 8 : i32
      %mul3A_469 = arith.muli %scan3A_349, %mul3A_468 : i32
      %add3A_470 = arith.constant 7 : i32
      %add3A_471 = arith.addi %mul3A_469, %add3A_470 : i32
      %mul3A_472 = arith.constant 16 : i32
      %mul3A_473 = arith.muli %add3A_471, %mul3A_472 : i32
      %get3A_474 = arith.constant 22 : i32
      %get3A_475 = arith.index_cast %get3A_474 : i32 to index
      %get3A_476 = arith.index_cast %mul3A_473 : i32 to index
      %get3A_477 = tpu.vector_load %arg5[%get3A_475, %get3A_476] {strides = array<i32>} : memref<26x512xi32, #tpu.memory_space<vmem>>, vector<16xi32>,
      %add3A_478 = arith.constant 880000 : i32
      %add3A_479 = vector.broadcast %add3A_478 : i32 to vector<16xi32>
      %add3A_480 = arith.addi %get3A_477, %add3A_479 : vector<16xi32>
      %add3A_481 = arith.constant 11264 : i32
      %add3A_482 = arith.addi %add3A_481, %mul3A_473 : i32
      %swap3A_483 = arith.index_cast %add3A_482 : i32 to index
      %swap3A_484 = tpu.vector_load %arg6[%swap3A_483] {strides = array<i32>} : memref<13312xi32, #tpu.memory_space<vmem>>, vector<16xi32>,
      tpu.vector_store %arg6[%swap3A_483], %add3A_480 {strides = array<i32>} : memref<13312xi32, #tpu.memory_space<vmem>>, vector<16xi32>,
      %scan3A_485 = arith.constant 0 : i32
      scf.yield %scan3A_485 : i32
    }
    %scan3A_293 = arith.constant 4 : i32
    %dma_start3A_294 = arith.constant 11264 : i32
    %dma_start3A_295 = tpu.memref_slice %arg7[%dma_start3A_294] : memref<13312xf32, #tpu.memory_space<vmem>> -> memref<512xf32, #tpu.memory_space<vmem>>
    %dma_start3A_296 = arith.constant 11264 : i32
    %dma_start3A_297 = tpu.memref_slice %arg6[%dma_start3A_296] : memref<13312xi32, #tpu.memory_space<vmem>> -> memref<512xi32, #tpu.memory_space<vmem>>
    %dma_start3A_298 = arith.constant 0 : i32
    %dma_start3A_299 = tpu.memref_slice %arg3[%dma_start3A_298] : memref<1040384xf32, #tpu.memory_space<hbm>> -> memref<1040384xf32, #tpu.memory_space<hbm>>
    tpu.enqueue_indirect_dma source(%dma_start3A_299 : memref<1040384xf32, #tpu.memory_space<hbm>>) target(%dma_start3A_295 : memref<512xf32, #tpu.memory_space<vmem>>) offsets(%dma_start3A_297 : memref<512xi32, #tpu.memory_space<vmem>>) semaphore(%arg9 : memref<!tpu.dma_semaphore, #tpu.memory_space<semaphore_mem>>)
    %scan3A_300 = arith.constant 0 : i32
    %scan3A_301 = arith.constant 0 : i32
    %scan3A_302 = arith.constant 4 : i32
    %scan3A_303 = arith.addi %scan3A_301, %scan3A_302 : i32
    %scan3A_304 = arith.constant 1 : i32
    %scan3A_305 = scf.for %scan3A_349 = %scan3A_301 to %scan3A_303 step %scan3A_304 iter_args(%scan3A_350 = %scan3A_300) -> (i32)  : i32 {
      %mul3A_351 = arith.constant 8 : i32
      %mul3A_352 = arith.muli %scan3A_349, %mul3A_351 : i32
      %add3A_353 = arith.constant 0 : i32
      %add3A_354 = arith.addi %mul3A_352, %add3A_353 : i32
      %mul3A_355 = arith.constant 16 : i32
      %mul3A_356 = arith.muli %add3A_354, %mul3A_355 : i32
      %get3A = arith.constant 23 : i32
      %get3A_357 = arith.index_cast %get3A : i32 to index
      %get3A_358 = arith.index_cast %mul3A_356 : i32 to index
      %get3A_359 = tpu.vector_load %arg5[%get3A_357, %get3A_358] {strides = array<i32>} : memref<26x512xi32, #tpu.memory_space<vmem>>, vector<16xi32>,
      %add3A_360 = arith.constant 920000 : i32
      %add3A_361 = vector.broadcast %add3A_360 : i32 to vector<16xi32>
      %add3A_362 = arith.addi %get3A_359, %add3A_361 : vector<16xi32>
      %add3A_363 = arith.constant 11776 : i32
      %add3A_364 = arith.addi %add3A_363, %mul3A_356 : i32
      %swap3A = arith.index_cast %add3A_364 : i32 to index
      %swap3A_365 = tpu.vector_load %arg6[%swap3A] {strides = array<i32>} : memref<13312xi32, #tpu.memory_space<vmem>>, vector<16xi32>,
      tpu.vector_store %arg6[%swap3A], %add3A_362 {strides = array<i32>} : memref<13312xi32, #tpu.memory_space<vmem>>, vector<16xi32>,
      %mul3A_366 = arith.constant 8 : i32
      %mul3A_367 = arith.muli %scan3A_349, %mul3A_366 : i32
      %add3A_368 = arith.constant 1 : i32
      %add3A_369 = arith.addi %mul3A_367, %add3A_368 : i32
      %mul3A_370 = arith.constant 16 : i32
      %mul3A_371 = arith.muli %add3A_369, %mul3A_370 : i32
      %get3A_372 = arith.constant 23 : i32
      %get3A_373 = arith.index_cast %get3A_372 : i32 to index
      %get3A_374 = arith.index_cast %mul3A_371 : i32 to index
      %get3A_375 = tpu.vector_load %arg5[%get3A_373, %get3A_374] {strides = array<i32>} : memref<26x512xi32, #tpu.memory_space<vmem>>, vector<16xi32>,
      %add3A_376 = arith.constant 920000 : i32
      %add3A_377 = vector.broadcast %add3A_376 : i32 to vector<16xi32>
      %add3A_378 = arith.addi %get3A_375, %add3A_377 : vector<16xi32>
      %add3A_379 = arith.constant 11776 : i32
      %add3A_380 = arith.addi %add3A_379, %mul3A_371 : i32
      %swap3A_381 = arith.index_cast %add3A_380 : i32 to index
      %swap3A_382 = tpu.vector_load %arg6[%swap3A_381] {strides = array<i32>} : memref<13312xi32, #tpu.memory_space<vmem>>, vector<16xi32>,
      tpu.vector_store %arg6[%swap3A_381], %add3A_378 {strides = array<i32>} : memref<13312xi32, #tpu.memory_space<vmem>>, vector<16xi32>,
      %mul3A_383 = arith.constant 8 : i32
      %mul3A_384 = arith.muli %scan3A_349, %mul3A_383 : i32
      %add3A_385 = arith.constant 2 : i32
      %add3A_386 = arith.addi %mul3A_384, %add3A_385 : i32
      %mul3A_387 = arith.constant 16 : i32
      %mul3A_388 = arith.muli %add3A_386, %mul3A_387 : i32
      %get3A_389 = arith.constant 23 : i32
      %get3A_390 = arith.index_cast %get3A_389 : i32 to index
      %get3A_391 = arith.index_cast %mul3A_388 : i32 to index
      %get3A_392 = tpu.vector_load %arg5[%get3A_390, %get3A_391] {strides = array<i32>} : memref<26x512xi32, #tpu.memory_space<vmem>>, vector<16xi32>,
      %add3A_393 = arith.constant 920000 : i32
      %add3A_394 = vector.broadcast %add3A_393 : i32 to vector<16xi32>
      %add3A_395 = arith.addi %get3A_392, %add3A_394 : vector<16xi32>
      %add3A_396 = arith.constant 11776 : i32
      %add3A_397 = arith.addi %add3A_396, %mul3A_388 : i32
      %swap3A_398 = arith.index_cast %add3A_397 : i32 to index
      %swap3A_399 = tpu.vector_load %arg6[%swap3A_398] {strides = array<i32>} : memref<13312xi32, #tpu.memory_space<vmem>>, vector<16xi32>,
      tpu.vector_store %arg6[%swap3A_398], %add3A_395 {strides = array<i32>} : memref<13312xi32, #tpu.memory_space<vmem>>, vector<16xi32>,
      %mul3A_400 = arith.constant 8 : i32
      %mul3A_401 = arith.muli %scan3A_349, %mul3A_400 : i32
      %add3A_402 = arith.constant 3 : i32
      %add3A_403 = arith.addi %mul3A_401, %add3A_402 : i32
      %mul3A_404 = arith.constant 16 : i32
      %mul3A_405 = arith.muli %add3A_403, %mul3A_404 : i32
      %get3A_406 = arith.constant 23 : i32
      %get3A_407 = arith.index_cast %get3A_406 : i32 to index
      %get3A_408 = arith.index_cast %mul3A_405 : i32 to index
      %get3A_409 = tpu.vector_load %arg5[%get3A_407, %get3A_408] {strides = array<i32>} : memref<26x512xi32, #tpu.memory_space<vmem>>, vector<16xi32>,
      %add3A_410 = arith.constant 920000 : i32
      %add3A_411 = vector.broadcast %add3A_410 : i32 to vector<16xi32>
      %add3A_412 = arith.addi %get3A_409, %add3A_411 : vector<16xi32>
      %add3A_413 = arith.constant 11776 : i32
      %add3A_414 = arith.addi %add3A_413, %mul3A_405 : i32
      %swap3A_415 = arith.index_cast %add3A_414 : i32 to index
      %swap3A_416 = tpu.vector_load %arg6[%swap3A_415] {strides = array<i32>} : memref<13312xi32, #tpu.memory_space<vmem>>, vector<16xi32>,
      tpu.vector_store %arg6[%swap3A_415], %add3A_412 {strides = array<i32>} : memref<13312xi32, #tpu.memory_space<vmem>>, vector<16xi32>,
      %mul3A_417 = arith.constant 8 : i32
      %mul3A_418 = arith.muli %scan3A_349, %mul3A_417 : i32
      %add3A_419 = arith.constant 4 : i32
      %add3A_420 = arith.addi %mul3A_418, %add3A_419 : i32
      %mul3A_421 = arith.constant 16 : i32
      %mul3A_422 = arith.muli %add3A_420, %mul3A_421 : i32
      %get3A_423 = arith.constant 23 : i32
      %get3A_424 = arith.index_cast %get3A_423 : i32 to index
      %get3A_425 = arith.index_cast %mul3A_422 : i32 to index
      %get3A_426 = tpu.vector_load %arg5[%get3A_424, %get3A_425] {strides = array<i32>} : memref<26x512xi32, #tpu.memory_space<vmem>>, vector<16xi32>,
      %add3A_427 = arith.constant 920000 : i32
      %add3A_428 = vector.broadcast %add3A_427 : i32 to vector<16xi32>
      %add3A_429 = arith.addi %get3A_426, %add3A_428 : vector<16xi32>
      %add3A_430 = arith.constant 11776 : i32
      %add3A_431 = arith.addi %add3A_430, %mul3A_422 : i32
      %swap3A_432 = arith.index_cast %add3A_431 : i32 to index
      %swap3A_433 = tpu.vector_load %arg6[%swap3A_432] {strides = array<i32>} : memref<13312xi32, #tpu.memory_space<vmem>>, vector<16xi32>,
      tpu.vector_store %arg6[%swap3A_432], %add3A_429 {strides = array<i32>} : memref<13312xi32, #tpu.memory_space<vmem>>, vector<16xi32>,
      %mul3A_434 = arith.constant 8 : i32
      %mul3A_435 = arith.muli %scan3A_349, %mul3A_434 : i32
      %add3A_436 = arith.constant 5 : i32
      %add3A_437 = arith.addi %mul3A_435, %add3A_436 : i32
      %mul3A_438 = arith.constant 16 : i32
      %mul3A_439 = arith.muli %add3A_437, %mul3A_438 : i32
      %get3A_440 = arith.constant 23 : i32
      %get3A_441 = arith.index_cast %get3A_440 : i32 to index
      %get3A_442 = arith.index_cast %mul3A_439 : i32 to index
      %get3A_443 = tpu.vector_load %arg5[%get3A_441, %get3A_442] {strides = array<i32>} : memref<26x512xi32, #tpu.memory_space<vmem>>, vector<16xi32>,
      %add3A_444 = arith.constant 920000 : i32
      %add3A_445 = vector.broadcast %add3A_444 : i32 to vector<16xi32>
      %add3A_446 = arith.addi %get3A_443, %add3A_445 : vector<16xi32>
      %add3A_447 = arith.constant 11776 : i32
      %add3A_448 = arith.addi %add3A_447, %mul3A_439 : i32
      %swap3A_449 = arith.index_cast %add3A_448 : i32 to index
      %swap3A_450 = tpu.vector_load %arg6[%swap3A_449] {strides = array<i32>} : memref<13312xi32, #tpu.memory_space<vmem>>, vector<16xi32>,
      tpu.vector_store %arg6[%swap3A_449], %add3A_446 {strides = array<i32>} : memref<13312xi32, #tpu.memory_space<vmem>>, vector<16xi32>,
      %mul3A_451 = arith.constant 8 : i32
      %mul3A_452 = arith.muli %scan3A_349, %mul3A_451 : i32
      %add3A_453 = arith.constant 6 : i32
      %add3A_454 = arith.addi %mul3A_452, %add3A_453 : i32
      %mul3A_455 = arith.constant 16 : i32
      %mul3A_456 = arith.muli %add3A_454, %mul3A_455 : i32
      %get3A_457 = arith.constant 23 : i32
      %get3A_458 = arith.index_cast %get3A_457 : i32 to index
      %get3A_459 = arith.index_cast %mul3A_456 : i32 to index
      %get3A_460 = tpu.vector_load %arg5[%get3A_458, %get3A_459] {strides = array<i32>} : memref<26x512xi32, #tpu.memory_space<vmem>>, vector<16xi32>,
      %add3A_461 = arith.constant 920000 : i32
      %add3A_462 = vector.broadcast %add3A_461 : i32 to vector<16xi32>
      %add3A_463 = arith.addi %get3A_460, %add3A_462 : vector<16xi32>
      %add3A_464 = arith.constant 11776 : i32
      %add3A_465 = arith.addi %add3A_464, %mul3A_456 : i32
      %swap3A_466 = arith.index_cast %add3A_465 : i32 to index
      %swap3A_467 = tpu.vector_load %arg6[%swap3A_466] {strides = array<i32>} : memref<13312xi32, #tpu.memory_space<vmem>>, vector<16xi32>,
      tpu.vector_store %arg6[%swap3A_466], %add3A_463 {strides = array<i32>} : memref<13312xi32, #tpu.memory_space<vmem>>, vector<16xi32>,
      %mul3A_468 = arith.constant 8 : i32
      %mul3A_469 = arith.muli %scan3A_349, %mul3A_468 : i32
      %add3A_470 = arith.constant 7 : i32
      %add3A_471 = arith.addi %mul3A_469, %add3A_470 : i32
      %mul3A_472 = arith.constant 16 : i32
      %mul3A_473 = arith.muli %add3A_471, %mul3A_472 : i32
      %get3A_474 = arith.constant 23 : i32
      %get3A_475 = arith.index_cast %get3A_474 : i32 to index
      %get3A_476 = arith.index_cast %mul3A_473 : i32 to index
      %get3A_477 = tpu.vector_load %arg5[%get3A_475, %get3A_476] {strides = array<i32>} : memref<26x512xi32, #tpu.memory_space<vmem>>, vector<16xi32>,
      %add3A_478 = arith.constant 920000 : i32
      %add3A_479 = vector.broadcast %add3A_478 : i32 to vector<16xi32>
      %add3A_480 = arith.addi %get3A_477, %add3A_479 : vector<16xi32>
      %add3A_481 = arith.constant 11776 : i32
      %add3A_482 = arith.addi %add3A_481, %mul3A_473 : i32
      %swap3A_483 = arith.index_cast %add3A_482 : i32 to index
      %swap3A_484 = tpu.vector_load %arg6[%swap3A_483] {strides = array<i32>} : memref<13312xi32, #tpu.memory_space<vmem>>, vector<16xi32>,
      tpu.vector_store %arg6[%swap3A_483], %add3A_480 {strides = array<i32>} : memref<13312xi32, #tpu.memory_space<vmem>>, vector<16xi32>,
      %scan3A_485 = arith.constant 0 : i32
      scf.yield %scan3A_485 : i32
    }
    %scan3A_306 = arith.constant 4 : i32
    %dma_start3A_307 = arith.constant 11776 : i32
    %dma_start3A_308 = tpu.memref_slice %arg7[%dma_start3A_307] : memref<13312xf32, #tpu.memory_space<vmem>> -> memref<512xf32, #tpu.memory_space<vmem>>
    %dma_start3A_309 = arith.constant 11776 : i32
    %dma_start3A_310 = tpu.memref_slice %arg6[%dma_start3A_309] : memref<13312xi32, #tpu.memory_space<vmem>> -> memref<512xi32, #tpu.memory_space<vmem>>
    %dma_start3A_311 = arith.constant 0 : i32
    %dma_start3A_312 = tpu.memref_slice %arg3[%dma_start3A_311] : memref<1040384xf32, #tpu.memory_space<hbm>> -> memref<1040384xf32, #tpu.memory_space<hbm>>
    tpu.enqueue_indirect_dma source(%dma_start3A_312 : memref<1040384xf32, #tpu.memory_space<hbm>>) target(%dma_start3A_308 : memref<512xf32, #tpu.memory_space<vmem>>) offsets(%dma_start3A_310 : memref<512xi32, #tpu.memory_space<vmem>>) semaphore(%arg9 : memref<!tpu.dma_semaphore, #tpu.memory_space<semaphore_mem>>)
    %scan3A_313 = arith.constant 0 : i32
    %scan3A_314 = arith.constant 0 : i32
    %scan3A_315 = arith.constant 4 : i32
    %scan3A_316 = arith.addi %scan3A_314, %scan3A_315 : i32
    %scan3A_317 = arith.constant 1 : i32
    %scan3A_318 = scf.for %scan3A_349 = %scan3A_314 to %scan3A_316 step %scan3A_317 iter_args(%scan3A_350 = %scan3A_313) -> (i32)  : i32 {
      %mul3A_351 = arith.constant 8 : i32
      %mul3A_352 = arith.muli %scan3A_349, %mul3A_351 : i32
      %add3A_353 = arith.constant 0 : i32
      %add3A_354 = arith.addi %mul3A_352, %add3A_353 : i32
      %mul3A_355 = arith.constant 16 : i32
      %mul3A_356 = arith.muli %add3A_354, %mul3A_355 : i32
      %get3A = arith.constant 24 : i32
      %get3A_357 = arith.index_cast %get3A : i32 to index
      %get3A_358 = arith.index_cast %mul3A_356 : i32 to index
      %get3A_359 = tpu.vector_load %arg5[%get3A_357, %get3A_358] {strides = array<i32>} : memref<26x512xi32, #tpu.memory_space<vmem>>, vector<16xi32>,
      %add3A_360 = arith.constant 960000 : i32
      %add3A_361 = vector.broadcast %add3A_360 : i32 to vector<16xi32>
      %add3A_362 = arith.addi %get3A_359, %add3A_361 : vector<16xi32>
      %add3A_363 = arith.constant 12288 : i32
      %add3A_364 = arith.addi %add3A_363, %mul3A_356 : i32
      %swap3A = arith.index_cast %add3A_364 : i32 to index
      %swap3A_365 = tpu.vector_load %arg6[%swap3A] {strides = array<i32>} : memref<13312xi32, #tpu.memory_space<vmem>>, vector<16xi32>,
      tpu.vector_store %arg6[%swap3A], %add3A_362 {strides = array<i32>} : memref<13312xi32, #tpu.memory_space<vmem>>, vector<16xi32>,
      %mul3A_366 = arith.constant 8 : i32
      %mul3A_367 = arith.muli %scan3A_349, %mul3A_366 : i32
      %add3A_368 = arith.constant 1 : i32
      %add3A_369 = arith.addi %mul3A_367, %add3A_368 : i32
      %mul3A_370 = arith.constant 16 : i32
      %mul3A_371 = arith.muli %add3A_369, %mul3A_370 : i32
      %get3A_372 = arith.constant 24 : i32
      %get3A_373 = arith.index_cast %get3A_372 : i32 to index
      %get3A_374 = arith.index_cast %mul3A_371 : i32 to index
      %get3A_375 = tpu.vector_load %arg5[%get3A_373, %get3A_374] {strides = array<i32>} : memref<26x512xi32, #tpu.memory_space<vmem>>, vector<16xi32>,
      %add3A_376 = arith.constant 960000 : i32
      %add3A_377 = vector.broadcast %add3A_376 : i32 to vector<16xi32>
      %add3A_378 = arith.addi %get3A_375, %add3A_377 : vector<16xi32>
      %add3A_379 = arith.constant 12288 : i32
      %add3A_380 = arith.addi %add3A_379, %mul3A_371 : i32
      %swap3A_381 = arith.index_cast %add3A_380 : i32 to index
      %swap3A_382 = tpu.vector_load %arg6[%swap3A_381] {strides = array<i32>} : memref<13312xi32, #tpu.memory_space<vmem>>, vector<16xi32>,
      tpu.vector_store %arg6[%swap3A_381], %add3A_378 {strides = array<i32>} : memref<13312xi32, #tpu.memory_space<vmem>>, vector<16xi32>,
      %mul3A_383 = arith.constant 8 : i32
      %mul3A_384 = arith.muli %scan3A_349, %mul3A_383 : i32
      %add3A_385 = arith.constant 2 : i32
      %add3A_386 = arith.addi %mul3A_384, %add3A_385 : i32
      %mul3A_387 = arith.constant 16 : i32
      %mul3A_388 = arith.muli %add3A_386, %mul3A_387 : i32
      %get3A_389 = arith.constant 24 : i32
      %get3A_390 = arith.index_cast %get3A_389 : i32 to index
      %get3A_391 = arith.index_cast %mul3A_388 : i32 to index
      %get3A_392 = tpu.vector_load %arg5[%get3A_390, %get3A_391] {strides = array<i32>} : memref<26x512xi32, #tpu.memory_space<vmem>>, vector<16xi32>,
      %add3A_393 = arith.constant 960000 : i32
      %add3A_394 = vector.broadcast %add3A_393 : i32 to vector<16xi32>
      %add3A_395 = arith.addi %get3A_392, %add3A_394 : vector<16xi32>
      %add3A_396 = arith.constant 12288 : i32
      %add3A_397 = arith.addi %add3A_396, %mul3A_388 : i32
      %swap3A_398 = arith.index_cast %add3A_397 : i32 to index
      %swap3A_399 = tpu.vector_load %arg6[%swap3A_398] {strides = array<i32>} : memref<13312xi32, #tpu.memory_space<vmem>>, vector<16xi32>,
      tpu.vector_store %arg6[%swap3A_398], %add3A_395 {strides = array<i32>} : memref<13312xi32, #tpu.memory_space<vmem>>, vector<16xi32>,
      %mul3A_400 = arith.constant 8 : i32
      %mul3A_401 = arith.muli %scan3A_349, %mul3A_400 : i32
      %add3A_402 = arith.constant 3 : i32
      %add3A_403 = arith.addi %mul3A_401, %add3A_402 : i32
      %mul3A_404 = arith.constant 16 : i32
      %mul3A_405 = arith.muli %add3A_403, %mul3A_404 : i32
      %get3A_406 = arith.constant 24 : i32
      %get3A_407 = arith.index_cast %get3A_406 : i32 to index
      %get3A_408 = arith.index_cast %mul3A_405 : i32 to index
      %get3A_409 = tpu.vector_load %arg5[%get3A_407, %get3A_408] {strides = array<i32>} : memref<26x512xi32, #tpu.memory_space<vmem>>, vector<16xi32>,
      %add3A_410 = arith.constant 960000 : i32
      %add3A_411 = vector.broadcast %add3A_410 : i32 to vector<16xi32>
      %add3A_412 = arith.addi %get3A_409, %add3A_411 : vector<16xi32>
      %add3A_413 = arith.constant 12288 : i32
      %add3A_414 = arith.addi %add3A_413, %mul3A_405 : i32
      %swap3A_415 = arith.index_cast %add3A_414 : i32 to index
      %swap3A_416 = tpu.vector_load %arg6[%swap3A_415] {strides = array<i32>} : memref<13312xi32, #tpu.memory_space<vmem>>, vector<16xi32>,
      tpu.vector_store %arg6[%swap3A_415], %add3A_412 {strides = array<i32>} : memref<13312xi32, #tpu.memory_space<vmem>>, vector<16xi32>,
      %mul3A_417 = arith.constant 8 : i32
      %mul3A_418 = arith.muli %scan3A_349, %mul3A_417 : i32
      %add3A_419 = arith.constant 4 : i32
      %add3A_420 = arith.addi %mul3A_418, %add3A_419 : i32
      %mul3A_421 = arith.constant 16 : i32
      %mul3A_422 = arith.muli %add3A_420, %mul3A_421 : i32
      %get3A_423 = arith.constant 24 : i32
      %get3A_424 = arith.index_cast %get3A_423 : i32 to index
      %get3A_425 = arith.index_cast %mul3A_422 : i32 to index
      %get3A_426 = tpu.vector_load %arg5[%get3A_424, %get3A_425] {strides = array<i32>} : memref<26x512xi32, #tpu.memory_space<vmem>>, vector<16xi32>,
      %add3A_427 = arith.constant 960000 : i32
      %add3A_428 = vector.broadcast %add3A_427 : i32 to vector<16xi32>
      %add3A_429 = arith.addi %get3A_426, %add3A_428 : vector<16xi32>
      %add3A_430 = arith.constant 12288 : i32
      %add3A_431 = arith.addi %add3A_430, %mul3A_422 : i32
      %swap3A_432 = arith.index_cast %add3A_431 : i32 to index
      %swap3A_433 = tpu.vector_load %arg6[%swap3A_432] {strides = array<i32>} : memref<13312xi32, #tpu.memory_space<vmem>>, vector<16xi32>,
      tpu.vector_store %arg6[%swap3A_432], %add3A_429 {strides = array<i32>} : memref<13312xi32, #tpu.memory_space<vmem>>, vector<16xi32>,
      %mul3A_434 = arith.constant 8 : i32
      %mul3A_435 = arith.muli %scan3A_349, %mul3A_434 : i32
      %add3A_436 = arith.constant 5 : i32
      %add3A_437 = arith.addi %mul3A_435, %add3A_436 : i32
      %mul3A_438 = arith.constant 16 : i32
      %mul3A_439 = arith.muli %add3A_437, %mul3A_438 : i32
      %get3A_440 = arith.constant 24 : i32
      %get3A_441 = arith.index_cast %get3A_440 : i32 to index
      %get3A_442 = arith.index_cast %mul3A_439 : i32 to index
      %get3A_443 = tpu.vector_load %arg5[%get3A_441, %get3A_442] {strides = array<i32>} : memref<26x512xi32, #tpu.memory_space<vmem>>, vector<16xi32>,
      %add3A_444 = arith.constant 960000 : i32
      %add3A_445 = vector.broadcast %add3A_444 : i32 to vector<16xi32>
      %add3A_446 = arith.addi %get3A_443, %add3A_445 : vector<16xi32>
      %add3A_447 = arith.constant 12288 : i32
      %add3A_448 = arith.addi %add3A_447, %mul3A_439 : i32
      %swap3A_449 = arith.index_cast %add3A_448 : i32 to index
      %swap3A_450 = tpu.vector_load %arg6[%swap3A_449] {strides = array<i32>} : memref<13312xi32, #tpu.memory_space<vmem>>, vector<16xi32>,
      tpu.vector_store %arg6[%swap3A_449], %add3A_446 {strides = array<i32>} : memref<13312xi32, #tpu.memory_space<vmem>>, vector<16xi32>,
      %mul3A_451 = arith.constant 8 : i32
      %mul3A_452 = arith.muli %scan3A_349, %mul3A_451 : i32
      %add3A_453 = arith.constant 6 : i32
      %add3A_454 = arith.addi %mul3A_452, %add3A_453 : i32
      %mul3A_455 = arith.constant 16 : i32
      %mul3A_456 = arith.muli %add3A_454, %mul3A_455 : i32
      %get3A_457 = arith.constant 24 : i32
      %get3A_458 = arith.index_cast %get3A_457 : i32 to index
      %get3A_459 = arith.index_cast %mul3A_456 : i32 to index
      %get3A_460 = tpu.vector_load %arg5[%get3A_458, %get3A_459] {strides = array<i32>} : memref<26x512xi32, #tpu.memory_space<vmem>>, vector<16xi32>,
      %add3A_461 = arith.constant 960000 : i32
      %add3A_462 = vector.broadcast %add3A_461 : i32 to vector<16xi32>
      %add3A_463 = arith.addi %get3A_460, %add3A_462 : vector<16xi32>
      %add3A_464 = arith.constant 12288 : i32
      %add3A_465 = arith.addi %add3A_464, %mul3A_456 : i32
      %swap3A_466 = arith.index_cast %add3A_465 : i32 to index
      %swap3A_467 = tpu.vector_load %arg6[%swap3A_466] {strides = array<i32>} : memref<13312xi32, #tpu.memory_space<vmem>>, vector<16xi32>,
      tpu.vector_store %arg6[%swap3A_466], %add3A_463 {strides = array<i32>} : memref<13312xi32, #tpu.memory_space<vmem>>, vector<16xi32>,
      %mul3A_468 = arith.constant 8 : i32
      %mul3A_469 = arith.muli %scan3A_349, %mul3A_468 : i32
      %add3A_470 = arith.constant 7 : i32
      %add3A_471 = arith.addi %mul3A_469, %add3A_470 : i32
      %mul3A_472 = arith.constant 16 : i32
      %mul3A_473 = arith.muli %add3A_471, %mul3A_472 : i32
      %get3A_474 = arith.constant 24 : i32
      %get3A_475 = arith.index_cast %get3A_474 : i32 to index
      %get3A_476 = arith.index_cast %mul3A_473 : i32 to index
      %get3A_477 = tpu.vector_load %arg5[%get3A_475, %get3A_476] {strides = array<i32>} : memref<26x512xi32, #tpu.memory_space<vmem>>, vector<16xi32>,
      %add3A_478 = arith.constant 960000 : i32
      %add3A_479 = vector.broadcast %add3A_478 : i32 to vector<16xi32>
      %add3A_480 = arith.addi %get3A_477, %add3A_479 : vector<16xi32>
      %add3A_481 = arith.constant 12288 : i32
      %add3A_482 = arith.addi %add3A_481, %mul3A_473 : i32
      %swap3A_483 = arith.index_cast %add3A_482 : i32 to index
      %swap3A_484 = tpu.vector_load %arg6[%swap3A_483] {strides = array<i32>} : memref<13312xi32, #tpu.memory_space<vmem>>, vector<16xi32>,
      tpu.vector_store %arg6[%swap3A_483], %add3A_480 {strides = array<i32>} : memref<13312xi32, #tpu.memory_space<vmem>>, vector<16xi32>,
      %scan3A_485 = arith.constant 0 : i32
      scf.yield %scan3A_485 : i32
    }
    %scan3A_319 = arith.constant 4 : i32
    %dma_start3A_320 = arith.constant 12288 : i32
    %dma_start3A_321 = tpu.memref_slice %arg7[%dma_start3A_320] : memref<13312xf32, #tpu.memory_space<vmem>> -> memref<512xf32, #tpu.memory_space<vmem>>
    %dma_start3A_322 = arith.constant 12288 : i32
    %dma_start3A_323 = tpu.memref_slice %arg6[%dma_start3A_322] : memref<13312xi32, #tpu.memory_space<vmem>> -> memref<512xi32, #tpu.memory_space<vmem>>
    %dma_start3A_324 = arith.constant 0 : i32
    %dma_start3A_325 = tpu.memref_slice %arg3[%dma_start3A_324] : memref<1040384xf32, #tpu.memory_space<hbm>> -> memref<1040384xf32, #tpu.memory_space<hbm>>
    tpu.enqueue_indirect_dma source(%dma_start3A_325 : memref<1040384xf32, #tpu.memory_space<hbm>>) target(%dma_start3A_321 : memref<512xf32, #tpu.memory_space<vmem>>) offsets(%dma_start3A_323 : memref<512xi32, #tpu.memory_space<vmem>>) semaphore(%arg9 : memref<!tpu.dma_semaphore, #tpu.memory_space<semaphore_mem>>)
    %scan3A_326 = arith.constant 0 : i32
    %scan3A_327 = arith.constant 0 : i32
    %scan3A_328 = arith.constant 4 : i32
    %scan3A_329 = arith.addi %scan3A_327, %scan3A_328 : i32
    %scan3A_330 = arith.constant 1 : i32
    %scan3A_331 = scf.for %scan3A_349 = %scan3A_327 to %scan3A_329 step %scan3A_330 iter_args(%scan3A_350 = %scan3A_326) -> (i32)  : i32 {
      %mul3A_351 = arith.constant 8 : i32
      %mul3A_352 = arith.muli %scan3A_349, %mul3A_351 : i32
      %add3A_353 = arith.constant 0 : i32
      %add3A_354 = arith.addi %mul3A_352, %add3A_353 : i32
      %mul3A_355 = arith.constant 16 : i32
      %mul3A_356 = arith.muli %add3A_354, %mul3A_355 : i32
      %get3A = arith.constant 25 : i32
      %get3A_357 = arith.index_cast %get3A : i32 to index
      %get3A_358 = arith.index_cast %mul3A_356 : i32 to index
      %get3A_359 = tpu.vector_load %arg5[%get3A_357, %get3A_358] {strides = array<i32>} : memref<26x512xi32, #tpu.memory_space<vmem>>, vector<16xi32>,
      %add3A_360 = arith.constant 1000000 : i32
      %add3A_361 = vector.broadcast %add3A_360 : i32 to vector<16xi32>
      %add3A_362 = arith.addi %get3A_359, %add3A_361 : vector<16xi32>
      %add3A_363 = arith.constant 12800 : i32
      %add3A_364 = arith.addi %add3A_363, %mul3A_356 : i32
      %swap3A = arith.index_cast %add3A_364 : i32 to index
      %swap3A_365 = tpu.vector_load %arg6[%swap3A] {strides = array<i32>} : memref<13312xi32, #tpu.memory_space<vmem>>, vector<16xi32>,
      tpu.vector_store %arg6[%swap3A], %add3A_362 {strides = array<i32>} : memref<13312xi32, #tpu.memory_space<vmem>>, vector<16xi32>,
      %mul3A_366 = arith.constant 8 : i32
      %mul3A_367 = arith.muli %scan3A_349, %mul3A_366 : i32
      %add3A_368 = arith.constant 1 : i32
      %add3A_369 = arith.addi %mul3A_367, %add3A_368 : i32
      %mul3A_370 = arith.constant 16 : i32
      %mul3A_371 = arith.muli %add3A_369, %mul3A_370 : i32
      %get3A_372 = arith.constant 25 : i32
      %get3A_373 = arith.index_cast %get3A_372 : i32 to index
      %get3A_374 = arith.index_cast %mul3A_371 : i32 to index
      %get3A_375 = tpu.vector_load %arg5[%get3A_373, %get3A_374] {strides = array<i32>} : memref<26x512xi32, #tpu.memory_space<vmem>>, vector<16xi32>,
      %add3A_376 = arith.constant 1000000 : i32
      %add3A_377 = vector.broadcast %add3A_376 : i32 to vector<16xi32>
      %add3A_378 = arith.addi %get3A_375, %add3A_377 : vector<16xi32>
      %add3A_379 = arith.constant 12800 : i32
      %add3A_380 = arith.addi %add3A_379, %mul3A_371 : i32
      %swap3A_381 = arith.index_cast %add3A_380 : i32 to index
      %swap3A_382 = tpu.vector_load %arg6[%swap3A_381] {strides = array<i32>} : memref<13312xi32, #tpu.memory_space<vmem>>, vector<16xi32>,
      tpu.vector_store %arg6[%swap3A_381], %add3A_378 {strides = array<i32>} : memref<13312xi32, #tpu.memory_space<vmem>>, vector<16xi32>,
      %mul3A_383 = arith.constant 8 : i32
      %mul3A_384 = arith.muli %scan3A_349, %mul3A_383 : i32
      %add3A_385 = arith.constant 2 : i32
      %add3A_386 = arith.addi %mul3A_384, %add3A_385 : i32
      %mul3A_387 = arith.constant 16 : i32
      %mul3A_388 = arith.muli %add3A_386, %mul3A_387 : i32
      %get3A_389 = arith.constant 25 : i32
      %get3A_390 = arith.index_cast %get3A_389 : i32 to index
      %get3A_391 = arith.index_cast %mul3A_388 : i32 to index
      %get3A_392 = tpu.vector_load %arg5[%get3A_390, %get3A_391] {strides = array<i32>} : memref<26x512xi32, #tpu.memory_space<vmem>>, vector<16xi32>,
      %add3A_393 = arith.constant 1000000 : i32
      %add3A_394 = vector.broadcast %add3A_393 : i32 to vector<16xi32>
      %add3A_395 = arith.addi %get3A_392, %add3A_394 : vector<16xi32>
      %add3A_396 = arith.constant 12800 : i32
      %add3A_397 = arith.addi %add3A_396, %mul3A_388 : i32
      %swap3A_398 = arith.index_cast %add3A_397 : i32 to index
      %swap3A_399 = tpu.vector_load %arg6[%swap3A_398] {strides = array<i32>} : memref<13312xi32, #tpu.memory_space<vmem>>, vector<16xi32>,
      tpu.vector_store %arg6[%swap3A_398], %add3A_395 {strides = array<i32>} : memref<13312xi32, #tpu.memory_space<vmem>>, vector<16xi32>,
      %mul3A_400 = arith.constant 8 : i32
      %mul3A_401 = arith.muli %scan3A_349, %mul3A_400 : i32
      %add3A_402 = arith.constant 3 : i32
      %add3A_403 = arith.addi %mul3A_401, %add3A_402 : i32
      %mul3A_404 = arith.constant 16 : i32
      %mul3A_405 = arith.muli %add3A_403, %mul3A_404 : i32
      %get3A_406 = arith.constant 25 : i32
      %get3A_407 = arith.index_cast %get3A_406 : i32 to index
      %get3A_408 = arith.index_cast %mul3A_405 : i32 to index
      %get3A_409 = tpu.vector_load %arg5[%get3A_407, %get3A_408] {strides = array<i32>} : memref<26x512xi32, #tpu.memory_space<vmem>>, vector<16xi32>,
      %add3A_410 = arith.constant 1000000 : i32
      %add3A_411 = vector.broadcast %add3A_410 : i32 to vector<16xi32>
      %add3A_412 = arith.addi %get3A_409, %add3A_411 : vector<16xi32>
      %add3A_413 = arith.constant 12800 : i32
      %add3A_414 = arith.addi %add3A_413, %mul3A_405 : i32
      %swap3A_415 = arith.index_cast %add3A_414 : i32 to index
      %swap3A_416 = tpu.vector_load %arg6[%swap3A_415] {strides = array<i32>} : memref<13312xi32, #tpu.memory_space<vmem>>, vector<16xi32>,
      tpu.vector_store %arg6[%swap3A_415], %add3A_412 {strides = array<i32>} : memref<13312xi32, #tpu.memory_space<vmem>>, vector<16xi32>,
      %mul3A_417 = arith.constant 8 : i32
      %mul3A_418 = arith.muli %scan3A_349, %mul3A_417 : i32
      %add3A_419 = arith.constant 4 : i32
      %add3A_420 = arith.addi %mul3A_418, %add3A_419 : i32
      %mul3A_421 = arith.constant 16 : i32
      %mul3A_422 = arith.muli %add3A_420, %mul3A_421 : i32
      %get3A_423 = arith.constant 25 : i32
      %get3A_424 = arith.index_cast %get3A_423 : i32 to index
      %get3A_425 = arith.index_cast %mul3A_422 : i32 to index
      %get3A_426 = tpu.vector_load %arg5[%get3A_424, %get3A_425] {strides = array<i32>} : memref<26x512xi32, #tpu.memory_space<vmem>>, vector<16xi32>,
      %add3A_427 = arith.constant 1000000 : i32
      %add3A_428 = vector.broadcast %add3A_427 : i32 to vector<16xi32>
      %add3A_429 = arith.addi %get3A_426, %add3A_428 : vector<16xi32>
      %add3A_430 = arith.constant 12800 : i32
      %add3A_431 = arith.addi %add3A_430, %mul3A_422 : i32
      %swap3A_432 = arith.index_cast %add3A_431 : i32 to index
      %swap3A_433 = tpu.vector_load %arg6[%swap3A_432] {strides = array<i32>} : memref<13312xi32, #tpu.memory_space<vmem>>, vector<16xi32>,
      tpu.vector_store %arg6[%swap3A_432], %add3A_429 {strides = array<i32>} : memref<13312xi32, #tpu.memory_space<vmem>>, vector<16xi32>,
      %mul3A_434 = arith.constant 8 : i32
      %mul3A_435 = arith.muli %scan3A_349, %mul3A_434 : i32
      %add3A_436 = arith.constant 5 : i32
      %add3A_437 = arith.addi %mul3A_435, %add3A_436 : i32
      %mul3A_438 = arith.constant 16 : i32
      %mul3A_439 = arith.muli %add3A_437, %mul3A_438 : i32
      %get3A_440 = arith.constant 25 : i32
      %get3A_441 = arith.index_cast %get3A_440 : i32 to index
      %get3A_442 = arith.index_cast %mul3A_439 : i32 to index
      %get3A_443 = tpu.vector_load %arg5[%get3A_441, %get3A_442] {strides = array<i32>} : memref<26x512xi32, #tpu.memory_space<vmem>>, vector<16xi32>,
      %add3A_444 = arith.constant 1000000 : i32
      %add3A_445 = vector.broadcast %add3A_444 : i32 to vector<16xi32>
      %add3A_446 = arith.addi %get3A_443, %add3A_445 : vector<16xi32>
      %add3A_447 = arith.constant 12800 : i32
      %add3A_448 = arith.addi %add3A_447, %mul3A_439 : i32
      %swap3A_449 = arith.index_cast %add3A_448 : i32 to index
      %swap3A_450 = tpu.vector_load %arg6[%swap3A_449] {strides = array<i32>} : memref<13312xi32, #tpu.memory_space<vmem>>, vector<16xi32>,
      tpu.vector_store %arg6[%swap3A_449], %add3A_446 {strides = array<i32>} : memref<13312xi32, #tpu.memory_space<vmem>>, vector<16xi32>,
      %mul3A_451 = arith.constant 8 : i32
      %mul3A_452 = arith.muli %scan3A_349, %mul3A_451 : i32
      %add3A_453 = arith.constant 6 : i32
      %add3A_454 = arith.addi %mul3A_452, %add3A_453 : i32
      %mul3A_455 = arith.constant 16 : i32
      %mul3A_456 = arith.muli %add3A_454, %mul3A_455 : i32
      %get3A_457 = arith.constant 25 : i32
      %get3A_458 = arith.index_cast %get3A_457 : i32 to index
      %get3A_459 = arith.index_cast %mul3A_456 : i32 to index
      %get3A_460 = tpu.vector_load %arg5[%get3A_458, %get3A_459] {strides = array<i32>} : memref<26x512xi32, #tpu.memory_space<vmem>>, vector<16xi32>,
      %add3A_461 = arith.constant 1000000 : i32
      %add3A_462 = vector.broadcast %add3A_461 : i32 to vector<16xi32>
      %add3A_463 = arith.addi %get3A_460, %add3A_462 : vector<16xi32>
      %add3A_464 = arith.constant 12800 : i32
      %add3A_465 = arith.addi %add3A_464, %mul3A_456 : i32
      %swap3A_466 = arith.index_cast %add3A_465 : i32 to index
      %swap3A_467 = tpu.vector_load %arg6[%swap3A_466] {strides = array<i32>} : memref<13312xi32, #tpu.memory_space<vmem>>, vector<16xi32>,
      tpu.vector_store %arg6[%swap3A_466], %add3A_463 {strides = array<i32>} : memref<13312xi32, #tpu.memory_space<vmem>>, vector<16xi32>,
      %mul3A_468 = arith.constant 8 : i32
      %mul3A_469 = arith.muli %scan3A_349, %mul3A_468 : i32
      %add3A_470 = arith.constant 7 : i32
      %add3A_471 = arith.addi %mul3A_469, %add3A_470 : i32
      %mul3A_472 = arith.constant 16 : i32
      %mul3A_473 = arith.muli %add3A_471, %mul3A_472 : i32
      %get3A_474 = arith.constant 25 : i32
      %get3A_475 = arith.index_cast %get3A_474 : i32 to index
      %get3A_476 = arith.index_cast %mul3A_473 : i32 to index
      %get3A_477 = tpu.vector_load %arg5[%get3A_475, %get3A_476] {strides = array<i32>} : memref<26x512xi32, #tpu.memory_space<vmem>>, vector<16xi32>,
      %add3A_478 = arith.constant 1000000 : i32
      %add3A_479 = vector.broadcast %add3A_478 : i32 to vector<16xi32>
      %add3A_480 = arith.addi %get3A_477, %add3A_479 : vector<16xi32>
      %add3A_481 = arith.constant 12800 : i32
      %add3A_482 = arith.addi %add3A_481, %mul3A_473 : i32
      %swap3A_483 = arith.index_cast %add3A_482 : i32 to index
      %swap3A_484 = tpu.vector_load %arg6[%swap3A_483] {strides = array<i32>} : memref<13312xi32, #tpu.memory_space<vmem>>, vector<16xi32>,
      tpu.vector_store %arg6[%swap3A_483], %add3A_480 {strides = array<i32>} : memref<13312xi32, #tpu.memory_space<vmem>>, vector<16xi32>,
      %scan3A_485 = arith.constant 0 : i32
      scf.yield %scan3A_485 : i32
    }
    %scan3A_332 = arith.constant 4 : i32
    %dma_start3A_333 = arith.constant 12800 : i32
    %dma_start3A_334 = tpu.memref_slice %arg7[%dma_start3A_333] : memref<13312xf32, #tpu.memory_space<vmem>> -> memref<512xf32, #tpu.memory_space<vmem>>
    %dma_start3A_335 = arith.constant 12800 : i32
    %dma_start3A_336 = tpu.memref_slice %arg6[%dma_start3A_335] : memref<13312xi32, #tpu.memory_space<vmem>> -> memref<512xi32, #tpu.memory_space<vmem>>
    %dma_start3A_337 = arith.constant 0 : i32
    %dma_start3A_338 = tpu.memref_slice %arg3[%dma_start3A_337] : memref<1040384xf32, #tpu.memory_space<hbm>> -> memref<1040384xf32, #tpu.memory_space<hbm>>
    tpu.enqueue_indirect_dma source(%dma_start3A_338 : memref<1040384xf32, #tpu.memory_space<hbm>>) target(%dma_start3A_334 : memref<512xf32, #tpu.memory_space<vmem>>) offsets(%dma_start3A_336 : memref<512xi32, #tpu.memory_space<vmem>>) semaphore(%arg9 : memref<!tpu.dma_semaphore, #tpu.memory_space<semaphore_mem>>)
    %dma_wait3A = arith.constant 0 : i32
    %dma_wait3A_339 = tpu.memref_slice %arg3[%dma_wait3A] : memref<1040384xf32, #tpu.memory_space<hbm>> -> memref<13312xf32, #tpu.memory_space<hbm>>
    %dma_wait3A_340 = arith.constant 0 : i32
    %dma_wait3A_341 = tpu.memref_slice %arg3[%dma_wait3A_340] : memref<1040384xf32, #tpu.memory_space<hbm>> -> memref<13312xf32, #tpu.memory_space<hbm>>
    tpu.wait_dma2 semaphore(%arg9 : memref<!tpu.dma_semaphore, #tpu.memory_space<semaphore_mem>>) src(%dma_wait3A_341 : memref<13312xf32, #tpu.memory_space<hbm>>) dst(%arg7 : memref<13312xf32, #tpu.memory_space<vmem>>)
    %scan3A_342 = arith.constant 0 : i32
    %scan3A_343 = arith.constant 0 : i32
    %scan3A_344 = arith.constant 32 : i32
    %scan3A_345 = arith.addi %scan3A_343, %scan3A_344 : i32
    %scan3A_346 = arith.constant 1 : i32
    %scan3A_347 = scf.for %scan3A_349 = %scan3A_343 to %scan3A_345 step %scan3A_346 iter_args(%scan3A_350 = %scan3A_342) -> (i32)  : i32 {
      %mul3A_351 = arith.constant 16 : i32
      %mul3A_352 = arith.muli %scan3A_349, %mul3A_351 : i32
      %get3A = arith.index_cast %mul3A_352 : i32 to index
      %get3A_353 = tpu.vector_load %arg7[%get3A] {strides = array<i32>} : memref<13312xf32, #tpu.memory_space<vmem>>, vector<16xf32>,
      %add3A_354 = arith.constant 512 : i32
      %add3A_355 = arith.addi %add3A_354, %mul3A_352 : i32
      %get3A_356 = arith.index_cast %add3A_355 : i32 to index
      %get3A_357 = tpu.vector_load %arg7[%get3A_356] {strides = array<i32>} : memref<13312xf32, #tpu.memory_space<vmem>>, vector<16xf32>,
      %add3A_358 = arith.addf %get3A_353, %get3A_357 : vector<16xf32>
      %add3A_359 = arith.constant 1024 : i32
      %add3A_360 = arith.addi %add3A_359, %mul3A_352 : i32
      %get3A_361 = arith.index_cast %add3A_360 : i32 to index
      %get3A_362 = tpu.vector_load %arg7[%get3A_361] {strides = array<i32>} : memref<13312xf32, #tpu.memory_space<vmem>>, vector<16xf32>,
      %add3A_363 = arith.addf %add3A_358, %get3A_362 : vector<16xf32>
      %add3A_364 = arith.constant 1536 : i32
      %add3A_365 = arith.addi %add3A_364, %mul3A_352 : i32
      %get3A_366 = arith.index_cast %add3A_365 : i32 to index
      %get3A_367 = tpu.vector_load %arg7[%get3A_366] {strides = array<i32>} : memref<13312xf32, #tpu.memory_space<vmem>>, vector<16xf32>,
      %add3A_368 = arith.addf %add3A_363, %get3A_367 : vector<16xf32>
      %add3A_369 = arith.constant 2048 : i32
      %add3A_370 = arith.addi %add3A_369, %mul3A_352 : i32
      %get3A_371 = arith.index_cast %add3A_370 : i32 to index
      %get3A_372 = tpu.vector_load %arg7[%get3A_371] {strides = array<i32>} : memref<13312xf32, #tpu.memory_space<vmem>>, vector<16xf32>,
      %add3A_373 = arith.addf %add3A_368, %get3A_372 : vector<16xf32>
      %add3A_374 = arith.constant 2560 : i32
      %add3A_375 = arith.addi %add3A_374, %mul3A_352 : i32
      %get3A_376 = arith.index_cast %add3A_375 : i32 to index
      %get3A_377 = tpu.vector_load %arg7[%get3A_376] {strides = array<i32>} : memref<13312xf32, #tpu.memory_space<vmem>>, vector<16xf32>,
      %add3A_378 = arith.addf %add3A_373, %get3A_377 : vector<16xf32>
      %add3A_379 = arith.constant 3072 : i32
      %add3A_380 = arith.addi %add3A_379, %mul3A_352 : i32
      %get3A_381 = arith.index_cast %add3A_380 : i32 to index
      %get3A_382 = tpu.vector_load %arg7[%get3A_381] {strides = array<i32>} : memref<13312xf32, #tpu.memory_space<vmem>>, vector<16xf32>,
      %add3A_383 = arith.addf %add3A_378, %get3A_382 : vector<16xf32>
      %add3A_384 = arith.constant 3584 : i32
      %add3A_385 = arith.addi %add3A_384, %mul3A_352 : i32
      %get3A_386 = arith.index_cast %add3A_385 : i32 to index
      %get3A_387 = tpu.vector_load %arg7[%get3A_386] {strides = array<i32>} : memref<13312xf32, #tpu.memory_space<vmem>>, vector<16xf32>,
      %add3A_388 = arith.addf %add3A_383, %get3A_387 : vector<16xf32>
      %add3A_389 = arith.constant 4096 : i32
      %add3A_390 = arith.addi %add3A_389, %mul3A_352 : i32
      %get3A_391 = arith.index_cast %add3A_390 : i32 to index
      %get3A_392 = tpu.vector_load %arg7[%get3A_391] {strides = array<i32>} : memref<13312xf32, #tpu.memory_space<vmem>>, vector<16xf32>,
      %add3A_393 = arith.addf %add3A_388, %get3A_392 : vector<16xf32>
      %add3A_394 = arith.constant 4608 : i32
      %add3A_395 = arith.addi %add3A_394, %mul3A_352 : i32
      %get3A_396 = arith.index_cast %add3A_395 : i32 to index
      %get3A_397 = tpu.vector_load %arg7[%get3A_396] {strides = array<i32>} : memref<13312xf32, #tpu.memory_space<vmem>>, vector<16xf32>,
      %add3A_398 = arith.addf %add3A_393, %get3A_397 : vector<16xf32>
      %add3A_399 = arith.constant 5120 : i32
      %add3A_400 = arith.addi %add3A_399, %mul3A_352 : i32
      %get3A_401 = arith.index_cast %add3A_400 : i32 to index
      %get3A_402 = tpu.vector_load %arg7[%get3A_401] {strides = array<i32>} : memref<13312xf32, #tpu.memory_space<vmem>>, vector<16xf32>,
      %add3A_403 = arith.addf %add3A_398, %get3A_402 : vector<16xf32>
      %add3A_404 = arith.constant 5632 : i32
      %add3A_405 = arith.addi %add3A_404, %mul3A_352 : i32
      %get3A_406 = arith.index_cast %add3A_405 : i32 to index
      %get3A_407 = tpu.vector_load %arg7[%get3A_406] {strides = array<i32>} : memref<13312xf32, #tpu.memory_space<vmem>>, vector<16xf32>,
      %add3A_408 = arith.addf %add3A_403, %get3A_407 : vector<16xf32>
      %add3A_409 = arith.constant 6144 : i32
      %add3A_410 = arith.addi %add3A_409, %mul3A_352 : i32
      %get3A_411 = arith.index_cast %add3A_410 : i32 to index
      %get3A_412 = tpu.vector_load %arg7[%get3A_411] {strides = array<i32>} : memref<13312xf32, #tpu.memory_space<vmem>>, vector<16xf32>,
      %add3A_413 = arith.addf %add3A_408, %get3A_412 : vector<16xf32>
      %add3A_414 = arith.constant 6656 : i32
      %add3A_415 = arith.addi %add3A_414, %mul3A_352 : i32
      %get3A_416 = arith.index_cast %add3A_415 : i32 to index
      %get3A_417 = tpu.vector_load %arg7[%get3A_416] {strides = array<i32>} : memref<13312xf32, #tpu.memory_space<vmem>>, vector<16xf32>,
      %add3A_418 = arith.addf %add3A_413, %get3A_417 : vector<16xf32>
      %add3A_419 = arith.constant 7168 : i32
      %add3A_420 = arith.addi %add3A_419, %mul3A_352 : i32
      %get3A_421 = arith.index_cast %add3A_420 : i32 to index
      %get3A_422 = tpu.vector_load %arg7[%get3A_421] {strides = array<i32>} : memref<13312xf32, #tpu.memory_space<vmem>>, vector<16xf32>,
      %add3A_423 = arith.addf %add3A_418, %get3A_422 : vector<16xf32>
      %add3A_424 = arith.constant 7680 : i32
      %add3A_425 = arith.addi %add3A_424, %mul3A_352 : i32
      %get3A_426 = arith.index_cast %add3A_425 : i32 to index
      %get3A_427 = tpu.vector_load %arg7[%get3A_426] {strides = array<i32>} : memref<13312xf32, #tpu.memory_space<vmem>>, vector<16xf32>,
      %add3A_428 = arith.addf %add3A_423, %get3A_427 : vector<16xf32>
      %add3A_429 = arith.constant 8192 : i32
      %add3A_430 = arith.addi %add3A_429, %mul3A_352 : i32
      %get3A_431 = arith.index_cast %add3A_430 : i32 to index
      %get3A_432 = tpu.vector_load %arg7[%get3A_431] {strides = array<i32>} : memref<13312xf32, #tpu.memory_space<vmem>>, vector<16xf32>,
      %add3A_433 = arith.addf %add3A_428, %get3A_432 : vector<16xf32>
      %add3A_434 = arith.constant 8704 : i32
      %add3A_435 = arith.addi %add3A_434, %mul3A_352 : i32
      %get3A_436 = arith.index_cast %add3A_435 : i32 to index
      %get3A_437 = tpu.vector_load %arg7[%get3A_436] {strides = array<i32>} : memref<13312xf32, #tpu.memory_space<vmem>>, vector<16xf32>,
      %add3A_438 = arith.addf %add3A_433, %get3A_437 : vector<16xf32>
      %add3A_439 = arith.constant 9216 : i32
      %add3A_440 = arith.addi %add3A_439, %mul3A_352 : i32
      %get3A_441 = arith.index_cast %add3A_440 : i32 to index
      %get3A_442 = tpu.vector_load %arg7[%get3A_441] {strides = array<i32>} : memref<13312xf32, #tpu.memory_space<vmem>>, vector<16xf32>,
      %add3A_443 = arith.addf %add3A_438, %get3A_442 : vector<16xf32>
      %add3A_444 = arith.constant 9728 : i32
      %add3A_445 = arith.addi %add3A_444, %mul3A_352 : i32
      %get3A_446 = arith.index_cast %add3A_445 : i32 to index
      %get3A_447 = tpu.vector_load %arg7[%get3A_446] {strides = array<i32>} : memref<13312xf32, #tpu.memory_space<vmem>>, vector<16xf32>,
      %add3A_448 = arith.addf %add3A_443, %get3A_447 : vector<16xf32>
      %add3A_449 = arith.constant 10240 : i32
      %add3A_450 = arith.addi %add3A_449, %mul3A_352 : i32
      %get3A_451 = arith.index_cast %add3A_450 : i32 to index
      %get3A_452 = tpu.vector_load %arg7[%get3A_451] {strides = array<i32>} : memref<13312xf32, #tpu.memory_space<vmem>>, vector<16xf32>,
      %add3A_453 = arith.addf %add3A_448, %get3A_452 : vector<16xf32>
      %add3A_454 = arith.constant 10752 : i32
      %add3A_455 = arith.addi %add3A_454, %mul3A_352 : i32
      %get3A_456 = arith.index_cast %add3A_455 : i32 to index
      %get3A_457 = tpu.vector_load %arg7[%get3A_456] {strides = array<i32>} : memref<13312xf32, #tpu.memory_space<vmem>>, vector<16xf32>,
      %add3A_458 = arith.addf %add3A_453, %get3A_457 : vector<16xf32>
      %add3A_459 = arith.constant 11264 : i32
      %add3A_460 = arith.addi %add3A_459, %mul3A_352 : i32
      %get3A_461 = arith.index_cast %add3A_460 : i32 to index
      %get3A_462 = tpu.vector_load %arg7[%get3A_461] {strides = array<i32>} : memref<13312xf32, #tpu.memory_space<vmem>>, vector<16xf32>,
      %add3A_463 = arith.addf %add3A_458, %get3A_462 : vector<16xf32>
      %add3A_464 = arith.constant 11776 : i32
      %add3A_465 = arith.addi %add3A_464, %mul3A_352 : i32
      %get3A_466 = arith.index_cast %add3A_465 : i32 to index
      %get3A_467 = tpu.vector_load %arg7[%get3A_466] {strides = array<i32>} : memref<13312xf32, #tpu.memory_space<vmem>>, vector<16xf32>,
      %add3A_468 = arith.addf %add3A_463, %get3A_467 : vector<16xf32>
      %add3A_469 = arith.constant 12288 : i32
      %add3A_470 = arith.addi %add3A_469, %mul3A_352 : i32
      %get3A_471 = arith.index_cast %add3A_470 : i32 to index
      %get3A_472 = tpu.vector_load %arg7[%get3A_471] {strides = array<i32>} : memref<13312xf32, #tpu.memory_space<vmem>>, vector<16xf32>,
      %add3A_473 = arith.addf %add3A_468, %get3A_472 : vector<16xf32>
      %add3A_474 = arith.constant 12800 : i32
      %add3A_475 = arith.addi %add3A_474, %mul3A_352 : i32
      %get3A_476 = arith.index_cast %add3A_475 : i32 to index
      %get3A_477 = tpu.vector_load %arg7[%get3A_476] {strides = array<i32>} : memref<13312xf32, #tpu.memory_space<vmem>>, vector<16xf32>,
      %add3A_478 = arith.addf %add3A_473, %get3A_477 : vector<16xf32>
      %swap3A = arith.index_cast %mul3A_352 : i32 to index
      %swap3A_479 = tpu.vector_load %arg8[%swap3A] {strides = array<i32>} : memref<512xf32, #tpu.memory_space<vmem>>, vector<16xf32>,
      tpu.vector_store %arg8[%swap3A], %add3A_478 {strides = array<i32>} : memref<512xf32, #tpu.memory_space<vmem>>, vector<16xf32>,
      %scan3A_480 = arith.constant 0 : i32
      scf.yield %scan3A_480 : i32
    }
    %scan3A_348 = arith.constant 32 : i32
    "tpu.region"() ({
      %run_scoped3A = tpu.sem_alloc : memref<!tpu.dma_semaphore, #tpu.memory_space<semaphore_mem>>
      %dma_start3A_349 = tpu.memref_slice %arg4[%mul3A_2] : memref<16384xf32, #tpu.memory_space<hbm>> -> memref<512xf32, #tpu.memory_space<hbm>>
      %dma_start3A_350 = tpu.memref_slice %arg4[%mul3A_2] : memref<16384xf32, #tpu.memory_space<hbm>> -> memref<512xf32, #tpu.memory_space<hbm>>
      tpu.enqueue_dma source(%arg8 : memref<512xf32, #tpu.memory_space<vmem>>) target(%dma_start3A_350 : memref<512xf32, #tpu.memory_space<hbm>>) target_semaphore(%run_scoped3A : memref<!tpu.dma_semaphore, #tpu.memory_space<semaphore_mem>>)
      %dma_wait3A_351 = tpu.memref_slice %arg4[%mul3A_2] : memref<16384xf32, #tpu.memory_space<hbm>> -> memref<512xf32, #tpu.memory_space<hbm>>
      %dma_wait3A_352 = tpu.memref_slice %arg4[%mul3A_2] : memref<16384xf32, #tpu.memory_space<hbm>> -> memref<512xf32, #tpu.memory_space<hbm>>
      tpu.wait_dma2 semaphore(%run_scoped3A : memref<!tpu.dma_semaphore, #tpu.memory_space<semaphore_mem>>) src(%arg8 : memref<512xf32, #tpu.memory_space<vmem>>) dst(%dma_wait3A_352 : memref<512xf32, #tpu.memory_space<hbm>>)
      tpu.yield
    }) : () -> ()
    return
  }
}

</mosaic_0001>

<sc_bundles>
// kernel: kernel.3.cloned.1.call-start
scs
__scs_entry_jumppad:
0x0: {  	(pc) =	sbr.rel $0x88, $3  }
0x1: {  	(tag) =	ssettag $0x0;
	lr =	simm.s32 $0x1  }
0x2: {  	[smem:$0x3F9F] =	sst lr;
	_ =	strace $0xD0000000  }
0x3: {  	_ = 	snop  }
0x4: {  	_ = 	snop  }
0x5: {  	_ = 	snop  }
0x6: {  	_ = 	snop  }
0x7: {  	_ = 	snop  }
__scs_overlays_trampoline_lowered:
0x8: {  	[smem:$0x3FAE] =	sst s0  }
0x9: {  	[smem:$0x3FAF] =	sst s1  }
0xa: {  	[smem:$0x3FB0] =	sst s2  }
0xb: {  	[smem:$0x3FB1] =	sst s3  }
0xc: {  	[smem:$0x3FB2] =	sst s4  }
0xd: {  	[smem:$0x3FB3] =	sst s5  }
0xe: {  	[smem:$0x3FB4] =	sst s6  }
0xf: {  	[smem:$0x3FB5] =	sst s7  }
0x10: {  	[smem:$0x3FB6] =	sst s8  }
0x11: {  	[smem:$0x3FB7] =	sst s9;
	s0 =	simm.s32 @!p0 $0x0  }
0x12: {  	s1 =	sld [smem:$0x3F9D];
	s0 =	simm.s32 @p0 $0x1  }
0x13: {  	[smem:$0x3FB8] =	sst s0;
	s0 =	simm.s32 @!p1 $0x0  }
0x14: {  	s2 =	sld [smem:$0x3F9C];
	s0 =	simm.s32 @p1 $0x1  }
0x15: {  	[smem:$0x3FB9] =	sst s0;
	s0 =	simm.s32 @!p2 $0x0  }
0x16: {  	s3 =	sld [smem:$0x3FDB];
	s0 =	simm.s32 @p2 $0x1  }
0x17: {  	s4 =	simm.s32 $0x1BF5;
	[smem:$0x3FBB] =	sst s0  }
0x18: {  	s0 =	sld [smem:$0x3F9E];
	_ =	swait.ge [sflag:s4], $0x0  }
0x19: {  	s7 =	sld [smem:$0x3F9F]  }
0x1a: {  	s8 =	sadd.s32 $0xFFFFE003, lr  }
0x1b: {  	s9 =	sadd.s32 $0xFFFFFEF7, lr;
	s5 =	simm.s32 $0xFFFFFFFF;
	p2 =	slt.u32 s8, $0xFFFFF086  }
0x1c: {  	p1 =	slt.u32 s9, $0xF7A;
	s5 =	simm.s32 @!p2 $0x0  }
0x1d: {  	s5 =	simm.s32 @p1 $0x1;
	p0 =	seq.s32 s7, s2  }
0x1e: {  	s7 =	smul.u32 @!p0 $0xF7A, s2;
	p2 =	seq.s32 @!p0 s5, $0x0  }
0x1f: {  	s9 =	smul.u32 $0xF7A, s1;
	s8 =	simm.s32 @!p0 $0x1BF5;
	p2 =	por !p2, p0  }
0x20: {  	[sflag:s8] =	ssyncset.s32 @!p0 $0xFFFFF086;
	s6 =	sadd.s32 @!p0 s3, s7;
	s7 =	simm.s32 @!p0 $0x108  }
0x21: {  	s3 =	sadd.s32 s3, s9;
	s6 =	sadd.s32 @!p0 $0x88, s6;
	s7 =	simm.s32 @p2 $0x1082  }
0x22: {  	[simem:s7], [sflag:s8] =	dma.local @!p0 [hbm:s6], $0xF7A  }
0x23: {  	s9 =	sor.u32 $0xD0000000, s2;
	s6 =	simm.s32 $0x108;
	_ =	swait.ge @!p0 [sflag:s8], $0x0  }
0x24: {  	s3 =	sadd.s32 $0x88, s3;
	s6 =	simm.s32 @!p1 $0x1082;
	[sflag:s4] =	ssyncset.s32 $0xFFFFF086  }
0x25: {  	[simem:s6], [sflag:s4] =	dma.local [hbm:s3], $0xF7A  }
0x26: {  	[smem:$0x3F9F] =	sst s1;
	(tag) =	ssettag s2;
	_ =	strace s9  }
0x27: {  	s1 =	sld [smem:$0x3FAF]  }
0x28: {  	s2 =	sld [smem:$0x3FB0]  }
0x29: {  	s4 =	sld [smem:$0x3FB2]  }
0x2a: {  	p0 =	seq.s32 s5, $0x0;
	s5 =	sld [smem:$0x3FB3]  }
0x2b: {  	s6 =	sld [smem:$0x3FB4]  }
0x2c: {  	s7 =	sld [smem:$0x3FB5]  }
0x2d: {  	s3 =	simm.s32 $0x108;
	s8 =	sld [smem:$0x3FB6]  }
0x2e: {  	s3 =	simm.s32 @!p0 $0x1082;
	s9 =	sld [smem:$0x3FB7]  }
0x2f: {  	lr =	sadd.s32 s0, s3;
	s0 =	sld [smem:$0x3FAE]  }
0x30: {  	s3 =	sld [smem:$0x3FB1]  }
0x31: {  	[smem:$0x3FBA] =	sst s10  }
0x32: {  	s10 =	sld [smem:$0x3FB8];
	_ =	sdelay $0x3  }
0x33: {  	p0 =	seq.s32 s10, $0x1;
	s10 =	sld [smem:$0x3FBA];
	_ =	sdelay $0x3  }
0x34: {  	[smem:$0x3FBA] =	sst s10  }
0x35: {  	s10 =	sld [smem:$0x3FB9];
	_ =	sdelay $0x3  }
0x36: {  	p1 =	seq.s32 s10, $0x1;
	s10 =	sld [smem:$0x3FBA];
	_ =	sdelay $0x3  }
0x37: {  	[smem:$0x3FBA] =	sst s10  }
0x38: {  	s10 =	sld [smem:$0x3FBB]  }
0x39: {  	_ = 	snop;
	(pc) =	sbr.ind lr, $3  }
0x3a: {  	_ = 	snop  }
0x3b: {  	_ = 	snop  }
0x3c: {  	p2 =	seq.s32 s10, $0x1;
	s10 =	sld [smem:$0x3FBA]  }
0x3d: {  	_ =	shalt  }
0x3e: {  	_ =	shalt  }
0x3f: {  	_ =	shalt  }
0x40: {  	_ =	shalt  }
0x41: {  	_ =	shalt  }
0x42: {  	_ =	shalt  }
0x43: {  	_ =	shalt  }
0x44: {  	_ =	shalt  }
0x45: {  	_ =	shalt  }
0x46: {  	_ =	shalt  }
0x47: {  	_ =	shalt  }
0x48: {  	_ =	shalt  }
0x49: {  	_ =	shalt  }
0x4a: {  	_ =	shalt  }
0x4b: {  	_ =	shalt  }
0x4c: {  	_ =	shalt  }
0x4d: {  	_ =	shalt  }
0x4e: {  	_ =	shalt  }
0x4f: {  	_ =	shalt  }
0x50: {  	_ =	shalt  }
0x51: {  	_ =	shalt  }
0x52: {  	_ =	shalt  }
0x53: {  	_ =	shalt  }
0x54: {  	_ =	shalt  }
0x55: {  	_ =	shalt  }
0x56: {  	_ =	shalt  }
0x57: {  	_ =	shalt  }
0x58: {  	_ =	shalt  }
0x59: {  	_ =	shalt  }
0x5a: {  	_ =	shalt  }
0x5b: {  	_ =	shalt  }
0x5c: {  	_ =	shalt  }
0x5d: {  	_ =	shalt  }
0x5e: {  	_ =	shalt  }
0x5f: {  	_ =	shalt  }
0x60: {  	_ =	shalt  }
0x61: {  	_ =	shalt  }
0x62: {  	_ =	shalt  }
0x63: {  	_ =	shalt  }
0x64: {  	_ =	shalt  }
0x65: {  	_ =	shalt  }
0x66: {  	_ =	shalt  }
0x67: {  	_ =	shalt  }
0x68: {  	_ =	shalt  }
0x69: {  	_ =	shalt  }
0x6a: {  	_ =	shalt  }
0x6b: {  	_ =	shalt  }
0x6c: {  	_ =	shalt  }
0x6d: {  	_ =	shalt  }
0x6e: {  	_ =	shalt  }
0x6f: {  	_ =	shalt  }
0x70: {  	_ =	shalt  }
0x71: {  	_ =	shalt  }
0x72: {  	_ =	shalt  }
0x73: {  	_ =	shalt  }
0x74: {  	_ =	shalt  }
0x75: {  	_ =	shalt  }
0x76: {  	_ =	shalt  }
0x77: {  	_ =	shalt  }
0x78: {  	_ =	shalt  }
0x79: {  	_ =	shalt  }
0x7a: {  	_ =	shalt  }
0x7b: {  	_ =	shalt  }
0x7c: {  	_ =	shalt  }
0x7d: {  	_ =	shalt  }
0x7e: {  	_ =	shalt  }
0x7f: {  	_ =	shalt  }
0x80: {  	_ =	shalt  }
0x81: {  	_ =	shalt  }
0x82: {  	_ =	shalt  }
0x83: {  	_ =	shalt  }
0x84: {  	_ =	shalt  }
0x85: {  	_ =	shalt  }
0x86: {  	_ =	shalt  }
0x87: {  	_ =	shalt  }
.Lfunc_end0:
.L_simem_size_0:
called_computation_lowered:
.L_overlay_start_0:
0x88: {  	s2 =	sld [smem:$0x3FD9]  }
0x89: {  	s3 =	sld [smem:$0x3FFE];
	_ =	sdelay $0x1  }
0x8a: {  	s1 =	srdreg.scid  }
0x8b: {  	s0 =	sand.u32 $0x1, s1  }
0x8c: {  	s17 =	sshll.u32 s0, $0xA;
	s2 =	sadd.s32 s3, s2  }
0x8d: {  	s2 =	sadd.s32 s2, s17  }
0x8e: {  	[smem:$0x3FC6] =	sst s2  }
0x8f: {  	_ = 	snop  }
0x90: {  	s2 =	sld [smem:$0x3FC9]  }
0x91: {  	s18 =	sld [smem:$0x3FD0];
	(tm) =	ssettm $0x1  }
0x92: {  	s4 =	sld [smem:$0x3FFB];
	_ =	sdelay $0x3  }
0x93: {  	_ =	strace s4  }
0x94: {  	s4 =	sld [smem:$0x3FFC];
	_ =	sdelay $0x3  }
0x95: {  	_ =	strace s4  }
0x96: {  	s4 =	sld [smem:$0x3FFD];
	_ =	sdelay $0x3  }
0x97: {  	_ =	strace s4  }
0x98: {  	_ =	strace $0x8FFFFFFF  }
0x99: {  	s19 =	sld [smem:$0x3FDB];
	_ =	sdelay $0x1  }
0x9a: {  	s5 =	simm.s32 $_scs_section_size  }
0x9b: {  	s6 =	simm.s32 $_size__tile_overlayer_lowered;
	s7 =	simm.s32 $_tile_overlayer_lowered  }
0x9c: {  	s22 =	simm.s32 $0x1BFF;
	s21 =	sshll.u32 s7, $0x1;
	s4 =	sadd.s32 s5, s19  }
0x9d: {  	s8 =	simm.s32 $0x0;
	s20 =	sshll.u32 s6, $0x1;
	s6 =	sadd.s32 s21, s4  }
0x9e: {  	[timem:s8], [sflag:s22] =	dma.local [hbm:s6], s20  }
0x9f: {  	_ =	swait.ge [sflag:s22], s20  }
0xa0: {  	s5 =	ssub.s32 $0x0, s20;
	[sflag:s22] =	ssyncset.done $0x0  }
0xa1: {  	[sflag:s22] =	ssyncadd.s32 s5;
	_ =	sdelay $0x1  }
0xa2: {  	s23 =	simm.s32 $0x1B8B  }
0xa3: {  	_ =	swait.ge [sflag:s23], $0x1  }
0xa4: {  	[sflag:s23] =	ssyncset.done $0x0  }
0xa5: {  	s25 =	simm.s32 $0x1B8E;
	s24 =	sld [smem:$0x3FFE];
	[sflag:s23] =	ssyncadd.s32 $0xFFFFFFFF  }
0xa6: {  	s26 =	simm.s32 $execute0_lowered;
	[smem:$0x3FD2] =	sst s25  }
0xa7: {  	s6 =	sshll.u32 s26, $0x1;
	_ =	strace $0x80000046;
	[dreg:$0x1] =	wrdreg $0xFFFFFFFF  }
0xa8: {  	s28 =	simm.s32 $_size_execute0_lowered;
	s4 =	sadd.s32 s4, s6;
	[dreg:$0x0] =	wrdreg $0x0  }
0xa9: {  	s6 =	sshll.u32 s28, $0x1;
	[dreg:$0x2] =	wrdreg s4  }
0xaa: {  	[dreg:$0x3] =	wrdreg s6  }
0xab: {  	[dreg:$0x4] =	wrdreg $0xC0  }
0xac: {  	_ =	task [dreg:s8], $0x5FFFF  }
0xad: {  	[dreg:$0x1] =	wrdreg $0xFFFFFFFF  }
0xae: {  	[dreg:$0x0] =	wrdreg $0x60  }
0xaf: {  	[dreg:$0x2] =	wrdreg s2  }
0xb0: {  	[dreg:$0x3] =	wrdreg s24  }
0xb1: {  	[dreg:$0x4] =	wrdreg s18  }
0xb2: {  	[dreg:$0x5] =	wrdreg $0x9  }
0xb3: {  	_ =	task.clear_ibuf [dreg:s8], $0x6FFFF;
	_ =	strace $0x90000046  }
0xb4: {  	s29 =	simm.s32 $0x9;
	_ =	strace $0x80000048  }
0xb5: {  	_ =	swait.ge [sflag:s29], $0x1  }
0xb6: {  	[sflag:s29] =	ssyncadd.s32 $0xFFFFFFFF  }
0xb7: {  	_ =	strace $0x90000048  }
0xb8: {  	_ =	sfence  }
0xb9: {  	s30 =	sld [smem:$0x0];
	_ =	sdelay $0x2  }
0xba: {  	s31 =	sshll.u32 s1, $0xD;
	s1 =	sshrl.u32 s1, $0x2  }
0xbb: {  	s3 =	sand.u32 $0x4000, s31;
	s1 =	sadd.s32 s1, s30  }
0xbc: {  	s0 =	sor.u32 s3, s0;
	s1 =	sshll.u32 s1, $0x11  }
0xbd: {  	s0 =	sor.u32 s1, s0  }
0xbe: {  	s0 =	sadd.s32 $0x8F2B, s0  }
0xbf: {  	[sflag:s0] =	ssyncadd.remote.s32 $0x1  }
0xc0: {  	_ =	sfence.sel $0xFFFF  }
0xc1: {  	[dreg:$0x0] =	wrdreg $0xFFFFFFFF;
	(pc) =	sbr.abs _section_cstart, $3  }
0xc2: {  	[dreg:$0x1] =	wrdreg $0xFFFFFFFF  }
0xc3: {  	_ =	task.clear_ibuf [dreg:s8], $0x2FFFF;
	_ =	strace $0x9FFFFFFF  }
0xc4: {  	(tm) =	ssettm $0x7FFFFFFF  }
0xc5: {  	_ =	shalt  }
tec
execute0_lowered:
.L_overlay_start_1:
0x0: {  	(tag) =	ssettag $0x1  }
0x1: {  	s0 =	rddreg [dreg:$0x0]  }
0x2: {  	s1 =	rddreg [dreg:$0x1]  }
0x3: {  	s5 =	rddreg [dreg:$0x2]  }
0x4: {  	s2 =	simm.s32 $0x0;
	s3 =	srdreg.scid;
	s6 =	stileid.u32  }
0x5: {  	s9 =	simm.s32 $0x2;
	s10 =	simm.s32 $0x200;
	s21 =	simm.s32 $0x9600  }
0x6: {  	s22 =	simm.s32 $0x6400;
	s23 =	simm.s32 $0x9800;
	s24 =	simm.s32 $0x6600  }
0x7: {  	s28 =	simm.s32 $0x9C00;
	s29 =	simm.s32 $0x6A00;
	s30 =	simm.s32 $0x9E00  }
0x8: {  	s31 =	simm.s32 $0x6C00;
	s8 =	simm.s32 $0x7000;
	s11 =	simm.s32 $0xA400  }
0x9: {  	s12 =	simm.s32 $0x7200;
	s13 =	simm.s32 $0xA600;
	s14 =	simm.s32 $0x1  }
0xa: {  	s15 =	simm.s32 $0xA800;
	s16 =	simm.s32 $0x0;
	[smem:$0x7FF] =	sst s2  }
0xb: {  	s3 =	sand.u32 $0x1, s3;
	s6 =	sshll.u32 s6, $0xA;
	_ =	strace $0x80000047  }
0xc: {  	s4 =	ssub.s32 $0x2, s3;
	s7 =	sshll.u32 s3, $0x9;
	s3 =	sadd.s32 $0x400, s1  }
0xd: {  	s25 =	sshrl.u32 s4, $0x1;
	s6 =	sor.u32 s7, s6;
	s7 =	simm.s32 $0xA200  }
0xe: {  	s1 =	ssub.s32 s4, s25;
	s4 =	sadd.s32 s0, s6;
	s26 =	sshrl.u32 s6, $0x3  }
0xf: {  	s25 =	simm.s32 $0x9A00;
	s0 =	simm.s32 $0xA000;
	s5 =	sadd.s32 s5, s26  }
0x10: {  	s6 =	smax.u32 s1, $0x1;
	s26 =	simm.s32 $0x6800;
	s1 =	simm.s32 $0x6E00  }
.LBB2_1:
0x11: {  	s17 =	simm.s32 $0x1000;
	s18 =	simm.s32 $0x20000  }
0x12: {  	[tilespmem:s2], [sflag:$0x2] =	stream.strided.gather [hbm4b:s4+s17], $0x4000, s18, s17, $0x38;
	[tilespmem:$0xAA00] =	vst v63  }
0x13: {  	_ =	swait.ge [sflag:s9], $0x4000  }
0x14: {  	[sflag:s9] =	ssyncset.done $0x0  }
0x15: {  	[sflag:s9] =	ssyncadd.s32 $0xFFFFC000  }
0x16: {  	v0 =	vld [tilespmem:$0x0]  }
0x17: {  	v1 =	vld [tilespmem:$0x10]  }
0x18: {  	v2 =	vld [tilespmem:$0x20]  }
0x19: {  	v3 =	vld [tilespmem:$0x30]  }
0x1a: {  	v4 =	vld [tilespmem:$0x40]  }
0x1b: {  	[tilespmem:$0x4000] =	vst v0;
	v0 =	vld [tilespmem:$0x50]  }
0x1c: {  	[tilespmem:$0x4010] =	vst v1;
	v1 =	vld [tilespmem:$0x60]  }
0x1d: {  	v45 =	vld [tilespmem:$0x410];
	[tilespmem:$0x4020] =	vst v2  }
0x1e: {  	v2 =	vld [tilespmem:$0x70];
	[tilespmem:$0x4030] =	vst v3  }
0x1f: {  	v3 =	vld [tilespmem:$0x400];
	[tilespmem:$0x4040] =	vst v4  }
0x20: {  	[tilespmem:$0x4050] =	vst v0;
	v0 =	vld [tilespmem:$0x420]  }
0x21: {  	[tilespmem:$0x4060] =	vst v1;
	v1 =	vld [tilespmem:$0x430]  }
0x22: {  	v46 =	vld [tilespmem:$0x460];
	[tilespmem:$0x4090] =	vst v45  }
0x23: {  	[tilespmem:$0x4070] =	vst v2;
	v2 =	vld [tilespmem:$0x440]  }
0x24: {  	[tilespmem:$0x4080] =	vst v3;
	v3 =	vld [tilespmem:$0x450]  }
0x25: {  	[tilespmem:$0x40A0] =	vst v0;
	v0 =	vld [tilespmem:$0x470]  }
0x26: {  	[tilespmem:$0x40B0] =	vst v1;
	v1 =	vld [tilespmem:$0x800]  }
0x27: {  	v47 =	vld [tilespmem:$0x830];
	[tilespmem:$0x40E0] =	vst v46  }
0x28: {  	[tilespmem:$0x40C0] =	vst v2;
	v2 =	vld [tilespmem:$0x810]  }
0x29: {  	[tilespmem:$0x40D0] =	vst v3;
	v3 =	vld [tilespmem:$0x820]  }
0x2a: {  	[tilespmem:$0x40F0] =	vst v0;
	v0 =	vld [tilespmem:$0x840]  }
0x2b: {  	[tilespmem:$0x4100] =	vst v1;
	v1 =	vld [tilespmem:$0x850]  }
0x2c: {  	v48 =	vld [tilespmem:$0xC00];
	[tilespmem:$0x4130] =	vst v47  }
0x2d: {  	[tilespmem:$0x4110] =	vst v2;
	v2 =	vld [tilespmem:$0x860]  }
0x2e: {  	[tilespmem:$0x4120] =	vst v3;
	v3 =	vld [tilespmem:$0x870]  }
0x2f: {  	[tilespmem:$0x4140] =	vst v0;
	v0 =	vld [tilespmem:$0xC10]  }
0x30: {  	[tilespmem:$0x4150] =	vst v1;
	v1 =	vld [tilespmem:$0xC20]  }
0x31: {  	v49 =	vld [tilespmem:$0xC50];
	[tilespmem:$0x4180] =	vst v48  }
0x32: {  	[tilespmem:$0x4160] =	vst v2;
	v2 =	vld [tilespmem:$0xC30]  }
0x33: {  	[tilespmem:$0x4170] =	vst v3;
	v3 =	vld [tilespmem:$0xC40]  }
0x34: {  	[tilespmem:$0x4190] =	vst v0;
	v0 =	vld [tilespmem:$0xC60]  }
0x35: {  	[tilespmem:$0x41A0] =	vst v1;
	v1 =	vld [tilespmem:$0xC70]  }
0x36: {  	[tilespmem:$0x41D0] =	vst v49  }
0x37: {  	[tilespmem:$0x41B0] =	vst v2  }
0x38: {  	[tilespmem:$0x41C0] =	vst v3  }
0x39: {  	[tilespmem:$0x41E0] =	vst v0  }
0x3a: {  	s19 =	simm.s32 $0x4000;
	s17 =	simm.s32 $0x7400;
	[tilespmem:$0x41F0] =	vst v1  }
0x3b: {  	[tilespmem:s17], [sflag:$0x1] =	stream.indirect.gather [hbm4b:s3+s10], $0x1, s19, s10, $0xb8;
	[tilespmem:$0xAA00] =	vst v63  }
0x3c: {  	v0 =	vld [tilespmem:$0x80]  }
0x3d: {  	v1 =	vld [tilespmem:$0x90]  }
0x3e: {  	v2 =	vld [tilespmem:$0xA0]  }
0x3f: {  	v3 =	vld [tilespmem:$0xB0]  }
0x40: {  	v50 =	vld [tilespmem:$0xC0]  }
0x41: {  	v5 =	vld [tilespmem:$0xD0];
	v0 =	vadd.s32 $0x9C40, v0  }
0x42: {  	[tilespmem:$0x4200] =	vst v0;
	v0 =	vadd.s32 $0x9C40, v1;
	v1 =	vld [tilespmem:$0xE0]  }
0x43: {  	[tilespmem:$0x4210] =	vst v0;
	v0 =	vadd.s32 $0x9C40, v2;
	v2 =	vld [tilespmem:$0xF0]  }
0x44: {  	[tilespmem:$0x4220] =	vst v0;
	v0 =	vadd.s32 $0x9C40, v3;
	v3 =	vld [tilespmem:$0x480]  }
0x45: {  	v51 =	vld [tilespmem:$0x490];
	[tilespmem:$0x4230] =	vst v0;
	v0 =	vadd.s32 $0x9C40, v50  }
0x46: {  	v52 =	vld [tilespmem:$0x4A0];
	[tilespmem:$0x4240] =	vst v0;
	v0 =	vadd.s32 $0x9C40, v5  }
0x47: {  	[tilespmem:$0x4250] =	vst v0;
	v0 =	vadd.s32 $0x9C40, v1;
	v1 =	vld [tilespmem:$0x4B0]  }
0x48: {  	[tilespmem:$0x4260] =	vst v0;
	v0 =	vadd.s32 $0x9C40, v2;
	v2 =	vld [tilespmem:$0x4C0]  }
0x49: {  	[tilespmem:$0x4270] =	vst v0;
	v0 =	vadd.s32 $0x9C40, v3;
	v3 =	vld [tilespmem:$0x4D0]  }
0x4a: {  	v53 =	vld [tilespmem:$0x4E0];
	[tilespmem:$0x4280] =	vst v0;
	v0 =	vadd.s32 $0x9C40, v51  }
0x4b: {  	v54 =	vld [tilespmem:$0x4F0];
	[tilespmem:$0x4290] =	vst v0;
	v0 =	vadd.s32 $0x9C40, v52  }
0x4c: {  	[tilespmem:$0x42A0] =	vst v0;
	v0 =	vadd.s32 $0x9C40, v1;
	v1 =	vld [tilespmem:$0x880]  }
0x4d: {  	[tilespmem:$0x42B0] =	vst v0;
	v0 =	vadd.s32 $0x9C40, v2;
	v2 =	vld [tilespmem:$0x890]  }
0x4e: {  	[tilespmem:$0x42C0] =	vst v0;
	v0 =	vadd.s32 $0x9C40, v3;
	v3 =	vld [tilespmem:$0x8A0]  }
0x4f: {  	v55 =	vld [tilespmem:$0x8B0];
	[tilespmem:$0x42D0] =	vst v0;
	v0 =	vadd.s32 $0x9C40, v53  }
0x50: {  	v56 =	vld [tilespmem:$0x8C0];
	[tilespmem:$0x42E0] =	vst v0;
	v0 =	vadd.s32 $0x9C40, v54  }
0x51: {  	[tilespmem:$0x42F0] =	vst v0;
	v0 =	vadd.s32 $0x9C40, v1;
	v1 =	vld [tilespmem:$0x8D0]  }
0x52: {  	[tilespmem:$0x4300] =	vst v0;
	v0 =	vadd.s32 $0x9C40, v2;
	v2 =	vld [tilespmem:$0x8E0]  }
0x53: {  	[tilespmem:$0x4310] =	vst v0;
	v0 =	vadd.s32 $0x9C40, v3;
	v3 =	vld [tilespmem:$0x8F0]  }
0x54: {  	v57 =	vld [tilespmem:$0xC80];
	[tilespmem:$0x4320] =	vst v0;
	v0 =	vadd.s32 $0x9C40, v55  }
0x55: {  	v58 =	vld [tilespmem:$0xC90];
	[tilespmem:$0x4330] =	vst v0;
	v0 =	vadd.s32 $0x9C40, v56  }
0x56: {  	[tilespmem:$0x4340] =	vst v0;
	v0 =	vadd.s32 $0x9C40, v1;
	v1 =	vld [tilespmem:$0xCA0]  }
0x57: {  	[tilespmem:$0x4350] =	vst v0;
	v0 =	vadd.s32 $0x9C40, v2;
	v2 =	vld [tilespmem:$0xCB0]  }
0x58: {  	[tilespmem:$0x4360] =	vst v0;
	v0 =	vadd.s32 $0x9C40, v3;
	v3 =	vld [tilespmem:$0xCC0]  }
0x59: {  	v59 =	vld [tilespmem:$0xCD0];
	[tilespmem:$0x4370] =	vst v0;
	v0 =	vadd.s32 $0x9C40, v57  }
0x5a: {  	v60 =	vld [tilespmem:$0xCE0];
	[tilespmem:$0x4380] =	vst v0;
	v0 =	vadd.s32 $0x9C40, v58  }
0x5b: {  	[tilespmem:$0x4390] =	vst v0;
	v0 =	vadd.s32 $0x9C40, v1;
	v1 =	vld [tilespmem:$0xCF0]  }
0x5c: {  	[tilespmem:$0x43A0] =	vst v0;
	v0 =	vadd.s32 $0x9C40, v2  }
0x5d: {  	[tilespmem:$0x43B0] =	vst v0;
	v0 =	vadd.s32 $0x9C40, v3  }
0x5e: {  	[tilespmem:$0x43C0] =	vst v0;
	v0 =	vadd.s32 $0x9C40, v59  }
0x5f: {  	[tilespmem:$0x43D0] =	vst v0;
	v0 =	vadd.s32 $0x9C40, v60  }
0x60: {  	[tilespmem:$0x43E0] =	vst v0;
	v0 =	vadd.s32 $0x9C40, v1  }
0x61: {  	s20 =	simm.s32 $0x4200;
	s19 =	simm.s32 $0x7600;
	[tilespmem:$0x43F0] =	vst v0  }
0x62: {  	[tilespmem:s19], [sflag:$0x1] =	stream.indirect.gather [hbm4b:s3+s10], $0x1, s20, s10, $0xb8;
	[tilespmem:$0xAA00] =	vst v63  }
0x63: {  	v0 =	vld [tilespmem:$0x100]  }
0x64: {  	v1 =	vld [tilespmem:$0x110]  }
0x65: {  	v2 =	vld [tilespmem:$0x120]  }
0x66: {  	v3 =	vld [tilespmem:$0x130]  }
0x67: {  	v61 =	vld [tilespmem:$0x140]  }
0x68: {  	v62 =	vld [tilespmem:$0x150];
	v0 =	vadd.s32 $0x13880, v0  }
0x69: {  	[tilespmem:$0x4400] =	vst v0;
	v0 =	vadd.s32 $0x13880, v1;
	v1 =	vld [tilespmem:$0x160]  }
0x6a: {  	[tilespmem:$0x4410] =	vst v0;
	v0 =	vadd.s32 $0x13880, v2;
	v2 =	vld [tilespmem:$0x170]  }
0x6b: {  	[tilespmem:$0x4420] =	vst v0;
	v0 =	vadd.s32 $0x13880, v3;
	v3 =	vld [tilespmem:$0x500]  }
0x6c: {  	v63 =	vld [tilespmem:$0x510];
	[tilespmem:$0x4430] =	vst v0;
	v0 =	vadd.s32 $0x13880, v61  }
0x6d: {  	v8 =	vld [tilespmem:$0x520];
	[tilespmem:$0x4440] =	vst v0;
	v0 =	vadd.s32 $0x13880, v62  }
0x6e: {  	[tilespmem:$0x4450] =	vst v0;
	v0 =	vadd.s32 $0x13880, v1;
	v1 =	vld [tilespmem:$0x530]  }
0x6f: {  	[tilespmem:$0x4460] =	vst v0;
	v0 =	vadd.s32 $0x13880, v2;
	v2 =	vld [tilespmem:$0x540]  }
0x70: {  	[tilespmem:$0x4470] =	vst v0;
	v0 =	vadd.s32 $0x13880, v3;
	v3 =	vld [tilespmem:$0x550]  }
0x71: {  	v9 =	vld [tilespmem:$0x560];
	[tilespmem:$0x4480] =	vst v0;
	v0 =	vadd.s32 $0x13880, v63  }
0x72: {  	v10 =	vld [tilespmem:$0x570];
	[tilespmem:$0x4490] =	vst v0;
	v0 =	vadd.s32 $0x13880, v8  }
0x73: {  	[tilespmem:$0x44A0] =	vst v0;
	v0 =	vadd.s32 $0x13880, v1;
	v1 =	vld [tilespmem:$0x900]  }
0x74: {  	[tilespmem:$0x44B0] =	vst v0;
	v0 =	vadd.s32 $0x13880, v2;
	v2 =	vld [tilespmem:$0x910]  }
0x75: {  	[tilespmem:$0x44C0] =	vst v0;
	v0 =	vadd.s32 $0x13880, v3;
	v3 =	vld [tilespmem:$0x920]  }
0x76: {  	v11 =	vld [tilespmem:$0x930];
	[tilespmem:$0x44D0] =	vst v0;
	v0 =	vadd.s32 $0x13880, v9  }
0x77: {  	v12 =	vld [tilespmem:$0x940];
	[tilespmem:$0x44E0] =	vst v0;
	v0 =	vadd.s32 $0x13880, v10  }
0x78: {  	[tilespmem:$0x44F0] =	vst v0;
	v0 =	vadd.s32 $0x13880, v1;
	v1 =	vld [tilespmem:$0x950]  }
0x79: {  	[tilespmem:$0x4500] =	vst v0;
	v0 =	vadd.s32 $0x13880, v2;
	v2 =	vld [tilespmem:$0x960]  }
0x7a: {  	[tilespmem:$0x4510] =	vst v0;
	v0 =	vadd.s32 $0x13880, v3;
	v3 =	vld [tilespmem:$0x970]  }
0x7b: {  	v13 =	vld [tilespmem:$0xD00];
	[tilespmem:$0x4520] =	vst v0;
	v0 =	vadd.s32 $0x13880, v11  }
0x7c: {  	v14 =	vld [tilespmem:$0xD10];
	[tilespmem:$0x4530] =	vst v0;
	v0 =	vadd.s32 $0x13880, v12  }
0x7d: {  	[tilespmem:$0x4540] =	vst v0;
	v0 =	vadd.s32 $0x13880, v1;
	v1 =	vld [tilespmem:$0xD20]  }
0x7e: {  	[tilespmem:$0x4550] =	vst v0;
	v0 =	vadd.s32 $0x13880, v2;
	v2 =	vld [tilespmem:$0xD30]  }
0x7f: {  	[tilespmem:$0x4560] =	vst v0;
	v0 =	vadd.s32 $0x13880, v3;
	v3 =	vld [tilespmem:$0xD40]  }
0x80: {  	v15 =	vld [tilespmem:$0xD50];
	[tilespmem:$0x4570] =	vst v0;
	v0 =	vadd.s32 $0x13880, v13  }
0x81: {  	v16 =	vld [tilespmem:$0xD60];
	[tilespmem:$0x4580] =	vst v0;
	v0 =	vadd.s32 $0x13880, v14  }
0x82: {  	[tilespmem:$0x4590] =	vst v0;
	v0 =	vadd.s32 $0x13880, v1;
	v1 =	vld [tilespmem:$0xD70]  }
0x83: {  	[tilespmem:$0x45A0] =	vst v0;
	v0 =	vadd.s32 $0x13880, v2  }
0x84: {  	[tilespmem:$0x45B0] =	vst v0;
	v0 =	vadd.s32 $0x13880, v3  }
0x85: {  	[tilespmem:$0x45C0] =	vst v0;
	v0 =	vadd.s32 $0x13880, v15  }
0x86: {  	[tilespmem:$0x45D0] =	vst v0;
	v0 =	vadd.s32 $0x13880, v16  }
0x87: {  	[tilespmem:$0x45E0] =	vst v0;
	v0 =	vadd.s32 $0x13880, v1  }
0x88: {  	s19 =	simm.s32 $0x4400;
	s20 =	simm.s32 $0x7800;
	[tilespmem:$0x45F0] =	vst v0  }
0x89: {  	[tilespmem:s20], [sflag:$0x1] =	stream.indirect.gather [hbm4b:s3+s10], $0x1, s19, s10, $0xb8;
	[tilespmem:$0xAA00] =	vst v63  }
0x8a: {  	v0 =	vld [tilespmem:$0x180]  }
0x8b: {  	v1 =	vld [tilespmem:$0x190]  }
0x8c: {  	v2 =	vld [tilespmem:$0x1A0]  }
0x8d: {  	v3 =	vld [tilespmem:$0x1B0]  }
0x8e: {  	v17 =	vld [tilespmem:$0x1C0]  }
0x8f: {  	v18 =	vld [tilespmem:$0x1D0];
	v0 =	vadd.s32 $0x1D4C0, v0  }
0x90: {  	[tilespmem:$0x4600] =	vst v0;
	v0 =	vadd.s32 $0x1D4C0, v1;
	v1 =	vld [tilespmem:$0x1E0]  }
0x91: {  	[tilespmem:$0x4610] =	vst v0;
	v0 =	vadd.s32 $0x1D4C0, v2;
	v2 =	vld [tilespmem:$0x1F0]  }
0x92: {  	[tilespmem:$0x4620] =	vst v0;
	v0 =	vadd.s32 $0x1D4C0, v3;
	v3 =	vld [tilespmem:$0x580]  }
0x93: {  	v19 =	vld [tilespmem:$0x590];
	[tilespmem:$0x4630] =	vst v0;
	v0 =	vadd.s32 $0x1D4C0, v17  }
0x94: {  	v20 =	vld [tilespmem:$0x5A0];
	[tilespmem:$0x4640] =	vst v0;
	v0 =	vadd.s32 $0x1D4C0, v18  }
0x95: {  	[tilespmem:$0x4650] =	vst v0;
	v0 =	vadd.s32 $0x1D4C0, v1;
	v1 =	vld [tilespmem:$0x5B0]  }
0x96: {  	[tilespmem:$0x4660] =	vst v0;
	v0 =	vadd.s32 $0x1D4C0, v2;
	v2 =	vld [tilespmem:$0x5C0]  }
0x97: {  	[tilespmem:$0x4670] =	vst v0;
	v0 =	vadd.s32 $0x1D4C0, v3  }
0x98: {  	[tilespmem:$0x4680] =	vst v0;
	v0 =	vadd.s32 $0x1D4C0, v19  }
0x99: {  	[tilespmem:$0x4690] =	vst v0;
	v0 =	vadd.s32 $0x1D4C0, v20  }
0x9a: {  	[tilespmem:$0x46A0] =	vst v0;
	v0 =	vadd.s32 $0x1D4C0, v1  }
0x9b: {  	[tilespmem:$0x46B0] =	vst v0;
	v0 =	vadd.s32 $0x1D4C0, v2  }
0x9c: {  	[tilespmem:$0x46C0] =	vst v0  }
0x9d: {  	v0 =	vld [tilespmem:$0x5D0]  }
0x9e: {  	v1 =	vld [tilespmem:$0x5E0]  }
0x9f: {  	v2 =	vld [tilespmem:$0x5F0]  }
0xa0: {  	v3 =	vld [tilespmem:$0x980]  }
0xa1: {  	v21 =	vld [tilespmem:$0x990]  }
0xa2: {  	v22 =	vld [tilespmem:$0x9A0];
	v0 =	vadd.s32 $0x1D4C0, v0  }
0xa3: {  	[tilespmem:$0x46D0] =	vst v0;
	v0 =	vadd.s32 $0x1D4C0, v1;
	v1 =	vld [tilespmem:$0x9B0]  }
0xa4: {  	[tilespmem:$0x46E0] =	vst v0;
	v0 =	vadd.s32 $0x1D4C0, v2;
	v2 =	vld [tilespmem:$0x9C0]  }
0xa5: {  	[tilespmem:$0x46F0] =	vst v0;
	v0 =	vadd.s32 $0x1D4C0, v3;
	v3 =	vld [tilespmem:$0x9D0]  }
0xa6: {  	v23 =	vld [tilespmem:$0x9E0];
	[tilespmem:$0x4700] =	vst v0;
	v0 =	vadd.s32 $0x1D4C0, v21  }
0xa7: {  	v24 =	vld [tilespmem:$0x9F0];
	[tilespmem:$0x4710] =	vst v0;
	v0 =	vadd.s32 $0x1D4C0, v22  }
0xa8: {  	[tilespmem:$0x4720] =	vst v0;
	v0 =	vadd.s32 $0x1D4C0, v1;
	v1 =	vld [tilespmem:$0xD80]  }
0xa9: {  	[tilespmem:$0x4730] =	vst v0;
	v0 =	vadd.s32 $0x1D4C0, v2;
	v2 =	vld [tilespmem:$0xD90]  }
0xaa: {  	[tilespmem:$0x4740] =	vst v0;
	v0 =	vadd.s32 $0x1D4C0, v3;
	v3 =	vld [tilespmem:$0xDA0]  }
0xab: {  	v25 =	vld [tilespmem:$0xDB0];
	[tilespmem:$0x4750] =	vst v0;
	v0 =	vadd.s32 $0x1D4C0, v23  }
0xac: {  	v26 =	vld [tilespmem:$0xDC0];
	[tilespmem:$0x4760] =	vst v0;
	v0 =	vadd.s32 $0x1D4C0, v24  }
0xad: {  	[tilespmem:$0x4770] =	vst v0;
	v0 =	vadd.s32 $0x1D4C0, v1;
	v1 =	vld [tilespmem:$0xDD0]  }
0xae: {  	[tilespmem:$0x4780] =	vst v0;
	v0 =	vadd.s32 $0x1D4C0, v2;
	v2 =	vld [tilespmem:$0xDE0]  }
0xaf: {  	[tilespmem:$0x4790] =	vst v0;
	v0 =	vadd.s32 $0x1D4C0, v3;
	v3 =	vld [tilespmem:$0xDF0]  }
0xb0: {  	[tilespmem:$0x47A0] =	vst v0;
	v0 =	vadd.s32 $0x1D4C0, v25  }
0xb1: {  	[tilespmem:$0x47B0] =	vst v0;
	v0 =	vadd.s32 $0x1D4C0, v26  }
0xb2: {  	[tilespmem:$0x47C0] =	vst v0;
	v0 =	vadd.s32 $0x1D4C0, v1  }
0xb3: {  	[tilespmem:$0x47D0] =	vst v0;
	v0 =	vadd.s32 $0x1D4C0, v2  }
0xb4: {  	[tilespmem:$0x47E0] =	vst v0;
	v0 =	vadd.s32 $0x1D4C0, v3  }
0xb5: {  	s19 =	simm.s32 $0x4600;
	s20 =	simm.s32 $0x7A00;
	[tilespmem:$0x47F0] =	vst v0  }
0xb6: {  	[tilespmem:s20], [sflag:$0x1] =	stream.indirect.gather [hbm4b:s3+s10], $0x1, s19, s10, $0xb8;
	[tilespmem:$0xAA00] =	vst v63  }
0xb7: {  	v0 =	vld [tilespmem:$0x200]  }
0xb8: {  	v1 =	vld [tilespmem:$0x210]  }
0xb9: {  	v2 =	vld [tilespmem:$0x220]  }
0xba: {  	v3 =	vld [tilespmem:$0x230]  }
0xbb: {  	v27 =	vld [tilespmem:$0x240]  }
0xbc: {  	v28 =	vld [tilespmem:$0x250];
	v0 =	vadd.s32 $0x27100, v0  }
0xbd: {  	[tilespmem:$0x4800] =	vst v0;
	v0 =	vadd.s32 $0x27100, v1;
	v1 =	vld [tilespmem:$0x260]  }
0xbe: {  	[tilespmem:$0x4810] =	vst v0;
	v0 =	vadd.s32 $0x27100, v2;
	v2 =	vld [tilespmem:$0x270]  }
0xbf: {  	[tilespmem:$0x4820] =	vst v0;
	v0 =	vadd.s32 $0x27100, v3;
	v3 =	vld [tilespmem:$0x600]  }
0xc0: {  	v29 =	vld [tilespmem:$0x610];
	[tilespmem:$0x4830] =	vst v0;
	v0 =	vadd.s32 $0x27100, v27  }
0xc1: {  	v30 =	vld [tilespmem:$0x620];
	[tilespmem:$0x4840] =	vst v0;
	v0 =	vadd.s32 $0x27100, v28  }
0xc2: {  	[tilespmem:$0x4850] =	vst v0;
	v0 =	vadd.s32 $0x27100, v1;
	v1 =	vld [tilespmem:$0x630]  }
0xc3: {  	[tilespmem:$0x4860] =	vst v0;
	v0 =	vadd.s32 $0x27100, v2;
	v2 =	vld [tilespmem:$0x640]  }
0xc4: {  	[tilespmem:$0x4870] =	vst v0;
	v0 =	vadd.s32 $0x27100, v3;
	v3 =	vld [tilespmem:$0x650]  }
0xc5: {  	v31 =	vld [tilespmem:$0x660];
	[tilespmem:$0x4880] =	vst v0;
	v0 =	vadd.s32 $0x27100, v29  }
0xc6: {  	v32 =	vld [tilespmem:$0x670];
	[tilespmem:$0x4890] =	vst v0;
	v0 =	vadd.s32 $0x27100, v30  }
0xc7: {  	[tilespmem:$0x48A0] =	vst v0;
	v0 =	vadd.s32 $0x27100, v1;
	v1 =	vld [tilespmem:$0xA00]  }
0xc8: {  	[tilespmem:$0x48B0] =	vst v0;
	v0 =	vadd.s32 $0x27100, v2;
	v2 =	vld [tilespmem:$0xA10]  }
0xc9: {  	[tilespmem:$0x48C0] =	vst v0;
	v0 =	vadd.s32 $0x27100, v3;
	v3 =	vld [tilespmem:$0xA20]  }
0xca: {  	v33 =	vld [tilespmem:$0xA30];
	[tilespmem:$0x48D0] =	vst v0;
	v0 =	vadd.s32 $0x27100, v31  }
0xcb: {  	v34 =	vld [tilespmem:$0xA40];
	[tilespmem:$0x48E0] =	vst v0;
	v0 =	vadd.s32 $0x27100, v32  }
0xcc: {  	[tilespmem:$0x48F0] =	vst v0;
	v0 =	vadd.s32 $0x27100, v1;
	v1 =	vld [tilespmem:$0xA50]  }
0xcd: {  	[tilespmem:$0x4900] =	vst v0;
	v0 =	vadd.s32 $0x27100, v2;
	v2 =	vld [tilespmem:$0xA60]  }
0xce: {  	[tilespmem:$0x4910] =	vst v0;
	v0 =	vadd.s32 $0x27100, v3;
	v3 =	vld [tilespmem:$0xA70]  }
0xcf: {  	v35 =	vld [tilespmem:$0xE00];
	[tilespmem:$0x4920] =	vst v0;
	v0 =	vadd.s32 $0x27100, v33  }
0xd0: {  	v36 =	vld [tilespmem:$0xE10];
	[tilespmem:$0x4930] =	vst v0;
	v0 =	vadd.s32 $0x27100, v34  }
0xd1: {  	[tilespmem:$0x4940] =	vst v0;
	v0 =	vadd.s32 $0x27100, v1;
	v1 =	vld [tilespmem:$0xE20]  }
0xd2: {  	[tilespmem:$0x4950] =	vst v0;
	v0 =	vadd.s32 $0x27100, v2;
	v2 =	vld [tilespmem:$0xE30]  }
0xd3: {  	[tilespmem:$0x4960] =	vst v0;
	v0 =	vadd.s32 $0x27100, v3;
	v3 =	vld [tilespmem:$0xE40]  }
0xd4: {  	v37 =	vld [tilespmem:$0xE50];
	[tilespmem:$0x4970] =	vst v0;
	v0 =	vadd.s32 $0x27100, v35  }
0xd5: {  	v38 =	vld [tilespmem:$0xE60];
	[tilespmem:$0x4980] =	vst v0;
	v0 =	vadd.s32 $0x27100, v36  }
0xd6: {  	[tilespmem:$0x4990] =	vst v0;
	v0 =	vadd.s32 $0x27100, v1;
	v1 =	vld [tilespmem:$0xE70]  }
0xd7: {  	[tilespmem:$0x49A0] =	vst v0;
	v0 =	vadd.s32 $0x27100, v2  }
0xd8: {  	[tilespmem:$0x49B0] =	vst v0;
	v0 =	vadd.s32 $0x27100, v3  }
0xd9: {  	[tilespmem:$0x49C0] =	vst v0;
	v0 =	vadd.s32 $0x27100, v37  }
0xda: {  	[tilespmem:$0x49D0] =	vst v0;
	v0 =	vadd.s32 $0x27100, v38  }
0xdb: {  	[tilespmem:$0x49E0] =	vst v0;
	v0 =	vadd.s32 $0x27100, v1  }
0xdc: {  	s19 =	simm.s32 $0x4800;
	s20 =	simm.s32 $0x7C00;
	[tilespmem:$0x49F0] =	vst v0  }
0xdd: {  	[tilespmem:s20], [sflag:$0x1] =	stream.indirect.gather [hbm4b:s3+s10], $0x1, s19, s10, $0xb8;
	[tilespmem:$0xAA00] =	vst v63  }
0xde: {  	v0 =	vld [tilespmem:$0x280]  }
0xdf: {  	v1 =	vld [tilespmem:$0x290]  }
0xe0: {  	v2 =	vld [tilespmem:$0x2A0]  }
0xe1: {  	v3 =	vld [tilespmem:$0x2B0]  }
0xe2: {  	v39 =	vld [tilespmem:$0x2C0]  }
0xe3: {  	v40 =	vld [tilespmem:$0x2D0];
	v0 =	vadd.s32 $0x30D40, v0  }
0xe4: {  	[tilespmem:$0x4A00] =	vst v0;
	v0 =	vadd.s32 $0x30D40, v1;
	v1 =	vld [tilespmem:$0x2E0]  }
0xe5: {  	[tilespmem:$0x4A10] =	vst v0;
	v0 =	vadd.s32 $0x30D40, v2;
	v2 =	vld [tilespmem:$0x2F0]  }
0xe6: {  	[tilespmem:$0x4A20] =	vst v0;
	v0 =	vadd.s32 $0x30D40, v3;
	v3 =	vld [tilespmem:$0x680]  }
0xe7: {  	v41 =	vld [tilespmem:$0x690];
	[tilespmem:$0x4A30] =	vst v0;
	v0 =	vadd.s32 $0x30D40, v39  }
0xe8: {  	v42 =	vld [tilespmem:$0x6A0];
	[tilespmem:$0x4A40] =	vst v0;
	v0 =	vadd.s32 $0x30D40, v40  }
0xe9: {  	[tilespmem:$0x4A50] =	vst v0;
	v0 =	vadd.s32 $0x30D40, v1;
	v1 =	vld [tilespmem:$0x6B0]  }
0xea: {  	[tilespmem:$0x4A60] =	vst v0;
	v0 =	vadd.s32 $0x30D40, v2;
	v2 =	vld [tilespmem:$0x6C0]  }
0xeb: {  	[tilespmem:$0x4A70] =	vst v0;
	v0 =	vadd.s32 $0x30D40, v3;
	v3 =	vld [tilespmem:$0x6D0]  }
0xec: {  	v43 =	vld [tilespmem:$0x6E0];
	[tilespmem:$0x4A80] =	vst v0;
	v0 =	vadd.s32 $0x30D40, v41  }
0xed: {  	v44 =	vld [tilespmem:$0x6F0];
	[tilespmem:$0x4A90] =	vst v0;
	v0 =	vadd.s32 $0x30D40, v42  }
0xee: {  	[tilespmem:$0x4AA0] =	vst v0;
	v0 =	vadd.s32 $0x30D40, v1;
	v1 =	vld [tilespmem:$0xA80]  }
0xef: {  	[tilespmem:$0x4AB0] =	vst v0;
	v0 =	vadd.s32 $0x30D40, v2;
	v2 =	vld [tilespmem:$0xA90]  }
0xf0: {  	[tilespmem:$0x4AC0] =	vst v0;
	v0 =	vadd.s32 $0x30D40, v3;
	v3 =	vld [tilespmem:$0xAA0]  }
0xf1: {  	v45 =	vld [tilespmem:$0xAB0];
	[tilespmem:$0x4AD0] =	vst v0;
	v0 =	vadd.s32 $0x30D40, v43  }
0xf2: {  	v46 =	vld [tilespmem:$0xAC0];
	[tilespmem:$0x4AE0] =	vst v0;
	v0 =	vadd.s32 $0x30D40, v44  }
0xf3: {  	[tilespmem:$0x4AF0] =	vst v0;
	v0 =	vadd.s32 $0x30D40, v1;
	v1 =	vld [tilespmem:$0xAD0]  }
0xf4: {  	[tilespmem:$0x4B00] =	vst v0;
	v0 =	vadd.s32 $0x30D40, v2;
	v2 =	vld [tilespmem:$0xAE0]  }
0xf5: {  	[tilespmem:$0x4B10] =	vst v0;
	v0 =	vadd.s32 $0x30D40, v3;
	v3 =	vld [tilespmem:$0xAF0]  }
0xf6: {  	v47 =	vld [tilespmem:$0xE80];
	[tilespmem:$0x4B20] =	vst v0;
	v0 =	vadd.s32 $0x30D40, v45  }
0xf7: {  	v48 =	vld [tilespmem:$0xE90];
	[tilespmem:$0x4B30] =	vst v0;
	v0 =	vadd.s32 $0x30D40, v46  }
0xf8: {  	[tilespmem:$0x4B40] =	vst v0;
	v0 =	vadd.s32 $0x30D40, v1;
	v1 =	vld [tilespmem:$0xEA0]  }
0xf9: {  	[tilespmem:$0x4B50] =	vst v0;
	v0 =	vadd.s32 $0x30D40, v2;
	v2 =	vld [tilespmem:$0xEB0]  }
0xfa: {  	[tilespmem:$0x4B60] =	vst v0;
	v0 =	vadd.s32 $0x30D40, v3;
	v3 =	vld [tilespmem:$0xEC0]  }
0xfb: {  	v49 =	vld [tilespmem:$0xED0];
	[tilespmem:$0x4B70] =	vst v0;
	v0 =	vadd.s32 $0x30D40, v47  }
0xfc: {  	v50 =	vld [tilespmem:$0xEE0];
	[tilespmem:$0x4B80] =	vst v0;
	v0 =	vadd.s32 $0x30D40, v48  }
0xfd: {  	[tilespmem:$0x4B90] =	vst v0;
	v0 =	vadd.s32 $0x30D40, v1;
	v1 =	vld [tilespmem:$0xEF0]  }
0xfe: {  	[tilespmem:$0x4BA0] =	vst v0;
	v0 =	vadd.s32 $0x30D40, v2  }
0xff: {  	[tilespmem:$0x4BB0] =	vst v0;
	v0 =	vadd.s32 $0x30D40, v3  }
0x100: {  	[tilespmem:$0x4BC0] =	vst v0;
	v0 =	vadd.s32 $0x30D40, v49  }
0x101: {  	[tilespmem:$0x4BD0] =	vst v0;
	v0 =	vadd.s32 $0x30D40, v50  }
0x102: {  	[tilespmem:$0x4BE0] =	vst v0;
	v0 =	vadd.s32 $0x30D40, v1  }
0x103: {  	s19 =	simm.s32 $0x4A00;
	s20 =	simm.s32 $0x7E00;
	[tilespmem:$0x4BF0] =	vst v0  }
0x104: {  	[tilespmem:s20], [sflag:$0x1] =	stream.indirect.gather [hbm4b:s3+s10], $0x1, s19, s10, $0xb8;
	[tilespmem:$0xAA00] =	vst v63  }
0x105: {  	v0 =	vld [tilespmem:$0x300]  }
0x106: {  	v1 =	vld [tilespmem:$0x310]  }
0x107: {  	v2 =	vld [tilespmem:$0x320]  }
0x108: {  	v3 =	vld [tilespmem:$0x330]  }
0x109: {  	v51 =	vld [tilespmem:$0x340]  }
0x10a: {  	v52 =	vld [tilespmem:$0x350];
	v0 =	vadd.s32 $0x3A980, v0  }
0x10b: {  	[tilespmem:$0x4C00] =	vst v0;
	v0 =	vadd.s32 $0x3A980, v1;
	v1 =	vld [tilespmem:$0x360]  }
0x10c: {  	[tilespmem:$0x4C10] =	vst v0;
	v0 =	vadd.s32 $0x3A980, v2;
	v2 =	vld [tilespmem:$0x370]  }
0x10d: {  	[tilespmem:$0x4C20] =	vst v0;
	v0 =	vadd.s32 $0x3A980, v3;
	v3 =	vld [tilespmem:$0x700]  }
0x10e: {  	v53 =	vld [tilespmem:$0x710];
	[tilespmem:$0x4C30] =	vst v0;
	v0 =	vadd.s32 $0x3A980, v51  }
0x10f: {  	v54 =	vld [tilespmem:$0x720];
	[tilespmem:$0x4C40] =	vst v0;
	v0 =	vadd.s32 $0x3A980, v52  }
0x110: {  	[tilespmem:$0x4C50] =	vst v0;
	v0 =	vadd.s32 $0x3A980, v1;
	v1 =	vld [tilespmem:$0x730]  }
0x111: {  	[tilespmem:$0x4C60] =	vst v0;
	v0 =	vadd.s32 $0x3A980, v2;
	v2 =	vld [tilespmem:$0x740]  }
0x112: {  	[tilespmem:$0x4C70] =	vst v0;
	v0 =	vadd.s32 $0x3A980, v3;
	v3 =	vld [tilespmem:$0x750]  }
0x113: {  	v55 =	vld [tilespmem:$0x760];
	[tilespmem:$0x4C80] =	vst v0;
	v0 =	vadd.s32 $0x3A980, v53  }
0x114: {  	v56 =	vld [tilespmem:$0x770];
	[tilespmem:$0x4C90] =	vst v0;
	v0 =	vadd.s32 $0x3A980, v54  }
0x115: {  	[tilespmem:$0x4CA0] =	vst v0;
	v0 =	vadd.s32 $0x3A980, v1;
	v1 =	vld [tilespmem:$0xB00]  }
0x116: {  	[tilespmem:$0x4CB0] =	vst v0;
	v0 =	vadd.s32 $0x3A980, v2;
	v2 =	vld [tilespmem:$0xB10]  }
0x117: {  	[tilespmem:$0x4CC0] =	vst v0;
	v0 =	vadd.s32 $0x3A980, v3;
	v3 =	vld [tilespmem:$0xB20]  }
0x118: {  	v57 =	vld [tilespmem:$0xB30];
	[tilespmem:$0x4CD0] =	vst v0;
	v0 =	vadd.s32 $0x3A980, v55  }
0x119: {  	v58 =	vld [tilespmem:$0xB40];
	[tilespmem:$0x4CE0] =	vst v0;
	v0 =	vadd.s32 $0x3A980, v56  }
0x11a: {  	[tilespmem:$0x4CF0] =	vst v0;
	v0 =	vadd.s32 $0x3A980, v1;
	v1 =	vld [tilespmem:$0xB50]  }
0x11b: {  	[tilespmem:$0x4D00] =	vst v0;
	v0 =	vadd.s32 $0x3A980, v2;
	v2 =	vld [tilespmem:$0xB60]  }
0x11c: {  	[tilespmem:$0x4D10] =	vst v0;
	v0 =	vadd.s32 $0x3A980, v3;
	v3 =	vld [tilespmem:$0xB70]  }
0x11d: {  	v59 =	vld [tilespmem:$0xF00];
	[tilespmem:$0x4D20] =	vst v0;
	v0 =	vadd.s32 $0x3A980, v57  }
0x11e: {  	v60 =	vld [tilespmem:$0xF10];
	[tilespmem:$0x4D30] =	vst v0;
	v0 =	vadd.s32 $0x3A980, v58  }
0x11f: {  	[tilespmem:$0x4D40] =	vst v0;
	v0 =	vadd.s32 $0x3A980, v1;
	v1 =	vld [tilespmem:$0xF20]  }
0x120: {  	[tilespmem:$0x4D50] =	vst v0;
	v0 =	vadd.s32 $0x3A980, v2;
	v2 =	vld [tilespmem:$0xF30]  }
0x121: {  	[tilespmem:$0x4D60] =	vst v0;
	v0 =	vadd.s32 $0x3A980, v3;
	v3 =	vld [tilespmem:$0xF40]  }
0x122: {  	v61 =	vld [tilespmem:$0xF50];
	[tilespmem:$0x4D70] =	vst v0;
	v0 =	vadd.s32 $0x3A980, v59  }
0x123: {  	v62 =	vld [tilespmem:$0xF60];
	[tilespmem:$0x4D80] =	vst v0;
	v0 =	vadd.s32 $0x3A980, v60  }
0x124: {  	[tilespmem:$0x4D90] =	vst v0;
	v0 =	vadd.s32 $0x3A980, v1;
	v1 =	vld [tilespmem:$0xF70]  }
0x125: {  	[tilespmem:$0x4DA0] =	vst v0;
	v0 =	vadd.s32 $0x3A980, v2  }
0x126: {  	[tilespmem:$0x4DB0] =	vst v0;
	v0 =	vadd.s32 $0x3A980, v3  }
0x127: {  	[tilespmem:$0x4DC0] =	vst v0;
	v0 =	vadd.s32 $0x3A980, v61  }
0x128: {  	[tilespmem:$0x4DD0] =	vst v0;
	v0 =	vadd.s32 $0x3A980, v62  }
0x129: {  	[tilespmem:$0x4DE0] =	vst v0;
	v0 =	vadd.s32 $0x3A980, v1  }
0x12a: {  	s19 =	simm.s32 $0x4C00;
	s20 =	simm.s32 $0x8000;
	[tilespmem:$0x4DF0] =	vst v0  }
0x12b: {  	[tilespmem:s20], [sflag:$0x1] =	stream.indirect.gather [hbm4b:s3+s10], $0x1, s19, s10, $0xb8;
	[tilespmem:$0xAA00] =	vst v63  }
0x12c: {  	v0 =	vld [tilespmem:$0x380]  }
0x12d: {  	v1 =	vld [tilespmem:$0x390]  }
0x12e: {  	v2 =	vld [tilespmem:$0x3A0]  }
0x12f: {  	v3 =	vld [tilespmem:$0x3B0]  }
0x130: {  	v63 =	vld [tilespmem:$0x3C0]  }
0x131: {  	v8 =	vld [tilespmem:$0x3D0];
	v0 =	vadd.s32 $0x445C0, v0  }
0x132: {  	[tilespmem:$0x4E00] =	vst v0;
	v0 =	vadd.s32 $0x445C0, v1;
	v1 =	vld [tilespmem:$0x3E0]  }
0x133: {  	[tilespmem:$0x4E10] =	vst v0;
	v0 =	vadd.s32 $0x445C0, v2;
	v2 =	vld [tilespmem:$0x3F0]  }
0x134: {  	[tilespmem:$0x4E20] =	vst v0;
	v0 =	vadd.s32 $0x445C0, v3;
	v3 =	vld [tilespmem:$0x780]  }
0x135: {  	v9 =	vld [tilespmem:$0x790];
	[tilespmem:$0x4E30] =	vst v0;
	v0 =	vadd.s32 $0x445C0, v63  }
0x136: {  	v10 =	vld [tilespmem:$0x7A0];
	[tilespmem:$0x4E40] =	vst v0;
	v0 =	vadd.s32 $0x445C0, v8  }
0x137: {  	[tilespmem:$0x4E50] =	vst v0;
	v0 =	vadd.s32 $0x445C0, v1;
	v1 =	vld [tilespmem:$0x7B0]  }
0x138: {  	[tilespmem:$0x4E60] =	vst v0;
	v0 =	vadd.s32 $0x445C0, v2;
	v2 =	vld [tilespmem:$0x7C0]  }
0x139: {  	[tilespmem:$0x4E70] =	vst v0;
	v0 =	vadd.s32 $0x445C0, v3;
	v3 =	vld [tilespmem:$0x7D0]  }
0x13a: {  	v11 =	vld [tilespmem:$0x7E0];
	[tilespmem:$0x4E80] =	vst v0;
	v0 =	vadd.s32 $0x445C0, v9  }
0x13b: {  	v12 =	vld [tilespmem:$0x7F0];
	[tilespmem:$0x4E90] =	vst v0;
	v0 =	vadd.s32 $0x445C0, v10  }
0x13c: {  	[tilespmem:$0x4EA0] =	vst v0;
	v0 =	vadd.s32 $0x445C0, v1;
	v1 =	vld [tilespmem:$0xB80]  }
0x13d: {  	[tilespmem:$0x4EB0] =	vst v0;
	v0 =	vadd.s32 $0x445C0, v2;
	v2 =	vld [tilespmem:$0xB90]  }
0x13e: {  	[tilespmem:$0x4EC0] =	vst v0;
	v0 =	vadd.s32 $0x445C0, v3;
	v3 =	vld [tilespmem:$0xBA0]  }
0x13f: {  	v13 =	vld [tilespmem:$0xBB0];
	[tilespmem:$0x4ED0] =	vst v0;
	v0 =	vadd.s32 $0x445C0, v11  }
0x140: {  	v14 =	vld [tilespmem:$0xBC0];
	[tilespmem:$0x4EE0] =	vst v0;
	v0 =	vadd.s32 $0x445C0, v12  }
0x141: {  	[tilespmem:$0x4EF0] =	vst v0;
	v0 =	vadd.s32 $0x445C0, v1;
	v1 =	vld [tilespmem:$0xBD0]  }
0x142: {  	[tilespmem:$0x4F00] =	vst v0;
	v0 =	vadd.s32 $0x445C0, v2;
	v2 =	vld [tilespmem:$0xBE0]  }
0x143: {  	[tilespmem:$0x4F10] =	vst v0;
	v0 =	vadd.s32 $0x445C0, v3;
	v3 =	vld [tilespmem:$0xBF0]  }
0x144: {  	v15 =	vld [tilespmem:$0xF80];
	[tilespmem:$0x4F20] =	vst v0;
	v0 =	vadd.s32 $0x445C0, v13  }
0x145: {  	v16 =	vld [tilespmem:$0xF90];
	[tilespmem:$0x4F30] =	vst v0;
	v0 =	vadd.s32 $0x445C0, v14  }
0x146: {  	[tilespmem:$0x4F40] =	vst v0;
	v0 =	vadd.s32 $0x445C0, v1;
	v1 =	vld [tilespmem:$0xFA0]  }
0x147: {  	[tilespmem:$0x4F50] =	vst v0;
	v0 =	vadd.s32 $0x445C0, v2;
	v2 =	vld [tilespmem:$0xFB0]  }
0x148: {  	[tilespmem:$0x4F60] =	vst v0;
	v0 =	vadd.s32 $0x445C0, v3;
	v3 =	vld [tilespmem:$0xFC0]  }
0x149: {  	v17 =	vld [tilespmem:$0xFD0];
	[tilespmem:$0x4F70] =	vst v0;
	v0 =	vadd.s32 $0x445C0, v15  }
0x14a: {  	v18 =	vld [tilespmem:$0xFE0];
	[tilespmem:$0x4F80] =	vst v0;
	v0 =	vadd.s32 $0x445C0, v16  }
0x14b: {  	[tilespmem:$0x4F90] =	vst v0;
	v0 =	vadd.s32 $0x445C0, v1;
	v1 =	vld [tilespmem:$0xFF0]  }
0x14c: {  	[tilespmem:$0x4FA0] =	vst v0;
	v0 =	vadd.s32 $0x445C0, v2  }
0x14d: {  	[tilespmem:$0x4FB0] =	vst v0;
	v0 =	vadd.s32 $0x445C0, v3  }
0x14e: {  	[tilespmem:$0x4FC0] =	vst v0;
	v0 =	vadd.s32 $0x445C0, v17  }
0x14f: {  	[tilespmem:$0x4FD0] =	vst v0;
	v0 =	vadd.s32 $0x445C0, v18  }
0x150: {  	[tilespmem:$0x4FE0] =	vst v0;
	v0 =	vadd.s32 $0x445C0, v1  }
0x151: {  	s19 =	simm.s32 $0x4E00;
	s20 =	simm.s32 $0x8200;
	[tilespmem:$0x4FF0] =	vst v0  }
0x152: {  	[tilespmem:s20], [sflag:$0x1] =	stream.indirect.gather [hbm4b:s3+s10], $0x1, s19, s10, $0xb8;
	[tilespmem:$0xAA00] =	vst v63  }
0x153: {  	v0 =	vld [tilespmem:$0x1000]  }
0x154: {  	v1 =	vld [tilespmem:$0x1010]  }
0x155: {  	v2 =	vld [tilespmem:$0x1020]  }
0x156: {  	v3 =	vld [tilespmem:$0x1030]  }
0x157: {  	v19 =	vld [tilespmem:$0x1040]  }
0x158: {  	v20 =	vld [tilespmem:$0x1050];
	v0 =	vadd.s32 $0x4E200, v0  }
0x159: {  	[tilespmem:$0x5000] =	vst v0;
	v0 =	vadd.s32 $0x4E200, v1;
	v1 =	vld [tilespmem:$0x1060]  }
0x15a: {  	[tilespmem:$0x5010] =	vst v0;
	v0 =	vadd.s32 $0x4E200, v2;
	v2 =	vld [tilespmem:$0x1070]  }
0x15b: {  	[tilespmem:$0x5020] =	vst v0;
	v0 =	vadd.s32 $0x4E200, v3;
	v3 =	vld [tilespmem:$0x1400]  }
0x15c: {  	v21 =	vld [tilespmem:$0x1410];
	[tilespmem:$0x5030] =	vst v0;
	v0 =	vadd.s32 $0x4E200, v19  }
0x15d: {  	v22 =	vld [tilespmem:$0x1420];
	[tilespmem:$0x5040] =	vst v0;
	v0 =	vadd.s32 $0x4E200, v20  }
0x15e: {  	[tilespmem:$0x5050] =	vst v0;
	v0 =	vadd.s32 $0x4E200, v1;
	v1 =	vld [tilespmem:$0x1430]  }
0x15f: {  	[tilespmem:$0x5060] =	vst v0;
	v0 =	vadd.s32 $0x4E200, v2;
	v2 =	vld [tilespmem:$0x1440]  }
0x160: {  	[tilespmem:$0x5070] =	vst v0;
	v0 =	vadd.s32 $0x4E200, v3;
	v3 =	vld [tilespmem:$0x1450]  }
0x161: {  	v23 =	vld [tilespmem:$0x1460];
	[tilespmem:$0x5080] =	vst v0;
	v0 =	vadd.s32 $0x4E200, v21  }
0x162: {  	v24 =	vld [tilespmem:$0x1470];
	[tilespmem:$0x5090] =	vst v0;
	v0 =	vadd.s32 $0x4E200, v22  }
0x163: {  	[tilespmem:$0x50A0] =	vst v0;
	v0 =	vadd.s32 $0x4E200, v1;
	v1 =	vld [tilespmem:$0x1800]  }
0x164: {  	[tilespmem:$0x50B0] =	vst v0;
	v0 =	vadd.s32 $0x4E200, v2;
	v2 =	vld [tilespmem:$0x1810]  }
0x165: {  	[tilespmem:$0x50C0] =	vst v0;
	v0 =	vadd.s32 $0x4E200, v3;
	v3 =	vld [tilespmem:$0x1820]  }
0x166: {  	v25 =	vld [tilespmem:$0x1830];
	[tilespmem:$0x50D0] =	vst v0;
	v0 =	vadd.s32 $0x4E200, v23  }
0x167: {  	v26 =	vld [tilespmem:$0x1840];
	[tilespmem:$0x50E0] =	vst v0;
	v0 =	vadd.s32 $0x4E200, v24  }
0x168: {  	[tilespmem:$0x50F0] =	vst v0;
	v0 =	vadd.s32 $0x4E200, v1;
	v1 =	vld [tilespmem:$0x1850]  }
0x169: {  	[tilespmem:$0x5100] =	vst v0;
	v0 =	vadd.s32 $0x4E200, v2;
	v2 =	vld [tilespmem:$0x1860]  }
0x16a: {  	[tilespmem:$0x5110] =	vst v0;
	v0 =	vadd.s32 $0x4E200, v3;
	v3 =	vld [tilespmem:$0x1870]  }
0x16b: {  	v27 =	vld [tilespmem:$0x1C00];
	[tilespmem:$0x5120] =	vst v0;
	v0 =	vadd.s32 $0x4E200, v25  }
0x16c: {  	v28 =	vld [tilespmem:$0x1C10];
	[tilespmem:$0x5130] =	vst v0;
	v0 =	vadd.s32 $0x4E200, v26  }
0x16d: {  	[tilespmem:$0x5140] =	vst v0;
	v0 =	vadd.s32 $0x4E200, v1;
	v1 =	vld [tilespmem:$0x1C20]  }
0x16e: {  	[tilespmem:$0x5150] =	vst v0;
	v0 =	vadd.s32 $0x4E200, v2;
	v2 =	vld [tilespmem:$0x1C30]  }
0x16f: {  	[tilespmem:$0x5160] =	vst v0;
	v0 =	vadd.s32 $0x4E200, v3;
	v3 =	vld [tilespmem:$0x1C40]  }
0x170: {  	v29 =	vld [tilespmem:$0x1C50];
	[tilespmem:$0x5170] =	vst v0;
	v0 =	vadd.s32 $0x4E200, v27  }
0x171: {  	v30 =	vld [tilespmem:$0x1C60];
	[tilespmem:$0x5180] =	vst v0;
	v0 =	vadd.s32 $0x4E200, v28  }
0x172: {  	[tilespmem:$0x5190] =	vst v0;
	v0 =	vadd.s32 $0x4E200, v1;
	v1 =	vld [tilespmem:$0x1C70]  }
0x173: {  	[tilespmem:$0x51A0] =	vst v0;
	v0 =	vadd.s32 $0x4E200, v2  }
0x174: {  	[tilespmem:$0x51B0] =	vst v0;
	v0 =	vadd.s32 $0x4E200, v3  }
0x175: {  	[tilespmem:$0x51C0] =	vst v0;
	v0 =	vadd.s32 $0x4E200, v29  }
0x176: {  	[tilespmem:$0x51D0] =	vst v0;
	v0 =	vadd.s32 $0x4E200, v30  }
0x177: {  	[tilespmem:$0x51E0] =	vst v0;
	v0 =	vadd.s32 $0x4E200, v1  }
0x178: {  	s19 =	simm.s32 $0x5000;
	s20 =	simm.s32 $0x8400;
	[tilespmem:$0x51F0] =	vst v0  }
0x179: {  	[tilespmem:s20], [sflag:$0x1] =	stream.indirect.gather [hbm4b:s3+s10], $0x1, s19, s10, $0xb8;
	[tilespmem:$0xAA00] =	vst v63  }
0x17a: {  	v0 =	vld [tilespmem:$0x1080]  }
0x17b: {  	v1 =	vld [tilespmem:$0x1090]  }
0x17c: {  	v2 =	vld [tilespmem:$0x10A0]  }
0x17d: {  	v3 =	vld [tilespmem:$0x10B0]  }
0x17e: {  	v31 =	vld [tilespmem:$0x10C0]  }
0x17f: {  	v32 =	vld [tilespmem:$0x10D0];
	v0 =	vadd.s32 $0x57E40, v0  }
0x180: {  	[tilespmem:$0x5200] =	vst v0;
	v0 =	vadd.s32 $0x57E40, v1;
	v1 =	vld [tilespmem:$0x10E0]  }
0x181: {  	[tilespmem:$0x5210] =	vst v0;
	v0 =	vadd.s32 $0x57E40, v2;
	v2 =	vld [tilespmem:$0x10F0]  }
0x182: {  	[tilespmem:$0x5220] =	vst v0;
	v0 =	vadd.s32 $0x57E40, v3;
	v3 =	vld [tilespmem:$0x1480]  }
0x183: {  	v33 =	vld [tilespmem:$0x1490];
	[tilespmem:$0x5230] =	vst v0;
	v0 =	vadd.s32 $0x57E40, v31  }
0x184: {  	v34 =	vld [tilespmem:$0x14A0];
	[tilespmem:$0x5240] =	vst v0;
	v0 =	vadd.s32 $0x57E40, v32  }
0x185: {  	[tilespmem:$0x5250] =	vst v0;
	v0 =	vadd.s32 $0x57E40, v1;
	v1 =	vld [tilespmem:$0x14B0]  }
0x186: {  	[tilespmem:$0x5260] =	vst v0;
	v0 =	vadd.s32 $0x57E40, v2;
	v2 =	vld [tilespmem:$0x14C0]  }
0x187: {  	[tilespmem:$0x5270] =	vst v0;
	v0 =	vadd.s32 $0x57E40, v3;
	v3 =	vld [tilespmem:$0x14D0]  }
0x188: {  	v35 =	vld [tilespmem:$0x14E0];
	[tilespmem:$0x5280] =	vst v0;
	v0 =	vadd.s32 $0x57E40, v33  }
0x189: {  	v36 =	vld [tilespmem:$0x14F0];
	[tilespmem:$0x5290] =	vst v0;
	v0 =	vadd.s32 $0x57E40, v34  }
0x18a: {  	[tilespmem:$0x52A0] =	vst v0;
	v0 =	vadd.s32 $0x57E40, v1;
	v1 =	vld [tilespmem:$0x1880]  }
0x18b: {  	[tilespmem:$0x52B0] =	vst v0;
	v0 =	vadd.s32 $0x57E40, v2;
	v2 =	vld [tilespmem:$0x1890]  }
0x18c: {  	[tilespmem:$0x52C0] =	vst v0;
	v0 =	vadd.s32 $0x57E40, v3;
	v3 =	vld [tilespmem:$0x18A0]  }
0x18d: {  	v37 =	vld [tilespmem:$0x18B0];
	[tilespmem:$0x52D0] =	vst v0;
	v0 =	vadd.s32 $0x57E40, v35  }
0x18e: {  	v38 =	vld [tilespmem:$0x18C0];
	[tilespmem:$0x52E0] =	vst v0;
	v0 =	vadd.s32 $0x57E40, v36  }
0x18f: {  	[tilespmem:$0x52F0] =	vst v0;
	v0 =	vadd.s32 $0x57E40, v1;
	v1 =	vld [tilespmem:$0x18D0]  }
0x190: {  	[tilespmem:$0x5300] =	vst v0;
	v0 =	vadd.s32 $0x57E40, v2;
	v2 =	vld [tilespmem:$0x18E0]  }
0x191: {  	[tilespmem:$0x5310] =	vst v0;
	v0 =	vadd.s32 $0x57E40, v3;
	v3 =	vld [tilespmem:$0x18F0]  }
0x192: {  	v39 =	vld [tilespmem:$0x1C80];
	[tilespmem:$0x5320] =	vst v0;
	v0 =	vadd.s32 $0x57E40, v37  }
0x193: {  	v40 =	vld [tilespmem:$0x1C90];
	[tilespmem:$0x5330] =	vst v0;
	v0 =	vadd.s32 $0x57E40, v38  }
0x194: {  	[tilespmem:$0x5340] =	vst v0;
	v0 =	vadd.s32 $0x57E40, v1;
	v1 =	vld [tilespmem:$0x1CA0]  }
0x195: {  	[tilespmem:$0x5350] =	vst v0;
	v0 =	vadd.s32 $0x57E40, v2;
	v2 =	vld [tilespmem:$0x1CB0]  }
0x196: {  	[tilespmem:$0x5360] =	vst v0;
	v0 =	vadd.s32 $0x57E40, v3;
	v3 =	vld [tilespmem:$0x1CC0]  }
0x197: {  	v41 =	vld [tilespmem:$0x1CD0];
	[tilespmem:$0x5370] =	vst v0;
	v0 =	vadd.s32 $0x57E40, v39  }
0x198: {  	v42 =	vld [tilespmem:$0x1CE0];
	[tilespmem:$0x5380] =	vst v0;
	v0 =	vadd.s32 $0x57E40, v40  }
0x199: {  	[tilespmem:$0x5390] =	vst v0;
	v0 =	vadd.s32 $0x57E40, v1;
	v1 =	vld [tilespmem:$0x1CF0]  }
0x19a: {  	[tilespmem:$0x53A0] =	vst v0;
	v0 =	vadd.s32 $0x57E40, v2  }
0x19b: {  	[tilespmem:$0x53B0] =	vst v0;
	v0 =	vadd.s32 $0x57E40, v3  }
0x19c: {  	[tilespmem:$0x53C0] =	vst v0;
	v0 =	vadd.s32 $0x57E40, v41  }
0x19d: {  	[tilespmem:$0x53D0] =	vst v0;
	v0 =	vadd.s32 $0x57E40, v42  }
0x19e: {  	[tilespmem:$0x53E0] =	vst v0;
	v0 =	vadd.s32 $0x57E40, v1  }
0x19f: {  	s19 =	simm.s32 $0x5200;
	s20 =	simm.s32 $0x8600;
	[tilespmem:$0x53F0] =	vst v0  }
0x1a0: {  	[tilespmem:s20], [sflag:$0x1] =	stream.indirect.gather [hbm4b:s3+s10], $0x1, s19, s10, $0xb8;
	[tilespmem:$0xAA00] =	vst v63  }
0x1a1: {  	v0 =	vld [tilespmem:$0x1100]  }
0x1a2: {  	v1 =	vld [tilespmem:$0x1110]  }
0x1a3: {  	v2 =	vld [tilespmem:$0x1120]  }
0x1a4: {  	v3 =	vld [tilespmem:$0x1130]  }
0x1a5: {  	v43 =	vld [tilespmem:$0x1140]  }
0x1a6: {  	v44 =	vld [tilespmem:$0x1150];
	v0 =	vadd.s32 $0x61A80, v0  }
0x1a7: {  	[tilespmem:$0x5400] =	vst v0;
	v0 =	vadd.s32 $0x61A80, v1;
	v1 =	vld [tilespmem:$0x1160]  }
0x1a8: {  	[tilespmem:$0x5410] =	vst v0;
	v0 =	vadd.s32 $0x61A80, v2;
	v2 =	vld [tilespmem:$0x1170]  }
0x1a9: {  	[tilespmem:$0x5420] =	vst v0;
	v0 =	vadd.s32 $0x61A80, v3;
	v3 =	vld [tilespmem:$0x1500]  }
0x1aa: {  	v45 =	vld [tilespmem:$0x1510];
	[tilespmem:$0x5430] =	vst v0;
	v0 =	vadd.s32 $0x61A80, v43  }
0x1ab: {  	v46 =	vld [tilespmem:$0x1520];
	[tilespmem:$0x5440] =	vst v0;
	v0 =	vadd.s32 $0x61A80, v44  }
0x1ac: {  	[tilespmem:$0x5450] =	vst v0;
	v0 =	vadd.s32 $0x61A80, v1;
	v1 =	vld [tilespmem:$0x1530]  }
0x1ad: {  	[tilespmem:$0x5460] =	vst v0;
	v0 =	vadd.s32 $0x61A80, v2;
	v2 =	vld [tilespmem:$0x1540]  }
0x1ae: {  	[tilespmem:$0x5470] =	vst v0;
	v0 =	vadd.s32 $0x61A80, v3;
	v3 =	vld [tilespmem:$0x1550]  }
0x1af: {  	v47 =	vld [tilespmem:$0x1560];
	[tilespmem:$0x5480] =	vst v0;
	v0 =	vadd.s32 $0x61A80, v45  }
0x1b0: {  	v48 =	vld [tilespmem:$0x1570];
	[tilespmem:$0x5490] =	vst v0;
	v0 =	vadd.s32 $0x61A80, v46  }
0x1b1: {  	[tilespmem:$0x54A0] =	vst v0;
	v0 =	vadd.s32 $0x61A80, v1;
	v1 =	vld [tilespmem:$0x1900]  }
0x1b2: {  	[tilespmem:$0x54B0] =	vst v0;
	v0 =	vadd.s32 $0x61A80, v2;
	v2 =	vld [tilespmem:$0x1910]  }
0x1b3: {  	[tilespmem:$0x54C0] =	vst v0;
	v0 =	vadd.s32 $0x61A80, v3;
	v3 =	vld [tilespmem:$0x1920]  }
0x1b4: {  	v49 =	vld [tilespmem:$0x1930];
	[tilespmem:$0x54D0] =	vst v0;
	v0 =	vadd.s32 $0x61A80, v47  }
0x1b5: {  	v50 =	vld [tilespmem:$0x1940];
	[tilespmem:$0x54E0] =	vst v0;
	v0 =	vadd.s32 $0x61A80, v48  }
0x1b6: {  	[tilespmem:$0x54F0] =	vst v0;
	v0 =	vadd.s32 $0x61A80, v1;
	v1 =	vld [tilespmem:$0x1950]  }
0x1b7: {  	[tilespmem:$0x5500] =	vst v0;
	v0 =	vadd.s32 $0x61A80, v2;
	v2 =	vld [tilespmem:$0x1960]  }
0x1b8: {  	[tilespmem:$0x5510] =	vst v0;
	v0 =	vadd.s32 $0x61A80, v3;
	v3 =	vld [tilespmem:$0x1970]  }
0x1b9: {  	v51 =	vld [tilespmem:$0x1D00];
	[tilespmem:$0x5520] =	vst v0;
	v0 =	vadd.s32 $0x61A80, v49  }
0x1ba: {  	v52 =	vld [tilespmem:$0x1D10];
	[tilespmem:$0x5530] =	vst v0;
	v0 =	vadd.s32 $0x61A80, v50  }
0x1bb: {  	[tilespmem:$0x5540] =	vst v0;
	v0 =	vadd.s32 $0x61A80, v1;
	v1 =	vld [tilespmem:$0x1D20]  }
0x1bc: {  	[tilespmem:$0x5550] =	vst v0;
	v0 =	vadd.s32 $0x61A80, v2;
	v2 =	vld [tilespmem:$0x1D30]  }
0x1bd: {  	[tilespmem:$0x5560] =	vst v0;
	v0 =	vadd.s32 $0x61A80, v3;
	v3 =	vld [tilespmem:$0x1D40]  }
0x1be: {  	v53 =	vld [tilespmem:$0x1D50];
	[tilespmem:$0x5570] =	vst v0;
	v0 =	vadd.s32 $0x61A80, v51  }
0x1bf: {  	v54 =	vld [tilespmem:$0x1D60];
	[tilespmem:$0x5580] =	vst v0;
	v0 =	vadd.s32 $0x61A80, v52  }
0x1c0: {  	[tilespmem:$0x5590] =	vst v0;
	v0 =	vadd.s32 $0x61A80, v1;
	v1 =	vld [tilespmem:$0x1D70]  }
0x1c1: {  	[tilespmem:$0x55A0] =	vst v0;
	v0 =	vadd.s32 $0x61A80, v2  }
0x1c2: {  	[tilespmem:$0x55B0] =	vst v0;
	v0 =	vadd.s32 $0x61A80, v3  }
0x1c3: {  	[tilespmem:$0x55C0] =	vst v0;
	v0 =	vadd.s32 $0x61A80, v53  }
0x1c4: {  	[tilespmem:$0x55D0] =	vst v0;
	v0 =	vadd.s32 $0x61A80, v54  }
0x1c5: {  	[tilespmem:$0x55E0] =	vst v0;
	v0 =	vadd.s32 $0x61A80, v1  }
0x1c6: {  	s19 =	simm.s32 $0x5400;
	s20 =	simm.s32 $0x8800;
	[tilespmem:$0x55F0] =	vst v0  }
0x1c7: {  	[tilespmem:s20], [sflag:$0x1] =	stream.indirect.gather [hbm4b:s3+s10], $0x1, s19, s10, $0xb8;
	[tilespmem:$0xAA00] =	vst v63  }
0x1c8: {  	v0 =	vld [tilespmem:$0x1180]  }
0x1c9: {  	v1 =	vld [tilespmem:$0x1190]  }
0x1ca: {  	v2 =	vld [tilespmem:$0x11A0];
	_ =	sdelay $0x2  }
0x1cb: {  	v0 =	vadd.s32 $0x6B6C0, v0  }
0x1cc: {  	[tilespmem:$0x5600] =	vst v0;
	v0 =	vadd.s32 $0x6B6C0, v1  }
0x1cd: {  	[tilespmem:$0x5610] =	vst v0;
	v0 =	vadd.s32 $0x6B6C0, v2  }
0x1ce: {  	[tilespmem:$0x5620] =	vst v0  }
0x1cf: {  	v0 =	vld [tilespmem:$0x11B0]  }
0x1d0: {  	v1 =	vld [tilespmem:$0x11C0]  }
0x1d1: {  	v2 =	vld [tilespmem:$0x11D0]  }
0x1d2: {  	v3 =	vld [tilespmem:$0x11E0]  }
0x1d3: {  	v55 =	vld [tilespmem:$0x11F0]  }
0x1d4: {  	v56 =	vld [tilespmem:$0x1580];
	v0 =	vadd.s32 $0x6B6C0, v0  }
0x1d5: {  	[tilespmem:$0x5630] =	vst v0;
	v0 =	vadd.s32 $0x6B6C0, v1;
	v1 =	vld [tilespmem:$0x1590]  }
0x1d6: {  	[tilespmem:$0x5640] =	vst v0;
	v0 =	vadd.s32 $0x6B6C0, v2;
	v2 =	vld [tilespmem:$0x15A0]  }
0x1d7: {  	[tilespmem:$0x5650] =	vst v0;
	v0 =	vadd.s32 $0x6B6C0, v3;
	v3 =	vld [tilespmem:$0x15B0]  }
0x1d8: {  	v57 =	vld [tilespmem:$0x15C0];
	[tilespmem:$0x5660] =	vst v0;
	v0 =	vadd.s32 $0x6B6C0, v55  }
0x1d9: {  	v58 =	vld [tilespmem:$0x15D0];
	[tilespmem:$0x5670] =	vst v0;
	v0 =	vadd.s32 $0x6B6C0, v56  }
0x1da: {  	[tilespmem:$0x5680] =	vst v0;
	v0 =	vadd.s32 $0x6B6C0, v1;
	v1 =	vld [tilespmem:$0x15E0]  }
0x1db: {  	[tilespmem:$0x5690] =	vst v0;
	v0 =	vadd.s32 $0x6B6C0, v2;
	v2 =	vld [tilespmem:$0x15F0]  }
0x1dc: {  	[tilespmem:$0x56A0] =	vst v0;
	v0 =	vadd.s32 $0x6B6C0, v3;
	v3 =	vld [tilespmem:$0x1980]  }
0x1dd: {  	v59 =	vld [tilespmem:$0x1990];
	[tilespmem:$0x56B0] =	vst v0;
	v0 =	vadd.s32 $0x6B6C0, v57  }
0x1de: {  	v60 =	vld [tilespmem:$0x19A0];
	[tilespmem:$0x56C0] =	vst v0;
	v0 =	vadd.s32 $0x6B6C0, v58  }
0x1df: {  	[tilespmem:$0x56D0] =	vst v0;
	v0 =	vadd.s32 $0x6B6C0, v1;
	v1 =	vld [tilespmem:$0x19B0]  }
0x1e0: {  	[tilespmem:$0x56E0] =	vst v0;
	v0 =	vadd.s32 $0x6B6C0, v2;
	v2 =	vld [tilespmem:$0x19C0]  }
0x1e1: {  	[tilespmem:$0x56F0] =	vst v0;
	v0 =	vadd.s32 $0x6B6C0, v3;
	v3 =	vld [tilespmem:$0x19D0]  }
0x1e2: {  	v61 =	vld [tilespmem:$0x19E0];
	[tilespmem:$0x5700] =	vst v0;
	v0 =	vadd.s32 $0x6B6C0, v59  }
0x1e3: {  	v62 =	vld [tilespmem:$0x19F0];
	[tilespmem:$0x5710] =	vst v0;
	v0 =	vadd.s32 $0x6B6C0, v60  }
0x1e4: {  	[tilespmem:$0x5720] =	vst v0;
	v0 =	vadd.s32 $0x6B6C0, v1;
	v1 =	vld [tilespmem:$0x1D80]  }
0x1e5: {  	[tilespmem:$0x5730] =	vst v0;
	v0 =	vadd.s32 $0x6B6C0, v2;
	v2 =	vld [tilespmem:$0x1D90]  }
0x1e6: {  	[tilespmem:$0x5740] =	vst v0;
	v0 =	vadd.s32 $0x6B6C0, v3;
	v3 =	vld [tilespmem:$0x1DA0]  }
0x1e7: {  	v63 =	vld [tilespmem:$0x1DB0];
	[tilespmem:$0x5750] =	vst v0;
	v0 =	vadd.s32 $0x6B6C0, v61  }
0x1e8: {  	v8 =	vld [tilespmem:$0x1DC0];
	[tilespmem:$0x5760] =	vst v0;
	v0 =	vadd.s32 $0x6B6C0, v62  }
0x1e9: {  	[tilespmem:$0x5770] =	vst v0;
	v0 =	vadd.s32 $0x6B6C0, v1;
	v1 =	vld [tilespmem:$0x1DD0]  }
0x1ea: {  	[tilespmem:$0x5780] =	vst v0;
	v0 =	vadd.s32 $0x6B6C0, v2;
	v2 =	vld [tilespmem:$0x1DE0]  }
0x1eb: {  	[tilespmem:$0x5790] =	vst v0;
	v0 =	vadd.s32 $0x6B6C0, v3;
	v3 =	vld [tilespmem:$0x1DF0]  }
0x1ec: {  	[tilespmem:$0x57A0] =	vst v0;
	v0 =	vadd.s32 $0x6B6C0, v63  }
0x1ed: {  	[tilespmem:$0x57B0] =	vst v0;
	v0 =	vadd.s32 $0x6B6C0, v8  }
0x1ee: {  	[tilespmem:$0x57C0] =	vst v0;
	v0 =	vadd.s32 $0x6B6C0, v1  }
0x1ef: {  	[tilespmem:$0x57D0] =	vst v0;
	v0 =	vadd.s32 $0x6B6C0, v2  }
0x1f0: {  	[tilespmem:$0x57E0] =	vst v0;
	v0 =	vadd.s32 $0x6B6C0, v3  }
0x1f1: {  	s19 =	simm.s32 $0x5600;
	s20 =	simm.s32 $0x8A00;
	[tilespmem:$0x57F0] =	vst v0  }
0x1f2: {  	[tilespmem:s20], [sflag:$0x1] =	stream.indirect.gather [hbm4b:s3+s10], $0x1, s19, s10, $0xb8;
	[tilespmem:$0xAA00] =	vst v63  }
0x1f3: {  	v0 =	vld [tilespmem:$0x1200]  }
0x1f4: {  	v1 =	vld [tilespmem:$0x1210]  }
0x1f5: {  	v2 =	vld [tilespmem:$0x1220]  }
0x1f6: {  	v3 =	vld [tilespmem:$0x1230]  }
0x1f7: {  	v9 =	vld [tilespmem:$0x1240]  }
0x1f8: {  	v10 =	vld [tilespmem:$0x1250];
	v0 =	vadd.s32 $0x75300, v0  }
0x1f9: {  	[tilespmem:$0x5800] =	vst v0;
	v0 =	vadd.s32 $0x75300, v1;
	v1 =	vld [tilespmem:$0x1260]  }
0x1fa: {  	[tilespmem:$0x5810] =	vst v0;
	v0 =	vadd.s32 $0x75300, v2;
	v2 =	vld [tilespmem:$0x1270]  }
0x1fb: {  	[tilespmem:$0x5820] =	vst v0;
	v0 =	vadd.s32 $0x75300, v3;
	v3 =	vld [tilespmem:$0x1600]  }
0x1fc: {  	v11 =	vld [tilespmem:$0x1610];
	[tilespmem:$0x5830] =	vst v0;
	v0 =	vadd.s32 $0x75300, v9  }
0x1fd: {  	v12 =	vld [tilespmem:$0x1620];
	[tilespmem:$0x5840] =	vst v0;
	v0 =	vadd.s32 $0x75300, v10  }
0x1fe: {  	[tilespmem:$0x5850] =	vst v0;
	v0 =	vadd.s32 $0x75300, v1;
	v1 =	vld [tilespmem:$0x1630]  }
0x1ff: {  	[tilespmem:$0x5860] =	vst v0;
	v0 =	vadd.s32 $0x75300, v2;
	v2 =	vld [tilespmem:$0x1640]  }
0x200: {  	[tilespmem:$0x5870] =	vst v0;
	v0 =	vadd.s32 $0x75300, v3;
	v3 =	vld [tilespmem:$0x1650]  }
0x201: {  	v13 =	vld [tilespmem:$0x1660];
	[tilespmem:$0x5880] =	vst v0;
	v0 =	vadd.s32 $0x75300, v11  }
0x202: {  	v14 =	vld [tilespmem:$0x1670];
	[tilespmem:$0x5890] =	vst v0;
	v0 =	vadd.s32 $0x75300, v12  }
0x203: {  	[tilespmem:$0x58A0] =	vst v0;
	v0 =	vadd.s32 $0x75300, v1;
	v1 =	vld [tilespmem:$0x1A00]  }
0x204: {  	[tilespmem:$0x58B0] =	vst v0;
	v0 =	vadd.s32 $0x75300, v2;
	v2 =	vld [tilespmem:$0x1A10]  }
0x205: {  	[tilespmem:$0x58C0] =	vst v0;
	v0 =	vadd.s32 $0x75300, v3;
	v3 =	vld [tilespmem:$0x1A20]  }
0x206: {  	v15 =	vld [tilespmem:$0x1A30];
	[tilespmem:$0x58D0] =	vst v0;
	v0 =	vadd.s32 $0x75300, v13  }
0x207: {  	v16 =	vld [tilespmem:$0x1A40];
	[tilespmem:$0x58E0] =	vst v0;
	v0 =	vadd.s32 $0x75300, v14  }
0x208: {  	[tilespmem:$0x58F0] =	vst v0;
	v0 =	vadd.s32 $0x75300, v1;
	v1 =	vld [tilespmem:$0x1A50]  }
0x209: {  	[tilespmem:$0x5900] =	vst v0;
	v0 =	vadd.s32 $0x75300, v2;
	v2 =	vld [tilespmem:$0x1A60]  }
0x20a: {  	[tilespmem:$0x5910] =	vst v0;
	v0 =	vadd.s32 $0x75300, v3;
	v3 =	vld [tilespmem:$0x1A70]  }
0x20b: {  	v17 =	vld [tilespmem:$0x1E00];
	[tilespmem:$0x5920] =	vst v0;
	v0 =	vadd.s32 $0x75300, v15  }
0x20c: {  	v18 =	vld [tilespmem:$0x1E10];
	[tilespmem:$0x5930] =	vst v0;
	v0 =	vadd.s32 $0x75300, v16  }
0x20d: {  	[tilespmem:$0x5940] =	vst v0;
	v0 =	vadd.s32 $0x75300, v1;
	v1 =	vld [tilespmem:$0x1E20]  }
0x20e: {  	[tilespmem:$0x5950] =	vst v0;
	v0 =	vadd.s32 $0x75300, v2;
	v2 =	vld [tilespmem:$0x1E30]  }
0x20f: {  	[tilespmem:$0x5960] =	vst v0;
	v0 =	vadd.s32 $0x75300, v3;
	v3 =	vld [tilespmem:$0x1E40]  }
0x210: {  	v19 =	vld [tilespmem:$0x1E50];
	[tilespmem:$0x5970] =	vst v0;
	v0 =	vadd.s32 $0x75300, v17  }
0x211: {  	v20 =	vld [tilespmem:$0x1E60];
	[tilespmem:$0x5980] =	vst v0;
	v0 =	vadd.s32 $0x75300, v18  }
0x212: {  	[tilespmem:$0x5990] =	vst v0;
	v0 =	vadd.s32 $0x75300, v1;
	v1 =	vld [tilespmem:$0x1E70]  }
0x213: {  	[tilespmem:$0x59A0] =	vst v0;
	v0 =	vadd.s32 $0x75300, v2  }
0x214: {  	[tilespmem:$0x59B0] =	vst v0;
	v0 =	vadd.s32 $0x75300, v3  }
0x215: {  	[tilespmem:$0x59C0] =	vst v0;
	v0 =	vadd.s32 $0x75300, v19  }
0x216: {  	[tilespmem:$0x59D0] =	vst v0;
	v0 =	vadd.s32 $0x75300, v20  }
0x217: {  	[tilespmem:$0x59E0] =	vst v0;
	v0 =	vadd.s32 $0x75300, v1  }
0x218: {  	s19 =	simm.s32 $0x5800;
	s20 =	simm.s32 $0x8C00;
	[tilespmem:$0x59F0] =	vst v0  }
0x219: {  	[tilespmem:s20], [sflag:$0x1] =	stream.indirect.gather [hbm4b:s3+s10], $0x1, s19, s10, $0xb8;
	[tilespmem:$0xAA00] =	vst v63  }
0x21a: {  	v0 =	vld [tilespmem:$0x1280]  }
0x21b: {  	v1 =	vld [tilespmem:$0x1290]  }
0x21c: {  	v2 =	vld [tilespmem:$0x12A0]  }
0x21d: {  	v3 =	vld [tilespmem:$0x12B0]  }
0x21e: {  	v21 =	vld [tilespmem:$0x12C0]  }
0x21f: {  	v22 =	vld [tilespmem:$0x12D0];
	v0 =	vadd.s32 $0x7EF40, v0  }
0x220: {  	[tilespmem:$0x5A00] =	vst v0;
	v0 =	vadd.s32 $0x7EF40, v1;
	v1 =	vld [tilespmem:$0x12E0]  }
0x221: {  	[tilespmem:$0x5A10] =	vst v0;
	v0 =	vadd.s32 $0x7EF40, v2;
	v2 =	vld [tilespmem:$0x12F0]  }
0x222: {  	[tilespmem:$0x5A20] =	vst v0;
	v0 =	vadd.s32 $0x7EF40, v3;
	v3 =	vld [tilespmem:$0x1680]  }
0x223: {  	v23 =	vld [tilespmem:$0x1690];
	[tilespmem:$0x5A30] =	vst v0;
	v0 =	vadd.s32 $0x7EF40, v21  }
0x224: {  	v24 =	vld [tilespmem:$0x16A0];
	[tilespmem:$0x5A40] =	vst v0;
	v0 =	vadd.s32 $0x7EF40, v22  }
0x225: {  	[tilespmem:$0x5A50] =	vst v0;
	v0 =	vadd.s32 $0x7EF40, v1;
	v1 =	vld [tilespmem:$0x16B0]  }
0x226: {  	[tilespmem:$0x5A60] =	vst v0;
	v0 =	vadd.s32 $0x7EF40, v2;
	v2 =	vld [tilespmem:$0x16C0]  }
0x227: {  	[tilespmem:$0x5A70] =	vst v0;
	v0 =	vadd.s32 $0x7EF40, v3;
	v3 =	vld [tilespmem:$0x16D0]  }
0x228: {  	v25 =	vld [tilespmem:$0x16E0];
	[tilespmem:$0x5A80] =	vst v0;
	v0 =	vadd.s32 $0x7EF40, v23  }
0x229: {  	v26 =	vld [tilespmem:$0x16F0];
	[tilespmem:$0x5A90] =	vst v0;
	v0 =	vadd.s32 $0x7EF40, v24  }
0x22a: {  	[tilespmem:$0x5AA0] =	vst v0;
	v0 =	vadd.s32 $0x7EF40, v1;
	v1 =	vld [tilespmem:$0x1A80]  }
0x22b: {  	[tilespmem:$0x5AB0] =	vst v0;
	v0 =	vadd.s32 $0x7EF40, v2;
	v2 =	vld [tilespmem:$0x1A90]  }
0x22c: {  	[tilespmem:$0x5AC0] =	vst v0;
	v0 =	vadd.s32 $0x7EF40, v3;
	v3 =	vld [tilespmem:$0x1AA0]  }
0x22d: {  	v27 =	vld [tilespmem:$0x1AB0];
	[tilespmem:$0x5AD0] =	vst v0;
	v0 =	vadd.s32 $0x7EF40, v25  }
0x22e: {  	v28 =	vld [tilespmem:$0x1AC0];
	[tilespmem:$0x5AE0] =	vst v0;
	v0 =	vadd.s32 $0x7EF40, v26  }
0x22f: {  	[tilespmem:$0x5AF0] =	vst v0;
	v0 =	vadd.s32 $0x7EF40, v1;
	v1 =	vld [tilespmem:$0x1AD0]  }
0x230: {  	[tilespmem:$0x5B00] =	vst v0;
	v0 =	vadd.s32 $0x7EF40, v2;
	v2 =	vld [tilespmem:$0x1AE0]  }
0x231: {  	[tilespmem:$0x5B10] =	vst v0;
	v0 =	vadd.s32 $0x7EF40, v3;
	v3 =	vld [tilespmem:$0x1AF0]  }
0x232: {  	v29 =	vld [tilespmem:$0x1E80];
	[tilespmem:$0x5B20] =	vst v0;
	v0 =	vadd.s32 $0x7EF40, v27  }
0x233: {  	v30 =	vld [tilespmem:$0x1E90];
	[tilespmem:$0x5B30] =	vst v0;
	v0 =	vadd.s32 $0x7EF40, v28  }
0x234: {  	[tilespmem:$0x5B40] =	vst v0;
	v0 =	vadd.s32 $0x7EF40, v1;
	v1 =	vld [tilespmem:$0x1EA0]  }
0x235: {  	[tilespmem:$0x5B50] =	vst v0;
	v0 =	vadd.s32 $0x7EF40, v2;
	v2 =	vld [tilespmem:$0x1EB0]  }
0x236: {  	[tilespmem:$0x5B60] =	vst v0;
	v0 =	vadd.s32 $0x7EF40, v3;
	v3 =	vld [tilespmem:$0x1EC0]  }
0x237: {  	v31 =	vld [tilespmem:$0x1ED0];
	[tilespmem:$0x5B70] =	vst v0;
	v0 =	vadd.s32 $0x7EF40, v29  }
0x238: {  	v32 =	vld [tilespmem:$0x1EE0];
	[tilespmem:$0x5B80] =	vst v0;
	v0 =	vadd.s32 $0x7EF40, v30  }
0x239: {  	[tilespmem:$0x5B90] =	vst v0;
	v0 =	vadd.s32 $0x7EF40, v1;
	v1 =	vld [tilespmem:$0x1EF0]  }
0x23a: {  	[tilespmem:$0x5BA0] =	vst v0;
	v0 =	vadd.s32 $0x7EF40, v2  }
0x23b: {  	[tilespmem:$0x5BB0] =	vst v0;
	v0 =	vadd.s32 $0x7EF40, v3  }
0x23c: {  	[tilespmem:$0x5BC0] =	vst v0;
	v0 =	vadd.s32 $0x7EF40, v31  }
0x23d: {  	[tilespmem:$0x5BD0] =	vst v0;
	v0 =	vadd.s32 $0x7EF40, v32  }
0x23e: {  	[tilespmem:$0x5BE0] =	vst v0;
	v0 =	vadd.s32 $0x7EF40, v1  }
0x23f: {  	s19 =	simm.s32 $0x5A00;
	s20 =	simm.s32 $0x8E00;
	[tilespmem:$0x5BF0] =	vst v0  }
0x240: {  	[tilespmem:s20], [sflag:$0x1] =	stream.indirect.gather [hbm4b:s3+s10], $0x1, s19, s10, $0xb8;
	[tilespmem:$0xAA00] =	vst v63  }
0x241: {  	v0 =	vld [tilespmem:$0x1300]  }
0x242: {  	v1 =	vld [tilespmem:$0x1310]  }
0x243: {  	v2 =	vld [tilespmem:$0x1320]  }
0x244: {  	v3 =	vld [tilespmem:$0x1330]  }
0x245: {  	v33 =	vld [tilespmem:$0x1340]  }
0x246: {  	v34 =	vld [tilespmem:$0x1350];
	v0 =	vadd.s32 $0x88B80, v0  }
0x247: {  	[tilespmem:$0x5C00] =	vst v0;
	v0 =	vadd.s32 $0x88B80, v1;
	v1 =	vld [tilespmem:$0x1360]  }
0x248: {  	[tilespmem:$0x5C10] =	vst v0;
	v0 =	vadd.s32 $0x88B80, v2;
	v2 =	vld [tilespmem:$0x1370]  }
0x249: {  	[tilespmem:$0x5C20] =	vst v0;
	v0 =	vadd.s32 $0x88B80, v3;
	v3 =	vld [tilespmem:$0x1700]  }
0x24a: {  	v35 =	vld [tilespmem:$0x1710];
	[tilespmem:$0x5C30] =	vst v0;
	v0 =	vadd.s32 $0x88B80, v33  }
0x24b: {  	v36 =	vld [tilespmem:$0x1720];
	[tilespmem:$0x5C40] =	vst v0;
	v0 =	vadd.s32 $0x88B80, v34  }
0x24c: {  	[tilespmem:$0x5C50] =	vst v0;
	v0 =	vadd.s32 $0x88B80, v1;
	v1 =	vld [tilespmem:$0x1730]  }
0x24d: {  	[tilespmem:$0x5C60] =	vst v0;
	v0 =	vadd.s32 $0x88B80, v2;
	v2 =	vld [tilespmem:$0x1740]  }
0x24e: {  	[tilespmem:$0x5C70] =	vst v0;
	v0 =	vadd.s32 $0x88B80, v3;
	v3 =	vld [tilespmem:$0x1750]  }
0x24f: {  	v37 =	vld [tilespmem:$0x1760];
	[tilespmem:$0x5C80] =	vst v0;
	v0 =	vadd.s32 $0x88B80, v35  }
0x250: {  	v38 =	vld [tilespmem:$0x1770];
	[tilespmem:$0x5C90] =	vst v0;
	v0 =	vadd.s32 $0x88B80, v36  }
0x251: {  	[tilespmem:$0x5CA0] =	vst v0;
	v0 =	vadd.s32 $0x88B80, v1;
	v1 =	vld [tilespmem:$0x1B00]  }
0x252: {  	[tilespmem:$0x5CB0] =	vst v0;
	v0 =	vadd.s32 $0x88B80, v2;
	v2 =	vld [tilespmem:$0x1B10]  }
0x253: {  	[tilespmem:$0x5CC0] =	vst v0;
	v0 =	vadd.s32 $0x88B80, v3;
	v3 =	vld [tilespmem:$0x1B20]  }
0x254: {  	v39 =	vld [tilespmem:$0x1B30];
	[tilespmem:$0x5CD0] =	vst v0;
	v0 =	vadd.s32 $0x88B80, v37  }
0x255: {  	v40 =	vld [tilespmem:$0x1B40];
	[tilespmem:$0x5CE0] =	vst v0;
	v0 =	vadd.s32 $0x88B80, v38  }
0x256: {  	[tilespmem:$0x5CF0] =	vst v0;
	v0 =	vadd.s32 $0x88B80, v1;
	v1 =	vld [tilespmem:$0x1B50]  }
0x257: {  	[tilespmem:$0x5D00] =	vst v0;
	v0 =	vadd.s32 $0x88B80, v2;
	v2 =	vld [tilespmem:$0x1B60]  }
0x258: {  	[tilespmem:$0x5D10] =	vst v0;
	v0 =	vadd.s32 $0x88B80, v3;
	v3 =	vld [tilespmem:$0x1B70]  }
0x259: {  	v41 =	vld [tilespmem:$0x1F00];
	[tilespmem:$0x5D20] =	vst v0;
	v0 =	vadd.s32 $0x88B80, v39  }
0x25a: {  	v42 =	vld [tilespmem:$0x1F10];
	[tilespmem:$0x5D30] =	vst v0;
	v0 =	vadd.s32 $0x88B80, v40  }
0x25b: {  	[tilespmem:$0x5D40] =	vst v0;
	v0 =	vadd.s32 $0x88B80, v1;
	v1 =	vld [tilespmem:$0x1F20]  }
0x25c: {  	[tilespmem:$0x5D50] =	vst v0;
	v0 =	vadd.s32 $0x88B80, v2;
	v2 =	vld [tilespmem:$0x1F30]  }
0x25d: {  	[tilespmem:$0x5D60] =	vst v0;
	v0 =	vadd.s32 $0x88B80, v3;
	v3 =	vld [tilespmem:$0x1F40]  }
0x25e: {  	v43 =	vld [tilespmem:$0x1F50];
	[tilespmem:$0x5D70] =	vst v0;
	v0 =	vadd.s32 $0x88B80, v41  }
0x25f: {  	v44 =	vld [tilespmem:$0x1F60];
	[tilespmem:$0x5D80] =	vst v0;
	v0 =	vadd.s32 $0x88B80, v42  }
0x260: {  	[tilespmem:$0x5D90] =	vst v0;
	v0 =	vadd.s32 $0x88B80, v1;
	v1 =	vld [tilespmem:$0x1F70]  }
0x261: {  	[tilespmem:$0x5DA0] =	vst v0;
	v0 =	vadd.s32 $0x88B80, v2  }
0x262: {  	[tilespmem:$0x5DB0] =	vst v0;
	v0 =	vadd.s32 $0x88B80, v3  }
0x263: {  	[tilespmem:$0x5DC0] =	vst v0;
	v0 =	vadd.s32 $0x88B80, v43  }
0x264: {  	[tilespmem:$0x5DD0] =	vst v0;
	v0 =	vadd.s32 $0x88B80, v44  }
0x265: {  	[tilespmem:$0x5DE0] =	vst v0;
	v0 =	vadd.s32 $0x88B80, v1  }
0x266: {  	s19 =	simm.s32 $0x5C00;
	s20 =	simm.s32 $0x9000;
	[tilespmem:$0x5DF0] =	vst v0  }
0x267: {  	[tilespmem:s20], [sflag:$0x1] =	stream.indirect.gather [hbm4b:s3+s10], $0x1, s19, s10, $0xb8;
	[tilespmem:$0xAA00] =	vst v63  }
0x268: {  	v0 =	vld [tilespmem:$0x1380]  }
0x269: {  	v1 =	vld [tilespmem:$0x1390]  }
0x26a: {  	v2 =	vld [tilespmem:$0x13A0]  }
0x26b: {  	v3 =	vld [tilespmem:$0x13B0]  }
0x26c: {  	v45 =	vld [tilespmem:$0x13C0]  }
0x26d: {  	v46 =	vld [tilespmem:$0x13D0];
	v0 =	vadd.s32 $0x927C0, v0  }
0x26e: {  	[tilespmem:$0x5E00] =	vst v0;
	v0 =	vadd.s32 $0x927C0, v1;
	v1 =	vld [tilespmem:$0x13E0]  }
0x26f: {  	[tilespmem:$0x5E10] =	vst v0;
	v0 =	vadd.s32 $0x927C0, v2;
	v2 =	vld [tilespmem:$0x13F0]  }
0x270: {  	[tilespmem:$0x5E20] =	vst v0;
	v0 =	vadd.s32 $0x927C0, v3;
	v3 =	vld [tilespmem:$0x1780]  }
0x271: {  	v47 =	vld [tilespmem:$0x1790];
	[tilespmem:$0x5E30] =	vst v0;
	v0 =	vadd.s32 $0x927C0, v45  }
0x272: {  	v48 =	vld [tilespmem:$0x17A0];
	[tilespmem:$0x5E40] =	vst v0;
	v0 =	vadd.s32 $0x927C0, v46  }
0x273: {  	[tilespmem:$0x5E50] =	vst v0;
	v0 =	vadd.s32 $0x927C0, v1;
	v1 =	vld [tilespmem:$0x17B0]  }
0x274: {  	[tilespmem:$0x5E60] =	vst v0;
	v0 =	vadd.s32 $0x927C0, v2;
	v2 =	vld [tilespmem:$0x17C0]  }
0x275: {  	[tilespmem:$0x5E70] =	vst v0;
	v0 =	vadd.s32 $0x927C0, v3;
	v3 =	vld [tilespmem:$0x17D0]  }
0x276: {  	v49 =	vld [tilespmem:$0x17E0];
	[tilespmem:$0x5E80] =	vst v0;
	v0 =	vadd.s32 $0x927C0, v47  }
0x277: {  	v50 =	vld [tilespmem:$0x17F0];
	[tilespmem:$0x5E90] =	vst v0;
	v0 =	vadd.s32 $0x927C0, v48  }
0x278: {  	[tilespmem:$0x5EA0] =	vst v0;
	v0 =	vadd.s32 $0x927C0, v1;
	v1 =	vld [tilespmem:$0x1B80]  }
0x279: {  	[tilespmem:$0x5EB0] =	vst v0;
	v0 =	vadd.s32 $0x927C0, v2;
	v2 =	vld [tilespmem:$0x1B90]  }
0x27a: {  	[tilespmem:$0x5EC0] =	vst v0;
	v0 =	vadd.s32 $0x927C0, v3;
	v3 =	vld [tilespmem:$0x1BA0]  }
0x27b: {  	v51 =	vld [tilespmem:$0x1BB0];
	[tilespmem:$0x5ED0] =	vst v0;
	v0 =	vadd.s32 $0x927C0, v49  }
0x27c: {  	v52 =	vld [tilespmem:$0x1BC0];
	[tilespmem:$0x5EE0] =	vst v0;
	v0 =	vadd.s32 $0x927C0, v50  }
0x27d: {  	[tilespmem:$0x5EF0] =	vst v0;
	v0 =	vadd.s32 $0x927C0, v1;
	v1 =	vld [tilespmem:$0x1BD0]  }
0x27e: {  	[tilespmem:$0x5F00] =	vst v0;
	v0 =	vadd.s32 $0x927C0, v2;
	v2 =	vld [tilespmem:$0x1BE0]  }
0x27f: {  	[tilespmem:$0x5F10] =	vst v0;
	v0 =	vadd.s32 $0x927C0, v3;
	v3 =	vld [tilespmem:$0x1BF0]  }
0x280: {  	v53 =	vld [tilespmem:$0x1F80];
	[tilespmem:$0x5F20] =	vst v0;
	v0 =	vadd.s32 $0x927C0, v51  }
0x281: {  	v54 =	vld [tilespmem:$0x1F90];
	[tilespmem:$0x5F30] =	vst v0;
	v0 =	vadd.s32 $0x927C0, v52  }
0x282: {  	[tilespmem:$0x5F40] =	vst v0;
	v0 =	vadd.s32 $0x927C0, v1;
	v1 =	vld [tilespmem:$0x1FA0]  }
0x283: {  	[tilespmem:$0x5F50] =	vst v0;
	v0 =	vadd.s32 $0x927C0, v2;
	v2 =	vld [tilespmem:$0x1FB0]  }
0x284: {  	[tilespmem:$0x5F60] =	vst v0;
	v0 =	vadd.s32 $0x927C0, v3;
	v3 =	vld [tilespmem:$0x1FC0]  }
0x285: {  	v55 =	vld [tilespmem:$0x1FD0];
	[tilespmem:$0x5F70] =	vst v0;
	v0 =	vadd.s32 $0x927C0, v53  }
0x286: {  	v56 =	vld [tilespmem:$0x1FE0];
	[tilespmem:$0x5F80] =	vst v0;
	v0 =	vadd.s32 $0x927C0, v54  }
0x287: {  	[tilespmem:$0x5F90] =	vst v0;
	v0 =	vadd.s32 $0x927C0, v1;
	v1 =	vld [tilespmem:$0x1FF0]  }
0x288: {  	[tilespmem:$0x5FA0] =	vst v0;
	v0 =	vadd.s32 $0x927C0, v2  }
0x289: {  	[tilespmem:$0x5FB0] =	vst v0;
	v0 =	vadd.s32 $0x927C0, v3  }
0x28a: {  	[tilespmem:$0x5FC0] =	vst v0;
	v0 =	vadd.s32 $0x927C0, v55  }
0x28b: {  	[tilespmem:$0x5FD0] =	vst v0;
	v0 =	vadd.s32 $0x927C0, v56  }
0x28c: {  	[tilespmem:$0x5FE0] =	vst v0;
	v0 =	vadd.s32 $0x927C0, v1  }
0x28d: {  	s19 =	simm.s32 $0x5E00;
	s20 =	simm.s32 $0x9200;
	[tilespmem:$0x5FF0] =	vst v0  }
0x28e: {  	[tilespmem:s20], [sflag:$0x1] =	stream.indirect.gather [hbm4b:s3+s10], $0x1, s19, s10, $0xb8;
	[tilespmem:$0xAA00] =	vst v63  }
0x28f: {  	v0 =	vld [tilespmem:$0x2000]  }
0x290: {  	v1 =	vld [tilespmem:$0x2010]  }
0x291: {  	v2 =	vld [tilespmem:$0x2020]  }
0x292: {  	v3 =	vld [tilespmem:$0x2030]  }
0x293: {  	v57 =	vld [tilespmem:$0x2040]  }
0x294: {  	v58 =	vld [tilespmem:$0x2050];
	v0 =	vadd.s32 $0x9C400, v0  }
0x295: {  	[tilespmem:$0x6000] =	vst v0;
	v0 =	vadd.s32 $0x9C400, v1;
	v1 =	vld [tilespmem:$0x2060]  }
0x296: {  	[tilespmem:$0x6010] =	vst v0;
	v0 =	vadd.s32 $0x9C400, v2;
	v2 =	vld [tilespmem:$0x2070]  }
0x297: {  	[tilespmem:$0x6020] =	vst v0;
	v0 =	vadd.s32 $0x9C400, v3;
	v3 =	vld [tilespmem:$0x2400]  }
0x298: {  	v59 =	vld [tilespmem:$0x2410];
	[tilespmem:$0x6030] =	vst v0;
	v0 =	vadd.s32 $0x9C400, v57  }
0x299: {  	v60 =	vld [tilespmem:$0x2420];
	[tilespmem:$0x6040] =	vst v0;
	v0 =	vadd.s32 $0x9C400, v58  }
0x29a: {  	[tilespmem:$0x6050] =	vst v0;
	v0 =	vadd.s32 $0x9C400, v1;
	v1 =	vld [tilespmem:$0x2430]  }
0x29b: {  	[tilespmem:$0x6060] =	vst v0;
	v0 =	vadd.s32 $0x9C400, v2;
	v2 =	vld [tilespmem:$0x2440]  }
0x29c: {  	[tilespmem:$0x6070] =	vst v0;
	v0 =	vadd.s32 $0x9C400, v3;
	v3 =	vld [tilespmem:$0x2450]  }
0x29d: {  	v61 =	vld [tilespmem:$0x2460];
	[tilespmem:$0x6080] =	vst v0;
	v0 =	vadd.s32 $0x9C400, v59  }
0x29e: {  	v62 =	vld [tilespmem:$0x2470];
	[tilespmem:$0x6090] =	vst v0;
	v0 =	vadd.s32 $0x9C400, v60  }
0x29f: {  	[tilespmem:$0x60A0] =	vst v0;
	v0 =	vadd.s32 $0x9C400, v1;
	v1 =	vld [tilespmem:$0x2800]  }
0x2a0: {  	[tilespmem:$0x60B0] =	vst v0;
	v0 =	vadd.s32 $0x9C400, v2;
	v2 =	vld [tilespmem:$0x2810]  }
0x2a1: {  	[tilespmem:$0x60C0] =	vst v0;
	v0 =	vadd.s32 $0x9C400, v3;
	v3 =	vld [tilespmem:$0x2820]  }
0x2a2: {  	v63 =	vld [tilespmem:$0x2830];
	[tilespmem:$0x60D0] =	vst v0;
	v0 =	vadd.s32 $0x9C400, v61  }
0x2a3: {  	v8 =	vld [tilespmem:$0x2840];
	[tilespmem:$0x60E0] =	vst v0;
	v0 =	vadd.s32 $0x9C400, v62  }
0x2a4: {  	[tilespmem:$0x60F0] =	vst v0;
	v0 =	vadd.s32 $0x9C400, v1;
	v1 =	vld [tilespmem:$0x2850]  }
0x2a5: {  	[tilespmem:$0x6100] =	vst v0;
	v0 =	vadd.s32 $0x9C400, v2;
	v2 =	vld [tilespmem:$0x2860]  }
0x2a6: {  	[tilespmem:$0x6110] =	vst v0;
	v0 =	vadd.s32 $0x9C400, v3;
	v3 =	vld [tilespmem:$0x2870]  }
0x2a7: {  	v9 =	vld [tilespmem:$0x2C00];
	[tilespmem:$0x6120] =	vst v0;
	v0 =	vadd.s32 $0x9C400, v63  }
0x2a8: {  	v10 =	vld [tilespmem:$0x2C10];
	[tilespmem:$0x6130] =	vst v0;
	v0 =	vadd.s32 $0x9C400, v8  }
0x2a9: {  	[tilespmem:$0x6140] =	vst v0;
	v0 =	vadd.s32 $0x9C400, v1;
	v1 =	vld [tilespmem:$0x2C20]  }
0x2aa: {  	[tilespmem:$0x6150] =	vst v0;
	v0 =	vadd.s32 $0x9C400, v2;
	v2 =	vld [tilespmem:$0x2C30]  }
0x2ab: {  	[tilespmem:$0x6160] =	vst v0;
	v0 =	vadd.s32 $0x9C400, v3;
	v3 =	vld [tilespmem:$0x2C40]  }
0x2ac: {  	v11 =	vld [tilespmem:$0x2C50];
	[tilespmem:$0x6170] =	vst v0;
	v0 =	vadd.s32 $0x9C400, v9  }
0x2ad: {  	v12 =	vld [tilespmem:$0x2C60];
	[tilespmem:$0x6180] =	vst v0;
	v0 =	vadd.s32 $0x9C400, v10  }
0x2ae: {  	[tilespmem:$0x6190] =	vst v0;
	v0 =	vadd.s32 $0x9C400, v1;
	v1 =	vld [tilespmem:$0x2C70]  }
0x2af: {  	[tilespmem:$0x61A0] =	vst v0;
	v0 =	vadd.s32 $0x9C400, v2  }
0x2b0: {  	[tilespmem:$0x61B0] =	vst v0;
	v0 =	vadd.s32 $0x9C400, v3  }
0x2b1: {  	[tilespmem:$0x61C0] =	vst v0;
	v0 =	vadd.s32 $0x9C400, v11  }
0x2b2: {  	[tilespmem:$0x61D0] =	vst v0;
	v0 =	vadd.s32 $0x9C400, v12  }
0x2b3: {  	[tilespmem:$0x61E0] =	vst v0;
	v0 =	vadd.s32 $0x9C400, v1  }
0x2b4: {  	s19 =	simm.s32 $0x6000;
	s20 =	simm.s32 $0x9400;
	[tilespmem:$0x61F0] =	vst v0  }
0x2b5: {  	[tilespmem:s20], [sflag:$0x1] =	stream.indirect.gather [hbm4b:s3+s10], $0x1, s19, s10, $0xb8;
	[tilespmem:$0xAA00] =	vst v63  }
0x2b6: {  	v0 =	vld [tilespmem:$0x2080]  }
0x2b7: {  	v1 =	vld [tilespmem:$0x2090]  }
0x2b8: {  	v2 =	vld [tilespmem:$0x20A0]  }
0x2b9: {  	v3 =	vld [tilespmem:$0x20B0]  }
0x2ba: {  	v13 =	vld [tilespmem:$0x20C0]  }
0x2bb: {  	v14 =	vld [tilespmem:$0x20D0];
	v0 =	vadd.s32 $0xA6040, v0  }
0x2bc: {  	[tilespmem:$0x6200] =	vst v0;
	v0 =	vadd.s32 $0xA6040, v1;
	v1 =	vld [tilespmem:$0x20E0]  }
0x2bd: {  	[tilespmem:$0x6210] =	vst v0;
	v0 =	vadd.s32 $0xA6040, v2;
	v2 =	vld [tilespmem:$0x20F0]  }
0x2be: {  	[tilespmem:$0x6220] =	vst v0;
	v0 =	vadd.s32 $0xA6040, v3;
	v3 =	vld [tilespmem:$0x2480]  }
0x2bf: {  	v15 =	vld [tilespmem:$0x2490];
	[tilespmem:$0x6230] =	vst v0;
	v0 =	vadd.s32 $0xA6040, v13  }
0x2c0: {  	v16 =	vld [tilespmem:$0x24A0];
	[tilespmem:$0x6240] =	vst v0;
	v0 =	vadd.s32 $0xA6040, v14  }
0x2c1: {  	[tilespmem:$0x6250] =	vst v0;
	v0 =	vadd.s32 $0xA6040, v1;
	v1 =	vld [tilespmem:$0x24B0]  }
0x2c2: {  	[tilespmem:$0x6260] =	vst v0;
	v0 =	vadd.s32 $0xA6040, v2;
	v2 =	vld [tilespmem:$0x24C0]  }
0x2c3: {  	[tilespmem:$0x6270] =	vst v0;
	v0 =	vadd.s32 $0xA6040, v3;
	v3 =	vld [tilespmem:$0x24D0]  }
0x2c4: {  	v17 =	vld [tilespmem:$0x24E0];
	[tilespmem:$0x6280] =	vst v0;
	v0 =	vadd.s32 $0xA6040, v15  }
0x2c5: {  	v18 =	vld [tilespmem:$0x24F0];
	[tilespmem:$0x6290] =	vst v0;
	v0 =	vadd.s32 $0xA6040, v16  }
0x2c6: {  	[tilespmem:$0x62A0] =	vst v0;
	v0 =	vadd.s32 $0xA6040, v1;
	v1 =	vld [tilespmem:$0x2880]  }
0x2c7: {  	[tilespmem:$0x62B0] =	vst v0;
	v0 =	vadd.s32 $0xA6040, v2;
	v2 =	vld [tilespmem:$0x2890]  }
0x2c8: {  	[tilespmem:$0x62C0] =	vst v0;
	v0 =	vadd.s32 $0xA6040, v3;
	v3 =	vld [tilespmem:$0x28A0]  }
0x2c9: {  	v19 =	vld [tilespmem:$0x28B0];
	[tilespmem:$0x62D0] =	vst v0;
	v0 =	vadd.s32 $0xA6040, v17  }
0x2ca: {  	v20 =	vld [tilespmem:$0x28C0];
	[tilespmem:$0x62E0] =	vst v0;
	v0 =	vadd.s32 $0xA6040, v18  }
0x2cb: {  	[tilespmem:$0x62F0] =	vst v0;
	v0 =	vadd.s32 $0xA6040, v1;
	v1 =	vld [tilespmem:$0x28D0]  }
0x2cc: {  	[tilespmem:$0x6300] =	vst v0;
	v0 =	vadd.s32 $0xA6040, v2;
	v2 =	vld [tilespmem:$0x28E0]  }
0x2cd: {  	[tilespmem:$0x6310] =	vst v0;
	v0 =	vadd.s32 $0xA6040, v3;
	v3 =	vld [tilespmem:$0x28F0]  }
0x2ce: {  	v21 =	vld [tilespmem:$0x2C80];
	[tilespmem:$0x6320] =	vst v0;
	v0 =	vadd.s32 $0xA6040, v19  }
0x2cf: {  	v22 =	vld [tilespmem:$0x2C90];
	[tilespmem:$0x6330] =	vst v0;
	v0 =	vadd.s32 $0xA6040, v20  }
0x2d0: {  	[tilespmem:$0x6340] =	vst v0;
	v0 =	vadd.s32 $0xA6040, v1;
	v1 =	vld [tilespmem:$0x2CA0]  }
0x2d1: {  	[tilespmem:$0x6350] =	vst v0;
	v0 =	vadd.s32 $0xA6040, v2;
	v2 =	vld [tilespmem:$0x2CB0]  }
0x2d2: {  	[tilespmem:$0x6360] =	vst v0;
	v0 =	vadd.s32 $0xA6040, v3;
	v3 =	vld [tilespmem:$0x2CC0]  }
0x2d3: {  	v23 =	vld [tilespmem:$0x2CD0];
	[tilespmem:$0x6370] =	vst v0;
	v0 =	vadd.s32 $0xA6040, v21  }
0x2d4: {  	v24 =	vld [tilespmem:$0x2CE0];
	[tilespmem:$0x6380] =	vst v0;
	v0 =	vadd.s32 $0xA6040, v22  }
0x2d5: {  	[tilespmem:$0x6390] =	vst v0;
	v0 =	vadd.s32 $0xA6040, v1;
	v1 =	vld [tilespmem:$0x2CF0]  }
0x2d6: {  	[tilespmem:$0x63A0] =	vst v0;
	v0 =	vadd.s32 $0xA6040, v2  }
0x2d7: {  	[tilespmem:$0x63B0] =	vst v0;
	v0 =	vadd.s32 $0xA6040, v3  }
0x2d8: {  	[tilespmem:$0x63C0] =	vst v0;
	v0 =	vadd.s32 $0xA6040, v23  }
0x2d9: {  	[tilespmem:$0x63D0] =	vst v0;
	v0 =	vadd.s32 $0xA6040, v24  }
0x2da: {  	[tilespmem:$0x63E0] =	vst v0;
	v0 =	vadd.s32 $0xA6040, v1  }
0x2db: {  	s20 =	simm.s32 $0x6200;
	[tilespmem:$0x63F0] =	vst v0  }
0x2dc: {  	[tilespmem:s21], [sflag:$0x1] =	stream.indirect.gather [hbm4b:s3+s10], $0x1, s20, s10, $0xb8;
	[tilespmem:$0xAA00] =	vst v63  }
0x2dd: {  	v0 =	vld [tilespmem:$0x2100]  }
0x2de: {  	v1 =	vld [tilespmem:$0x2110]  }
0x2df: {  	v2 =	vld [tilespmem:$0x2120]  }
0x2e0: {  	v3 =	vld [tilespmem:$0x2130]  }
0x2e1: {  	v25 =	vld [tilespmem:$0x2140]  }
0x2e2: {  	v26 =	vld [tilespmem:$0x2150];
	v0 =	vadd.s32 $0xAFC80, v0  }
0x2e3: {  	[tilespmem:$0x6400] =	vst v0;
	v0 =	vadd.s32 $0xAFC80, v1;
	v1 =	vld [tilespmem:$0x2160]  }
0x2e4: {  	[tilespmem:$0x6410] =	vst v0;
	v0 =	vadd.s32 $0xAFC80, v2;
	v2 =	vld [tilespmem:$0x2170]  }
0x2e5: {  	[tilespmem:$0x6420] =	vst v0;
	v0 =	vadd.s32 $0xAFC80, v3;
	v3 =	vld [tilespmem:$0x2500]  }
0x2e6: {  	v27 =	vld [tilespmem:$0x2510];
	[tilespmem:$0x6430] =	vst v0;
	v0 =	vadd.s32 $0xAFC80, v25  }
0x2e7: {  	v28 =	vld [tilespmem:$0x2520];
	[tilespmem:$0x6440] =	vst v0;
	v0 =	vadd.s32 $0xAFC80, v26  }
0x2e8: {  	[tilespmem:$0x6450] =	vst v0;
	v0 =	vadd.s32 $0xAFC80, v1;
	v1 =	vld [tilespmem:$0x2530]  }
0x2e9: {  	[tilespmem:$0x6460] =	vst v0;
	v0 =	vadd.s32 $0xAFC80, v2;
	v2 =	vld [tilespmem:$0x2540]  }
0x2ea: {  	[tilespmem:$0x6470] =	vst v0;
	v0 =	vadd.s32 $0xAFC80, v3;
	v3 =	vld [tilespmem:$0x2550]  }
0x2eb: {  	v29 =	vld [tilespmem:$0x2560];
	[tilespmem:$0x6480] =	vst v0;
	v0 =	vadd.s32 $0xAFC80, v27  }
0x2ec: {  	v30 =	vld [tilespmem:$0x2570];
	[tilespmem:$0x6490] =	vst v0;
	v0 =	vadd.s32 $0xAFC80, v28  }
0x2ed: {  	[tilespmem:$0x64A0] =	vst v0;
	v0 =	vadd.s32 $0xAFC80, v1;
	v1 =	vld [tilespmem:$0x2900]  }
0x2ee: {  	[tilespmem:$0x64B0] =	vst v0;
	v0 =	vadd.s32 $0xAFC80, v2;
	v2 =	vld [tilespmem:$0x2910]  }
0x2ef: {  	[tilespmem:$0x64C0] =	vst v0;
	v0 =	vadd.s32 $0xAFC80, v3;
	v3 =	vld [tilespmem:$0x2920]  }
0x2f0: {  	v31 =	vld [tilespmem:$0x2930];
	[tilespmem:$0x64D0] =	vst v0;
	v0 =	vadd.s32 $0xAFC80, v29  }
0x2f1: {  	v32 =	vld [tilespmem:$0x2940];
	[tilespmem:$0x64E0] =	vst v0;
	v0 =	vadd.s32 $0xAFC80, v30  }
0x2f2: {  	[tilespmem:$0x64F0] =	vst v0;
	v0 =	vadd.s32 $0xAFC80, v1;
	v1 =	vld [tilespmem:$0x2950]  }
0x2f3: {  	[tilespmem:$0x6500] =	vst v0;
	v0 =	vadd.s32 $0xAFC80, v2;
	v2 =	vld [tilespmem:$0x2960]  }
0x2f4: {  	[tilespmem:$0x6510] =	vst v0;
	v0 =	vadd.s32 $0xAFC80, v3;
	v3 =	vld [tilespmem:$0x2970]  }
0x2f5: {  	v33 =	vld [tilespmem:$0x2D00];
	[tilespmem:$0x6520] =	vst v0;
	v0 =	vadd.s32 $0xAFC80, v31  }
0x2f6: {  	[tilespmem:$0x6530] =	vst v0;
	v0 =	vadd.s32 $0xAFC80, v32  }
0x2f7: {  	[tilespmem:$0x6540] =	vst v0;
	v0 =	vadd.s32 $0xAFC80, v1  }
0x2f8: {  	[tilespmem:$0x6550] =	vst v0;
	v0 =	vadd.s32 $0xAFC80, v2  }
0x2f9: {  	[tilespmem:$0x6560] =	vst v0;
	v0 =	vadd.s32 $0xAFC80, v3  }
0x2fa: {  	[tilespmem:$0x6570] =	vst v0;
	v0 =	vadd.s32 $0xAFC80, v33  }
0x2fb: {  	[tilespmem:$0x6580] =	vst v0  }
0x2fc: {  	v0 =	vld [tilespmem:$0x2D10]  }
0x2fd: {  	v1 =	vld [tilespmem:$0x2D20]  }
0x2fe: {  	v2 =	vld [tilespmem:$0x2D30]  }
0x2ff: {  	v3 =	vld [tilespmem:$0x2D40]  }
0x300: {  	v34 =	vld [tilespmem:$0x2D50]  }
0x301: {  	v35 =	vld [tilespmem:$0x2D60];
	v0 =	vadd.s32 $0xAFC80, v0  }
0x302: {  	[tilespmem:$0x6590] =	vst v0;
	v0 =	vadd.s32 $0xAFC80, v1;
	v1 =	vld [tilespmem:$0x2D70]  }
0x303: {  	[tilespmem:$0x65A0] =	vst v0;
	v0 =	vadd.s32 $0xAFC80, v2  }
0x304: {  	[tilespmem:$0x65B0] =	vst v0;
	v0 =	vadd.s32 $0xAFC80, v3  }
0x305: {  	[tilespmem:$0x65C0] =	vst v0;
	v0 =	vadd.s32 $0xAFC80, v34  }
0x306: {  	[tilespmem:$0x65D0] =	vst v0;
	v0 =	vadd.s32 $0xAFC80, v35  }
0x307: {  	[tilespmem:$0x65E0] =	vst v0;
	v0 =	vadd.s32 $0xAFC80, v1  }
0x308: {  	[tilespmem:$0x65F0] =	vst v0  }
0x309: {  	[tilespmem:s23], [sflag:$0x1] =	stream.indirect.gather [hbm4b:s3+s10], $0x1, s22, s10, $0xb8;
	[tilespmem:$0xAA00] =	vst v63  }
0x30a: {  	v0 =	vld [tilespmem:$0x2180]  }
0x30b: {  	v1 =	vld [tilespmem:$0x2190]  }
0x30c: {  	v2 =	vld [tilespmem:$0x21A0]  }
0x30d: {  	v3 =	vld [tilespmem:$0x21B0]  }
0x30e: {  	v36 =	vld [tilespmem:$0x21C0]  }
0x30f: {  	v37 =	vld [tilespmem:$0x21D0];
	v0 =	vadd.s32 $0xB98C0, v0  }
0x310: {  	[tilespmem:$0x6600] =	vst v0;
	v0 =	vadd.s32 $0xB98C0, v1;
	v1 =	vld [tilespmem:$0x21E0]  }
0x311: {  	[tilespmem:$0x6610] =	vst v0;
	v0 =	vadd.s32 $0xB98C0, v2;
	v2 =	vld [tilespmem:$0x21F0]  }
0x312: {  	[tilespmem:$0x6620] =	vst v0;
	v0 =	vadd.s32 $0xB98C0, v3;
	v3 =	vld [tilespmem:$0x2580]  }
0x313: {  	v38 =	vld [tilespmem:$0x2590];
	[tilespmem:$0x6630] =	vst v0;
	v0 =	vadd.s32 $0xB98C0, v36  }
0x314: {  	v39 =	vld [tilespmem:$0x25A0];
	[tilespmem:$0x6640] =	vst v0;
	v0 =	vadd.s32 $0xB98C0, v37  }
0x315: {  	[tilespmem:$0x6650] =	vst v0;
	v0 =	vadd.s32 $0xB98C0, v1;
	v1 =	vld [tilespmem:$0x25B0]  }
0x316: {  	[tilespmem:$0x6660] =	vst v0;
	v0 =	vadd.s32 $0xB98C0, v2;
	v2 =	vld [tilespmem:$0x25C0]  }
0x317: {  	[tilespmem:$0x6670] =	vst v0;
	v0 =	vadd.s32 $0xB98C0, v3;
	v3 =	vld [tilespmem:$0x25D0]  }
0x318: {  	v40 =	vld [tilespmem:$0x25E0];
	[tilespmem:$0x6680] =	vst v0;
	v0 =	vadd.s32 $0xB98C0, v38  }
0x319: {  	v41 =	vld [tilespmem:$0x25F0];
	[tilespmem:$0x6690] =	vst v0;
	v0 =	vadd.s32 $0xB98C0, v39  }
0x31a: {  	[tilespmem:$0x66A0] =	vst v0;
	v0 =	vadd.s32 $0xB98C0, v1;
	v1 =	vld [tilespmem:$0x2980]  }
0x31b: {  	[tilespmem:$0x66B0] =	vst v0;
	v0 =	vadd.s32 $0xB98C0, v2;
	v2 =	vld [tilespmem:$0x2990]  }
0x31c: {  	[tilespmem:$0x66C0] =	vst v0;
	v0 =	vadd.s32 $0xB98C0, v3;
	v3 =	vld [tilespmem:$0x29A0]  }
0x31d: {  	v42 =	vld [tilespmem:$0x29B0];
	[tilespmem:$0x66D0] =	vst v0;
	v0 =	vadd.s32 $0xB98C0, v40  }
0x31e: {  	v43 =	vld [tilespmem:$0x29C0];
	[tilespmem:$0x66E0] =	vst v0;
	v0 =	vadd.s32 $0xB98C0, v41  }
0x31f: {  	[tilespmem:$0x66F0] =	vst v0;
	v0 =	vadd.s32 $0xB98C0, v1;
	v1 =	vld [tilespmem:$0x29D0]  }
0x320: {  	[tilespmem:$0x6700] =	vst v0;
	v0 =	vadd.s32 $0xB98C0, v2;
	v2 =	vld [tilespmem:$0x29E0]  }
0x321: {  	[tilespmem:$0x6710] =	vst v0;
	v0 =	vadd.s32 $0xB98C0, v3;
	v3 =	vld [tilespmem:$0x29F0]  }
0x322: {  	v44 =	vld [tilespmem:$0x2D80];
	[tilespmem:$0x6720] =	vst v0;
	v0 =	vadd.s32 $0xB98C0, v42  }
0x323: {  	v45 =	vld [tilespmem:$0x2D90];
	[tilespmem:$0x6730] =	vst v0;
	v0 =	vadd.s32 $0xB98C0, v43  }
0x324: {  	[tilespmem:$0x6740] =	vst v0;
	v0 =	vadd.s32 $0xB98C0, v1;
	v1 =	vld [tilespmem:$0x2DA0]  }
0x325: {  	[tilespmem:$0x6750] =	vst v0;
	v0 =	vadd.s32 $0xB98C0, v2;
	v2 =	vld [tilespmem:$0x2DB0]  }
0x326: {  	[tilespmem:$0x6760] =	vst v0;
	v0 =	vadd.s32 $0xB98C0, v3;
	v3 =	vld [tilespmem:$0x2DC0]  }
0x327: {  	v46 =	vld [tilespmem:$0x2DD0];
	[tilespmem:$0x6770] =	vst v0;
	v0 =	vadd.s32 $0xB98C0, v44  }
0x328: {  	v47 =	vld [tilespmem:$0x2DE0];
	[tilespmem:$0x6780] =	vst v0;
	v0 =	vadd.s32 $0xB98C0, v45  }
0x329: {  	[tilespmem:$0x6790] =	vst v0;
	v0 =	vadd.s32 $0xB98C0, v1;
	v1 =	vld [tilespmem:$0x2DF0]  }
0x32a: {  	[tilespmem:$0x67A0] =	vst v0;
	v0 =	vadd.s32 $0xB98C0, v2  }
0x32b: {  	[tilespmem:$0x67B0] =	vst v0;
	v0 =	vadd.s32 $0xB98C0, v3  }
0x32c: {  	[tilespmem:$0x67C0] =	vst v0;
	v0 =	vadd.s32 $0xB98C0, v46  }
0x32d: {  	[tilespmem:$0x67D0] =	vst v0;
	v0 =	vadd.s32 $0xB98C0, v47  }
0x32e: {  	[tilespmem:$0x67E0] =	vst v0;
	v0 =	vadd.s32 $0xB98C0, v1  }
0x32f: {  	[tilespmem:$0x67F0] =	vst v0  }
0x330: {  	[tilespmem:s25], [sflag:$0x1] =	stream.indirect.gather [hbm4b:s3+s10], $0x1, s24, s10, $0xb8;
	[tilespmem:$0xAA00] =	vst v63  }
0x331: {  	v0 =	vld [tilespmem:$0x2200]  }
0x332: {  	v1 =	vld [tilespmem:$0x2210]  }
0x333: {  	v2 =	vld [tilespmem:$0x2220]  }
0x334: {  	v3 =	vld [tilespmem:$0x2230]  }
0x335: {  	v48 =	vld [tilespmem:$0x2240]  }
0x336: {  	v49 =	vld [tilespmem:$0x2250];
	v0 =	vadd.s32 $0xC3500, v0  }
0x337: {  	[tilespmem:$0x6800] =	vst v0;
	v0 =	vadd.s32 $0xC3500, v1;
	v1 =	vld [tilespmem:$0x2260]  }
0x338: {  	[tilespmem:$0x6810] =	vst v0;
	v0 =	vadd.s32 $0xC3500, v2;
	v2 =	vld [tilespmem:$0x2270]  }
0x339: {  	[tilespmem:$0x6820] =	vst v0;
	v0 =	vadd.s32 $0xC3500, v3;
	v3 =	vld [tilespmem:$0x2600]  }
0x33a: {  	v50 =	vld [tilespmem:$0x2610];
	[tilespmem:$0x6830] =	vst v0;
	v0 =	vadd.s32 $0xC3500, v48  }
0x33b: {  	v51 =	vld [tilespmem:$0x2620];
	[tilespmem:$0x6840] =	vst v0;
	v0 =	vadd.s32 $0xC3500, v49  }
0x33c: {  	[tilespmem:$0x6850] =	vst v0;
	v0 =	vadd.s32 $0xC3500, v1;
	v1 =	vld [tilespmem:$0x2630]  }
0x33d: {  	[tilespmem:$0x6860] =	vst v0;
	v0 =	vadd.s32 $0xC3500, v2;
	v2 =	vld [tilespmem:$0x2640]  }
0x33e: {  	[tilespmem:$0x6870] =	vst v0;
	v0 =	vadd.s32 $0xC3500, v3;
	v3 =	vld [tilespmem:$0x2650]  }
0x33f: {  	v52 =	vld [tilespmem:$0x2660];
	[tilespmem:$0x6880] =	vst v0;
	v0 =	vadd.s32 $0xC3500, v50  }
0x340: {  	v53 =	vld [tilespmem:$0x2670];
	[tilespmem:$0x6890] =	vst v0;
	v0 =	vadd.s32 $0xC3500, v51  }
0x341: {  	[tilespmem:$0x68A0] =	vst v0;
	v0 =	vadd.s32 $0xC3500, v1;
	v1 =	vld [tilespmem:$0x2A00]  }
0x342: {  	[tilespmem:$0x68B0] =	vst v0;
	v0 =	vadd.s32 $0xC3500, v2;
	v2 =	vld [tilespmem:$0x2A10]  }
0x343: {  	[tilespmem:$0x68C0] =	vst v0;
	v0 =	vadd.s32 $0xC3500, v3;
	v3 =	vld [tilespmem:$0x2A20]  }
0x344: {  	v54 =	vld [tilespmem:$0x2A30];
	[tilespmem:$0x68D0] =	vst v0;
	v0 =	vadd.s32 $0xC3500, v52  }
0x345: {  	v55 =	vld [tilespmem:$0x2A40];
	[tilespmem:$0x68E0] =	vst v0;
	v0 =	vadd.s32 $0xC3500, v53  }
0x346: {  	[tilespmem:$0x68F0] =	vst v0;
	v0 =	vadd.s32 $0xC3500, v1;
	v1 =	vld [tilespmem:$0x2A50]  }
0x347: {  	[tilespmem:$0x6900] =	vst v0;
	v0 =	vadd.s32 $0xC3500, v2;
	v2 =	vld [tilespmem:$0x2A60]  }
0x348: {  	[tilespmem:$0x6910] =	vst v0;
	v0 =	vadd.s32 $0xC3500, v3;
	v3 =	vld [tilespmem:$0x2A70]  }
0x349: {  	v56 =	vld [tilespmem:$0x2E00];
	[tilespmem:$0x6920] =	vst v0;
	v0 =	vadd.s32 $0xC3500, v54  }
0x34a: {  	v57 =	vld [tilespmem:$0x2E10];
	[tilespmem:$0x6930] =	vst v0;
	v0 =	vadd.s32 $0xC3500, v55  }
0x34b: {  	[tilespmem:$0x6940] =	vst v0;
	v0 =	vadd.s32 $0xC3500, v1;
	v1 =	vld [tilespmem:$0x2E20]  }
0x34c: {  	[tilespmem:$0x6950] =	vst v0;
	v0 =	vadd.s32 $0xC3500, v2;
	v2 =	vld [tilespmem:$0x2E30]  }
0x34d: {  	[tilespmem:$0x6960] =	vst v0;
	v0 =	vadd.s32 $0xC3500, v3;
	v3 =	vld [tilespmem:$0x2E40]  }
0x34e: {  	v58 =	vld [tilespmem:$0x2E50];
	[tilespmem:$0x6970] =	vst v0;
	v0 =	vadd.s32 $0xC3500, v56  }
0x34f: {  	v59 =	vld [tilespmem:$0x2E60];
	[tilespmem:$0x6980] =	vst v0;
	v0 =	vadd.s32 $0xC3500, v57  }
0x350: {  	[tilespmem:$0x6990] =	vst v0;
	v0 =	vadd.s32 $0xC3500, v1;
	v1 =	vld [tilespmem:$0x2E70]  }
0x351: {  	[tilespmem:$0x69A0] =	vst v0;
	v0 =	vadd.s32 $0xC3500, v2  }
0x352: {  	[tilespmem:$0x69B0] =	vst v0;
	v0 =	vadd.s32 $0xC3500, v3  }
0x353: {  	[tilespmem:$0x69C0] =	vst v0;
	v0 =	vadd.s32 $0xC3500, v58  }
0x354: {  	[tilespmem:$0x69D0] =	vst v0;
	v0 =	vadd.s32 $0xC3500, v59  }
0x355: {  	[tilespmem:$0x69E0] =	vst v0;
	v0 =	vadd.s32 $0xC3500, v1  }
0x356: {  	[tilespmem:$0x69F0] =	vst v0  }
0x357: {  	[tilespmem:s28], [sflag:$0x1] =	stream.indirect.gather [hbm4b:s3+s10], $0x1, s26, s10, $0xb8;
	[tilespmem:$0xAA00] =	vst v63  }
0x358: {  	v0 =	vld [tilespmem:$0x2280]  }
0x359: {  	v1 =	vld [tilespmem:$0x2290]  }
0x35a: {  	v2 =	vld [tilespmem:$0x22A0]  }
0x35b: {  	v3 =	vld [tilespmem:$0x22B0]  }
0x35c: {  	v60 =	vld [tilespmem:$0x22C0]  }
0x35d: {  	v61 =	vld [tilespmem:$0x22D0];
	v0 =	vadd.s32 $0xCD140, v0  }
0x35e: {  	[tilespmem:$0x6A00] =	vst v0;
	v0 =	vadd.s32 $0xCD140, v1;
	v1 =	vld [tilespmem:$0x22E0]  }
0x35f: {  	[tilespmem:$0x6A10] =	vst v0;
	v0 =	vadd.s32 $0xCD140, v2;
	v2 =	vld [tilespmem:$0x22F0]  }
0x360: {  	[tilespmem:$0x6A20] =	vst v0;
	v0 =	vadd.s32 $0xCD140, v3;
	v3 =	vld [tilespmem:$0x2680]  }
0x361: {  	v62 =	vld [tilespmem:$0x2690];
	[tilespmem:$0x6A30] =	vst v0;
	v0 =	vadd.s32 $0xCD140, v60  }
0x362: {  	v63 =	vld [tilespmem:$0x26A0];
	[tilespmem:$0x6A40] =	vst v0;
	v0 =	vadd.s32 $0xCD140, v61  }
0x363: {  	[tilespmem:$0x6A50] =	vst v0;
	v0 =	vadd.s32 $0xCD140, v1;
	v1 =	vld [tilespmem:$0x26B0]  }
0x364: {  	[tilespmem:$0x6A60] =	vst v0;
	v0 =	vadd.s32 $0xCD140, v2;
	v2 =	vld [tilespmem:$0x26C0]  }
0x365: {  	[tilespmem:$0x6A70] =	vst v0;
	v0 =	vadd.s32 $0xCD140, v3;
	v3 =	vld [tilespmem:$0x26D0]  }
0x366: {  	v8 =	vld [tilespmem:$0x26E0];
	[tilespmem:$0x6A80] =	vst v0;
	v0 =	vadd.s32 $0xCD140, v62  }
0x367: {  	v9 =	vld [tilespmem:$0x26F0];
	[tilespmem:$0x6A90] =	vst v0;
	v0 =	vadd.s32 $0xCD140, v63  }
0x368: {  	[tilespmem:$0x6AA0] =	vst v0;
	v0 =	vadd.s32 $0xCD140, v1;
	v1 =	vld [tilespmem:$0x2A80]  }
0x369: {  	[tilespmem:$0x6AB0] =	vst v0;
	v0 =	vadd.s32 $0xCD140, v2;
	v2 =	vld [tilespmem:$0x2A90]  }
0x36a: {  	[tilespmem:$0x6AC0] =	vst v0;
	v0 =	vadd.s32 $0xCD140, v3;
	v3 =	vld [tilespmem:$0x2AA0]  }
0x36b: {  	v10 =	vld [tilespmem:$0x2AB0];
	[tilespmem:$0x6AD0] =	vst v0;
	v0 =	vadd.s32 $0xCD140, v8  }
0x36c: {  	v11 =	vld [tilespmem:$0x2AC0];
	[tilespmem:$0x6AE0] =	vst v0;
	v0 =	vadd.s32 $0xCD140, v9  }
0x36d: {  	[tilespmem:$0x6AF0] =	vst v0;
	v0 =	vadd.s32 $0xCD140, v1;
	v1 =	vld [tilespmem:$0x2AD0]  }
0x36e: {  	[tilespmem:$0x6B00] =	vst v0;
	v0 =	vadd.s32 $0xCD140, v2;
	v2 =	vld [tilespmem:$0x2AE0]  }
0x36f: {  	[tilespmem:$0x6B10] =	vst v0;
	v0 =	vadd.s32 $0xCD140, v3;
	v3 =	vld [tilespmem:$0x2AF0]  }
0x370: {  	v12 =	vld [tilespmem:$0x2E80];
	[tilespmem:$0x6B20] =	vst v0;
	v0 =	vadd.s32 $0xCD140, v10  }
0x371: {  	v13 =	vld [tilespmem:$0x2E90];
	[tilespmem:$0x6B30] =	vst v0;
	v0 =	vadd.s32 $0xCD140, v11  }
0x372: {  	[tilespmem:$0x6B40] =	vst v0;
	v0 =	vadd.s32 $0xCD140, v1;
	v1 =	vld [tilespmem:$0x2EA0]  }
0x373: {  	[tilespmem:$0x6B50] =	vst v0;
	v0 =	vadd.s32 $0xCD140, v2;
	v2 =	vld [tilespmem:$0x2EB0]  }
0x374: {  	[tilespmem:$0x6B60] =	vst v0;
	v0 =	vadd.s32 $0xCD140, v3;
	v3 =	vld [tilespmem:$0x2EC0]  }
0x375: {  	v14 =	vld [tilespmem:$0x2ED0];
	[tilespmem:$0x6B70] =	vst v0;
	v0 =	vadd.s32 $0xCD140, v12  }
0x376: {  	v15 =	vld [tilespmem:$0x2EE0];
	[tilespmem:$0x6B80] =	vst v0;
	v0 =	vadd.s32 $0xCD140, v13  }
0x377: {  	[tilespmem:$0x6B90] =	vst v0;
	v0 =	vadd.s32 $0xCD140, v1;
	v1 =	vld [tilespmem:$0x2EF0]  }
0x378: {  	[tilespmem:$0x6BA0] =	vst v0;
	v0 =	vadd.s32 $0xCD140, v2  }
0x379: {  	[tilespmem:$0x6BB0] =	vst v0;
	v0 =	vadd.s32 $0xCD140, v3  }
0x37a: {  	[tilespmem:$0x6BC0] =	vst v0;
	v0 =	vadd.s32 $0xCD140, v14  }
0x37b: {  	[tilespmem:$0x6BD0] =	vst v0;
	v0 =	vadd.s32 $0xCD140, v15  }
0x37c: {  	[tilespmem:$0x6BE0] =	vst v0;
	v0 =	vadd.s32 $0xCD140, v1  }
0x37d: {  	[tilespmem:$0x6BF0] =	vst v0  }
0x37e: {  	[tilespmem:s30], [sflag:$0x1] =	stream.indirect.gather [hbm4b:s3+s10], $0x1, s29, s10, $0xb8;
	[tilespmem:$0xAA00] =	vst v63  }
0x37f: {  	v0 =	vld [tilespmem:$0x2300]  }
0x380: {  	v1 =	vld [tilespmem:$0x2310]  }
0x381: {  	v2 =	vld [tilespmem:$0x2320]  }
0x382: {  	v3 =	vld [tilespmem:$0x2330]  }
0x383: {  	v16 =	vld [tilespmem:$0x2340]  }
0x384: {  	v17 =	vld [tilespmem:$0x2350];
	v0 =	vadd.s32 $0xD6D80, v0  }
0x385: {  	[tilespmem:$0x6C00] =	vst v0;
	v0 =	vadd.s32 $0xD6D80, v1;
	v1 =	vld [tilespmem:$0x2360]  }
0x386: {  	[tilespmem:$0x6C10] =	vst v0;
	v0 =	vadd.s32 $0xD6D80, v2;
	v2 =	vld [tilespmem:$0x2370]  }
0x387: {  	[tilespmem:$0x6C20] =	vst v0;
	v0 =	vadd.s32 $0xD6D80, v3;
	v3 =	vld [tilespmem:$0x2700]  }
0x388: {  	v18 =	vld [tilespmem:$0x2710];
	[tilespmem:$0x6C30] =	vst v0;
	v0 =	vadd.s32 $0xD6D80, v16  }
0x389: {  	v19 =	vld [tilespmem:$0x2720];
	[tilespmem:$0x6C40] =	vst v0;
	v0 =	vadd.s32 $0xD6D80, v17  }
0x38a: {  	[tilespmem:$0x6C50] =	vst v0;
	v0 =	vadd.s32 $0xD6D80, v1;
	v1 =	vld [tilespmem:$0x2730]  }
0x38b: {  	[tilespmem:$0x6C60] =	vst v0;
	v0 =	vadd.s32 $0xD6D80, v2;
	v2 =	vld [tilespmem:$0x2740]  }
0x38c: {  	[tilespmem:$0x6C70] =	vst v0;
	v0 =	vadd.s32 $0xD6D80, v3;
	v3 =	vld [tilespmem:$0x2750]  }
0x38d: {  	v20 =	vld [tilespmem:$0x2760];
	[tilespmem:$0x6C80] =	vst v0;
	v0 =	vadd.s32 $0xD6D80, v18  }
0x38e: {  	v21 =	vld [tilespmem:$0x2770];
	[tilespmem:$0x6C90] =	vst v0;
	v0 =	vadd.s32 $0xD6D80, v19  }
0x38f: {  	[tilespmem:$0x6CA0] =	vst v0;
	v0 =	vadd.s32 $0xD6D80, v1;
	v1 =	vld [tilespmem:$0x2B00]  }
0x390: {  	[tilespmem:$0x6CB0] =	vst v0;
	v0 =	vadd.s32 $0xD6D80, v2;
	v2 =	vld [tilespmem:$0x2B10]  }
0x391: {  	[tilespmem:$0x6CC0] =	vst v0;
	v0 =	vadd.s32 $0xD6D80, v3;
	v3 =	vld [tilespmem:$0x2B20]  }
0x392: {  	v22 =	vld [tilespmem:$0x2B30];
	[tilespmem:$0x6CD0] =	vst v0;
	v0 =	vadd.s32 $0xD6D80, v20  }
0x393: {  	v23 =	vld [tilespmem:$0x2B40];
	[tilespmem:$0x6CE0] =	vst v0;
	v0 =	vadd.s32 $0xD6D80, v21  }
0x394: {  	[tilespmem:$0x6CF0] =	vst v0;
	v0 =	vadd.s32 $0xD6D80, v1;
	v1 =	vld [tilespmem:$0x2B50]  }
0x395: {  	[tilespmem:$0x6D00] =	vst v0;
	v0 =	vadd.s32 $0xD6D80, v2;
	v2 =	vld [tilespmem:$0x2B60]  }
0x396: {  	[tilespmem:$0x6D10] =	vst v0;
	v0 =	vadd.s32 $0xD6D80, v3;
	v3 =	vld [tilespmem:$0x2B70]  }
0x397: {  	v24 =	vld [tilespmem:$0x2F00];
	[tilespmem:$0x6D20] =	vst v0;
	v0 =	vadd.s32 $0xD6D80, v22  }
0x398: {  	v25 =	vld [tilespmem:$0x2F10];
	[tilespmem:$0x6D30] =	vst v0;
	v0 =	vadd.s32 $0xD6D80, v23  }
0x399: {  	[tilespmem:$0x6D40] =	vst v0;
	v0 =	vadd.s32 $0xD6D80, v1;
	v1 =	vld [tilespmem:$0x2F20]  }
0x39a: {  	[tilespmem:$0x6D50] =	vst v0;
	v0 =	vadd.s32 $0xD6D80, v2;
	v2 =	vld [tilespmem:$0x2F30]  }
0x39b: {  	[tilespmem:$0x6D60] =	vst v0;
	v0 =	vadd.s32 $0xD6D80, v3;
	v3 =	vld [tilespmem:$0x2F40]  }
0x39c: {  	v26 =	vld [tilespmem:$0x2F50];
	[tilespmem:$0x6D70] =	vst v0;
	v0 =	vadd.s32 $0xD6D80, v24  }
0x39d: {  	v27 =	vld [tilespmem:$0x2F60];
	[tilespmem:$0x6D80] =	vst v0;
	v0 =	vadd.s32 $0xD6D80, v25  }
0x39e: {  	[tilespmem:$0x6D90] =	vst v0;
	v0 =	vadd.s32 $0xD6D80, v1;
	v1 =	vld [tilespmem:$0x2F70]  }
0x39f: {  	[tilespmem:$0x6DA0] =	vst v0;
	v0 =	vadd.s32 $0xD6D80, v2  }
0x3a0: {  	[tilespmem:$0x6DB0] =	vst v0;
	v0 =	vadd.s32 $0xD6D80, v3  }
0x3a1: {  	[tilespmem:$0x6DC0] =	vst v0;
	v0 =	vadd.s32 $0xD6D80, v26  }
0x3a2: {  	[tilespmem:$0x6DD0] =	vst v0;
	v0 =	vadd.s32 $0xD6D80, v27  }
0x3a3: {  	[tilespmem:$0x6DE0] =	vst v0;
	v0 =	vadd.s32 $0xD6D80, v1  }
0x3a4: {  	[tilespmem:$0x6DF0] =	vst v0  }
0x3a5: {  	[tilespmem:s0], [sflag:$0x1] =	stream.indirect.gather [hbm4b:s3+s10], $0x1, s31, s10, $0xb8;
	[tilespmem:$0xAA00] =	vst v63  }
0x3a6: {  	v0 =	vld [tilespmem:$0x2380]  }
0x3a7: {  	v1 =	vld [tilespmem:$0x2390]  }
0x3a8: {  	v2 =	vld [tilespmem:$0x23A0]  }
0x3a9: {  	v3 =	vld [tilespmem:$0x23B0]  }
0x3aa: {  	v28 =	vld [tilespmem:$0x23C0]  }
0x3ab: {  	v29 =	vld [tilespmem:$0x23D0];
	v0 =	vadd.s32 $0xE09C0, v0  }
0x3ac: {  	[tilespmem:$0x6E00] =	vst v0;
	v0 =	vadd.s32 $0xE09C0, v1;
	v1 =	vld [tilespmem:$0x23E0]  }
0x3ad: {  	[tilespmem:$0x6E10] =	vst v0;
	v0 =	vadd.s32 $0xE09C0, v2;
	v2 =	vld [tilespmem:$0x23F0]  }
0x3ae: {  	[tilespmem:$0x6E20] =	vst v0;
	v0 =	vadd.s32 $0xE09C0, v3;
	v3 =	vld [tilespmem:$0x2780]  }
0x3af: {  	v30 =	vld [tilespmem:$0x2790];
	[tilespmem:$0x6E30] =	vst v0;
	v0 =	vadd.s32 $0xE09C0, v28  }
0x3b0: {  	v31 =	vld [tilespmem:$0x27A0];
	[tilespmem:$0x6E40] =	vst v0;
	v0 =	vadd.s32 $0xE09C0, v29  }
0x3b1: {  	[tilespmem:$0x6E50] =	vst v0;
	v0 =	vadd.s32 $0xE09C0, v1;
	v1 =	vld [tilespmem:$0x27B0]  }
0x3b2: {  	[tilespmem:$0x6E60] =	vst v0;
	v0 =	vadd.s32 $0xE09C0, v2;
	v2 =	vld [tilespmem:$0x27C0]  }
0x3b3: {  	[tilespmem:$0x6E70] =	vst v0;
	v0 =	vadd.s32 $0xE09C0, v3;
	v3 =	vld [tilespmem:$0x27D0]  }
0x3b4: {  	v32 =	vld [tilespmem:$0x27E0];
	[tilespmem:$0x6E80] =	vst v0;
	v0 =	vadd.s32 $0xE09C0, v30  }
0x3b5: {  	v33 =	vld [tilespmem:$0x27F0];
	[tilespmem:$0x6E90] =	vst v0;
	v0 =	vadd.s32 $0xE09C0, v31  }
0x3b6: {  	[tilespmem:$0x6EA0] =	vst v0;
	v0 =	vadd.s32 $0xE09C0, v1;
	v1 =	vld [tilespmem:$0x2B80]  }
0x3b7: {  	[tilespmem:$0x6EB0] =	vst v0;
	v0 =	vadd.s32 $0xE09C0, v2;
	v2 =	vld [tilespmem:$0x2B90]  }
0x3b8: {  	[tilespmem:$0x6EC0] =	vst v0;
	v0 =	vadd.s32 $0xE09C0, v3;
	v3 =	vld [tilespmem:$0x2BA0]  }
0x3b9: {  	v34 =	vld [tilespmem:$0x2BB0];
	[tilespmem:$0x6ED0] =	vst v0;
	v0 =	vadd.s32 $0xE09C0, v32  }
0x3ba: {  	v35 =	vld [tilespmem:$0x2BC0];
	[tilespmem:$0x6EE0] =	vst v0;
	v0 =	vadd.s32 $0xE09C0, v33  }
0x3bb: {  	[tilespmem:$0x6EF0] =	vst v0;
	v0 =	vadd.s32 $0xE09C0, v1;
	v1 =	vld [tilespmem:$0x2BD0]  }
0x3bc: {  	[tilespmem:$0x6F00] =	vst v0;
	v0 =	vadd.s32 $0xE09C0, v2;
	v2 =	vld [tilespmem:$0x2BE0]  }
0x3bd: {  	[tilespmem:$0x6F10] =	vst v0;
	v0 =	vadd.s32 $0xE09C0, v3;
	v3 =	vld [tilespmem:$0x2BF0]  }
0x3be: {  	v36 =	vld [tilespmem:$0x2F80];
	[tilespmem:$0x6F20] =	vst v0;
	v0 =	vadd.s32 $0xE09C0, v34  }
0x3bf: {  	v37 =	vld [tilespmem:$0x2F90];
	[tilespmem:$0x6F30] =	vst v0;
	v0 =	vadd.s32 $0xE09C0, v35  }
0x3c0: {  	[tilespmem:$0x6F40] =	vst v0;
	v0 =	vadd.s32 $0xE09C0, v1;
	v1 =	vld [tilespmem:$0x2FA0]  }
0x3c1: {  	[tilespmem:$0x6F50] =	vst v0;
	v0 =	vadd.s32 $0xE09C0, v2;
	v2 =	vld [tilespmem:$0x2FB0]  }
0x3c2: {  	[tilespmem:$0x6F60] =	vst v0;
	v0 =	vadd.s32 $0xE09C0, v3;
	v3 =	vld [tilespmem:$0x2FC0]  }
0x3c3: {  	v38 =	vld [tilespmem:$0x2FD0];
	[tilespmem:$0x6F70] =	vst v0;
	v0 =	vadd.s32 $0xE09C0, v36  }
0x3c4: {  	v39 =	vld [tilespmem:$0x2FE0];
	[tilespmem:$0x6F80] =	vst v0;
	v0 =	vadd.s32 $0xE09C0, v37  }
0x3c5: {  	[tilespmem:$0x6F90] =	vst v0;
	v0 =	vadd.s32 $0xE09C0, v1;
	v1 =	vld [tilespmem:$0x2FF0]  }
0x3c6: {  	[tilespmem:$0x6FA0] =	vst v0;
	v0 =	vadd.s32 $0xE09C0, v2  }
0x3c7: {  	[tilespmem:$0x6FB0] =	vst v0;
	v0 =	vadd.s32 $0xE09C0, v3  }
0x3c8: {  	[tilespmem:$0x6FC0] =	vst v0;
	v0 =	vadd.s32 $0xE09C0, v38  }
0x3c9: {  	[tilespmem:$0x6FD0] =	vst v0;
	v0 =	vadd.s32 $0xE09C0, v39  }
0x3ca: {  	[tilespmem:$0x6FE0] =	vst v0;
	v0 =	vadd.s32 $0xE09C0, v1  }
0x3cb: {  	[tilespmem:$0x6FF0] =	vst v0  }
0x3cc: {  	[tilespmem:s7], [sflag:$0x1] =	stream.indirect.gather [hbm4b:s3+s10], $0x1, s1, s10, $0xb8;
	[tilespmem:$0xAA00] =	vst v63  }
0x3cd: {  	v0 =	vld [tilespmem:$0x3000]  }
0x3ce: {  	v1 =	vld [tilespmem:$0x3010]  }
0x3cf: {  	v2 =	vld [tilespmem:$0x3020]  }
0x3d0: {  	v3 =	vld [tilespmem:$0x3030]  }
0x3d1: {  	v40 =	vld [tilespmem:$0x3040]  }
0x3d2: {  	v41 =	vld [tilespmem:$0x3050];
	v0 =	vadd.s32 $0xEA600, v0  }
0x3d3: {  	[tilespmem:$0x7000] =	vst v0;
	v0 =	vadd.s32 $0xEA600, v1;
	v1 =	vld [tilespmem:$0x3060]  }
0x3d4: {  	[tilespmem:$0x7010] =	vst v0;
	v0 =	vadd.s32 $0xEA600, v2;
	v2 =	vld [tilespmem:$0x3070]  }
0x3d5: {  	[tilespmem:$0x7020] =	vst v0;
	v0 =	vadd.s32 $0xEA600, v3;
	v3 =	vld [tilespmem:$0x3400]  }
0x3d6: {  	v42 =	vld [tilespmem:$0x3410];
	[tilespmem:$0x7030] =	vst v0;
	v0 =	vadd.s32 $0xEA600, v40  }
0x3d7: {  	v43 =	vld [tilespmem:$0x3420];
	[tilespmem:$0x7040] =	vst v0;
	v0 =	vadd.s32 $0xEA600, v41  }
0x3d8: {  	[tilespmem:$0x7050] =	vst v0;
	v0 =	vadd.s32 $0xEA600, v1;
	v1 =	vld [tilespmem:$0x3430]  }
0x3d9: {  	[tilespmem:$0x7060] =	vst v0;
	v0 =	vadd.s32 $0xEA600, v2;
	v2 =	vld [tilespmem:$0x3440]  }
0x3da: {  	[tilespmem:$0x7070] =	vst v0;
	v0 =	vadd.s32 $0xEA600, v3;
	v3 =	vld [tilespmem:$0x3450]  }
0x3db: {  	v44 =	vld [tilespmem:$0x3460];
	[tilespmem:$0x7080] =	vst v0;
	v0 =	vadd.s32 $0xEA600, v42  }
0x3dc: {  	v45 =	vld [tilespmem:$0x3470];
	[tilespmem:$0x7090] =	vst v0;
	v0 =	vadd.s32 $0xEA600, v43  }
0x3dd: {  	[tilespmem:$0x70A0] =	vst v0;
	v0 =	vadd.s32 $0xEA600, v1;
	v1 =	vld [tilespmem:$0x3800]  }
0x3de: {  	[tilespmem:$0x70B0] =	vst v0;
	v0 =	vadd.s32 $0xEA600, v2;
	v2 =	vld [tilespmem:$0x3810]  }
0x3df: {  	[tilespmem:$0x70C0] =	vst v0;
	v0 =	vadd.s32 $0xEA600, v3;
	v3 =	vld [tilespmem:$0x3820]  }
0x3e0: {  	v46 =	vld [tilespmem:$0x3830];
	[tilespmem:$0x70D0] =	vst v0;
	v0 =	vadd.s32 $0xEA600, v44  }
0x3e1: {  	v47 =	vld [tilespmem:$0x3840];
	[tilespmem:$0x70E0] =	vst v0;
	v0 =	vadd.s32 $0xEA600, v45  }
0x3e2: {  	[tilespmem:$0x70F0] =	vst v0;
	v0 =	vadd.s32 $0xEA600, v1;
	v1 =	vld [tilespmem:$0x3850]  }
0x3e3: {  	[tilespmem:$0x7100] =	vst v0;
	v0 =	vadd.s32 $0xEA600, v2;
	v2 =	vld [tilespmem:$0x3860]  }
0x3e4: {  	[tilespmem:$0x7110] =	vst v0;
	v0 =	vadd.s32 $0xEA600, v3;
	v3 =	vld [tilespmem:$0x3870]  }
0x3e5: {  	v48 =	vld [tilespmem:$0x3C00];
	[tilespmem:$0x7120] =	vst v0;
	v0 =	vadd.s32 $0xEA600, v46  }
0x3e6: {  	v49 =	vld [tilespmem:$0x3C10];
	[tilespmem:$0x7130] =	vst v0;
	v0 =	vadd.s32 $0xEA600, v47  }
0x3e7: {  	[tilespmem:$0x7140] =	vst v0;
	v0 =	vadd.s32 $0xEA600, v1;
	v1 =	vld [tilespmem:$0x3C20]  }
0x3e8: {  	[tilespmem:$0x7150] =	vst v0;
	v0 =	vadd.s32 $0xEA600, v2;
	v2 =	vld [tilespmem:$0x3C30]  }
0x3e9: {  	[tilespmem:$0x7160] =	vst v0;
	v0 =	vadd.s32 $0xEA600, v3;
	v3 =	vld [tilespmem:$0x3C40]  }
0x3ea: {  	v50 =	vld [tilespmem:$0x3C50];
	[tilespmem:$0x7170] =	vst v0;
	v0 =	vadd.s32 $0xEA600, v48  }
0x3eb: {  	v51 =	vld [tilespmem:$0x3C60];
	[tilespmem:$0x7180] =	vst v0;
	v0 =	vadd.s32 $0xEA600, v49  }
0x3ec: {  	[tilespmem:$0x7190] =	vst v0;
	v0 =	vadd.s32 $0xEA600, v1;
	v1 =	vld [tilespmem:$0x3C70]  }
0x3ed: {  	[tilespmem:$0x71A0] =	vst v0;
	v0 =	vadd.s32 $0xEA600, v2  }
0x3ee: {  	[tilespmem:$0x71B0] =	vst v0;
	v0 =	vadd.s32 $0xEA600, v3  }
0x3ef: {  	[tilespmem:$0x71C0] =	vst v0;
	v0 =	vadd.s32 $0xEA600, v50  }
0x3f0: {  	[tilespmem:$0x71D0] =	vst v0;
	v0 =	vadd.s32 $0xEA600, v51  }
0x3f1: {  	[tilespmem:$0x71E0] =	vst v0;
	v0 =	vadd.s32 $0xEA600, v1  }
0x3f2: {  	[tilespmem:$0x71F0] =	vst v0  }
0x3f3: {  	[tilespmem:s11], [sflag:$0x1] =	stream.indirect.gather [hbm4b:s3+s10], $0x1, s8, s10, $0xb8;
	[tilespmem:$0xAA00] =	vst v63  }
0x3f4: {  	v0 =	vld [tilespmem:$0x3080]  }
0x3f5: {  	v1 =	vld [tilespmem:$0x3090]  }
0x3f6: {  	v2 =	vld [tilespmem:$0x30A0]  }
0x3f7: {  	v3 =	vld [tilespmem:$0x30B0]  }
0x3f8: {  	v52 =	vld [tilespmem:$0x30C0]  }
0x3f9: {  	v53 =	vld [tilespmem:$0x30D0];
	v0 =	vadd.s32 $0xF4240, v0  }
0x3fa: {  	[tilespmem:$0x7200] =	vst v0;
	v0 =	vadd.s32 $0xF4240, v1;
	v1 =	vld [tilespmem:$0x30E0]  }
0x3fb: {  	[tilespmem:$0x7210] =	vst v0;
	v0 =	vadd.s32 $0xF4240, v2;
	v2 =	vld [tilespmem:$0x30F0]  }
0x3fc: {  	[tilespmem:$0x7220] =	vst v0;
	v0 =	vadd.s32 $0xF4240, v3;
	v3 =	vld [tilespmem:$0x3480]  }
0x3fd: {  	v54 =	vld [tilespmem:$0x3490];
	[tilespmem:$0x7230] =	vst v0;
	v0 =	vadd.s32 $0xF4240, v52  }
0x3fe: {  	v55 =	vld [tilespmem:$0x34A0];
	[tilespmem:$0x7240] =	vst v0;
	v0 =	vadd.s32 $0xF4240, v53  }
0x3ff: {  	[tilespmem:$0x7250] =	vst v0;
	v0 =	vadd.s32 $0xF4240, v1;
	v1 =	vld [tilespmem:$0x34B0]  }
0x400: {  	[tilespmem:$0x7260] =	vst v0;
	v0 =	vadd.s32 $0xF4240, v2;
	v2 =	vld [tilespmem:$0x34C0]  }
0x401: {  	[tilespmem:$0x7270] =	vst v0;
	v0 =	vadd.s32 $0xF4240, v3;
	v3 =	vld [tilespmem:$0x34D0]  }
0x402: {  	v56 =	vld [tilespmem:$0x34E0];
	[tilespmem:$0x7280] =	vst v0;
	v0 =	vadd.s32 $0xF4240, v54  }
0x403: {  	v57 =	vld [tilespmem:$0x34F0];
	[tilespmem:$0x7290] =	vst v0;
	v0 =	vadd.s32 $0xF4240, v55  }
0x404: {  	[tilespmem:$0x72A0] =	vst v0;
	v0 =	vadd.s32 $0xF4240, v1;
	v1 =	vld [tilespmem:$0x3880]  }
0x405: {  	[tilespmem:$0x72B0] =	vst v0;
	v0 =	vadd.s32 $0xF4240, v2;
	v2 =	vld [tilespmem:$0x3890]  }
0x406: {  	[tilespmem:$0x72C0] =	vst v0;
	v0 =	vadd.s32 $0xF4240, v3;
	v3 =	vld [tilespmem:$0x38A0]  }
0x407: {  	v58 =	vld [tilespmem:$0x38B0];
	[tilespmem:$0x72D0] =	vst v0;
	v0 =	vadd.s32 $0xF4240, v56  }
0x408: {  	v59 =	vld [tilespmem:$0x38C0];
	[tilespmem:$0x72E0] =	vst v0;
	v0 =	vadd.s32 $0xF4240, v57  }
0x409: {  	[tilespmem:$0x72F0] =	vst v0;
	v0 =	vadd.s32 $0xF4240, v1;
	v1 =	vld [tilespmem:$0x38D0]  }
0x40a: {  	[tilespmem:$0x7300] =	vst v0;
	v0 =	vadd.s32 $0xF4240, v2;
	v2 =	vld [tilespmem:$0x38E0]  }
0x40b: {  	[tilespmem:$0x7310] =	vst v0;
	v0 =	vadd.s32 $0xF4240, v3;
	v3 =	vld [tilespmem:$0x38F0]  }
0x40c: {  	v60 =	vld [tilespmem:$0x3C80];
	[tilespmem:$0x7320] =	vst v0;
	v0 =	vadd.s32 $0xF4240, v58  }
0x40d: {  	v61 =	vld [tilespmem:$0x3C90];
	[tilespmem:$0x7330] =	vst v0;
	v0 =	vadd.s32 $0xF4240, v59  }
0x40e: {  	[tilespmem:$0x7340] =	vst v0;
	v0 =	vadd.s32 $0xF4240, v1;
	v1 =	vld [tilespmem:$0x3CA0]  }
0x40f: {  	[tilespmem:$0x7350] =	vst v0;
	v0 =	vadd.s32 $0xF4240, v2;
	v2 =	vld [tilespmem:$0x3CB0]  }
0x410: {  	[tilespmem:$0x7360] =	vst v0;
	v0 =	vadd.s32 $0xF4240, v3;
	v3 =	vld [tilespmem:$0x3CC0]  }
0x411: {  	v62 =	vld [tilespmem:$0x3CD0];
	[tilespmem:$0x7370] =	vst v0;
	v0 =	vadd.s32 $0xF4240, v60  }
0x412: {  	v63 =	vld [tilespmem:$0x3CE0];
	[tilespmem:$0x7380] =	vst v0;
	v0 =	vadd.s32 $0xF4240, v61  }
0x413: {  	[tilespmem:$0x7390] =	vst v0;
	v0 =	vadd.s32 $0xF4240, v1;
	v1 =	vld [tilespmem:$0x3CF0]  }
0x414: {  	[tilespmem:$0x73A0] =	vst v0;
	v0 =	vadd.s32 $0xF4240, v2  }
0x415: {  	[tilespmem:$0x73B0] =	vst v0;
	v0 =	vadd.s32 $0xF4240, v3  }
0x416: {  	[tilespmem:$0x73C0] =	vst v0;
	v0 =	vadd.s32 $0xF4240, v62  }
0x417: {  	[tilespmem:$0x73D0] =	vst v0;
	v0 =	vadd.s32 $0xF4240, v63  }
0x418: {  	[tilespmem:$0x73E0] =	vst v0;
	v0 =	vadd.s32 $0xF4240, v1  }
0x419: {  	[tilespmem:$0x73F0] =	vst v0  }
0x41a: {  	[tilespmem:s13], [sflag:$0x1] =	stream.indirect.gather [hbm4b:s3+s10], $0x1, s12, s10, $0xb8;
	[tilespmem:$0xAA00] =	vst v63  }
0x41b: {  	_ =	swait.ge [sflag:s14], $0x3400  }
0x41c: {  	[sflag:s14] =	ssyncset.done $0x0  }
0x41d: {  	s19 =	sand.u32 $0x1F0, s2;
	[sflag:s14] =	ssyncadd.s32 $0xFFFFCC00  }
0x41e: {  	v0 =	vld [tilespmem:s19+$0x7600]  }
0x41f: {  	v1 =	vld [tilespmem:s17+$0x0];
	_ =	sdelay $0x1  }
0x420: {  	v2 =	vld [tilespmem:s19+$0x7800];
	_ =	sdelay $0x1  }
0x421: {  	v3 =	vld [tilespmem:s19+$0x7A00]  }
0x422: {  	v0 =	vadd.f32 v0, v1  }
0x423: {  	v1 =	vld [tilespmem:s19+$0x7C00]  }
0x424: {  	v0 =	vadd.f32 v2, v0  }
0x425: {  	v2 =	vld [tilespmem:s19+$0x7E00]  }
0x426: {  	v0 =	vadd.f32 v3, v0  }
0x427: {  	v3 =	vld [tilespmem:s19+$0x8000]  }
0x428: {  	v0 =	vadd.f32 v1, v0  }
0x429: {  	v1 =	vld [tilespmem:s19+$0x8200]  }
0x42a: {  	v0 =	vadd.f32 v2, v0  }
0x42b: {  	v2 =	vld [tilespmem:s19+$0x8400]  }
0x42c: {  	v0 =	vadd.f32 v3, v0  }
0x42d: {  	v3 =	vld [tilespmem:s19+$0x8600]  }
0x42e: {  	v0 =	vadd.f32 v1, v0  }
0x42f: {  	v1 =	vld [tilespmem:s19+$0x8800]  }
0x430: {  	v0 =	vadd.f32 v2, v0  }
0x431: {  	v2 =	vld [tilespmem:s19+$0x8A00]  }
0x432: {  	v0 =	vadd.f32 v3, v0  }
0x433: {  	v3 =	vld [tilespmem:s19+$0x8C00]  }
0x434: {  	v0 =	vadd.f32 v1, v0  }
0x435: {  	v1 =	vld [tilespmem:s19+$0x8E00]  }
0x436: {  	v0 =	vadd.f32 v2, v0  }
0x437: {  	v2 =	vld [tilespmem:s19+$0x9000]  }
0x438: {  	v0 =	vadd.f32 v3, v0  }
0x439: {  	v3 =	vld [tilespmem:s19+$0x9200]  }
0x43a: {  	v0 =	vadd.f32 v1, v0  }
0x43b: {  	v1 =	vld [tilespmem:s19+$0x9400]  }
0x43c: {  	v0 =	vadd.f32 v2, v0  }
0x43d: {  	v2 =	vld [tilespmem:s19+$0x9600]  }
0x43e: {  	v0 =	vadd.f32 v3, v0  }
0x43f: {  	v3 =	vld [tilespmem:s19+$0x9800]  }
0x440: {  	v0 =	vadd.f32 v1, v0  }
0x441: {  	v1 =	vld [tilespmem:s19+$0x9A00]  }
0x442: {  	v0 =	vadd.f32 v2, v0  }
0x443: {  	v2 =	vld [tilespmem:s19+$0x9C00]  }
0x444: {  	v0 =	vadd.f32 v3, v0  }
0x445: {  	v3 =	vld [tilespmem:s19+$0x9E00]  }
0x446: {  	v0 =	vadd.f32 v1, v0  }
0x447: {  	v1 =	vld [tilespmem:s19+$0xA000]  }
0x448: {  	v0 =	vadd.f32 v2, v0  }
0x449: {  	v2 =	vld [tilespmem:s19+$0xA200]  }
0x44a: {  	v0 =	vadd.f32 v3, v0  }
0x44b: {  	v3 =	vld [tilespmem:s19+$0xA400]  }
0x44c: {  	v0 =	vadd.f32 v1, v0  }
0x44d: {  	v1 =	vld [tilespmem:s19+$0xA600]  }
0x44e: {  	v0 =	vadd.f32 v2, v0;
	_ =	sdelay $0x1  }
0x44f: {  	v0 =	vadd.f32 v3, v0;
	_ =	sdelay $0x1  }
0x450: {  	v0 =	vadd.f32 v1, v0  }
0x451: {  	s20 =	simm.s32 $0x10  }
0x452: {  	s18 =	sand.u32 $0x1F0, s20;
	[tilespmem:s15+$0x0] =	vst v0  }
0x453: {  	s20 =	simm.s32 $0x20;
	s17 =	simm.s32 $0xA800;
	s19 =	simm.s32 $0x7410;
	v0 =	vld [tilespmem:s18+$0x7600]  }
.LBB2_2:
0x454: {  	p0 =	sne.s32 s20, $0x1F0;
	v1 =	vld [tilespmem:s19+$0x0];
	_ =	sdelay $0x1  }
0x455: {  	v2 =	vld [tilespmem:s18+$0x7800];
	_ =	sdelay $0x1  }
0x456: {  	v3 =	vld [tilespmem:s18+$0x7A00]  }
0x457: {  	v0 =	vadd.f32 v0, v1  }
0x458: {  	v1 =	vld [tilespmem:s18+$0x7C00]  }
0x459: {  	v0 =	vadd.f32 v2, v0  }
0x45a: {  	v2 =	vld [tilespmem:s18+$0x7E00]  }
0x45b: {  	v0 =	vadd.f32 v3, v0  }
0x45c: {  	v3 =	vld [tilespmem:s18+$0x8000]  }
0x45d: {  	v0 =	vadd.f32 v1, v0  }
0x45e: {  	v1 =	vld [tilespmem:s18+$0x8200]  }
0x45f: {  	v0 =	vadd.f32 v2, v0  }
0x460: {  	v2 =	vld [tilespmem:s18+$0x8400]  }
0x461: {  	v0 =	vadd.f32 v3, v0  }
0x462: {  	v3 =	vld [tilespmem:s18+$0x8600]  }
0x463: {  	v0 =	vadd.f32 v1, v0  }
0x464: {  	v1 =	vld [tilespmem:s18+$0x8800]  }
0x465: {  	v0 =	vadd.f32 v2, v0  }
0x466: {  	v2 =	vld [tilespmem:s18+$0x8A00]  }
0x467: {  	v0 =	vadd.f32 v3, v0  }
0x468: {  	v3 =	vld [tilespmem:s18+$0x8C00]  }
0x469: {  	v0 =	vadd.f32 v1, v0  }
0x46a: {  	v1 =	vld [tilespmem:s18+$0x8E00]  }
0x46b: {  	v0 =	vadd.f32 v2, v0  }
0x46c: {  	v2 =	vld [tilespmem:s18+$0x9000]  }
0x46d: {  	v0 =	vadd.f32 v3, v0  }
0x46e: {  	v3 =	vld [tilespmem:s18+$0x9200]  }
0x46f: {  	v0 =	vadd.f32 v1, v0  }
0x470: {  	v1 =	vld [tilespmem:s18+$0x9400]  }
0x471: {  	v0 =	vadd.f32 v2, v0  }
0x472: {  	v2 =	vld [tilespmem:s18+$0x9600]  }
0x473: {  	v0 =	vadd.f32 v3, v0  }
0x474: {  	v3 =	vld [tilespmem:s18+$0x9800]  }
0x475: {  	v0 =	vadd.f32 v1, v0  }
0x476: {  	v1 =	vld [tilespmem:s18+$0x9A00]  }
0x477: {  	v0 =	vadd.f32 v2, v0  }
0x478: {  	v2 =	vld [tilespmem:s18+$0x9C00]  }
0x479: {  	v0 =	vadd.f32 v3, v0  }
0x47a: {  	v3 =	vld [tilespmem:s18+$0x9E00]  }
0x47b: {  	v0 =	vadd.f32 v1, v0  }
0x47c: {  	v1 =	vld [tilespmem:s18+$0xA000]  }
0x47d: {  	v0 =	vadd.f32 v2, v0  }
0x47e: {  	v2 =	vld [tilespmem:s18+$0xA200]  }
0x47f: {  	v0 =	vadd.f32 v3, v0  }
0x480: {  	v3 =	vld [tilespmem:s18+$0xA400]  }
0x481: {  	v0 =	vadd.f32 v1, v0  }
0x482: {  	v1 =	vld [tilespmem:s18+$0xA600]  }
0x483: {  	v0 =	vadd.f32 v2, v0;
	_ =	sdelay $0x1  }
0x484: {  	v0 =	vadd.f32 v3, v0  }
.Ltmp0:
0x485: {  	(pc) =	sbr.rel @p0 .LBB2_2-.Ltmp0, $4  }
0x486: {  	v0 =	vadd.f32 v1, v0  }
0x487: {  	s17 =	sadd.s32 $0x10, s17  }
0x488: {  	s18 =	sand.u32 $0x1F0, s20;
	[tilespmem:s17+$0x0] =	vst v0  }
0x489: {  	s19 =	sadd.s32 $0x10, s19;
	s20 =	sadd.s32 $0x10, s20;
	v0 =	vld [tilespmem:s18+$0x7600]  }
0x48a: {  	v1 =	vld [tilespmem:s19+$0x0];
	_ =	sdelay $0x1  }
0x48b: {  	v2 =	vld [tilespmem:s18+$0x7800];
	_ =	sdelay $0x1  }
0x48c: {  	v3 =	vld [tilespmem:s18+$0x7A00]  }
0x48d: {  	v0 =	vadd.f32 v0, v1  }
0x48e: {  	v42 =	vld [tilespmem:s18+$0x7C00]  }
0x48f: {  	v0 =	vadd.f32 v2, v0  }
0x490: {  	v43 =	vld [tilespmem:s18+$0x7E00]  }
0x491: {  	v0 =	vadd.f32 v3, v0  }
0x492: {  	v44 =	vld [tilespmem:s18+$0x8000]  }
0x493: {  	v0 =	vadd.f32 v42, v0  }
0x494: {  	v45 =	vld [tilespmem:s18+$0x8200]  }
0x495: {  	v0 =	vadd.f32 v43, v0  }
0x496: {  	v46 =	vld [tilespmem:s18+$0x8400]  }
0x497: {  	v0 =	vadd.f32 v44, v0  }
0x498: {  	v47 =	vld [tilespmem:s18+$0x8600]  }
0x499: {  	v0 =	vadd.f32 v45, v0  }
0x49a: {  	v48 =	vld [tilespmem:s18+$0x8800]  }
0x49b: {  	v0 =	vadd.f32 v46, v0  }
0x49c: {  	v49 =	vld [tilespmem:s18+$0x8A00]  }
0x49d: {  	v0 =	vadd.f32 v47, v0  }
0x49e: {  	v50 =	vld [tilespmem:s18+$0x8C00]  }
0x49f: {  	v0 =	vadd.f32 v48, v0  }
0x4a0: {  	v51 =	vld [tilespmem:s18+$0x8E00]  }
0x4a1: {  	v0 =	vadd.f32 v49, v0  }
0x4a2: {  	v52 =	vld [tilespmem:s18+$0x9000]  }
0x4a3: {  	v0 =	vadd.f32 v50, v0  }
0x4a4: {  	v53 =	vld [tilespmem:s18+$0x9200]  }
0x4a5: {  	v0 =	vadd.f32 v51, v0  }
0x4a6: {  	v54 =	vld [tilespmem:s18+$0x9400]  }
0x4a7: {  	v0 =	vadd.f32 v52, v0  }
0x4a8: {  	v55 =	vld [tilespmem:s18+$0x9600]  }
0x4a9: {  	v0 =	vadd.f32 v53, v0  }
0x4aa: {  	v56 =	vld [tilespmem:s18+$0x9800]  }
0x4ab: {  	v0 =	vadd.f32 v54, v0  }
0x4ac: {  	v57 =	vld [tilespmem:s18+$0x9A00]  }
0x4ad: {  	v0 =	vadd.f32 v55, v0  }
0x4ae: {  	v58 =	vld [tilespmem:s18+$0x9C00]  }
0x4af: {  	v0 =	vadd.f32 v56, v0  }
0x4b0: {  	v59 =	vld [tilespmem:s18+$0x9E00]  }
0x4b1: {  	v0 =	vadd.f32 v57, v0  }
0x4b2: {  	v60 =	vld [tilespmem:s18+$0xA000]  }
0x4b3: {  	v0 =	vadd.f32 v58, v0  }
0x4b4: {  	v61 =	vld [tilespmem:s18+$0xA200]  }
0x4b5: {  	v0 =	vadd.f32 v59, v0  }
0x4b6: {  	v62 =	vld [tilespmem:s18+$0xA400]  }
0x4b7: {  	v0 =	vadd.f32 v60, v0  }
0x4b8: {  	v63 =	vld [tilespmem:s18+$0xA600]  }
0x4b9: {  	v0 =	vadd.f32 v61, v0;
	_ =	sdelay $0x1  }
0x4ba: {  	v0 =	vadd.f32 v62, v0;
	_ =	sdelay $0x1  }
0x4bb: {  	s16 =	sadd.s32 $0x1, s16;
	v0 =	vadd.f32 v63, v0  }
0x4bc: {  	s17 =	sadd.s32 $0x10, s17;
	p0 =	sne.s32 s16, s6  }
.Ltmp1:
0x4bd: {  	[tilespmem:s17+$0x0] =	vst v0;
	(pc) =	sbr.rel @p0 .LBB2_1-.Ltmp1, $4  }
0x4be: {  	[hbm4b:s5+s2] =	stream.linear.scatter [tilespmem:s15], [sflag:$0x2], $0x200, $0x38;
	[tilespmem:$0xAA00] =	vst v63  }
0x4bf: {  	_ =	swait.ge [sflag:s9], $0x200  }
0x4c0: {  	[sflag:s9] =	ssyncset.done $0x0  }
0x4c1: {  	[sflag:s9] =	ssyncadd.s32 $0xFFFFFE00  }
0x4c2: {  	_ =	sfence.sel $0x180000  }
0x4c3: {  	[bflag:$0x0] =	sbarrier.arrive $0xFFFF  }
0x4c4: {  	_ =	strace $0x90000047  }
0x4c5: {  	s0 =	stileid.u32;
	[bflag:$0x2] =	sbarrier.arrive $0xFFFF  }
0x4c6: {  	p0 =	sne.s32 s0, $0x0;
	s0 =	rddreg [dreg:$0x3]  }
0x4c7: {  	s0 =	sadd.s32 @!p0 $0x100000, s0  }
0x4c8: {  	[sflag:s0] =	ssyncadd.tile.s32 @!p0 $0x1;
	_ =	shalt  }
.Lfunc_end2:
_tile_overlayer_lowered:
.L_overlay_start_2:
0x4c9: {  	(tag) =	ssettag $0x2  }
0x4ca: {  	s0 =	rddreg [dreg:$0x0];
	s2 =	stileid.u32  }
0x4cb: {  	s1 =	rddreg [dreg:$0x1];
	p0 =	sne.s32 s2, $0x0  }
0x4cc: {  	s3 =	rddreg [dreg:$0x2];
	[bflag:$0x3] =	sbarrier.arrive $0xFFFF;
	s2 =	simm.s32 @!p0 $0x1C02  }
0x4cd: {  	[timem:s3], [sflag:s2] =	dma.local @!p0 [hbm:s0], s1  }
0x4ce: {  	s0 =	simm.s32 @!p0 $0x2  }
0x4cf: {  	_ =	swait.ge @!p0 [sflag:s0], s1  }
0x4d0: {  	s1 =	ssub.s32 @!p0 $0x0, s1;
	[sflag:s0] =	ssyncset.done @!p0 $0x0  }
0x4d1: {  	[sflag:s0] =	ssyncadd.s32 @!p0 s1  }
0x4d2: {  	[bflag:$0x3] =	sbarrier.arrive $0xFFFF  }
0x4d3: {  	_ =	shalt  }

</sc_bundles>
